<compile_context>
chip_gen: v7x
topology: tpu7x:2x2x1
jax: 0.10.2.dev20260603
libtpu: 0.0.44.dev20260713+nightly
codegen_flags: <defaults>
</compile_context>

<pallas_src>
import functools

import jax
import jax.numpy as jnp
from jax import lax
from jax.experimental import pallas as pl
from jax.experimental.pallas import tpu as pltpu
from jax.experimental.pallas import tpu_sc as plsc

N_NODES = 10000
D = 128
N_PAD = 10240
NB = N_PAD // 128
E = 320000
NC, NS = 2, 16
NW = NC * NS
CHUNK = 128
CPW = 79
E_PAD = NW * CPW * CHUNK
RPT = N_PAD // NS
CPT = E_PAD // (NS * CHUNK)
NPC = N_PAD // NC
NPC_PAD = NPC + CHUNK
RPC = NPC_PAD // NS
_DUMP_PIECES = ((0, 128), (128, 128), (256, RPC - 256))
NHB = NPC // 128
NBUF = 3

_f32 = jnp.float32
_i32 = jnp.int32



def _sc_degree(dst3d):
    mesh = plsc.VectorSubcoreMesh(core_axis_name="c", subcore_axis_name="s")

    @functools.partial(
        pl.kernel, mesh=mesh,
        out_type=jax.ShapeDtypeStruct((NC, NPC_PAD, D), _f32),
        scratch_types=[
            pltpu.VMEM((CPT, CHUNK), _i32),
            pltpu.VMEM((CHUNK,), _i32),
            pltpu.VMEM((CHUNK, D), _f32),
            pltpu.VMEM_SHARED((NPC_PAD, D), _f32),
        ],
    )
    def k(dst_hbm, out_hbm, dst_v, mdst_v, ones_v, acc_sh):
        c = lax.axis_index("c")
        s = lax.axis_index("s")
        cbase = c * NPC
        z16 = jnp.zeros((16,), _f32)
        e16 = jnp.where(lax.iota(_i32, 16) == 0, 1.0, 0.0).astype(_f32)

        def zero_row(r, carry):
            for kk in range(D // 16):
                ones_v[r, pl.ds(kk * 16, 16)] = z16
            return carry
        lax.fori_loop(0, CHUNK, zero_row, 0)

        tbase = s * RPC
        for off, nrow in _DUMP_PIECES:
            pltpu.sync_copy(ones_v.at[pl.ds(0, nrow)],
                            acc_sh.at[pl.ds(tbase + off, nrow), :])

        def set_one(r, carry):
            ones_v[r, pl.ds(0, 16)] = e16
            return carry
        lax.fori_loop(0, CHUNK, set_one, 0)
        plsc.subcore_barrier()

        pltpu.sync_copy(dst_hbm.at[s], dst_v)

        def body(j, carry):
            for kk in range(CHUNK // 16):
                dv = dst_v[j, pl.ds(kk * 16, 16)] - cbase
                inb = (dv >= 0) & (dv < NPC)
                mdst_v[pl.ds(kk * 16, 16)] = jnp.where(inb, dv, NPC)
            pltpu.sync_copy(ones_v, acc_sh.at[mdst_v], add=True)
            return carry
        lax.fori_loop(0, CPT, body, 0)
        plsc.subcore_barrier()

        for off, nrow in _DUMP_PIECES:
            pltpu.sync_copy(acc_sh.at[pl.ds(tbase + off, nrow), :],
                            ones_v.at[pl.ds(0, nrow)])
            pltpu.sync_copy(ones_v.at[pl.ds(0, nrow)],
                            out_hbm.at[c, pl.ds(tbase + off, nrow), :])

    return k(dst3d)


def _sc_scatter(xs, src3d, dst4d):
    mesh = plsc.VectorSubcoreMesh(core_axis_name="c", subcore_axis_name="s")

    @functools.partial(
        pl.kernel, mesh=mesh,
        out_type=jax.ShapeDtypeStruct((NC, NPC_PAD, D), _f32),
        scratch_types=[
            pltpu.VMEM((CPT, CHUNK), _i32),
            pltpu.VMEM((NBUF, 1, CHUNK), _i32),
            pltpu.VMEM((NBUF, CHUNK), _i32),
            pltpu.VMEM((NBUF, CHUNK, D), _f32),
            pltpu.VMEM_SHARED((NPC_PAD, D), _f32),
            pltpu.SemaphoreType.DMA,
            pltpu.SemaphoreType.DMA,
            pltpu.SemaphoreType.DMA,
        ],
    )
    def k(xs_hbm, src_hbm, dst_hbm, out_hbm,
          src_v, didx_v, mdst_v, rows_v, acc_sh, gsem, dsem, ssem):
        c = lax.axis_index("c")
        s = lax.axis_index("s")
        cbase = c * NPC
        z16 = jnp.zeros((16,), _f32)

        def zero_row(r, carry):
            for kk in range(D // 16):
                rows_v[0, r, pl.ds(kk * 16, 16)] = z16
            return carry
        lax.fori_loop(0, CHUNK, zero_row, 0)

        tbase = s * RPC
        for off, nrow in _DUMP_PIECES:
            pltpu.sync_copy(rows_v.at[0, pl.ds(0, nrow)],
                            acc_sh.at[pl.ds(tbase + off, nrow), :])
        plsc.subcore_barrier()

        pltpu.sync_copy(src_hbm.at[s], src_v)

        for b in range(NBUF - 1):
            pltpu.async_copy(dst_hbm.at[s, b], didx_v.at[b], dsem)
            pltpu.async_copy(xs_hbm.at[src_v.at[b]], rows_v.at[b], gsem)

        def body(j, carry):
            slot = lax.rem(j, NBUF)
            pltpu.make_async_copy(
                xs_hbm.at[src_v.at[j]], rows_v.at[slot], gsem).wait()
            pltpu.make_async_copy(
                dst_hbm.at[s, j], didx_v.at[slot], dsem).wait()

            for kk in range(CHUNK // 16):
                dv = didx_v[slot, 0, pl.ds(kk * 16, 16)] - cbase
                inb = (dv >= 0) & (dv < NPC)
                mdst_v[slot, pl.ds(kk * 16, 16)] = jnp.where(inb, dv, NPC)

            pltpu.async_copy(rows_v.at[slot], acc_sh.at[mdst_v.at[slot]],
                             ssem, add=True)

            nslot = lax.rem(j + NBUF - 1, NBUF)
            @pl.when(j >= 1)
            def _():
                pltpu.make_async_copy(
                    rows_v.at[nslot], acc_sh.at[mdst_v.at[nslot]], ssem).wait()

            @pl.when(j + NBUF - 1 < CPT)
            def _():
                pltpu.async_copy(dst_hbm.at[s, j + NBUF - 1],
                                 didx_v.at[nslot], dsem)
                pltpu.async_copy(xs_hbm.at[src_v.at[j + NBUF - 1]],
                                 rows_v.at[nslot], gsem)
            return carry
        lax.fori_loop(0, CPT, body, 0)

        lslot = lax.rem(CPT - 1, NBUF)
        pltpu.make_async_copy(
            rows_v.at[lslot], acc_sh.at[mdst_v.at[lslot]], ssem).wait()
        plsc.subcore_barrier()

        for off, nrow in _DUMP_PIECES:
            pltpu.sync_copy(acc_sh.at[pl.ds(tbase + off, nrow), :],
                            rows_v.at[0, pl.ds(0, nrow)])
            pltpu.sync_copy(rows_v.at[0, pl.ds(0, nrow)],
                            out_hbm.at[c, pl.ds(tbase + off, nrow), :])

    return k(xs, src3d, dst4d)



def _dinv_mat(degp, i):
    deg = degp[0, :, 0:1]
    row = lax.broadcasted_iota(_i32, (128, 1), 0) + i * 128
    degt = deg + jnp.where(row < N_NODES, 1.0, 0.0).astype(_f32)
    return jnp.where(degt > 0, lax.rsqrt(jnp.maximum(degt, 1.0)), 0.0)


def _k1_body(x_ref, uW_ref, bW_ref, ub_ref, bb_ref, W1_ref, degp_ref,
             xw1_ref, xs1_ref):
    i = pl.program_id(0)
    first = i == 0
    W = jnp.where(first, uW_ref[...], bW_ref[...])
    b = jnp.where(first, ub_ref[...], bb_ref[...])
    h0 = jnp.dot(x_ref[...], W, preferred_element_type=_f32) + b
    xw1 = jnp.dot(h0, W1_ref[...], preferred_element_type=_f32)
    dmat = _dinv_mat(degp_ref[...], i)
    xw1_ref[...] = xw1
    xs1_ref[...] = dmat * xw1


def _comb_body(pp_ref, xw_ref, degp_ref, b_ref, Wn_ref, xwn_ref, xsn_ref):
    i = pl.program_id(0)
    dmat = _dinv_mat(degp_ref[...], i)
    p = pp_ref[0]
    h = jnp.maximum(dmat * p + dmat * dmat * xw_ref[...] + b_ref[...], 0.0)
    xwn = jnp.dot(h, Wn_ref[...], preferred_element_type=_f32)
    xwn_ref[...] = xwn
    xsn_ref[...] = dmat * xwn


def _final_body(pp_ref, xw_ref, degp_ref, b_ref, out_ref):
    i = pl.program_id(0)
    dmat = _dinv_mat(degp_ref[...], i)
    p = pp_ref[0]
    out_ref[...] = dmat * p + dmat * dmat * xw_ref[...] + b_ref[...]


_BLK = lambda: pl.BlockSpec((128, 128), lambda i: (i, 0))
_WTS = lambda: pl.BlockSpec((128, 128), lambda i: (0, 0))
_BIA = lambda: pl.BlockSpec((1, 128), lambda i: (0, 0))
_DEG = lambda: pl.BlockSpec((1, 128, 128), lambda i: (i // NHB, i % NHB, 0))
_PP = lambda: pl.BlockSpec((1, 128, 128), lambda i: (i // NHB, i % NHB, 0))


def _tc_k1(x_p, uW, bW, ub, bb, W1, degp):
    return pl.pallas_call(
        _k1_body,
        grid=(NB,),
        in_specs=[_BLK(), _WTS(), _WTS(), _BIA(), _BIA(), _WTS(), _DEG()],
        out_specs=[_BLK(), _BLK()],
        out_shape=[jax.ShapeDtypeStruct((N_PAD, D), _f32)] * 2,
    )(x_p, uW, bW, ub, bb, W1, degp)


def _tc_combine(pp, xw, degp, b, Wn):
    return pl.pallas_call(
        _comb_body,
        grid=(NB,),
        in_specs=[_PP(), _BLK(), _DEG(), _BIA(), _WTS()],
        out_specs=[_BLK(), _BLK()],
        out_shape=[jax.ShapeDtypeStruct((N_PAD, D), _f32)] * 2,
    )(pp, xw, degp, b, Wn)


def _tc_final(pp, xw, degp, b):
    return pl.pallas_call(
        _final_body,
        grid=(NB,),
        in_specs=[_PP(), _BLK(), _DEG(), _BIA()],
        out_specs=_BLK(),
        out_shape=jax.ShapeDtypeStruct((N_PAD, D), _f32),
    )(pp, xw, degp, b)



def kernel(x, edge_index, user_W, user_b, business_W, business_b,
           W1, b1, W2, b2, W3, b3):
    ei = edge_index.astype(_i32)
    pad = jnp.full((E_PAD - E,), N_NODES, _i32)
    src_f = jnp.concatenate([ei[0], pad])
    dst_f = jnp.concatenate([ei[1], pad])
    src3d = src_f.reshape(NS, CPT, CHUNK)
    dst3d = dst_f.reshape(NS, CPT, CHUNK)
    dst4d = dst_f.reshape(NS, CPT, 1, CHUNK)
    x_p = jnp.concatenate([x, jnp.zeros((N_PAD - N_NODES, D), _f32)], axis=0)

    degp = _sc_degree(dst3d)

    ub = user_b.reshape(1, D)
    bb = business_b.reshape(1, D)
    xw1, xs1 = _tc_k1(x_p, user_W, business_W, ub, bb, W1, degp)
    pp1 = _sc_scatter(xs1, src3d, dst4d)
    xw2, xs2 = _tc_combine(pp1, xw1, degp, b1.reshape(1, D), W2)
    pp2 = _sc_scatter(xs2, src3d, dst4d)
    xw3, xs3 = _tc_combine(pp2, xw2, degp, b2.reshape(1, D), W3)
    pp3 = _sc_scatter(xs3, src3d, dst4d)
    out = _tc_final(pp3, xw3, degp, b3.reshape(1, D))
    return out[:N_NODES]

# --- scband reference (transcript-rebuilt; emitter-appended) ---
"""Pipeline reference for scband-gnnrecommender-19731079758363 (READ-ONLY COPY).

The authoritative reference and input builder live on the scoring server;
editing this copy changes nothing except your own understanding.
"""

import jax, jax.numpy as jnp
import numpy as np

N_NODES = 10000
N_EDGES = 320000
D_FEAT = 128
NUM_USERS = 128  # quirk of original module: num_users = user_proj.in_features


def gcn_conv(x, edge_index, W, b, n):
    # Faithful PyG GCNConv: add self-loops, symmetric normalization,
    # linear transform first, scatter-add aggregation at target, then bias.
    src = edge_index[0]
    dst = edge_index[1]
    si = jnp.arange(n, dtype=edge_index.dtype)
    src = jnp.concatenate([src, si], axis=0)
    dst = jnp.concatenate([dst, si], axis=0)
    xw = x @ W
    deg = jnp.zeros((n,), dtype=x.dtype).at[dst].add(1.0)
    dinv = jnp.where(deg > 0, 1.0 / jnp.sqrt(deg), 0.0)
    norm = dinv[src] * dinv[dst]
    msgs = norm[:, None] * xw[src]
    out = jnp.zeros((n, xw.shape[1]), dtype=x.dtype).at[dst].add(msgs)
    return out + b


def setup_inputs(seed: int = 0) -> dict:
    key = jax.random.key(seed)
    ks = [jax.random.fold_in(key, i) for i in range(12)]
    x = jax.random.normal(ks[0], (N_NODES, D_FEAT), dtype=jnp.float32)
    edge_index = jax.random.randint(ks[1], (2, N_EDGES), 0, N_NODES, dtype=jnp.int64)
    s = 1.0 / np.sqrt(D_FEAT)
    user_W = jax.random.normal(ks[2], (D_FEAT, 128), dtype=jnp.float32) * s
    user_b = jnp.zeros((128,), dtype=jnp.float32)
    business_W = jax.random.normal(ks[3], (D_FEAT, 128), dtype=jnp.float32) * s
    business_b = jnp.zeros((128,), dtype=jnp.float32)
    W1 = jax.random.normal(ks[4], (128, 128), dtype=jnp.float32) * s
    b1 = jnp.zeros((128,), dtype=jnp.float32)
    W2 = jax.random.normal(ks[5], (128, 128), dtype=jnp.float32) * s
    b2 = jnp.zeros((128,), dtype=jnp.float32)
    W3 = jax.random.normal(ks[6], (128, 128), dtype=jnp.float32) * s
    b3 = jnp.zeros((128,), dtype=jnp.float32)
    return {"x": x, "edge_index": edge_index, "user_W": user_W, "user_b": user_b,
            "business_W": business_W, "business_b": business_b,
            "W1": W1, "b1": b1, "W2": W2, "b2": b2, "W3": W3, "b3": b3}


def reference(x, edge_index, user_W, user_b, business_W, business_b, W1, b1, W2, b2, W3, b3):
    user_h = x[:NUM_USERS] @ user_W + user_b
    business_h = x[NUM_USERS:] @ business_W + business_b
    h = jnp.concatenate([user_h, business_h], axis=0)
    h = jax.nn.relu(gcn_conv(h, edge_index, W1, b1, N_NODES))
    h = jax.nn.relu(gcn_conv(h, edge_index, W2, b2, N_NODES))
    h = gcn_conv(h, edge_index, W3, b3, N_NODES)
    return h

if __name__ == "__main__":
    import jax
    _d = setup_inputs()
    print(jax.jit(kernel)(*tuple(_d.values())))

</pallas_src>

<mosaic_0001>
#map = affine_map<(d0, d1) -> (0, 0)>
#map1 = affine_map<(d0, d1) -> (0, 0, 0)>
#map2 = affine_map<(d0, d1) -> (0, 0, 0, 0)>
module attributes {stable_mosaic.version = 14 : i64} {
  func.func @k(%arg0: i32, %arg1: i32, %arg2: memref<10240x128xf32, #tpu.memory_space<hbm>>, %arg3: memref<16x158x128xi32, #tpu.memory_space<hbm>>, %arg4: memref<16x158x1x128xi32, #tpu.memory_space<hbm>>, %arg5: memref<2x5248x128xf32, #tpu.memory_space<hbm>>, %arg6: memref<158x128xi32, #tpu.memory_space<vmem>>, %arg7: memref<3x1x128xi32, #tpu.memory_space<vmem>>, %arg8: memref<3x128xi32, #tpu.memory_space<vmem>>, %arg9: memref<3x128x128xf32, #tpu.memory_space<vmem>>, %arg10: memref<5248x128xf32, #tpu.memory_space<vmem_shared>>, %arg11: memref<!tpu.dma_semaphore, #tpu.memory_space<semaphore_mem>>, %arg12: memref<!tpu.dma_semaphore, #tpu.memory_space<semaphore_mem>>, %arg13: memref<!tpu.dma_semaphore, #tpu.memory_space<semaphore_mem>>) attributes {dimension_semantics = [#tpu.dimension_semantics<core_parallel>, #tpu.dimension_semantics<subcore_parallel>], iteration_bounds = array<i64: 2, 16>, scalar_prefetch = 0 : i64, scratch_operands = 8 : i64, tpu.core_type = #tpu.core_type<sc_vector_subcore>, window_params = [{transform_indices = #map}, {transform_indices = #map1}, {transform_indices = #map2}, {transform_indices = #map1}]} {
    %mul3A = arith.constant 5120 : i32
    %mul3A_0 = arith.muli %arg0, %mul3A : i32
    %broadcast_in_dim3A = arith.constant 0.000000e+00 : f32
    %broadcast_in_dim3A_1 = vector.broadcast %broadcast_in_dim3A : f32 to vector<16xf32>
    %scan3A = arith.constant 0 : i32
    %scan3A_2 = arith.constant 0 : i32
    %scan3A_3 = arith.constant 128 : i32
    %scan3A_4 = arith.addi %scan3A_2, %scan3A_3 : i32
    %scan3A_5 = arith.constant 1 : i32
    scf.for %scan3A_111 = %scan3A_2 to %scan3A_4 step %scan3A_5  : i32 {
      %swap3A = arith.constant 0 : i32
      %swap3A_112 = arith.index_cast %swap3A : i32 to index
      %swap3A_113 = arith.index_cast %scan3A_111 : i32 to index
      %swap3A_114 = arith.constant 0 : index
      %swap3A_115 = tpu.vector_load %arg9[%swap3A_112, %swap3A_113, %swap3A_114] {strides = array<i32>} : memref<3x128x128xf32, #tpu.memory_space<vmem>>, vector<1x1x16xf32>,
      %swap3A_116 = vector.shape_cast %swap3A_115 : vector<1x1x16xf32> to vector<16xf32>
      %swap3A_117 = vector.shape_cast %broadcast_in_dim3A_1 : vector<16xf32> to vector<1x1x16xf32>
      tpu.vector_store %arg9[%swap3A_112, %swap3A_113, %swap3A_114], %swap3A_117 {strides = array<i32>} : memref<3x128x128xf32, #tpu.memory_space<vmem>>, vector<1x1x16xf32>,
      %swap3A_118 = arith.constant 0 : i32
      %swap3A_119 = arith.index_cast %swap3A_118 : i32 to index
      %swap3A_120 = arith.index_cast %scan3A_111 : i32 to index
      %swap3A_121 = arith.constant 16 : index
      %swap3A_122 = tpu.vector_load %arg9[%swap3A_119, %swap3A_120, %swap3A_121] {strides = array<i32>} : memref<3x128x128xf32, #tpu.memory_space<vmem>>, vector<1x1x16xf32>,
      %swap3A_123 = vector.shape_cast %swap3A_122 : vector<1x1x16xf32> to vector<16xf32>
      %swap3A_124 = vector.shape_cast %broadcast_in_dim3A_1 : vector<16xf32> to vector<1x1x16xf32>
      tpu.vector_store %arg9[%swap3A_119, %swap3A_120, %swap3A_121], %swap3A_124 {strides = array<i32>} : memref<3x128x128xf32, #tpu.memory_space<vmem>>, vector<1x1x16xf32>,
      %swap3A_125 = arith.constant 0 : i32
      %swap3A_126 = arith.index_cast %swap3A_125 : i32 to index
      %swap3A_127 = arith.index_cast %scan3A_111 : i32 to index
      %swap3A_128 = arith.constant 32 : index
      %swap3A_129 = tpu.vector_load %arg9[%swap3A_126, %swap3A_127, %swap3A_128] {strides = array<i32>} : memref<3x128x128xf32, #tpu.memory_space<vmem>>, vector<1x1x16xf32>,
      %swap3A_130 = vector.shape_cast %swap3A_129 : vector<1x1x16xf32> to vector<16xf32>
      %swap3A_131 = vector.shape_cast %broadcast_in_dim3A_1 : vector<16xf32> to vector<1x1x16xf32>
      tpu.vector_store %arg9[%swap3A_126, %swap3A_127, %swap3A_128], %swap3A_131 {strides = array<i32>} : memref<3x128x128xf32, #tpu.memory_space<vmem>>, vector<1x1x16xf32>,
      %swap3A_132 = arith.constant 0 : i32
      %swap3A_133 = arith.index_cast %swap3A_132 : i32 to index
      %swap3A_134 = arith.index_cast %scan3A_111 : i32 to index
      %swap3A_135 = arith.constant 48 : index
      %swap3A_136 = tpu.vector_load %arg9[%swap3A_133, %swap3A_134, %swap3A_135] {strides = array<i32>} : memref<3x128x128xf32, #tpu.memory_space<vmem>>, vector<1x1x16xf32>,
      %swap3A_137 = vector.shape_cast %swap3A_136 : vector<1x1x16xf32> to vector<16xf32>
      %swap3A_138 = vector.shape_cast %broadcast_in_dim3A_1 : vector<16xf32> to vector<1x1x16xf32>
      tpu.vector_store %arg9[%swap3A_133, %swap3A_134, %swap3A_135], %swap3A_138 {strides = array<i32>} : memref<3x128x128xf32, #tpu.memory_space<vmem>>, vector<1x1x16xf32>,
      %swap3A_139 = arith.constant 0 : i32
      %swap3A_140 = arith.index_cast %swap3A_139 : i32 to index
      %swap3A_141 = arith.index_cast %scan3A_111 : i32 to index
      %swap3A_142 = arith.constant 64 : index
      %swap3A_143 = tpu.vector_load %arg9[%swap3A_140, %swap3A_141, %swap3A_142] {strides = array<i32>} : memref<3x128x128xf32, #tpu.memory_space<vmem>>, vector<1x1x16xf32>,
      %swap3A_144 = vector.shape_cast %swap3A_143 : vector<1x1x16xf32> to vector<16xf32>
      %swap3A_145 = vector.shape_cast %broadcast_in_dim3A_1 : vector<16xf32> to vector<1x1x16xf32>
      tpu.vector_store %arg9[%swap3A_140, %swap3A_141, %swap3A_142], %swap3A_145 {strides = array<i32>} : memref<3x128x128xf32, #tpu.memory_space<vmem>>, vector<1x1x16xf32>,
      %swap3A_146 = arith.constant 0 : i32
      %swap3A_147 = arith.index_cast %swap3A_146 : i32 to index
      %swap3A_148 = arith.index_cast %scan3A_111 : i32 to index
      %swap3A_149 = arith.constant 80 : index
      %swap3A_150 = tpu.vector_load %arg9[%swap3A_147, %swap3A_148, %swap3A_149] {strides = array<i32>} : memref<3x128x128xf32, #tpu.memory_space<vmem>>, vector<1x1x16xf32>,
      %swap3A_151 = vector.shape_cast %swap3A_150 : vector<1x1x16xf32> to vector<16xf32>
      %swap3A_152 = vector.shape_cast %broadcast_in_dim3A_1 : vector<16xf32> to vector<1x1x16xf32>
      tpu.vector_store %arg9[%swap3A_147, %swap3A_148, %swap3A_149], %swap3A_152 {strides = array<i32>} : memref<3x128x128xf32, #tpu.memory_space<vmem>>, vector<1x1x16xf32>,
      %swap3A_153 = arith.constant 0 : i32
      %swap3A_154 = arith.index_cast %swap3A_153 : i32 to index
      %swap3A_155 = arith.index_cast %scan3A_111 : i32 to index
      %swap3A_156 = arith.constant 96 : index
      %swap3A_157 = tpu.vector_load %arg9[%swap3A_154, %swap3A_155, %swap3A_156] {strides = array<i32>} : memref<3x128x128xf32, #tpu.memory_space<vmem>>, vector<1x1x16xf32>,
      %swap3A_158 = vector.shape_cast %swap3A_157 : vector<1x1x16xf32> to vector<16xf32>
      %swap3A_159 = vector.shape_cast %broadcast_in_dim3A_1 : vector<16xf32> to vector<1x1x16xf32>
      tpu.vector_store %arg9[%swap3A_154, %swap3A_155, %swap3A_156], %swap3A_159 {strides = array<i32>} : memref<3x128x128xf32, #tpu.memory_space<vmem>>, vector<1x1x16xf32>,
      %swap3A_160 = arith.constant 0 : i32
      %swap3A_161 = arith.index_cast %swap3A_160 : i32 to index
      %swap3A_162 = arith.index_cast %scan3A_111 : i32 to index
      %swap3A_163 = arith.constant 112 : index
      %swap3A_164 = tpu.vector_load %arg9[%swap3A_161, %swap3A_162, %swap3A_163] {strides = array<i32>} : memref<3x128x128xf32, #tpu.memory_space<vmem>>, vector<1x1x16xf32>,
      %swap3A_165 = vector.shape_cast %swap3A_164 : vector<1x1x16xf32> to vector<16xf32>
      %swap3A_166 = vector.shape_cast %broadcast_in_dim3A_1 : vector<16xf32> to vector<1x1x16xf32>
      tpu.vector_store %arg9[%swap3A_161, %swap3A_162, %swap3A_163], %swap3A_166 {strides = array<i32>} : memref<3x128x128xf32, #tpu.memory_space<vmem>>, vector<1x1x16xf32>,
    }
    %scan3A_6 = arith.constant 128 : i32
    %mul3A_7 = arith.constant 328 : i32
    %mul3A_8 = arith.muli %arg1, %mul3A_7 : i32
    %add3A = arith.constant 0 : i32
    %add3A_9 = arith.addi %mul3A_8, %add3A : i32
    %run_scoped3A = arith.constant 0 : i32
    "tpu.region"() ({
      %run_scoped3A_111 = tpu.sem_alloc : memref<!tpu.dma_semaphore, #tpu.memory_space<semaphore_mem>>
      %dma_start3A_112 = arith.constant 0 : i32
      %dma_start3A_113 = arith.constant 0 : i32
      %dma_start3A_114 = tpu.memref_slice %arg9[%run_scoped3A, %dma_start3A_112, %dma_start3A_113] : memref<3x128x128xf32, #tpu.memory_space<vmem>> -> memref<1x128x128xf32, #tpu.memory_space<vmem>>
      %dma_start3A_115 = tpu.memref_squeeze %dma_start3A_114 : memref<1x128x128xf32, #tpu.memory_space<vmem>> -> memref<128x128xf32, #tpu.memory_space<vmem>>
      %dma_start3A_116 = arith.constant 0 : i32
      %dma_start3A_117 = tpu.memref_slice %arg10[%add3A_9, %dma_start3A_116] : memref<5248x128xf32, #tpu.memory_space<vmem_shared>> -> memref<128x128xf32, #tpu.memory_space<vmem_shared>>
      %dma_start3A_118 = arith.constant 0 : i32
      %dma_start3A_119 = tpu.memref_slice %arg10[%add3A_9, %dma_start3A_118] : memref<5248x128xf32, #tpu.memory_space<vmem_shared>> -> memref<128x128xf32, #tpu.memory_space<vmem_shared>>
      %dma_start3A_120 = arith.constant 0 : i32
      %dma_start3A_121 = arith.constant 0 : i32
      %dma_start3A_122 = tpu.memref_slice %arg9[%run_scoped3A, %dma_start3A_120, %dma_start3A_121] : memref<3x128x128xf32, #tpu.memory_space<vmem>> -> memref<1x128x128xf32, #tpu.memory_space<vmem>>
      %dma_start3A_123 = tpu.memref_squeeze %dma_start3A_122 : memref<1x128x128xf32, #tpu.memory_space<vmem>> -> memref<128x128xf32, #tpu.memory_space<vmem>>
      tpu.enqueue_dma source(%dma_start3A_123 : memref<128x128xf32, #tpu.memory_space<vmem>>) target(%dma_start3A_119 : memref<128x128xf32, #tpu.memory_space<vmem_shared>>) target_semaphore(%run_scoped3A_111 : memref<!tpu.dma_semaphore, #tpu.memory_space<semaphore_mem>>)
      %dma_wait3A_124 = arith.constant 0 : i32
      %dma_wait3A_125 = arith.constant 0 : i32
      %dma_wait3A_126 = tpu.memref_slice %arg9[%run_scoped3A, %dma_wait3A_124, %dma_wait3A_125] : memref<3x128x128xf32, #tpu.memory_space<vmem>> -> memref<1x128x128xf32, #tpu.memory_space<vmem>>
      %dma_wait3A_127 = tpu.memref_squeeze %dma_wait3A_126 : memref<1x128x128xf32, #tpu.memory_space<vmem>> -> memref<128x128xf32, #tpu.memory_space<vmem>>
      %dma_wait3A_128 = arith.constant 0 : i32
      %dma_wait3A_129 = tpu.memref_slice %arg10[%add3A_9, %dma_wait3A_128] : memref<5248x128xf32, #tpu.memory_space<vmem_shared>> -> memref<128x128xf32, #tpu.memory_space<vmem_shared>>
      %dma_wait3A_130 = arith.constant 0 : i32
      %dma_wait3A_131 = tpu.memref_slice %arg10[%add3A_9, %dma_wait3A_130] : memref<5248x128xf32, #tpu.memory_space<vmem_shared>> -> memref<128x128xf32, #tpu.memory_space<vmem_shared>>
      %dma_wait3A_132 = arith.constant 0 : i32
      %dma_wait3A_133 = arith.constant 0 : i32
      %dma_wait3A_134 = tpu.memref_slice %arg9[%run_scoped3A, %dma_wait3A_132, %dma_wait3A_133] : memref<3x128x128xf32, #tpu.memory_space<vmem>> -> memref<1x128x128xf32, #tpu.memory_space<vmem>>
      %dma_wait3A_135 = tpu.memref_squeeze %dma_wait3A_134 : memref<1x128x128xf32, #tpu.memory_space<vmem>> -> memref<128x128xf32, #tpu.memory_space<vmem>>
      tpu.wait_dma2 semaphore(%run_scoped3A_111 : memref<!tpu.dma_semaphore, #tpu.memory_space<semaphore_mem>>) src(%dma_wait3A_135 : memref<128x128xf32, #tpu.memory_space<vmem>>) dst(%dma_wait3A_131 : memref<128x128xf32, #tpu.memory_space<vmem_shared>>)
      tpu.yield
    }) : () -> ()
    %add3A_10 = arith.constant 128 : i32
    %add3A_11 = arith.addi %mul3A_8, %add3A_10 : i32
    %run_scoped3A_12 = arith.constant 0 : i32
    "tpu.region"() ({
      %run_scoped3A_111 = tpu.sem_alloc : memref<!tpu.dma_semaphore, #tpu.memory_space<semaphore_mem>>
      %dma_start3A_112 = arith.constant 0 : i32
      %dma_start3A_113 = arith.constant 0 : i32
      %dma_start3A_114 = tpu.memref_slice %arg9[%run_scoped3A_12, %dma_start3A_112, %dma_start3A_113] : memref<3x128x128xf32, #tpu.memory_space<vmem>> -> memref<1x128x128xf32, #tpu.memory_space<vmem>>
      %dma_start3A_115 = tpu.memref_squeeze %dma_start3A_114 : memref<1x128x128xf32, #tpu.memory_space<vmem>> -> memref<128x128xf32, #tpu.memory_space<vmem>>
      %dma_start3A_116 = arith.constant 0 : i32
      %dma_start3A_117 = tpu.memref_slice %arg10[%add3A_11, %dma_start3A_116] : memref<5248x128xf32, #tpu.memory_space<vmem_shared>> -> memref<128x128xf32, #tpu.memory_space<vmem_shared>>
      %dma_start3A_118 = arith.constant 0 : i32
      %dma_start3A_119 = tpu.memref_slice %arg10[%add3A_11, %dma_start3A_118] : memref<5248x128xf32, #tpu.memory_space<vmem_shared>> -> memref<128x128xf32, #tpu.memory_space<vmem_shared>>
      %dma_start3A_120 = arith.constant 0 : i32
      %dma_start3A_121 = arith.constant 0 : i32
      %dma_start3A_122 = tpu.memref_slice %arg9[%run_scoped3A_12, %dma_start3A_120, %dma_start3A_121] : memref<3x128x128xf32, #tpu.memory_space<vmem>> -> memref<1x128x128xf32, #tpu.memory_space<vmem>>
      %dma_start3A_123 = tpu.memref_squeeze %dma_start3A_122 : memref<1x128x128xf32, #tpu.memory_space<vmem>> -> memref<128x128xf32, #tpu.memory_space<vmem>>
      tpu.enqueue_dma source(%dma_start3A_123 : memref<128x128xf32, #tpu.memory_space<vmem>>) target(%dma_start3A_119 : memref<128x128xf32, #tpu.memory_space<vmem_shared>>) target_semaphore(%run_scoped3A_111 : memref<!tpu.dma_semaphore, #tpu.memory_space<semaphore_mem>>)
      %dma_wait3A_124 = arith.constant 0 : i32
      %dma_wait3A_125 = arith.constant 0 : i32
      %dma_wait3A_126 = tpu.memref_slice %arg9[%run_scoped3A_12, %dma_wait3A_124, %dma_wait3A_125] : memref<3x128x128xf32, #tpu.memory_space<vmem>> -> memref<1x128x128xf32, #tpu.memory_space<vmem>>
      %dma_wait3A_127 = tpu.memref_squeeze %dma_wait3A_126 : memref<1x128x128xf32, #tpu.memory_space<vmem>> -> memref<128x128xf32, #tpu.memory_space<vmem>>
      %dma_wait3A_128 = arith.constant 0 : i32
      %dma_wait3A_129 = tpu.memref_slice %arg10[%add3A_11, %dma_wait3A_128] : memref<5248x128xf32, #tpu.memory_space<vmem_shared>> -> memref<128x128xf32, #tpu.memory_space<vmem_shared>>
      %dma_wait3A_130 = arith.constant 0 : i32
      %dma_wait3A_131 = tpu.memref_slice %arg10[%add3A_11, %dma_wait3A_130] : memref<5248x128xf32, #tpu.memory_space<vmem_shared>> -> memref<128x128xf32, #tpu.memory_space<vmem_shared>>
      %dma_wait3A_132 = arith.constant 0 : i32
      %dma_wait3A_133 = arith.constant 0 : i32
      %dma_wait3A_134 = tpu.memref_slice %arg9[%run_scoped3A_12, %dma_wait3A_132, %dma_wait3A_133] : memref<3x128x128xf32, #tpu.memory_space<vmem>> -> memref<1x128x128xf32, #tpu.memory_space<vmem>>
      %dma_wait3A_135 = tpu.memref_squeeze %dma_wait3A_134 : memref<1x128x128xf32, #tpu.memory_space<vmem>> -> memref<128x128xf32, #tpu.memory_space<vmem>>
      tpu.wait_dma2 semaphore(%run_scoped3A_111 : memref<!tpu.dma_semaphore, #tpu.memory_space<semaphore_mem>>) src(%dma_wait3A_135 : memref<128x128xf32, #tpu.memory_space<vmem>>) dst(%dma_wait3A_131 : memref<128x128xf32, #tpu.memory_space<vmem_shared>>)
      tpu.yield
    }) : () -> ()
    %add3A_13 = arith.constant 256 : i32
    %add3A_14 = arith.addi %mul3A_8, %add3A_13 : i32
    %run_scoped3A_15 = arith.constant 0 : i32
    "tpu.region"() ({
      %run_scoped3A_111 = tpu.sem_alloc : memref<!tpu.dma_semaphore, #tpu.memory_space<semaphore_mem>>
      %dma_start3A_112 = arith.constant 0 : i32
      %dma_start3A_113 = arith.constant 0 : i32
      %dma_start3A_114 = tpu.memref_slice %arg9[%run_scoped3A_15, %dma_start3A_112, %dma_start3A_113] : memref<3x128x128xf32, #tpu.memory_space<vmem>> -> memref<1x72x128xf32, #tpu.memory_space<vmem>>
      %dma_start3A_115 = tpu.memref_squeeze %dma_start3A_114 : memref<1x72x128xf32, #tpu.memory_space<vmem>> -> memref<72x128xf32, #tpu.memory_space<vmem>>
      %dma_start3A_116 = arith.constant 0 : i32
      %dma_start3A_117 = tpu.memref_slice %arg10[%add3A_14, %dma_start3A_116] : memref<5248x128xf32, #tpu.memory_space<vmem_shared>> -> memref<72x128xf32, #tpu.memory_space<vmem_shared>>
      %dma_start3A_118 = arith.constant 0 : i32
      %dma_start3A_119 = tpu.memref_slice %arg10[%add3A_14, %dma_start3A_118] : memref<5248x128xf32, #tpu.memory_space<vmem_shared>> -> memref<72x128xf32, #tpu.memory_space<vmem_shared>>
      %dma_start3A_120 = arith.constant 0 : i32
      %dma_start3A_121 = arith.constant 0 : i32
      %dma_start3A_122 = tpu.memref_slice %arg9[%run_scoped3A_15, %dma_start3A_120, %dma_start3A_121] : memref<3x128x128xf32, #tpu.memory_space<vmem>> -> memref<1x72x128xf32, #tpu.memory_space<vmem>>
      %dma_start3A_123 = tpu.memref_squeeze %dma_start3A_122 : memref<1x72x128xf32, #tpu.memory_space<vmem>> -> memref<72x128xf32, #tpu.memory_space<vmem>>
      tpu.enqueue_dma source(%dma_start3A_123 : memref<72x128xf32, #tpu.memory_space<vmem>>) target(%dma_start3A_119 : memref<72x128xf32, #tpu.memory_space<vmem_shared>>) target_semaphore(%run_scoped3A_111 : memref<!tpu.dma_semaphore, #tpu.memory_space<semaphore_mem>>)
      %dma_wait3A_124 = arith.constant 0 : i32
      %dma_wait3A_125 = arith.constant 0 : i32
      %dma_wait3A_126 = tpu.memref_slice %arg9[%run_scoped3A_15, %dma_wait3A_124, %dma_wait3A_125] : memref<3x128x128xf32, #tpu.memory_space<vmem>> -> memref<1x72x128xf32, #tpu.memory_space<vmem>>
      %dma_wait3A_127 = tpu.memref_squeeze %dma_wait3A_126 : memref<1x72x128xf32, #tpu.memory_space<vmem>> -> memref<72x128xf32, #tpu.memory_space<vmem>>
      %dma_wait3A_128 = arith.constant 0 : i32
      %dma_wait3A_129 = tpu.memref_slice %arg10[%add3A_14, %dma_wait3A_128] : memref<5248x128xf32, #tpu.memory_space<vmem_shared>> -> memref<72x128xf32, #tpu.memory_space<vmem_shared>>
      %dma_wait3A_130 = arith.constant 0 : i32
      %dma_wait3A_131 = tpu.memref_slice %arg10[%add3A_14, %dma_wait3A_130] : memref<5248x128xf32, #tpu.memory_space<vmem_shared>> -> memref<72x128xf32, #tpu.memory_space<vmem_shared>>
      %dma_wait3A_132 = arith.constant 0 : i32
      %dma_wait3A_133 = arith.constant 0 : i32
      %dma_wait3A_134 = tpu.memref_slice %arg9[%run_scoped3A_15, %dma_wait3A_132, %dma_wait3A_133] : memref<3x128x128xf32, #tpu.memory_space<vmem>> -> memref<1x72x128xf32, #tpu.memory_space<vmem>>
      %dma_wait3A_135 = tpu.memref_squeeze %dma_wait3A_134 : memref<1x72x128xf32, #tpu.memory_space<vmem>> -> memref<72x128xf32, #tpu.memory_space<vmem>>
      tpu.wait_dma2 semaphore(%run_scoped3A_111 : memref<!tpu.dma_semaphore, #tpu.memory_space<semaphore_mem>>) src(%dma_wait3A_135 : memref<72x128xf32, #tpu.memory_space<vmem>>) dst(%dma_wait3A_131 : memref<72x128xf32, #tpu.memory_space<vmem_shared>>)
      tpu.yield
    }) : () -> ()
    %barrier3A = arith.constant 0 : index
    tpu.barrier barrier_id(%barrier3A)
    "tpu.region"() ({
      %run_scoped3A_111 = tpu.sem_alloc : memref<!tpu.dma_semaphore, #tpu.memory_space<semaphore_mem>>
      %dma_start3A_112 = arith.constant 0 : i32
      %dma_start3A_113 = arith.constant 0 : i32
      %dma_start3A_114 = tpu.memref_slice %arg3[%arg1, %dma_start3A_112, %dma_start3A_113] : memref<16x158x128xi32, #tpu.memory_space<hbm>> -> memref<1x158x128xi32, #tpu.memory_space<hbm>>
      %dma_start3A_115 = tpu.memref_squeeze %dma_start3A_114 : memref<1x158x128xi32, #tpu.memory_space<hbm>> -> memref<158x128xi32, #tpu.memory_space<hbm>>
      %dma_start3A_116 = arith.constant 0 : i32
      %dma_start3A_117 = arith.constant 0 : i32
      %dma_start3A_118 = tpu.memref_slice %arg3[%arg1, %dma_start3A_116, %dma_start3A_117] : memref<16x158x128xi32, #tpu.memory_space<hbm>> -> memref<1x158x128xi32, #tpu.memory_space<hbm>>
      %dma_start3A_119 = tpu.memref_squeeze %dma_start3A_118 : memref<1x158x128xi32, #tpu.memory_space<hbm>> -> memref<158x128xi32, #tpu.memory_space<hbm>>
      tpu.enqueue_dma source(%dma_start3A_119 : memref<158x128xi32, #tpu.memory_space<hbm>>) target(%arg6 : memref<158x128xi32, #tpu.memory_space<vmem>>) target_semaphore(%run_scoped3A_111 : memref<!tpu.dma_semaphore, #tpu.memory_space<semaphore_mem>>)
      %dma_wait3A_120 = arith.constant 0 : i32
      %dma_wait3A_121 = arith.constant 0 : i32
      %dma_wait3A_122 = tpu.memref_slice %arg3[%arg1, %dma_wait3A_120, %dma_wait3A_121] : memref<16x158x128xi32, #tpu.memory_space<hbm>> -> memref<1x158x128xi32, #tpu.memory_space<hbm>>
      %dma_wait3A_123 = tpu.memref_squeeze %dma_wait3A_122 : memref<1x158x128xi32, #tpu.memory_space<hbm>> -> memref<158x128xi32, #tpu.memory_space<hbm>>
      %dma_wait3A_124 = arith.constant 0 : i32
      %dma_wait3A_125 = arith.constant 0 : i32
      %dma_wait3A_126 = tpu.memref_slice %arg3[%arg1, %dma_wait3A_124, %dma_wait3A_125] : memref<16x158x128xi32, #tpu.memory_space<hbm>> -> memref<1x158x128xi32, #tpu.memory_space<hbm>>
      %dma_wait3A_127 = tpu.memref_squeeze %dma_wait3A_126 : memref<1x158x128xi32, #tpu.memory_space<hbm>> -> memref<158x128xi32, #tpu.memory_space<hbm>>
      tpu.wait_dma2 semaphore(%run_scoped3A_111 : memref<!tpu.dma_semaphore, #tpu.memory_space<semaphore_mem>>) src(%dma_wait3A_127 : memref<158x128xi32, #tpu.memory_space<hbm>>) dst(%arg6 : memref<158x128xi32, #tpu.memory_space<vmem>>)
      tpu.yield
    }) : () -> ()
    %dma_start3A = arith.constant 0 : i32
    %dma_start3A_16 = arith.constant 0 : i32
    %dma_start3A_17 = arith.constant 0 : i32
    %dma_start3A_18 = arith.constant 0 : i32
    %dma_start3A_19 = tpu.memref_slice %arg7[%dma_start3A_16, %dma_start3A_17, %dma_start3A_18] : memref<3x1x128xi32, #tpu.memory_space<vmem>> -> memref<1x1x128xi32, #tpu.memory_space<vmem>>
    %dma_start3A_20 = tpu.memref_squeeze %dma_start3A_19 : memref<1x1x128xi32, #tpu.memory_space<vmem>> -> memref<1x128xi32, #tpu.memory_space<vmem>>
    %dma_start3A_21 = arith.constant 0 : i32
    %dma_start3A_22 = arith.constant 0 : i32
    %dma_start3A_23 = tpu.memref_slice %arg4[%arg1, %dma_start3A, %dma_start3A_21, %dma_start3A_22] : memref<16x158x1x128xi32, #tpu.memory_space<hbm>> -> memref<1x1x1x128xi32, #tpu.memory_space<hbm>>
    %dma_start3A_24 = tpu.memref_squeeze %dma_start3A_23 : memref<1x1x1x128xi32, #tpu.memory_space<hbm>> -> memref<1x128xi32, #tpu.memory_space<hbm>>
    %dma_start3A_25 = arith.constant 0 : i32
    %dma_start3A_26 = arith.constant 0 : i32
    %dma_start3A_27 = tpu.memref_slice %arg7[%dma_start3A_16, %dma_start3A_25, %dma_start3A_26] : memref<3x1x128xi32, #tpu.memory_space<vmem>> -> memref<1x1x128xi32, #tpu.memory_space<vmem>>
    %dma_start3A_28 = tpu.memref_squeeze %dma_start3A_27 : memref<1x1x128xi32, #tpu.memory_space<vmem>> -> memref<1x128xi32, #tpu.memory_space<vmem>>
    %dma_start3A_29 = arith.constant 0 : i32
    %dma_start3A_30 = arith.constant 0 : i32
    %dma_start3A_31 = tpu.memref_slice %arg4[%arg1, %dma_start3A, %dma_start3A_29, %dma_start3A_30] : memref<16x158x1x128xi32, #tpu.memory_space<hbm>> -> memref<1x1x1x128xi32, #tpu.memory_space<hbm>>
    %dma_start3A_32 = tpu.memref_squeeze %dma_start3A_31 : memref<1x1x1x128xi32, #tpu.memory_space<hbm>> -> memref<1x128xi32, #tpu.memory_space<hbm>>
    tpu.enqueue_dma source(%dma_start3A_32 : memref<1x128xi32, #tpu.memory_space<hbm>>) target(%dma_start3A_28 : memref<1x128xi32, #tpu.memory_space<vmem>>) target_semaphore(%arg12 : memref<!tpu.dma_semaphore, #tpu.memory_space<semaphore_mem>>)
    %dma_start3A_33 = arith.constant 0 : i32
    %dma_start3A_34 = arith.constant 0 : i32
    %dma_start3A_35 = arith.constant 0 : i32
    %dma_start3A_36 = arith.constant 0 : i32
    %dma_start3A_37 = tpu.memref_slice %arg9[%dma_start3A_34, %dma_start3A_35, %dma_start3A_36] : memref<3x128x128xf32, #tpu.memory_space<vmem>> -> memref<1x128x128xf32, #tpu.memory_space<vmem>>
    %dma_start3A_38 = tpu.memref_squeeze %dma_start3A_37 : memref<1x128x128xf32, #tpu.memory_space<vmem>> -> memref<128x128xf32, #tpu.memory_space<vmem>>
    %dma_start3A_39 = arith.constant 0 : i32
    %dma_start3A_40 = tpu.memref_slice %arg6[%dma_start3A_33, %dma_start3A_39] : memref<158x128xi32, #tpu.memory_space<vmem>> -> memref<1x128xi32, #tpu.memory_space<vmem>>
    %dma_start3A_41 = tpu.memref_squeeze %dma_start3A_40 : memref<1x128xi32, #tpu.memory_space<vmem>> -> memref<128xi32, #tpu.memory_space<vmem>>
    %dma_start3A_42 = arith.constant 0 : i32
    %dma_start3A_43 = arith.constant 0 : i32
    %dma_start3A_44 = tpu.memref_slice %arg2[%dma_start3A_42, %dma_start3A_43] : memref<10240x128xf32, #tpu.memory_space<hbm>> -> memref<10240x128xf32, #tpu.memory_space<hbm>>
    tpu.enqueue_indirect_dma source(%dma_start3A_44 : memref<10240x128xf32, #tpu.memory_space<hbm>>) target(%dma_start3A_38 : memref<128x128xf32, #tpu.memory_space<vmem>>) offsets(%dma_start3A_41 : memref<128xi32, #tpu.memory_space<vmem>>) semaphore(%arg11 : memref<!tpu.dma_semaphore, #tpu.memory_space<semaphore_mem>>)
    %dma_start3A_45 = arith.constant 1 : i32
    %dma_start3A_46 = arith.constant 1 : i32
    %dma_start3A_47 = arith.constant 0 : i32
    %dma_start3A_48 = arith.constant 0 : i32
    %dma_start3A_49 = tpu.memref_slice %arg7[%dma_start3A_46, %dma_start3A_47, %dma_start3A_48] : memref<3x1x128xi32, #tpu.memory_space<vmem>> -> memref<1x1x128xi32, #tpu.memory_space<vmem>>
    %dma_start3A_50 = tpu.memref_squeeze %dma_start3A_49 : memref<1x1x128xi32, #tpu.memory_space<vmem>> -> memref<1x128xi32, #tpu.memory_space<vmem>>
    %dma_start3A_51 = arith.constant 0 : i32
    %dma_start3A_52 = arith.constant 0 : i32
    %dma_start3A_53 = tpu.memref_slice %arg4[%arg1, %dma_start3A_45, %dma_start3A_51, %dma_start3A_52] : memref<16x158x1x128xi32, #tpu.memory_space<hbm>> -> memref<1x1x1x128xi32, #tpu.memory_space<hbm>>
    %dma_start3A_54 = tpu.memref_squeeze %dma_start3A_53 : memref<1x1x1x128xi32, #tpu.memory_space<hbm>> -> memref<1x128xi32, #tpu.memory_space<hbm>>
    %dma_start3A_55 = arith.constant 0 : i32
    %dma_start3A_56 = arith.constant 0 : i32
    %dma_start3A_57 = tpu.memref_slice %arg7[%dma_start3A_46, %dma_start3A_55, %dma_start3A_56] : memref<3x1x128xi32, #tpu.memory_space<vmem>> -> memref<1x1x128xi32, #tpu.memory_space<vmem>>
    %dma_start3A_58 = tpu.memref_squeeze %dma_start3A_57 : memref<1x1x128xi32, #tpu.memory_space<vmem>> -> memref<1x128xi32, #tpu.memory_space<vmem>>
    %dma_start3A_59 = arith.constant 0 : i32
    %dma_start3A_60 = arith.constant 0 : i32
    %dma_start3A_61 = tpu.memref_slice %arg4[%arg1, %dma_start3A_45, %dma_start3A_59, %dma_start3A_60] : memref<16x158x1x128xi32, #tpu.memory_space<hbm>> -> memref<1x1x1x128xi32, #tpu.memory_space<hbm>>
    %dma_start3A_62 = tpu.memref_squeeze %dma_start3A_61 : memref<1x1x1x128xi32, #tpu.memory_space<hbm>> -> memref<1x128xi32, #tpu.memory_space<hbm>>
    tpu.enqueue_dma source(%dma_start3A_62 : memref<1x128xi32, #tpu.memory_space<hbm>>) target(%dma_start3A_58 : memref<1x128xi32, #tpu.memory_space<vmem>>) target_semaphore(%arg12 : memref<!tpu.dma_semaphore, #tpu.memory_space<semaphore_mem>>)
    %dma_start3A_63 = arith.constant 1 : i32
    %dma_start3A_64 = arith.constant 1 : i32
    %dma_start3A_65 = arith.constant 0 : i32
    %dma_start3A_66 = arith.constant 0 : i32
    %dma_start3A_67 = tpu.memref_slice %arg9[%dma_start3A_64, %dma_start3A_65, %dma_start3A_66] : memref<3x128x128xf32, #tpu.memory_space<vmem>> -> memref<1x128x128xf32, #tpu.memory_space<vmem>>
    %dma_start3A_68 = tpu.memref_squeeze %dma_start3A_67 : memref<1x128x128xf32, #tpu.memory_space<vmem>> -> memref<128x128xf32, #tpu.memory_space<vmem>>
    %dma_start3A_69 = arith.constant 0 : i32
    %dma_start3A_70 = tpu.memref_slice %arg6[%dma_start3A_63, %dma_start3A_69] : memref<158x128xi32, #tpu.memory_space<vmem>> -> memref<1x128xi32, #tpu.memory_space<vmem>>
    %dma_start3A_71 = tpu.memref_squeeze %dma_start3A_70 : memref<1x128xi32, #tpu.memory_space<vmem>> -> memref<128xi32, #tpu.memory_space<vmem>>
    %dma_start3A_72 = arith.constant 0 : i32
    %dma_start3A_73 = arith.constant 0 : i32
    %dma_start3A_74 = tpu.memref_slice %arg2[%dma_start3A_72, %dma_start3A_73] : memref<10240x128xf32, #tpu.memory_space<hbm>> -> memref<10240x128xf32, #tpu.memory_space<hbm>>
    tpu.enqueue_indirect_dma source(%dma_start3A_74 : memref<10240x128xf32, #tpu.memory_space<hbm>>) target(%dma_start3A_68 : memref<128x128xf32, #tpu.memory_space<vmem>>) offsets(%dma_start3A_71 : memref<128xi32, #tpu.memory_space<vmem>>) semaphore(%arg11 : memref<!tpu.dma_semaphore, #tpu.memory_space<semaphore_mem>>)
    %scan3A_75 = arith.constant 0 : i32
    %scan3A_76 = arith.constant 0 : i32
    %scan3A_77 = arith.constant 158 : i32
    %scan3A_78 = arith.addi %scan3A_76, %scan3A_77 : i32
    %scan3A_79 = arith.constant 1 : i32
    scf.for %scan3A_111 = %scan3A_76 to %scan3A_78 step %scan3A_79  : i32 {
      %rem3A_112 = arith.constant 3 : i32
      %rem3A_113 = arith.remsi %scan3A_111, %rem3A_112 : i32
      %dma_wait3A_114 = arith.constant 0 : i32
      %dma_wait3A_115 = arith.constant 0 : i32
      %dma_wait3A_116 = tpu.memref_slice %arg9[%rem3A_113, %dma_wait3A_114, %dma_wait3A_115] : memref<3x128x128xf32, #tpu.memory_space<vmem>> -> memref<1x128x128xf32, #tpu.memory_space<vmem>>
      %dma_wait3A_117 = tpu.memref_squeeze %dma_wait3A_116 : memref<1x128x128xf32, #tpu.memory_space<vmem>> -> memref<128x128xf32, #tpu.memory_space<vmem>>
      %dma_wait3A_118 = arith.constant 0 : i32
      %dma_wait3A_119 = tpu.memref_slice %arg6[%scan3A_111, %dma_wait3A_118] : memref<158x128xi32, #tpu.memory_space<vmem>> -> memref<1x128xi32, #tpu.memory_space<vmem>>
      %dma_wait3A_120 = tpu.memref_squeeze %dma_wait3A_119 : memref<1x128xi32, #tpu.memory_space<vmem>> -> memref<128xi32, #tpu.memory_space<vmem>>
      %dma_wait3A_121 = arith.constant 0 : i32
      %dma_wait3A_122 = arith.constant 0 : i32
      %dma_wait3A_123 = tpu.memref_slice %arg2[%dma_wait3A_121, %dma_wait3A_122] : memref<10240x128xf32, #tpu.memory_space<hbm>> -> memref<10240x128xf32, #tpu.memory_space<hbm>>
      tpu.wait_indirect_dma semaphore(%arg11 : memref<!tpu.dma_semaphore, #tpu.memory_space<semaphore_mem>>) src(%dma_wait3A_123 : memref<10240x128xf32, #tpu.memory_space<hbm>>) dst(%dma_wait3A_117 : memref<128x128xf32, #tpu.memory_space<vmem>>)
      %dma_wait3A_124 = arith.constant 0 : i32
      %dma_wait3A_125 = arith.constant 0 : i32
      %dma_wait3A_126 = tpu.memref_slice %arg7[%rem3A_113, %dma_wait3A_124, %dma_wait3A_125] : memref<3x1x128xi32, #tpu.memory_space<vmem>> -> memref<1x1x128xi32, #tpu.memory_space<vmem>>
      %dma_wait3A_127 = tpu.memref_squeeze %dma_wait3A_126 : memref<1x1x128xi32, #tpu.memory_space<vmem>> -> memref<1x128xi32, #tpu.memory_space<vmem>>
      %dma_wait3A_128 = arith.constant 0 : i32
      %dma_wait3A_129 = arith.constant 0 : i32
      %dma_wait3A_130 = tpu.memref_slice %arg4[%arg1, %scan3A_111, %dma_wait3A_128, %dma_wait3A_129] : memref<16x158x1x128xi32, #tpu.memory_space<hbm>> -> memref<1x1x1x128xi32, #tpu.memory_space<hbm>>
      %dma_wait3A_131 = tpu.memref_squeeze %dma_wait3A_130 : memref<1x1x1x128xi32, #tpu.memory_space<hbm>> -> memref<1x128xi32, #tpu.memory_space<hbm>>
      %dma_wait3A_132 = arith.constant 0 : i32
      %dma_wait3A_133 = arith.constant 0 : i32
      %dma_wait3A_134 = tpu.memref_slice %arg7[%rem3A_113, %dma_wait3A_132, %dma_wait3A_133] : memref<3x1x128xi32, #tpu.memory_space<vmem>> -> memref<1x1x128xi32, #tpu.memory_space<vmem>>
      %dma_wait3A_135 = tpu.memref_squeeze %dma_wait3A_134 : memref<1x1x128xi32, #tpu.memory_space<vmem>> -> memref<1x128xi32, #tpu.memory_space<vmem>>
      %dma_wait3A_136 = arith.constant 0 : i32
      %dma_wait3A_137 = arith.constant 0 : i32
      %dma_wait3A_138 = tpu.memref_slice %arg4[%arg1, %scan3A_111, %dma_wait3A_136, %dma_wait3A_137] : memref<16x158x1x128xi32, #tpu.memory_space<hbm>> -> memref<1x1x1x128xi32, #tpu.memory_space<hbm>>
      %dma_wait3A_139 = tpu.memref_squeeze %dma_wait3A_138 : memref<1x1x1x128xi32, #tpu.memory_space<hbm>> -> memref<1x128xi32, #tpu.memory_space<hbm>>
      tpu.wait_dma2 semaphore(%arg12 : memref<!tpu.dma_semaphore, #tpu.memory_space<semaphore_mem>>) src(%dma_wait3A_139 : memref<1x128xi32, #tpu.memory_space<hbm>>) dst(%dma_wait3A_135 : memref<1x128xi32, #tpu.memory_space<vmem>>)
      %get3A = arith.constant 0 : i32
      %get3A_140 = arith.index_cast %rem3A_113 : i32 to index
      %get3A_141 = arith.index_cast %get3A : i32 to index
      %get3A_142 = arith.constant 0 : index
      %get3A_143 = tpu.vector_load %arg7[%get3A_140, %get3A_141, %get3A_142] {strides = array<i32>} : memref<3x1x128xi32, #tpu.memory_space<vmem>>, vector<1x1x16xi32>,
      %get3A_144 = vector.shape_cast %get3A_143 : vector<1x1x16xi32> to vector<16xi32>
      %sub3A = vector.broadcast %mul3A_0 : i32 to vector<16xi32>
      %sub3A_145 = arith.subi %get3A_144, %sub3A : vector<16xi32>
      %ge3A = arith.constant 0 : i32
      %ge3A_146 = vector.broadcast %ge3A : i32 to vector<16xi32>
      %ge3A_147 = arith.cmpi sge, %sub3A_145, %ge3A_146 : vector<16xi32>
      %lt3A = arith.constant 5120 : i32
      %lt3A_148 = vector.broadcast %lt3A : i32 to vector<16xi32>
      %lt3A_149 = arith.cmpi slt, %sub3A_145, %lt3A_148 : vector<16xi32>
      %and3A = arith.andi %ge3A_147, %lt3A_149 : vector<16xi1>
      %jit3A = arith.constant 5120 : i32
      %broadcast_in_dim3A_150 = vector.broadcast %jit3A : i32 to vector<16xi32>
      %select_n3A = arith.select %and3A, %sub3A_145, %broadcast_in_dim3A_150 : vector<16xi1>, vector<16xi32>
      %swap3A = arith.index_cast %rem3A_113 : i32 to index
      %swap3A_151 = arith.constant 0 : index
      %swap3A_152 = tpu.vector_load %arg8[%swap3A, %swap3A_151] {strides = array<i32>} : memref<3x128xi32, #tpu.memory_space<vmem>>, vector<1x16xi32>,
      %swap3A_153 = vector.shape_cast %swap3A_152 : vector<1x16xi32> to vector<16xi32>
      %swap3A_154 = vector.shape_cast %select_n3A : vector<16xi32> to vector<1x16xi32>
      tpu.vector_store %arg8[%swap3A, %swap3A_151], %swap3A_154 {strides = array<i32>} : memref<3x128xi32, #tpu.memory_space<vmem>>, vector<1x16xi32>,
      %get3A_155 = arith.constant 0 : i32
      %get3A_156 = arith.index_cast %rem3A_113 : i32 to index
      %get3A_157 = arith.index_cast %get3A_155 : i32 to index
      %get3A_158 = arith.constant 16 : index
      %get3A_159 = tpu.vector_load %arg7[%get3A_156, %get3A_157, %get3A_158] {strides = array<i32>} : memref<3x1x128xi32, #tpu.memory_space<vmem>>, vector<1x1x16xi32>,
      %get3A_160 = vector.shape_cast %get3A_159 : vector<1x1x16xi32> to vector<16xi32>
      %sub3A_161 = vector.broadcast %mul3A_0 : i32 to vector<16xi32>
      %sub3A_162 = arith.subi %get3A_160, %sub3A_161 : vector<16xi32>
      %ge3A_163 = arith.constant 0 : i32
      %ge3A_164 = vector.broadcast %ge3A_163 : i32 to vector<16xi32>
      %ge3A_165 = arith.cmpi sge, %sub3A_162, %ge3A_164 : vector<16xi32>
      %lt3A_166 = arith.constant 5120 : i32
      %lt3A_167 = vector.broadcast %lt3A_166 : i32 to vector<16xi32>
      %lt3A_168 = arith.cmpi slt, %sub3A_162, %lt3A_167 : vector<16xi32>
      %and3A_169 = arith.andi %ge3A_165, %lt3A_168 : vector<16xi1>
      %jit3A_170 = arith.constant 5120 : i32
      %broadcast_in_dim3A_171 = vector.broadcast %jit3A_170 : i32 to vector<16xi32>
      %select_n3A_172 = arith.select %and3A_169, %sub3A_162, %broadcast_in_dim3A_171 : vector<16xi1>, vector<16xi32>
      %swap3A_173 = arith.index_cast %rem3A_113 : i32 to index
      %swap3A_174 = arith.constant 16 : index
      %swap3A_175 = tpu.vector_load %arg8[%swap3A_173, %swap3A_174] {strides = array<i32>} : memref<3x128xi32, #tpu.memory_space<vmem>>, vector<1x16xi32>,
      %swap3A_176 = vector.shape_cast %swap3A_175 : vector<1x16xi32> to vector<16xi32>
      %swap3A_177 = vector.shape_cast %select_n3A_172 : vector<16xi32> to vector<1x16xi32>
      tpu.vector_store %arg8[%swap3A_173, %swap3A_174], %swap3A_177 {strides = array<i32>} : memref<3x128xi32, #tpu.memory_space<vmem>>, vector<1x16xi32>,
      %get3A_178 = arith.constant 0 : i32
      %get3A_179 = arith.index_cast %rem3A_113 : i32 to index
      %get3A_180 = arith.index_cast %get3A_178 : i32 to index
      %get3A_181 = arith.constant 32 : index
      %get3A_182 = tpu.vector_load %arg7[%get3A_179, %get3A_180, %get3A_181] {strides = array<i32>} : memref<3x1x128xi32, #tpu.memory_space<vmem>>, vector<1x1x16xi32>,
      %get3A_183 = vector.shape_cast %get3A_182 : vector<1x1x16xi32> to vector<16xi32>
      %sub3A_184 = vector.broadcast %mul3A_0 : i32 to vector<16xi32>
      %sub3A_185 = arith.subi %get3A_183, %sub3A_184 : vector<16xi32>
      %ge3A_186 = arith.constant 0 : i32
      %ge3A_187 = vector.broadcast %ge3A_186 : i32 to vector<16xi32>
      %ge3A_188 = arith.cmpi sge, %sub3A_185, %ge3A_187 : vector<16xi32>
      %lt3A_189 = arith.constant 5120 : i32
      %lt3A_190 = vector.broadcast %lt3A_189 : i32 to vector<16xi32>
      %lt3A_191 = arith.cmpi slt, %sub3A_185, %lt3A_190 : vector<16xi32>
      %and3A_192 = arith.andi %ge3A_188, %lt3A_191 : vector<16xi1>
      %jit3A_193 = arith.constant 5120 : i32
      %broadcast_in_dim3A_194 = vector.broadcast %jit3A_193 : i32 to vector<16xi32>
      %select_n3A_195 = arith.select %and3A_192, %sub3A_185, %broadcast_in_dim3A_194 : vector<16xi1>, vector<16xi32>
      %swap3A_196 = arith.index_cast %rem3A_113 : i32 to index
      %swap3A_197 = arith.constant 32 : index
      %swap3A_198 = tpu.vector_load %arg8[%swap3A_196, %swap3A_197] {strides = array<i32>} : memref<3x128xi32, #tpu.memory_space<vmem>>, vector<1x16xi32>,
      %swap3A_199 = vector.shape_cast %swap3A_198 : vector<1x16xi32> to vector<16xi32>
      %swap3A_200 = vector.shape_cast %select_n3A_195 : vector<16xi32> to vector<1x16xi32>
      tpu.vector_store %arg8[%swap3A_196, %swap3A_197], %swap3A_200 {strides = array<i32>} : memref<3x128xi32, #tpu.memory_space<vmem>>, vector<1x16xi32>,
      %get3A_201 = arith.constant 0 : i32
      %get3A_202 = arith.index_cast %rem3A_113 : i32 to index
      %get3A_203 = arith.index_cast %get3A_201 : i32 to index
      %get3A_204 = arith.constant 48 : index
      %get3A_205 = tpu.vector_load %arg7[%get3A_202, %get3A_203, %get3A_204] {strides = array<i32>} : memref<3x1x128xi32, #tpu.memory_space<vmem>>, vector<1x1x16xi32>,
      %get3A_206 = vector.shape_cast %get3A_205 : vector<1x1x16xi32> to vector<16xi32>
      %sub3A_207 = vector.broadcast %mul3A_0 : i32 to vector<16xi32>
      %sub3A_208 = arith.subi %get3A_206, %sub3A_207 : vector<16xi32>
      %ge3A_209 = arith.constant 0 : i32
      %ge3A_210 = vector.broadcast %ge3A_209 : i32 to vector<16xi32>
      %ge3A_211 = arith.cmpi sge, %sub3A_208, %ge3A_210 : vector<16xi32>
      %lt3A_212 = arith.constant 5120 : i32
      %lt3A_213 = vector.broadcast %lt3A_212 : i32 to vector<16xi32>
      %lt3A_214 = arith.cmpi slt, %sub3A_208, %lt3A_213 : vector<16xi32>
      %and3A_215 = arith.andi %ge3A_211, %lt3A_214 : vector<16xi1>
      %jit3A_216 = arith.constant 5120 : i32
      %broadcast_in_dim3A_217 = vector.broadcast %jit3A_216 : i32 to vector<16xi32>
      %select_n3A_218 = arith.select %and3A_215, %sub3A_208, %broadcast_in_dim3A_217 : vector<16xi1>, vector<16xi32>
      %swap3A_219 = arith.index_cast %rem3A_113 : i32 to index
      %swap3A_220 = arith.constant 48 : index
      %swap3A_221 = tpu.vector_load %arg8[%swap3A_219, %swap3A_220] {strides = array<i32>} : memref<3x128xi32, #tpu.memory_space<vmem>>, vector<1x16xi32>,
      %swap3A_222 = vector.shape_cast %swap3A_221 : vector<1x16xi32> to vector<16xi32>
      %swap3A_223 = vector.shape_cast %select_n3A_218 : vector<16xi32> to vector<1x16xi32>
      tpu.vector_store %arg8[%swap3A_219, %swap3A_220], %swap3A_223 {strides = array<i32>} : memref<3x128xi32, #tpu.memory_space<vmem>>, vector<1x16xi32>,
      %get3A_224 = arith.constant 0 : i32
      %get3A_225 = arith.index_cast %rem3A_113 : i32 to index
      %get3A_226 = arith.index_cast %get3A_224 : i32 to index
      %get3A_227 = arith.constant 64 : index
      %get3A_228 = tpu.vector_load %arg7[%get3A_225, %get3A_226, %get3A_227] {strides = array<i32>} : memref<3x1x128xi32, #tpu.memory_space<vmem>>, vector<1x1x16xi32>,
      %get3A_229 = vector.shape_cast %get3A_228 : vector<1x1x16xi32> to vector<16xi32>
      %sub3A_230 = vector.broadcast %mul3A_0 : i32 to vector<16xi32>
      %sub3A_231 = arith.subi %get3A_229, %sub3A_230 : vector<16xi32>
      %ge3A_232 = arith.constant 0 : i32
      %ge3A_233 = vector.broadcast %ge3A_232 : i32 to vector<16xi32>
      %ge3A_234 = arith.cmpi sge, %sub3A_231, %ge3A_233 : vector<16xi32>
      %lt3A_235 = arith.constant 5120 : i32
      %lt3A_236 = vector.broadcast %lt3A_235 : i32 to vector<16xi32>
      %lt3A_237 = arith.cmpi slt, %sub3A_231, %lt3A_236 : vector<16xi32>
      %and3A_238 = arith.andi %ge3A_234, %lt3A_237 : vector<16xi1>
      %jit3A_239 = arith.constant 5120 : i32
      %broadcast_in_dim3A_240 = vector.broadcast %jit3A_239 : i32 to vector<16xi32>
      %select_n3A_241 = arith.select %and3A_238, %sub3A_231, %broadcast_in_dim3A_240 : vector<16xi1>, vector<16xi32>
      %swap3A_242 = arith.index_cast %rem3A_113 : i32 to index
      %swap3A_243 = arith.constant 64 : index
      %swap3A_244 = tpu.vector_load %arg8[%swap3A_242, %swap3A_243] {strides = array<i32>} : memref<3x128xi32, #tpu.memory_space<vmem>>, vector<1x16xi32>,
      %swap3A_245 = vector.shape_cast %swap3A_244 : vector<1x16xi32> to vector<16xi32>
      %swap3A_246 = vector.shape_cast %select_n3A_241 : vector<16xi32> to vector<1x16xi32>
      tpu.vector_store %arg8[%swap3A_242, %swap3A_243], %swap3A_246 {strides = array<i32>} : memref<3x128xi32, #tpu.memory_space<vmem>>, vector<1x16xi32>,
      %get3A_247 = arith.constant 0 : i32
      %get3A_248 = arith.index_cast %rem3A_113 : i32 to index
      %get3A_249 = arith.index_cast %get3A_247 : i32 to index
      %get3A_250 = arith.constant 80 : index
      %get3A_251 = tpu.vector_load %arg7[%get3A_248, %get3A_249, %get3A_250] {strides = array<i32>} : memref<3x1x128xi32, #tpu.memory_space<vmem>>, vector<1x1x16xi32>,
      %get3A_252 = vector.shape_cast %get3A_251 : vector<1x1x16xi32> to vector<16xi32>
      %sub3A_253 = vector.broadcast %mul3A_0 : i32 to vector<16xi32>
      %sub3A_254 = arith.subi %get3A_252, %sub3A_253 : vector<16xi32>
      %ge3A_255 = arith.constant 0 : i32
      %ge3A_256 = vector.broadcast %ge3A_255 : i32 to vector<16xi32>
      %ge3A_257 = arith.cmpi sge, %sub3A_254, %ge3A_256 : vector<16xi32>
      %lt3A_258 = arith.constant 5120 : i32
      %lt3A_259 = vector.broadcast %lt3A_258 : i32 to vector<16xi32>
      %lt3A_260 = arith.cmpi slt, %sub3A_254, %lt3A_259 : vector<16xi32>
      %and3A_261 = arith.andi %ge3A_257, %lt3A_260 : vector<16xi1>
      %jit3A_262 = arith.constant 5120 : i32
      %broadcast_in_dim3A_263 = vector.broadcast %jit3A_262 : i32 to vector<16xi32>
      %select_n3A_264 = arith.select %and3A_261, %sub3A_254, %broadcast_in_dim3A_263 : vector<16xi1>, vector<16xi32>
      %swap3A_265 = arith.index_cast %rem3A_113 : i32 to index
      %swap3A_266 = arith.constant 80 : index
      %swap3A_267 = tpu.vector_load %arg8[%swap3A_265, %swap3A_266] {strides = array<i32>} : memref<3x128xi32, #tpu.memory_space<vmem>>, vector<1x16xi32>,
      %swap3A_268 = vector.shape_cast %swap3A_267 : vector<1x16xi32> to vector<16xi32>
      %swap3A_269 = vector.shape_cast %select_n3A_264 : vector<16xi32> to vector<1x16xi32>
      tpu.vector_store %arg8[%swap3A_265, %swap3A_266], %swap3A_269 {strides = array<i32>} : memref<3x128xi32, #tpu.memory_space<vmem>>, vector<1x16xi32>,
      %get3A_270 = arith.constant 0 : i32
      %get3A_271 = arith.index_cast %rem3A_113 : i32 to index
      %get3A_272 = arith.index_cast %get3A_270 : i32 to index
      %get3A_273 = arith.constant 96 : index
      %get3A_274 = tpu.vector_load %arg7[%get3A_271, %get3A_272, %get3A_273] {strides = array<i32>} : memref<3x1x128xi32, #tpu.memory_space<vmem>>, vector<1x1x16xi32>,
      %get3A_275 = vector.shape_cast %get3A_274 : vector<1x1x16xi32> to vector<16xi32>
      %sub3A_276 = vector.broadcast %mul3A_0 : i32 to vector<16xi32>
      %sub3A_277 = arith.subi %get3A_275, %sub3A_276 : vector<16xi32>
      %ge3A_278 = arith.constant 0 : i32
      %ge3A_279 = vector.broadcast %ge3A_278 : i32 to vector<16xi32>
      %ge3A_280 = arith.cmpi sge, %sub3A_277, %ge3A_279 : vector<16xi32>
      %lt3A_281 = arith.constant 5120 : i32
      %lt3A_282 = vector.broadcast %lt3A_281 : i32 to vector<16xi32>
      %lt3A_283 = arith.cmpi slt, %sub3A_277, %lt3A_282 : vector<16xi32>
      %and3A_284 = arith.andi %ge3A_280, %lt3A_283 : vector<16xi1>
      %jit3A_285 = arith.constant 5120 : i32
      %broadcast_in_dim3A_286 = vector.broadcast %jit3A_285 : i32 to vector<16xi32>
      %select_n3A_287 = arith.select %and3A_284, %sub3A_277, %broadcast_in_dim3A_286 : vector<16xi1>, vector<16xi32>
      %swap3A_288 = arith.index_cast %rem3A_113 : i32 to index
      %swap3A_289 = arith.constant 96 : index
      %swap3A_290 = tpu.vector_load %arg8[%swap3A_288, %swap3A_289] {strides = array<i32>} : memref<3x128xi32, #tpu.memory_space<vmem>>, vector<1x16xi32>,
      %swap3A_291 = vector.shape_cast %swap3A_290 : vector<1x16xi32> to vector<16xi32>
      %swap3A_292 = vector.shape_cast %select_n3A_287 : vector<16xi32> to vector<1x16xi32>
      tpu.vector_store %arg8[%swap3A_288, %swap3A_289], %swap3A_292 {strides = array<i32>} : memref<3x128xi32, #tpu.memory_space<vmem>>, vector<1x16xi32>,
      %get3A_293 = arith.constant 0 : i32
      %get3A_294 = arith.index_cast %rem3A_113 : i32 to index
      %get3A_295 = arith.index_cast %get3A_293 : i32 to index
      %get3A_296 = arith.constant 112 : index
      %get3A_297 = tpu.vector_load %arg7[%get3A_294, %get3A_295, %get3A_296] {strides = array<i32>} : memref<3x1x128xi32, #tpu.memory_space<vmem>>, vector<1x1x16xi32>,
      %get3A_298 = vector.shape_cast %get3A_297 : vector<1x1x16xi32> to vector<16xi32>
      %sub3A_299 = vector.broadcast %mul3A_0 : i32 to vector<16xi32>
      %sub3A_300 = arith.subi %get3A_298, %sub3A_299 : vector<16xi32>
      %ge3A_301 = arith.constant 0 : i32
      %ge3A_302 = vector.broadcast %ge3A_301 : i32 to vector<16xi32>
      %ge3A_303 = arith.cmpi sge, %sub3A_300, %ge3A_302 : vector<16xi32>
      %lt3A_304 = arith.constant 5120 : i32
      %lt3A_305 = vector.broadcast %lt3A_304 : i32 to vector<16xi32>
      %lt3A_306 = arith.cmpi slt, %sub3A_300, %lt3A_305 : vector<16xi32>
      %and3A_307 = arith.andi %ge3A_303, %lt3A_306 : vector<16xi1>
      %jit3A_308 = arith.constant 5120 : i32
      %broadcast_in_dim3A_309 = vector.broadcast %jit3A_308 : i32 to vector<16xi32>
      %select_n3A_310 = arith.select %and3A_307, %sub3A_300, %broadcast_in_dim3A_309 : vector<16xi1>, vector<16xi32>
      %swap3A_311 = arith.index_cast %rem3A_113 : i32 to index
      %swap3A_312 = arith.constant 112 : index
      %swap3A_313 = tpu.vector_load %arg8[%swap3A_311, %swap3A_312] {strides = array<i32>} : memref<3x128xi32, #tpu.memory_space<vmem>>, vector<1x16xi32>,
      %swap3A_314 = vector.shape_cast %swap3A_313 : vector<1x16xi32> to vector<16xi32>
      %swap3A_315 = vector.shape_cast %select_n3A_310 : vector<16xi32> to vector<1x16xi32>
      tpu.vector_store %arg8[%swap3A_311, %swap3A_312], %swap3A_315 {strides = array<i32>} : memref<3x128xi32, #tpu.memory_space<vmem>>, vector<1x16xi32>,
      %dma_start3A_316 = arith.constant 0 : i32
      %dma_start3A_317 = arith.constant 0 : i32
      %dma_start3A_318 = tpu.memref_slice %arg9[%rem3A_113, %dma_start3A_316, %dma_start3A_317] : memref<3x128x128xf32, #tpu.memory_space<vmem>> -> memref<1x128x128xf32, #tpu.memory_space<vmem>>
      %dma_start3A_319 = tpu.memref_squeeze %dma_start3A_318 : memref<1x128x128xf32, #tpu.memory_space<vmem>> -> memref<128x128xf32, #tpu.memory_space<vmem>>
      %dma_start3A_320 = arith.constant 0 : i32
      %dma_start3A_321 = tpu.memref_slice %arg8[%rem3A_113, %dma_start3A_320] : memref<3x128xi32, #tpu.memory_space<vmem>> -> memref<1x128xi32, #tpu.memory_space<vmem>>
      %dma_start3A_322 = tpu.memref_squeeze %dma_start3A_321 : memref<1x128xi32, #tpu.memory_space<vmem>> -> memref<128xi32, #tpu.memory_space<vmem>>
      %dma_start3A_323 = arith.constant 0 : i32
      %dma_start3A_324 = arith.constant 0 : i32
      %dma_start3A_325 = tpu.memref_slice %arg10[%dma_start3A_323, %dma_start3A_324] : memref<5248x128xf32, #tpu.memory_space<vmem_shared>> -> memref<5248x128xf32, #tpu.memory_space<vmem_shared>>
      tpu.enqueue_indirect_dma source(%dma_start3A_319 : memref<128x128xf32, #tpu.memory_space<vmem>>) target(%dma_start3A_325 : memref<5248x128xf32, #tpu.memory_space<vmem_shared>>) offsets(%dma_start3A_322 : memref<128xi32, #tpu.memory_space<vmem>>) semaphore(%arg13 : memref<!tpu.dma_semaphore, #tpu.memory_space<semaphore_mem>>) {add = true}
      %add3A_326 = arith.constant 3 : i32
      %add3A_327 = arith.addi %scan3A_111, %add3A_326 : i32
      %sub3A_328 = arith.constant 1 : i32
      %sub3A_329 = arith.subi %add3A_327, %sub3A_328 : i32
      %rem3A_330 = arith.constant 3 : i32
      %rem3A_331 = arith.remsi %sub3A_329, %rem3A_330 : i32
      %ge3A_332 = arith.constant 1 : i32
      %ge3A_333 = arith.cmpi sge, %scan3A_111, %ge3A_332 : i32
      %convert_element_type3A = arith.extui %ge3A_333 : i1 to i32
      %cond3A = arith.constant 0 : i32
      %cond3A_334 = arith.cmpi ne, %convert_element_type3A, %cond3A : i32
      scf.if %cond3A_334 {
        %dma_wait3A_344 = arith.constant 0 : i32
        %dma_wait3A_345 = arith.constant 0 : i32
        %dma_wait3A_346 = tpu.memref_slice %arg9[%rem3A_331, %dma_wait3A_344, %dma_wait3A_345] : memref<3x128x128xf32, #tpu.memory_space<vmem>> -> memref<1x128x128xf32, #tpu.memory_space<vmem>>
        %dma_wait3A_347 = tpu.memref_squeeze %dma_wait3A_346 : memref<1x128x128xf32, #tpu.memory_space<vmem>> -> memref<128x128xf32, #tpu.memory_space<vmem>>
        %dma_wait3A_348 = arith.constant 0 : i32
        %dma_wait3A_349 = tpu.memref_slice %arg8[%rem3A_331, %dma_wait3A_348] : memref<3x128xi32, #tpu.memory_space<vmem>> -> memref<1x128xi32, #tpu.memory_space<vmem>>
        %dma_wait3A_350 = tpu.memref_squeeze %dma_wait3A_349 : memref<1x128xi32, #tpu.memory_space<vmem>> -> memref<128xi32, #tpu.memory_space<vmem>>
        %dma_wait3A_351 = arith.constant 0 : i32
        %dma_wait3A_352 = arith.constant 0 : i32
        %dma_wait3A_353 = tpu.memref_slice %arg10[%dma_wait3A_351, %dma_wait3A_352] : memref<5248x128xf32, #tpu.memory_space<vmem_shared>> -> memref<5248x128xf32, #tpu.memory_space<vmem_shared>>
        tpu.wait_indirect_dma semaphore(%arg13 : memref<!tpu.dma_semaphore, #tpu.memory_space<semaphore_mem>>) src(%dma_wait3A_347 : memref<128x128xf32, #tpu.memory_space<vmem>>) dst(%dma_wait3A_353 : memref<5248x128xf32, #tpu.memory_space<vmem_shared>>)
      } else {
      }
      %add3A_335 = arith.constant 3 : i32
      %add3A_336 = arith.addi %scan3A_111, %add3A_335 : i32
      %sub3A_337 = arith.constant 1 : i32
      %sub3A_338 = arith.subi %add3A_336, %sub3A_337 : i32
      %lt3A_339 = arith.constant 158 : i32
      %lt3A_340 = arith.cmpi slt, %sub3A_338, %lt3A_339 : i32
      %convert_element_type3A_341 = arith.extui %lt3A_340 : i1 to i32
      %cond3A_342 = arith.constant 0 : i32
      %cond3A_343 = arith.cmpi ne, %convert_element_type3A_341, %cond3A_342 : i32
      scf.if %cond3A_343 {
        %add3A_344 = arith.constant 3 : i32
        %add3A_345 = arith.addi %scan3A_111, %add3A_344 : i32
        %sub3A_346 = arith.constant 1 : i32
        %sub3A_347 = arith.subi %add3A_345, %sub3A_346 : i32
        %dma_start3A_348 = arith.constant 0 : i32
        %dma_start3A_349 = arith.constant 0 : i32
        %dma_start3A_350 = tpu.memref_slice %arg7[%rem3A_331, %dma_start3A_348, %dma_start3A_349] : memref<3x1x128xi32, #tpu.memory_space<vmem>> -> memref<1x1x128xi32, #tpu.memory_space<vmem>>
        %dma_start3A_351 = tpu.memref_squeeze %dma_start3A_350 : memref<1x1x128xi32, #tpu.memory_space<vmem>> -> memref<1x128xi32, #tpu.memory_space<vmem>>
        %dma_start3A_352 = arith.constant 0 : i32
        %dma_start3A_353 = arith.constant 0 : i32
        %dma_start3A_354 = tpu.memref_slice %arg4[%arg1, %sub3A_347, %dma_start3A_352, %dma_start3A_353] : memref<16x158x1x128xi32, #tpu.memory_space<hbm>> -> memref<1x1x1x128xi32, #tpu.memory_space<hbm>>
        %dma_start3A_355 = tpu.memref_squeeze %dma_start3A_354 : memref<1x1x1x128xi32, #tpu.memory_space<hbm>> -> memref<1x128xi32, #tpu.memory_space<hbm>>
        %dma_start3A_356 = arith.constant 0 : i32
        %dma_start3A_357 = arith.constant 0 : i32
        %dma_start3A_358 = tpu.memref_slice %arg7[%rem3A_331, %dma_start3A_356, %dma_start3A_357] : memref<3x1x128xi32, #tpu.memory_space<vmem>> -> memref<1x1x128xi32, #tpu.memory_space<vmem>>
        %dma_start3A_359 = tpu.memref_squeeze %dma_start3A_358 : memref<1x1x128xi32, #tpu.memory_space<vmem>> -> memref<1x128xi32, #tpu.memory_space<vmem>>
        %dma_start3A_360 = arith.constant 0 : i32
        %dma_start3A_361 = arith.constant 0 : i32
        %dma_start3A_362 = tpu.memref_slice %arg4[%arg1, %sub3A_347, %dma_start3A_360, %dma_start3A_361] : memref<16x158x1x128xi32, #tpu.memory_space<hbm>> -> memref<1x1x1x128xi32, #tpu.memory_space<hbm>>
        %dma_start3A_363 = tpu.memref_squeeze %dma_start3A_362 : memref<1x1x1x128xi32, #tpu.memory_space<hbm>> -> memref<1x128xi32, #tpu.memory_space<hbm>>
        tpu.enqueue_dma source(%dma_start3A_363 : memref<1x128xi32, #tpu.memory_space<hbm>>) target(%dma_start3A_359 : memref<1x128xi32, #tpu.memory_space<vmem>>) target_semaphore(%arg12 : memref<!tpu.dma_semaphore, #tpu.memory_space<semaphore_mem>>)
        %add3A_364 = arith.constant 3 : i32
        %add3A_365 = arith.addi %scan3A_111, %add3A_364 : i32
        %sub3A_366 = arith.constant 1 : i32
        %sub3A_367 = arith.subi %add3A_365, %sub3A_366 : i32
        %dma_start3A_368 = arith.constant 0 : i32
        %dma_start3A_369 = arith.constant 0 : i32
        %dma_start3A_370 = tpu.memref_slice %arg9[%rem3A_331, %dma_start3A_368, %dma_start3A_369] : memref<3x128x128xf32, #tpu.memory_space<vmem>> -> memref<1x128x128xf32, #tpu.memory_space<vmem>>
        %dma_start3A_371 = tpu.memref_squeeze %dma_start3A_370 : memref<1x128x128xf32, #tpu.memory_space<vmem>> -> memref<128x128xf32, #tpu.memory_space<vmem>>
        %dma_start3A_372 = arith.constant 0 : i32
        %dma_start3A_373 = tpu.memref_slice %arg6[%sub3A_367, %dma_start3A_372] : memref<158x128xi32, #tpu.memory_space<vmem>> -> memref<1x128xi32, #tpu.memory_space<vmem>>
        %dma_start3A_374 = tpu.memref_squeeze %dma_start3A_373 : memref<1x128xi32, #tpu.memory_space<vmem>> -> memref<128xi32, #tpu.memory_space<vmem>>
        %dma_start3A_375 = arith.constant 0 : i32
        %dma_start3A_376 = arith.constant 0 : i32
        %dma_start3A_377 = tpu.memref_slice %arg2[%dma_start3A_375, %dma_start3A_376] : memref<10240x128xf32, #tpu.memory_space<hbm>> -> memref<10240x128xf32, #tpu.memory_space<hbm>>
        tpu.enqueue_indirect_dma source(%dma_start3A_377 : memref<10240x128xf32, #tpu.memory_space<hbm>>) target(%dma_start3A_371 : memref<128x128xf32, #tpu.memory_space<vmem>>) offsets(%dma_start3A_374 : memref<128xi32, #tpu.memory_space<vmem>>) semaphore(%arg11 : memref<!tpu.dma_semaphore, #tpu.memory_space<semaphore_mem>>)
      } else {
      }
    }
    %scan3A_80 = arith.constant 158 : i32
    %rem3A = arith.constant 157 : i32
    %rem3A_81 = arith.constant 3 : i32
    %rem3A_82 = arith.remsi %rem3A, %rem3A_81 : i32
    %dma_wait3A = arith.constant 0 : i32
    %dma_wait3A_83 = arith.constant 0 : i32
    %dma_wait3A_84 = tpu.memref_slice %arg9[%rem3A_82, %dma_wait3A, %dma_wait3A_83] : memref<3x128x128xf32, #tpu.memory_space<vmem>> -> memref<1x128x128xf32, #tpu.memory_space<vmem>>
    %dma_wait3A_85 = tpu.memref_squeeze %dma_wait3A_84 : memref<1x128x128xf32, #tpu.memory_space<vmem>> -> memref<128x128xf32, #tpu.memory_space<vmem>>
    %dma_wait3A_86 = arith.constant 0 : i32
    %dma_wait3A_87 = tpu.memref_slice %arg8[%rem3A_82, %dma_wait3A_86] : memref<3x128xi32, #tpu.memory_space<vmem>> -> memref<1x128xi32, #tpu.memory_space<vmem>>
    %dma_wait3A_88 = tpu.memref_squeeze %dma_wait3A_87 : memref<1x128xi32, #tpu.memory_space<vmem>> -> memref<128xi32, #tpu.memory_space<vmem>>
    %dma_wait3A_89 = arith.constant 0 : i32
    %dma_wait3A_90 = arith.constant 0 : i32
    %dma_wait3A_91 = tpu.memref_slice %arg10[%dma_wait3A_89, %dma_wait3A_90] : memref<5248x128xf32, #tpu.memory_space<vmem_shared>> -> memref<5248x128xf32, #tpu.memory_space<vmem_shared>>
    tpu.wait_indirect_dma semaphore(%arg13 : memref<!tpu.dma_semaphore, #tpu.memory_space<semaphore_mem>>) src(%dma_wait3A_85 : memref<128x128xf32, #tpu.memory_space<vmem>>) dst(%dma_wait3A_91 : memref<5248x128xf32, #tpu.memory_space<vmem_shared>>)
    %barrier3A_92 = arith.constant 0 : index
    tpu.barrier barrier_id(%barrier3A_92)
    %add3A_93 = arith.constant 0 : i32
    %add3A_94 = arith.addi %mul3A_8, %add3A_93 : i32
    %run_scoped3A_95 = arith.constant 0 : i32
    "tpu.region"() ({
      %run_scoped3A_111 = tpu.sem_alloc : memref<!tpu.dma_semaphore, #tpu.memory_space<semaphore_mem>>
      %dma_start3A_112 = arith.constant 0 : i32
      %dma_start3A_113 = arith.constant 0 : i32
      %dma_start3A_114 = tpu.memref_slice %arg9[%run_scoped3A_95, %dma_start3A_112, %dma_start3A_113] : memref<3x128x128xf32, #tpu.memory_space<vmem>> -> memref<1x128x128xf32, #tpu.memory_space<vmem>>
      %dma_start3A_115 = tpu.memref_squeeze %dma_start3A_114 : memref<1x128x128xf32, #tpu.memory_space<vmem>> -> memref<128x128xf32, #tpu.memory_space<vmem>>
      %dma_start3A_116 = arith.constant 0 : i32
      %dma_start3A_117 = tpu.memref_slice %arg10[%add3A_94, %dma_start3A_116] : memref<5248x128xf32, #tpu.memory_space<vmem_shared>> -> memref<128x128xf32, #tpu.memory_space<vmem_shared>>
      %dma_start3A_118 = arith.constant 0 : i32
      %dma_start3A_119 = arith.constant 0 : i32
      %dma_start3A_120 = tpu.memref_slice %arg9[%run_scoped3A_95, %dma_start3A_118, %dma_start3A_119] : memref<3x128x128xf32, #tpu.memory_space<vmem>> -> memref<1x128x128xf32, #tpu.memory_space<vmem>>
      %dma_start3A_121 = tpu.memref_squeeze %dma_start3A_120 : memref<1x128x128xf32, #tpu.memory_space<vmem>> -> memref<128x128xf32, #tpu.memory_space<vmem>>
      %dma_start3A_122 = arith.constant 0 : i32
      %dma_start3A_123 = tpu.memref_slice %arg10[%add3A_94, %dma_start3A_122] : memref<5248x128xf32, #tpu.memory_space<vmem_shared>> -> memref<128x128xf32, #tpu.memory_space<vmem_shared>>
      tpu.enqueue_dma source(%dma_start3A_123 : memref<128x128xf32, #tpu.memory_space<vmem_shared>>) target(%dma_start3A_121 : memref<128x128xf32, #tpu.memory_space<vmem>>) target_semaphore(%run_scoped3A_111 : memref<!tpu.dma_semaphore, #tpu.memory_space<semaphore_mem>>)
      %dma_wait3A_124 = arith.constant 0 : i32
      %dma_wait3A_125 = arith.constant 0 : i32
      %dma_wait3A_126 = tpu.memref_slice %arg9[%run_scoped3A_95, %dma_wait3A_124, %dma_wait3A_125] : memref<3x128x128xf32, #tpu.memory_space<vmem>> -> memref<1x128x128xf32, #tpu.memory_space<vmem>>
      %dma_wait3A_127 = tpu.memref_squeeze %dma_wait3A_126 : memref<1x128x128xf32, #tpu.memory_space<vmem>> -> memref<128x128xf32, #tpu.memory_space<vmem>>
      %dma_wait3A_128 = arith.constant 0 : i32
      %dma_wait3A_129 = tpu.memref_slice %arg10[%add3A_94, %dma_wait3A_128] : memref<5248x128xf32, #tpu.memory_space<vmem_shared>> -> memref<128x128xf32, #tpu.memory_space<vmem_shared>>
      %dma_wait3A_130 = arith.constant 0 : i32
      %dma_wait3A_131 = arith.constant 0 : i32
      %dma_wait3A_132 = tpu.memref_slice %arg9[%run_scoped3A_95, %dma_wait3A_130, %dma_wait3A_131] : memref<3x128x128xf32, #tpu.memory_space<vmem>> -> memref<1x128x128xf32, #tpu.memory_space<vmem>>
      %dma_wait3A_133 = tpu.memref_squeeze %dma_wait3A_132 : memref<1x128x128xf32, #tpu.memory_space<vmem>> -> memref<128x128xf32, #tpu.memory_space<vmem>>
      %dma_wait3A_134 = arith.constant 0 : i32
      %dma_wait3A_135 = tpu.memref_slice %arg10[%add3A_94, %dma_wait3A_134] : memref<5248x128xf32, #tpu.memory_space<vmem_shared>> -> memref<128x128xf32, #tpu.memory_space<vmem_shared>>
      tpu.wait_dma2 semaphore(%run_scoped3A_111 : memref<!tpu.dma_semaphore, #tpu.memory_space<semaphore_mem>>) src(%dma_wait3A_135 : memref<128x128xf32, #tpu.memory_space<vmem_shared>>) dst(%dma_wait3A_133 : memref<128x128xf32, #tpu.memory_space<vmem>>)
      tpu.yield
    }) : () -> ()
    %add3A_96 = arith.constant 0 : i32
    %add3A_97 = arith.addi %mul3A_8, %add3A_96 : i32
    %run_scoped3A_98 = arith.constant 0 : i32
    "tpu.region"() ({
      %run_scoped3A_111 = tpu.sem_alloc : memref<!tpu.dma_semaphore, #tpu.memory_space<semaphore_mem>>
      %dma_start3A_112 = arith.constant 0 : i32
      %dma_start3A_113 = arith.constant 0 : i32
      %dma_start3A_114 = tpu.memref_slice %arg9[%run_scoped3A_98, %dma_start3A_112, %dma_start3A_113] : memref<3x128x128xf32, #tpu.memory_space<vmem>> -> memref<1x128x128xf32, #tpu.memory_space<vmem>>
      %dma_start3A_115 = tpu.memref_squeeze %dma_start3A_114 : memref<1x128x128xf32, #tpu.memory_space<vmem>> -> memref<128x128xf32, #tpu.memory_space<vmem>>
      %dma_start3A_116 = arith.constant 0 : i32
      %dma_start3A_117 = tpu.memref_slice %arg5[%arg0, %add3A_97, %dma_start3A_116] : memref<2x5248x128xf32, #tpu.memory_space<hbm>> -> memref<1x128x128xf32, #tpu.memory_space<hbm>>
      %dma_start3A_118 = tpu.memref_squeeze %dma_start3A_117 : memref<1x128x128xf32, #tpu.memory_space<hbm>> -> memref<128x128xf32, #tpu.memory_space<hbm>>
      %dma_start3A_119 = arith.constant 0 : i32
      %dma_start3A_120 = tpu.memref_slice %arg5[%arg0, %add3A_97, %dma_start3A_119] : memref<2x5248x128xf32, #tpu.memory_space<hbm>> -> memref<1x128x128xf32, #tpu.memory_space<hbm>>
      %dma_start3A_121 = tpu.memref_squeeze %dma_start3A_120 : memref<1x128x128xf32, #tpu.memory_space<hbm>> -> memref<128x128xf32, #tpu.memory_space<hbm>>
      %dma_start3A_122 = arith.constant 0 : i32
      %dma_start3A_123 = arith.constant 0 : i32
      %dma_start3A_124 = tpu.memref_slice %arg9[%run_scoped3A_98, %dma_start3A_122, %dma_start3A_123] : memref<3x128x128xf32, #tpu.memory_space<vmem>> -> memref<1x128x128xf32, #tpu.memory_space<vmem>>
      %dma_start3A_125 = tpu.memref_squeeze %dma_start3A_124 : memref<1x128x128xf32, #tpu.memory_space<vmem>> -> memref<128x128xf32, #tpu.memory_space<vmem>>
      tpu.enqueue_dma source(%dma_start3A_125 : memref<128x128xf32, #tpu.memory_space<vmem>>) target(%dma_start3A_121 : memref<128x128xf32, #tpu.memory_space<hbm>>) target_semaphore(%run_scoped3A_111 : memref<!tpu.dma_semaphore, #tpu.memory_space<semaphore_mem>>)
      %dma_wait3A_126 = arith.constant 0 : i32
      %dma_wait3A_127 = arith.constant 0 : i32
      %dma_wait3A_128 = tpu.memref_slice %arg9[%run_scoped3A_98, %dma_wait3A_126, %dma_wait3A_127] : memref<3x128x128xf32, #tpu.memory_space<vmem>> -> memref<1x128x128xf32, #tpu.memory_space<vmem>>
      %dma_wait3A_129 = tpu.memref_squeeze %dma_wait3A_128 : memref<1x128x128xf32, #tpu.memory_space<vmem>> -> memref<128x128xf32, #tpu.memory_space<vmem>>
      %dma_wait3A_130 = arith.constant 0 : i32
      %dma_wait3A_131 = tpu.memref_slice %arg5[%arg0, %add3A_97, %dma_wait3A_130] : memref<2x5248x128xf32, #tpu.memory_space<hbm>> -> memref<1x128x128xf32, #tpu.memory_space<hbm>>
      %dma_wait3A_132 = tpu.memref_squeeze %dma_wait3A_131 : memref<1x128x128xf32, #tpu.memory_space<hbm>> -> memref<128x128xf32, #tpu.memory_space<hbm>>
      %dma_wait3A_133 = arith.constant 0 : i32
      %dma_wait3A_134 = tpu.memref_slice %arg5[%arg0, %add3A_97, %dma_wait3A_133] : memref<2x5248x128xf32, #tpu.memory_space<hbm>> -> memref<1x128x128xf32, #tpu.memory_space<hbm>>
      %dma_wait3A_135 = tpu.memref_squeeze %dma_wait3A_134 : memref<1x128x128xf32, #tpu.memory_space<hbm>> -> memref<128x128xf32, #tpu.memory_space<hbm>>
      %dma_wait3A_136 = arith.constant 0 : i32
      %dma_wait3A_137 = arith.constant 0 : i32
      %dma_wait3A_138 = tpu.memref_slice %arg9[%run_scoped3A_98, %dma_wait3A_136, %dma_wait3A_137] : memref<3x128x128xf32, #tpu.memory_space<vmem>> -> memref<1x128x128xf32, #tpu.memory_space<vmem>>
      %dma_wait3A_139 = tpu.memref_squeeze %dma_wait3A_138 : memref<1x128x128xf32, #tpu.memory_space<vmem>> -> memref<128x128xf32, #tpu.memory_space<vmem>>
      tpu.wait_dma2 semaphore(%run_scoped3A_111 : memref<!tpu.dma_semaphore, #tpu.memory_space<semaphore_mem>>) src(%dma_wait3A_139 : memref<128x128xf32, #tpu.memory_space<vmem>>) dst(%dma_wait3A_135 : memref<128x128xf32, #tpu.memory_space<hbm>>)
      tpu.yield
    }) : () -> ()
    %add3A_99 = arith.constant 128 : i32
    %add3A_100 = arith.addi %mul3A_8, %add3A_99 : i32
    %run_scoped3A_101 = arith.constant 0 : i32
    "tpu.region"() ({
      %run_scoped3A_111 = tpu.sem_alloc : memref<!tpu.dma_semaphore, #tpu.memory_space<semaphore_mem>>
      %dma_start3A_112 = arith.constant 0 : i32
      %dma_start3A_113 = arith.constant 0 : i32
      %dma_start3A_114 = tpu.memref_slice %arg9[%run_scoped3A_101, %dma_start3A_112, %dma_start3A_113] : memref<3x128x128xf32, #tpu.memory_space<vmem>> -> memref<1x128x128xf32, #tpu.memory_space<vmem>>
      %dma_start3A_115 = tpu.memref_squeeze %dma_start3A_114 : memref<1x128x128xf32, #tpu.memory_space<vmem>> -> memref<128x128xf32, #tpu.memory_space<vmem>>
      %dma_start3A_116 = arith.constant 0 : i32
      %dma_start3A_117 = tpu.memref_slice %arg10[%add3A_100, %dma_start3A_116] : memref<5248x128xf32, #tpu.memory_space<vmem_shared>> -> memref<128x128xf32, #tpu.memory_space<vmem_shared>>
      %dma_start3A_118 = arith.constant 0 : i32
      %dma_start3A_119 = arith.constant 0 : i32
      %dma_start3A_120 = tpu.memref_slice %arg9[%run_scoped3A_101, %dma_start3A_118, %dma_start3A_119] : memref<3x128x128xf32, #tpu.memory_space<vmem>> -> memref<1x128x128xf32, #tpu.memory_space<vmem>>
      %dma_start3A_121 = tpu.memref_squeeze %dma_start3A_120 : memref<1x128x128xf32, #tpu.memory_space<vmem>> -> memref<128x128xf32, #tpu.memory_space<vmem>>
      %dma_start3A_122 = arith.constant 0 : i32
      %dma_start3A_123 = tpu.memref_slice %arg10[%add3A_100, %dma_start3A_122] : memref<5248x128xf32, #tpu.memory_space<vmem_shared>> -> memref<128x128xf32, #tpu.memory_space<vmem_shared>>
      tpu.enqueue_dma source(%dma_start3A_123 : memref<128x128xf32, #tpu.memory_space<vmem_shared>>) target(%dma_start3A_121 : memref<128x128xf32, #tpu.memory_space<vmem>>) target_semaphore(%run_scoped3A_111 : memref<!tpu.dma_semaphore, #tpu.memory_space<semaphore_mem>>)
      %dma_wait3A_124 = arith.constant 0 : i32
      %dma_wait3A_125 = arith.constant 0 : i32
      %dma_wait3A_126 = tpu.memref_slice %arg9[%run_scoped3A_101, %dma_wait3A_124, %dma_wait3A_125] : memref<3x128x128xf32, #tpu.memory_space<vmem>> -> memref<1x128x128xf32, #tpu.memory_space<vmem>>
      %dma_wait3A_127 = tpu.memref_squeeze %dma_wait3A_126 : memref<1x128x128xf32, #tpu.memory_space<vmem>> -> memref<128x128xf32, #tpu.memory_space<vmem>>
      %dma_wait3A_128 = arith.constant 0 : i32
      %dma_wait3A_129 = tpu.memref_slice %arg10[%add3A_100, %dma_wait3A_128] : memref<5248x128xf32, #tpu.memory_space<vmem_shared>> -> memref<128x128xf32, #tpu.memory_space<vmem_shared>>
      %dma_wait3A_130 = arith.constant 0 : i32
      %dma_wait3A_131 = arith.constant 0 : i32
      %dma_wait3A_132 = tpu.memref_slice %arg9[%run_scoped3A_101, %dma_wait3A_130, %dma_wait3A_131] : memref<3x128x128xf32, #tpu.memory_space<vmem>> -> memref<1x128x128xf32, #tpu.memory_space<vmem>>
      %dma_wait3A_133 = tpu.memref_squeeze %dma_wait3A_132 : memref<1x128x128xf32, #tpu.memory_space<vmem>> -> memref<128x128xf32, #tpu.memory_space<vmem>>
      %dma_wait3A_134 = arith.constant 0 : i32
      %dma_wait3A_135 = tpu.memref_slice %arg10[%add3A_100, %dma_wait3A_134] : memref<5248x128xf32, #tpu.memory_space<vmem_shared>> -> memref<128x128xf32, #tpu.memory_space<vmem_shared>>
      tpu.wait_dma2 semaphore(%run_scoped3A_111 : memref<!tpu.dma_semaphore, #tpu.memory_space<semaphore_mem>>) src(%dma_wait3A_135 : memref<128x128xf32, #tpu.memory_space<vmem_shared>>) dst(%dma_wait3A_133 : memref<128x128xf32, #tpu.memory_space<vmem>>)
      tpu.yield
    }) : () -> ()
    %add3A_102 = arith.constant 128 : i32
    %add3A_103 = arith.addi %mul3A_8, %add3A_102 : i32
    %run_scoped3A_104 = arith.constant 0 : i32
    "tpu.region"() ({
      %run_scoped3A_111 = tpu.sem_alloc : memref<!tpu.dma_semaphore, #tpu.memory_space<semaphore_mem>>
      %dma_start3A_112 = arith.constant 0 : i32
      %dma_start3A_113 = arith.constant 0 : i32
      %dma_start3A_114 = tpu.memref_slice %arg9[%run_scoped3A_104, %dma_start3A_112, %dma_start3A_113] : memref<3x128x128xf32, #tpu.memory_space<vmem>> -> memref<1x128x128xf32, #tpu.memory_space<vmem>>
      %dma_start3A_115 = tpu.memref_squeeze %dma_start3A_114 : memref<1x128x128xf32, #tpu.memory_space<vmem>> -> memref<128x128xf32, #tpu.memory_space<vmem>>
      %dma_start3A_116 = arith.constant 0 : i32
      %dma_start3A_117 = tpu.memref_slice %arg5[%arg0, %add3A_103, %dma_start3A_116] : memref<2x5248x128xf32, #tpu.memory_space<hbm>> -> memref<1x128x128xf32, #tpu.memory_space<hbm>>
      %dma_start3A_118 = tpu.memref_squeeze %dma_start3A_117 : memref<1x128x128xf32, #tpu.memory_space<hbm>> -> memref<128x128xf32, #tpu.memory_space<hbm>>
      %dma_start3A_119 = arith.constant 0 : i32
      %dma_start3A_120 = tpu.memref_slice %arg5[%arg0, %add3A_103, %dma_start3A_119] : memref<2x5248x128xf32, #tpu.memory_space<hbm>> -> memref<1x128x128xf32, #tpu.memory_space<hbm>>
      %dma_start3A_121 = tpu.memref_squeeze %dma_start3A_120 : memref<1x128x128xf32, #tpu.memory_space<hbm>> -> memref<128x128xf32, #tpu.memory_space<hbm>>
      %dma_start3A_122 = arith.constant 0 : i32
      %dma_start3A_123 = arith.constant 0 : i32
      %dma_start3A_124 = tpu.memref_slice %arg9[%run_scoped3A_104, %dma_start3A_122, %dma_start3A_123] : memref<3x128x128xf32, #tpu.memory_space<vmem>> -> memref<1x128x128xf32, #tpu.memory_space<vmem>>
      %dma_start3A_125 = tpu.memref_squeeze %dma_start3A_124 : memref<1x128x128xf32, #tpu.memory_space<vmem>> -> memref<128x128xf32, #tpu.memory_space<vmem>>
      tpu.enqueue_dma source(%dma_start3A_125 : memref<128x128xf32, #tpu.memory_space<vmem>>) target(%dma_start3A_121 : memref<128x128xf32, #tpu.memory_space<hbm>>) target_semaphore(%run_scoped3A_111 : memref<!tpu.dma_semaphore, #tpu.memory_space<semaphore_mem>>)
      %dma_wait3A_126 = arith.constant 0 : i32
      %dma_wait3A_127 = arith.constant 0 : i32
      %dma_wait3A_128 = tpu.memref_slice %arg9[%run_scoped3A_104, %dma_wait3A_126, %dma_wait3A_127] : memref<3x128x128xf32, #tpu.memory_space<vmem>> -> memref<1x128x128xf32, #tpu.memory_space<vmem>>
      %dma_wait3A_129 = tpu.memref_squeeze %dma_wait3A_128 : memref<1x128x128xf32, #tpu.memory_space<vmem>> -> memref<128x128xf32, #tpu.memory_space<vmem>>
      %dma_wait3A_130 = arith.constant 0 : i32
      %dma_wait3A_131 = tpu.memref_slice %arg5[%arg0, %add3A_103, %dma_wait3A_130] : memref<2x5248x128xf32, #tpu.memory_space<hbm>> -> memref<1x128x128xf32, #tpu.memory_space<hbm>>
      %dma_wait3A_132 = tpu.memref_squeeze %dma_wait3A_131 : memref<1x128x128xf32, #tpu.memory_space<hbm>> -> memref<128x128xf32, #tpu.memory_space<hbm>>
      %dma_wait3A_133 = arith.constant 0 : i32
      %dma_wait3A_134 = tpu.memref_slice %arg5[%arg0, %add3A_103, %dma_wait3A_133] : memref<2x5248x128xf32, #tpu.memory_space<hbm>> -> memref<1x128x128xf32, #tpu.memory_space<hbm>>
      %dma_wait3A_135 = tpu.memref_squeeze %dma_wait3A_134 : memref<1x128x128xf32, #tpu.memory_space<hbm>> -> memref<128x128xf32, #tpu.memory_space<hbm>>
      %dma_wait3A_136 = arith.constant 0 : i32
      %dma_wait3A_137 = arith.constant 0 : i32
      %dma_wait3A_138 = tpu.memref_slice %arg9[%run_scoped3A_104, %dma_wait3A_136, %dma_wait3A_137] : memref<3x128x128xf32, #tpu.memory_space<vmem>> -> memref<1x128x128xf32, #tpu.memory_space<vmem>>
      %dma_wait3A_139 = tpu.memref_squeeze %dma_wait3A_138 : memref<1x128x128xf32, #tpu.memory_space<vmem>> -> memref<128x128xf32, #tpu.memory_space<vmem>>
      tpu.wait_dma2 semaphore(%run_scoped3A_111 : memref<!tpu.dma_semaphore, #tpu.memory_space<semaphore_mem>>) src(%dma_wait3A_139 : memref<128x128xf32, #tpu.memory_space<vmem>>) dst(%dma_wait3A_135 : memref<128x128xf32, #tpu.memory_space<hbm>>)
      tpu.yield
    }) : () -> ()
    %add3A_105 = arith.constant 256 : i32
    %add3A_106 = arith.addi %mul3A_8, %add3A_105 : i32
    %run_scoped3A_107 = arith.constant 0 : i32
    "tpu.region"() ({
      %run_scoped3A_111 = tpu.sem_alloc : memref<!tpu.dma_semaphore, #tpu.memory_space<semaphore_mem>>
      %dma_start3A_112 = arith.constant 0 : i32
      %dma_start3A_113 = arith.constant 0 : i32
      %dma_start3A_114 = tpu.memref_slice %arg9[%run_scoped3A_107, %dma_start3A_112, %dma_start3A_113] : memref<3x128x128xf32, #tpu.memory_space<vmem>> -> memref<1x72x128xf32, #tpu.memory_space<vmem>>
      %dma_start3A_115 = tpu.memref_squeeze %dma_start3A_114 : memref<1x72x128xf32, #tpu.memory_space<vmem>> -> memref<72x128xf32, #tpu.memory_space<vmem>>
      %dma_start3A_116 = arith.constant 0 : i32
      %dma_start3A_117 = tpu.memref_slice %arg10[%add3A_106, %dma_start3A_116] : memref<5248x128xf32, #tpu.memory_space<vmem_shared>> -> memref<72x128xf32, #tpu.memory_space<vmem_shared>>
      %dma_start3A_118 = arith.constant 0 : i32
      %dma_start3A_119 = arith.constant 0 : i32
      %dma_start3A_120 = tpu.memref_slice %arg9[%run_scoped3A_107, %dma_start3A_118, %dma_start3A_119] : memref<3x128x128xf32, #tpu.memory_space<vmem>> -> memref<1x72x128xf32, #tpu.memory_space<vmem>>
      %dma_start3A_121 = tpu.memref_squeeze %dma_start3A_120 : memref<1x72x128xf32, #tpu.memory_space<vmem>> -> memref<72x128xf32, #tpu.memory_space<vmem>>
      %dma_start3A_122 = arith.constant 0 : i32
      %dma_start3A_123 = tpu.memref_slice %arg10[%add3A_106, %dma_start3A_122] : memref<5248x128xf32, #tpu.memory_space<vmem_shared>> -> memref<72x128xf32, #tpu.memory_space<vmem_shared>>
      tpu.enqueue_dma source(%dma_start3A_123 : memref<72x128xf32, #tpu.memory_space<vmem_shared>>) target(%dma_start3A_121 : memref<72x128xf32, #tpu.memory_space<vmem>>) target_semaphore(%run_scoped3A_111 : memref<!tpu.dma_semaphore, #tpu.memory_space<semaphore_mem>>)
      %dma_wait3A_124 = arith.constant 0 : i32
      %dma_wait3A_125 = arith.constant 0 : i32
      %dma_wait3A_126 = tpu.memref_slice %arg9[%run_scoped3A_107, %dma_wait3A_124, %dma_wait3A_125] : memref<3x128x128xf32, #tpu.memory_space<vmem>> -> memref<1x72x128xf32, #tpu.memory_space<vmem>>
      %dma_wait3A_127 = tpu.memref_squeeze %dma_wait3A_126 : memref<1x72x128xf32, #tpu.memory_space<vmem>> -> memref<72x128xf32, #tpu.memory_space<vmem>>
      %dma_wait3A_128 = arith.constant 0 : i32
      %dma_wait3A_129 = tpu.memref_slice %arg10[%add3A_106, %dma_wait3A_128] : memref<5248x128xf32, #tpu.memory_space<vmem_shared>> -> memref<72x128xf32, #tpu.memory_space<vmem_shared>>
      %dma_wait3A_130 = arith.constant 0 : i32
      %dma_wait3A_131 = arith.constant 0 : i32
      %dma_wait3A_132 = tpu.memref_slice %arg9[%run_scoped3A_107, %dma_wait3A_130, %dma_wait3A_131] : memref<3x128x128xf32, #tpu.memory_space<vmem>> -> memref<1x72x128xf32, #tpu.memory_space<vmem>>
      %dma_wait3A_133 = tpu.memref_squeeze %dma_wait3A_132 : memref<1x72x128xf32, #tpu.memory_space<vmem>> -> memref<72x128xf32, #tpu.memory_space<vmem>>
      %dma_wait3A_134 = arith.constant 0 : i32
      %dma_wait3A_135 = tpu.memref_slice %arg10[%add3A_106, %dma_wait3A_134] : memref<5248x128xf32, #tpu.memory_space<vmem_shared>> -> memref<72x128xf32, #tpu.memory_space<vmem_shared>>
      tpu.wait_dma2 semaphore(%run_scoped3A_111 : memref<!tpu.dma_semaphore, #tpu.memory_space<semaphore_mem>>) src(%dma_wait3A_135 : memref<72x128xf32, #tpu.memory_space<vmem_shared>>) dst(%dma_wait3A_133 : memref<72x128xf32, #tpu.memory_space<vmem>>)
      tpu.yield
    }) : () -> ()
    %add3A_108 = arith.constant 256 : i32
    %add3A_109 = arith.addi %mul3A_8, %add3A_108 : i32
    %run_scoped3A_110 = arith.constant 0 : i32
    "tpu.region"() ({
      %run_scoped3A_111 = tpu.sem_alloc : memref<!tpu.dma_semaphore, #tpu.memory_space<semaphore_mem>>
      %dma_start3A_112 = arith.constant 0 : i32
      %dma_start3A_113 = arith.constant 0 : i32
      %dma_start3A_114 = tpu.memref_slice %arg9[%run_scoped3A_110, %dma_start3A_112, %dma_start3A_113] : memref<3x128x128xf32, #tpu.memory_space<vmem>> -> memref<1x72x128xf32, #tpu.memory_space<vmem>>
      %dma_start3A_115 = tpu.memref_squeeze %dma_start3A_114 : memref<1x72x128xf32, #tpu.memory_space<vmem>> -> memref<72x128xf32, #tpu.memory_space<vmem>>
      %dma_start3A_116 = arith.constant 0 : i32
      %dma_start3A_117 = tpu.memref_slice %arg5[%arg0, %add3A_109, %dma_start3A_116] : memref<2x5248x128xf32, #tpu.memory_space<hbm>> -> memref<1x72x128xf32, #tpu.memory_space<hbm>>
      %dma_start3A_118 = tpu.memref_squeeze %dma_start3A_117 : memref<1x72x128xf32, #tpu.memory_space<hbm>> -> memref<72x128xf32, #tpu.memory_space<hbm>>
      %dma_start3A_119 = arith.constant 0 : i32
      %dma_start3A_120 = tpu.memref_slice %arg5[%arg0, %add3A_109, %dma_start3A_119] : memref<2x5248x128xf32, #tpu.memory_space<hbm>> -> memref<1x72x128xf32, #tpu.memory_space<hbm>>
      %dma_start3A_121 = tpu.memref_squeeze %dma_start3A_120 : memref<1x72x128xf32, #tpu.memory_space<hbm>> -> memref<72x128xf32, #tpu.memory_space<hbm>>
      %dma_start3A_122 = arith.constant 0 : i32
      %dma_start3A_123 = arith.constant 0 : i32
      %dma_start3A_124 = tpu.memref_slice %arg9[%run_scoped3A_110, %dma_start3A_122, %dma_start3A_123] : memref<3x128x128xf32, #tpu.memory_space<vmem>> -> memref<1x72x128xf32, #tpu.memory_space<vmem>>
      %dma_start3A_125 = tpu.memref_squeeze %dma_start3A_124 : memref<1x72x128xf32, #tpu.memory_space<vmem>> -> memref<72x128xf32, #tpu.memory_space<vmem>>
      tpu.enqueue_dma source(%dma_start3A_125 : memref<72x128xf32, #tpu.memory_space<vmem>>) target(%dma_start3A_121 : memref<72x128xf32, #tpu.memory_space<hbm>>) target_semaphore(%run_scoped3A_111 : memref<!tpu.dma_semaphore, #tpu.memory_space<semaphore_mem>>)
      %dma_wait3A_126 = arith.constant 0 : i32
      %dma_wait3A_127 = arith.constant 0 : i32
      %dma_wait3A_128 = tpu.memref_slice %arg9[%run_scoped3A_110, %dma_wait3A_126, %dma_wait3A_127] : memref<3x128x128xf32, #tpu.memory_space<vmem>> -> memref<1x72x128xf32, #tpu.memory_space<vmem>>
      %dma_wait3A_129 = tpu.memref_squeeze %dma_wait3A_128 : memref<1x72x128xf32, #tpu.memory_space<vmem>> -> memref<72x128xf32, #tpu.memory_space<vmem>>
      %dma_wait3A_130 = arith.constant 0 : i32
      %dma_wait3A_131 = tpu.memref_slice %arg5[%arg0, %add3A_109, %dma_wait3A_130] : memref<2x5248x128xf32, #tpu.memory_space<hbm>> -> memref<1x72x128xf32, #tpu.memory_space<hbm>>
      %dma_wait3A_132 = tpu.memref_squeeze %dma_wait3A_131 : memref<1x72x128xf32, #tpu.memory_space<hbm>> -> memref<72x128xf32, #tpu.memory_space<hbm>>
      %dma_wait3A_133 = arith.constant 0 : i32
      %dma_wait3A_134 = tpu.memref_slice %arg5[%arg0, %add3A_109, %dma_wait3A_133] : memref<2x5248x128xf32, #tpu.memory_space<hbm>> -> memref<1x72x128xf32, #tpu.memory_space<hbm>>
      %dma_wait3A_135 = tpu.memref_squeeze %dma_wait3A_134 : memref<1x72x128xf32, #tpu.memory_space<hbm>> -> memref<72x128xf32, #tpu.memory_space<hbm>>
      %dma_wait3A_136 = arith.constant 0 : i32
      %dma_wait3A_137 = arith.constant 0 : i32
      %dma_wait3A_138 = tpu.memref_slice %arg9[%run_scoped3A_110, %dma_wait3A_136, %dma_wait3A_137] : memref<3x128x128xf32, #tpu.memory_space<vmem>> -> memref<1x72x128xf32, #tpu.memory_space<vmem>>
      %dma_wait3A_139 = tpu.memref_squeeze %dma_wait3A_138 : memref<1x72x128xf32, #tpu.memory_space<vmem>> -> memref<72x128xf32, #tpu.memory_space<vmem>>
      tpu.wait_dma2 semaphore(%run_scoped3A_111 : memref<!tpu.dma_semaphore, #tpu.memory_space<semaphore_mem>>) src(%dma_wait3A_139 : memref<72x128xf32, #tpu.memory_space<vmem>>) dst(%dma_wait3A_135 : memref<72x128xf32, #tpu.memory_space<hbm>>)
      tpu.yield
    }) : () -> ()
    return
  }
}

#map = affine_map<(d0, d1) -> (0, 0, 0)>
module attributes {stable_mosaic.version = 14 : i64} {
  func.func @k(%arg0: i32, %arg1: i32, %arg2: memref<16x158x128xi32, #tpu.memory_space<hbm>>, %arg3: memref<2x5248x128xf32, #tpu.memory_space<hbm>>, %arg4: memref<158x128xi32, #tpu.memory_space<vmem>>, %arg5: memref<128xi32, #tpu.memory_space<vmem>>, %arg6: memref<128x128xf32, #tpu.memory_space<vmem>>, %arg7: memref<5248x128xf32, #tpu.memory_space<vmem_shared>>) attributes {dimension_semantics = [#tpu.dimension_semantics<core_parallel>, #tpu.dimension_semantics<subcore_parallel>], iteration_bounds = array<i64: 2, 16>, scalar_prefetch = 0 : i64, scratch_operands = 4 : i64, tpu.core_type = #tpu.core_type<sc_vector_subcore>, window_params = [{transform_indices = #map}, {transform_indices = #map}]} {
    %mul3A = arith.constant 5120 : i32
    %mul3A_0 = arith.muli %arg0, %mul3A : i32
    %broadcast_in_dim3A = arith.constant 0.000000e+00 : f32
    %broadcast_in_dim3A_1 = vector.broadcast %broadcast_in_dim3A : f32 to vector<16xf32>
    %iota3A = tpu.iota {dimensions = array<i32: 0>} : vector<16xi32>
    %eq3A = arith.constant 0 : i32
    %eq3A_2 = vector.broadcast %eq3A : i32 to vector<16xi32>
    %eq3A_3 = arith.cmpi eq, %iota3A, %eq3A_2 : vector<16xi32>
    %jit3A = arith.constant 1.000000e+00 : f32
    %jit3A_4 = arith.constant 0.000000e+00 : f32
    %broadcast_in_dim3A_5 = vector.broadcast %jit3A : f32 to vector<16xf32>
    %broadcast_in_dim3A_6 = vector.broadcast %jit3A_4 : f32 to vector<16xf32>
    %select_n3A = arith.select %eq3A_3, %broadcast_in_dim3A_5, %broadcast_in_dim3A_6 : vector<16xi1>, vector<16xf32>
    %scan3A = arith.constant 0 : i32
    %scan3A_7 = arith.constant 0 : i32
    %scan3A_8 = arith.constant 128 : i32
    %scan3A_9 = arith.addi %scan3A_7, %scan3A_8 : i32
    %scan3A_10 = arith.constant 1 : i32
    scf.for %scan3A_44 = %scan3A_7 to %scan3A_9 step %scan3A_10  : i32 {
      %swap3A = arith.index_cast %scan3A_44 : i32 to index
      %swap3A_45 = arith.constant 0 : index
      %swap3A_46 = tpu.vector_load %arg6[%swap3A, %swap3A_45] {strides = array<i32>} : memref<128x128xf32, #tpu.memory_space<vmem>>, vector<1x16xf32>,
      %swap3A_47 = vector.shape_cast %swap3A_46 : vector<1x16xf32> to vector<16xf32>
      %swap3A_48 = vector.shape_cast %broadcast_in_dim3A_1 : vector<16xf32> to vector<1x16xf32>
      tpu.vector_store %arg6[%swap3A, %swap3A_45], %swap3A_48 {strides = array<i32>} : memref<128x128xf32, #tpu.memory_space<vmem>>, vector<1x16xf32>,
      %swap3A_49 = arith.index_cast %scan3A_44 : i32 to index
      %swap3A_50 = arith.constant 16 : index
      %swap3A_51 = tpu.vector_load %arg6[%swap3A_49, %swap3A_50] {strides = array<i32>} : memref<128x128xf32, #tpu.memory_space<vmem>>, vector<1x16xf32>,
      %swap3A_52 = vector.shape_cast %swap3A_51 : vector<1x16xf32> to vector<16xf32>
      %swap3A_53 = vector.shape_cast %broadcast_in_dim3A_1 : vector<16xf32> to vector<1x16xf32>
      tpu.vector_store %arg6[%swap3A_49, %swap3A_50], %swap3A_53 {strides = array<i32>} : memref<128x128xf32, #tpu.memory_space<vmem>>, vector<1x16xf32>,
      %swap3A_54 = arith.index_cast %scan3A_44 : i32 to index
      %swap3A_55 = arith.constant 32 : index
      %swap3A_56 = tpu.vector_load %arg6[%swap3A_54, %swap3A_55] {strides = array<i32>} : memref<128x128xf32, #tpu.memory_space<vmem>>, vector<1x16xf32>,
      %swap3A_57 = vector.shape_cast %swap3A_56 : vector<1x16xf32> to vector<16xf32>
      %swap3A_58 = vector.shape_cast %broadcast_in_dim3A_1 : vector<16xf32> to vector<1x16xf32>
      tpu.vector_store %arg6[%swap3A_54, %swap3A_55], %swap3A_58 {strides = array<i32>} : memref<128x128xf32, #tpu.memory_space<vmem>>, vector<1x16xf32>,
      %swap3A_59 = arith.index_cast %scan3A_44 : i32 to index
      %swap3A_60 = arith.constant 48 : index
      %swap3A_61 = tpu.vector_load %arg6[%swap3A_59, %swap3A_60] {strides = array<i32>} : memref<128x128xf32, #tpu.memory_space<vmem>>, vector<1x16xf32>,
      %swap3A_62 = vector.shape_cast %swap3A_61 : vector<1x16xf32> to vector<16xf32>
      %swap3A_63 = vector.shape_cast %broadcast_in_dim3A_1 : vector<16xf32> to vector<1x16xf32>
      tpu.vector_store %arg6[%swap3A_59, %swap3A_60], %swap3A_63 {strides = array<i32>} : memref<128x128xf32, #tpu.memory_space<vmem>>, vector<1x16xf32>,
      %swap3A_64 = arith.index_cast %scan3A_44 : i32 to index
      %swap3A_65 = arith.constant 64 : index
      %swap3A_66 = tpu.vector_load %arg6[%swap3A_64, %swap3A_65] {strides = array<i32>} : memref<128x128xf32, #tpu.memory_space<vmem>>, vector<1x16xf32>,
      %swap3A_67 = vector.shape_cast %swap3A_66 : vector<1x16xf32> to vector<16xf32>
      %swap3A_68 = vector.shape_cast %broadcast_in_dim3A_1 : vector<16xf32> to vector<1x16xf32>
      tpu.vector_store %arg6[%swap3A_64, %swap3A_65], %swap3A_68 {strides = array<i32>} : memref<128x128xf32, #tpu.memory_space<vmem>>, vector<1x16xf32>,
      %swap3A_69 = arith.index_cast %scan3A_44 : i32 to index
      %swap3A_70 = arith.constant 80 : index
      %swap3A_71 = tpu.vector_load %arg6[%swap3A_69, %swap3A_70] {strides = array<i32>} : memref<128x128xf32, #tpu.memory_space<vmem>>, vector<1x16xf32>,
      %swap3A_72 = vector.shape_cast %swap3A_71 : vector<1x16xf32> to vector<16xf32>
      %swap3A_73 = vector.shape_cast %broadcast_in_dim3A_1 : vector<16xf32> to vector<1x16xf32>
      tpu.vector_store %arg6[%swap3A_69, %swap3A_70], %swap3A_73 {strides = array<i32>} : memref<128x128xf32, #tpu.memory_space<vmem>>, vector<1x16xf32>,
      %swap3A_74 = arith.index_cast %scan3A_44 : i32 to index
      %swap3A_75 = arith.constant 96 : index
      %swap3A_76 = tpu.vector_load %arg6[%swap3A_74, %swap3A_75] {strides = array<i32>} : memref<128x128xf32, #tpu.memory_space<vmem>>, vector<1x16xf32>,
      %swap3A_77 = vector.shape_cast %swap3A_76 : vector<1x16xf32> to vector<16xf32>
      %swap3A_78 = vector.shape_cast %broadcast_in_dim3A_1 : vector<16xf32> to vector<1x16xf32>
      tpu.vector_store %arg6[%swap3A_74, %swap3A_75], %swap3A_78 {strides = array<i32>} : memref<128x128xf32, #tpu.memory_space<vmem>>, vector<1x16xf32>,
      %swap3A_79 = arith.index_cast %scan3A_44 : i32 to index
      %swap3A_80 = arith.constant 112 : index
      %swap3A_81 = tpu.vector_load %arg6[%swap3A_79, %swap3A_80] {strides = array<i32>} : memref<128x128xf32, #tpu.memory_space<vmem>>, vector<1x16xf32>,
      %swap3A_82 = vector.shape_cast %swap3A_81 : vector<1x16xf32> to vector<16xf32>
      %swap3A_83 = vector.shape_cast %broadcast_in_dim3A_1 : vector<16xf32> to vector<1x16xf32>
      tpu.vector_store %arg6[%swap3A_79, %swap3A_80], %swap3A_83 {strides = array<i32>} : memref<128x128xf32, #tpu.memory_space<vmem>>, vector<1x16xf32>,
    }
    %scan3A_11 = arith.constant 128 : i32
    %mul3A_12 = arith.constant 328 : i32
    %mul3A_13 = arith.muli %arg1, %mul3A_12 : i32
    %add3A = arith.constant 0 : i32
    %add3A_14 = arith.addi %mul3A_13, %add3A : i32
    "tpu.region"() ({
      %run_scoped3A = tpu.sem_alloc : memref<!tpu.dma_semaphore, #tpu.memory_space<semaphore_mem>>
      %dma_start3A = arith.constant 0 : i32
      %dma_start3A_44 = arith.constant 0 : i32
      %dma_start3A_45 = tpu.memref_slice %arg6[%dma_start3A, %dma_start3A_44] : memref<128x128xf32, #tpu.memory_space<vmem>> -> memref<128x128xf32, #tpu.memory_space<vmem>>
      %dma_start3A_46 = arith.constant 0 : i32
      %dma_start3A_47 = tpu.memref_slice %arg7[%add3A_14, %dma_start3A_46] : memref<5248x128xf32, #tpu.memory_space<vmem_shared>> -> memref<128x128xf32, #tpu.memory_space<vmem_shared>>
      %dma_start3A_48 = arith.constant 0 : i32
      %dma_start3A_49 = tpu.memref_slice %arg7[%add3A_14, %dma_start3A_48] : memref<5248x128xf32, #tpu.memory_space<vmem_shared>> -> memref<128x128xf32, #tpu.memory_space<vmem_shared>>
      %dma_start3A_50 = arith.constant 0 : i32
      %dma_start3A_51 = arith.constant 0 : i32
      %dma_start3A_52 = tpu.memref_slice %arg6[%dma_start3A_50, %dma_start3A_51] : memref<128x128xf32, #tpu.memory_space<vmem>> -> memref<128x128xf32, #tpu.memory_space<vmem>>
      tpu.enqueue_dma source(%dma_start3A_52 : memref<128x128xf32, #tpu.memory_space<vmem>>) target(%dma_start3A_49 : memref<128x128xf32, #tpu.memory_space<vmem_shared>>) target_semaphore(%run_scoped3A : memref<!tpu.dma_semaphore, #tpu.memory_space<semaphore_mem>>)
      %dma_wait3A = arith.constant 0 : i32
      %dma_wait3A_53 = arith.constant 0 : i32
      %dma_wait3A_54 = tpu.memref_slice %arg6[%dma_wait3A, %dma_wait3A_53] : memref<128x128xf32, #tpu.memory_space<vmem>> -> memref<128x128xf32, #tpu.memory_space<vmem>>
      %dma_wait3A_55 = arith.constant 0 : i32
      %dma_wait3A_56 = tpu.memref_slice %arg7[%add3A_14, %dma_wait3A_55] : memref<5248x128xf32, #tpu.memory_space<vmem_shared>> -> memref<128x128xf32, #tpu.memory_space<vmem_shared>>
      %dma_wait3A_57 = arith.constant 0 : i32
      %dma_wait3A_58 = tpu.memref_slice %arg7[%add3A_14, %dma_wait3A_57] : memref<5248x128xf32, #tpu.memory_space<vmem_shared>> -> memref<128x128xf32, #tpu.memory_space<vmem_shared>>
      %dma_wait3A_59 = arith.constant 0 : i32
      %dma_wait3A_60 = arith.constant 0 : i32
      %dma_wait3A_61 = tpu.memref_slice %arg6[%dma_wait3A_59, %dma_wait3A_60] : memref<128x128xf32, #tpu.memory_space<vmem>> -> memref<128x128xf32, #tpu.memory_space<vmem>>
      tpu.wait_dma2 semaphore(%run_scoped3A : memref<!tpu.dma_semaphore, #tpu.memory_space<semaphore_mem>>) src(%dma_wait3A_61 : memref<128x128xf32, #tpu.memory_space<vmem>>) dst(%dma_wait3A_58 : memref<128x128xf32, #tpu.memory_space<vmem_shared>>)
      tpu.yield
    }) : () -> ()
    %add3A_15 = arith.constant 128 : i32
    %add3A_16 = arith.addi %mul3A_13, %add3A_15 : i32
    "tpu.region"() ({
      %run_scoped3A = tpu.sem_alloc : memref<!tpu.dma_semaphore, #tpu.memory_space<semaphore_mem>>
      %dma_start3A = arith.constant 0 : i32
      %dma_start3A_44 = arith.constant 0 : i32
      %dma_start3A_45 = tpu.memref_slice %arg6[%dma_start3A, %dma_start3A_44] : memref<128x128xf32, #tpu.memory_space<vmem>> -> memref<128x128xf32, #tpu.memory_space<vmem>>
      %dma_start3A_46 = arith.constant 0 : i32
      %dma_start3A_47 = tpu.memref_slice %arg7[%add3A_16, %dma_start3A_46] : memref<5248x128xf32, #tpu.memory_space<vmem_shared>> -> memref<128x128xf32, #tpu.memory_space<vmem_shared>>
      %dma_start3A_48 = arith.constant 0 : i32
      %dma_start3A_49 = tpu.memref_slice %arg7[%add3A_16, %dma_start3A_48] : memref<5248x128xf32, #tpu.memory_space<vmem_shared>> -> memref<128x128xf32, #tpu.memory_space<vmem_shared>>
      %dma_start3A_50 = arith.constant 0 : i32
      %dma_start3A_51 = arith.constant 0 : i32
      %dma_start3A_52 = tpu.memref_slice %arg6[%dma_start3A_50, %dma_start3A_51] : memref<128x128xf32, #tpu.memory_space<vmem>> -> memref<128x128xf32, #tpu.memory_space<vmem>>
      tpu.enqueue_dma source(%dma_start3A_52 : memref<128x128xf32, #tpu.memory_space<vmem>>) target(%dma_start3A_49 : memref<128x128xf32, #tpu.memory_space<vmem_shared>>) target_semaphore(%run_scoped3A : memref<!tpu.dma_semaphore, #tpu.memory_space<semaphore_mem>>)
      %dma_wait3A = arith.constant 0 : i32
      %dma_wait3A_53 = arith.constant 0 : i32
      %dma_wait3A_54 = tpu.memref_slice %arg6[%dma_wait3A, %dma_wait3A_53] : memref<128x128xf32, #tpu.memory_space<vmem>> -> memref<128x128xf32, #tpu.memory_space<vmem>>
      %dma_wait3A_55 = arith.constant 0 : i32
      %dma_wait3A_56 = tpu.memref_slice %arg7[%add3A_16, %dma_wait3A_55] : memref<5248x128xf32, #tpu.memory_space<vmem_shared>> -> memref<128x128xf32, #tpu.memory_space<vmem_shared>>
      %dma_wait3A_57 = arith.constant 0 : i32
      %dma_wait3A_58 = tpu.memref_slice %arg7[%add3A_16, %dma_wait3A_57] : memref<5248x128xf32, #tpu.memory_space<vmem_shared>> -> memref<128x128xf32, #tpu.memory_space<vmem_shared>>
      %dma_wait3A_59 = arith.constant 0 : i32
      %dma_wait3A_60 = arith.constant 0 : i32
      %dma_wait3A_61 = tpu.memref_slice %arg6[%dma_wait3A_59, %dma_wait3A_60] : memref<128x128xf32, #tpu.memory_space<vmem>> -> memref<128x128xf32, #tpu.memory_space<vmem>>
      tpu.wait_dma2 semaphore(%run_scoped3A : memref<!tpu.dma_semaphore, #tpu.memory_space<semaphore_mem>>) src(%dma_wait3A_61 : memref<128x128xf32, #tpu.memory_space<vmem>>) dst(%dma_wait3A_58 : memref<128x128xf32, #tpu.memory_space<vmem_shared>>)
      tpu.yield
    }) : () -> ()
    %add3A_17 = arith.constant 256 : i32
    %add3A_18 = arith.addi %mul3A_13, %add3A_17 : i32
    "tpu.region"() ({
      %run_scoped3A = tpu.sem_alloc : memref<!tpu.dma_semaphore, #tpu.memory_space<semaphore_mem>>
      %dma_start3A = arith.constant 0 : i32
      %dma_start3A_44 = arith.constant 0 : i32
      %dma_start3A_45 = tpu.memref_slice %arg6[%dma_start3A, %dma_start3A_44] : memref<128x128xf32, #tpu.memory_space<vmem>> -> memref<72x128xf32, #tpu.memory_space<vmem>>
      %dma_start3A_46 = arith.constant 0 : i32
      %dma_start3A_47 = tpu.memref_slice %arg7[%add3A_18, %dma_start3A_46] : memref<5248x128xf32, #tpu.memory_space<vmem_shared>> -> memref<72x128xf32, #tpu.memory_space<vmem_shared>>
      %dma_start3A_48 = arith.constant 0 : i32
      %dma_start3A_49 = tpu.memref_slice %arg7[%add3A_18, %dma_start3A_48] : memref<5248x128xf32, #tpu.memory_space<vmem_shared>> -> memref<72x128xf32, #tpu.memory_space<vmem_shared>>
      %dma_start3A_50 = arith.constant 0 : i32
      %dma_start3A_51 = arith.constant 0 : i32
      %dma_start3A_52 = tpu.memref_slice %arg6[%dma_start3A_50, %dma_start3A_51] : memref<128x128xf32, #tpu.memory_space<vmem>> -> memref<72x128xf32, #tpu.memory_space<vmem>>
      tpu.enqueue_dma source(%dma_start3A_52 : memref<72x128xf32, #tpu.memory_space<vmem>>) target(%dma_start3A_49 : memref<72x128xf32, #tpu.memory_space<vmem_shared>>) target_semaphore(%run_scoped3A : memref<!tpu.dma_semaphore, #tpu.memory_space<semaphore_mem>>)
      %dma_wait3A = arith.constant 0 : i32
      %dma_wait3A_53 = arith.constant 0 : i32
      %dma_wait3A_54 = tpu.memref_slice %arg6[%dma_wait3A, %dma_wait3A_53] : memref<128x128xf32, #tpu.memory_space<vmem>> -> memref<72x128xf32, #tpu.memory_space<vmem>>
      %dma_wait3A_55 = arith.constant 0 : i32
      %dma_wait3A_56 = tpu.memref_slice %arg7[%add3A_18, %dma_wait3A_55] : memref<5248x128xf32, #tpu.memory_space<vmem_shared>> -> memref<72x128xf32, #tpu.memory_space<vmem_shared>>
      %dma_wait3A_57 = arith.constant 0 : i32
      %dma_wait3A_58 = tpu.memref_slice %arg7[%add3A_18, %dma_wait3A_57] : memref<5248x128xf32, #tpu.memory_space<vmem_shared>> -> memref<72x128xf32, #tpu.memory_space<vmem_shared>>
      %dma_wait3A_59 = arith.constant 0 : i32
      %dma_wait3A_60 = arith.constant 0 : i32
      %dma_wait3A_61 = tpu.memref_slice %arg6[%dma_wait3A_59, %dma_wait3A_60] : memref<128x128xf32, #tpu.memory_space<vmem>> -> memref<72x128xf32, #tpu.memory_space<vmem>>
      tpu.wait_dma2 semaphore(%run_scoped3A : memref<!tpu.dma_semaphore, #tpu.memory_space<semaphore_mem>>) src(%dma_wait3A_61 : memref<72x128xf32, #tpu.memory_space<vmem>>) dst(%dma_wait3A_58 : memref<72x128xf32, #tpu.memory_space<vmem_shared>>)
      tpu.yield
    }) : () -> ()
    %scan3A_19 = arith.constant 0 : i32
    %scan3A_20 = arith.constant 0 : i32
    %scan3A_21 = arith.constant 128 : i32
    %scan3A_22 = arith.addi %scan3A_20, %scan3A_21 : i32
    %scan3A_23 = arith.constant 1 : i32
    scf.for %scan3A_44 = %scan3A_20 to %scan3A_22 step %scan3A_23  : i32 {
      %swap3A = arith.index_cast %scan3A_44 : i32 to index
      %swap3A_45 = arith.constant 0 : index
      %swap3A_46 = tpu.vector_load %arg6[%swap3A, %swap3A_45] {strides = array<i32>} : memref<128x128xf32, #tpu.memory_space<vmem>>, vector<1x16xf32>,
      %swap3A_47 = vector.shape_cast %swap3A_46 : vector<1x16xf32> to vector<16xf32>
      %swap3A_48 = vector.shape_cast %select_n3A : vector<16xf32> to vector<1x16xf32>
      tpu.vector_store %arg6[%swap3A, %swap3A_45], %swap3A_48 {strides = array<i32>} : memref<128x128xf32, #tpu.memory_space<vmem>>, vector<1x16xf32>,
    }
    %scan3A_24 = arith.constant 128 : i32
    %barrier3A = arith.constant 0 : index
    tpu.barrier barrier_id(%barrier3A)
    "tpu.region"() ({
      %run_scoped3A = tpu.sem_alloc : memref<!tpu.dma_semaphore, #tpu.memory_space<semaphore_mem>>
      %dma_start3A = arith.constant 0 : i32
      %dma_start3A_44 = arith.constant 0 : i32
      %dma_start3A_45 = tpu.memref_slice %arg2[%arg1, %dma_start3A, %dma_start3A_44] : memref<16x158x128xi32, #tpu.memory_space<hbm>> -> memref<1x158x128xi32, #tpu.memory_space<hbm>>
      %dma_start3A_46 = tpu.memref_squeeze %dma_start3A_45 : memref<1x158x128xi32, #tpu.memory_space<hbm>> -> memref<158x128xi32, #tpu.memory_space<hbm>>
      %dma_start3A_47 = arith.constant 0 : i32
      %dma_start3A_48 = arith.constant 0 : i32
      %dma_start3A_49 = tpu.memref_slice %arg2[%arg1, %dma_start3A_47, %dma_start3A_48] : memref<16x158x128xi32, #tpu.memory_space<hbm>> -> memref<1x158x128xi32, #tpu.memory_space<hbm>>
      %dma_start3A_50 = tpu.memref_squeeze %dma_start3A_49 : memref<1x158x128xi32, #tpu.memory_space<hbm>> -> memref<158x128xi32, #tpu.memory_space<hbm>>
      tpu.enqueue_dma source(%dma_start3A_50 : memref<158x128xi32, #tpu.memory_space<hbm>>) target(%arg4 : memref<158x128xi32, #tpu.memory_space<vmem>>) target_semaphore(%run_scoped3A : memref<!tpu.dma_semaphore, #tpu.memory_space<semaphore_mem>>)
      %dma_wait3A = arith.constant 0 : i32
      %dma_wait3A_51 = arith.constant 0 : i32
      %dma_wait3A_52 = tpu.memref_slice %arg2[%arg1, %dma_wait3A, %dma_wait3A_51] : memref<16x158x128xi32, #tpu.memory_space<hbm>> -> memref<1x158x128xi32, #tpu.memory_space<hbm>>
      %dma_wait3A_53 = tpu.memref_squeeze %dma_wait3A_52 : memref<1x158x128xi32, #tpu.memory_space<hbm>> -> memref<158x128xi32, #tpu.memory_space<hbm>>
      %dma_wait3A_54 = arith.constant 0 : i32
      %dma_wait3A_55 = arith.constant 0 : i32
      %dma_wait3A_56 = tpu.memref_slice %arg2[%arg1, %dma_wait3A_54, %dma_wait3A_55] : memref<16x158x128xi32, #tpu.memory_space<hbm>> -> memref<1x158x128xi32, #tpu.memory_space<hbm>>
      %dma_wait3A_57 = tpu.memref_squeeze %dma_wait3A_56 : memref<1x158x128xi32, #tpu.memory_space<hbm>> -> memref<158x128xi32, #tpu.memory_space<hbm>>
      tpu.wait_dma2 semaphore(%run_scoped3A : memref<!tpu.dma_semaphore, #tpu.memory_space<semaphore_mem>>) src(%dma_wait3A_57 : memref<158x128xi32, #tpu.memory_space<hbm>>) dst(%arg4 : memref<158x128xi32, #tpu.memory_space<vmem>>)
      tpu.yield
    }) : () -> ()
    %scan3A_25 = arith.constant 0 : i32
    %scan3A_26 = arith.constant 0 : i32
    %scan3A_27 = arith.constant 158 : i32
    %scan3A_28 = arith.addi %scan3A_26, %scan3A_27 : i32
    %scan3A_29 = arith.constant 1 : i32
    scf.for %scan3A_44 = %scan3A_26 to %scan3A_28 step %scan3A_29  : i32 {
      %get3A = arith.index_cast %scan3A_44 : i32 to index
      %get3A_45 = arith.constant 0 : index
      %get3A_46 = tpu.vector_load %arg4[%get3A, %get3A_45] {strides = array<i32>} : memref<158x128xi32, #tpu.memory_space<vmem>>, vector<1x16xi32>,
      %get3A_47 = vector.shape_cast %get3A_46 : vector<1x16xi32> to vector<16xi32>
      %sub3A = vector.broadcast %mul3A_0 : i32 to vector<16xi32>
      %sub3A_48 = arith.subi %get3A_47, %sub3A : vector<16xi32>
      %ge3A = arith.constant 0 : i32
      %ge3A_49 = vector.broadcast %ge3A : i32 to vector<16xi32>
      %ge3A_50 = arith.cmpi sge, %sub3A_48, %ge3A_49 : vector<16xi32>
      %lt3A = arith.constant 5120 : i32
      %lt3A_51 = vector.broadcast %lt3A : i32 to vector<16xi32>
      %lt3A_52 = arith.cmpi slt, %sub3A_48, %lt3A_51 : vector<16xi32>
      %and3A = arith.andi %ge3A_50, %lt3A_52 : vector<16xi1>
      %jit3A_53 = arith.constant 5120 : i32
      %broadcast_in_dim3A_54 = vector.broadcast %jit3A_53 : i32 to vector<16xi32>
      %select_n3A_55 = arith.select %and3A, %sub3A_48, %broadcast_in_dim3A_54 : vector<16xi1>, vector<16xi32>
      %swap3A = arith.constant 0 : index
      %swap3A_56 = tpu.vector_load %arg5[%swap3A] {strides = array<i32>} : memref<128xi32, #tpu.memory_space<vmem>>, vector<16xi32>,
      %swap3A_57 = vector.shape_cast %swap3A_56 : vector<16xi32> to vector<16xi32>
      %swap3A_58 = vector.shape_cast %select_n3A_55 : vector<16xi32> to vector<16xi32>
      tpu.vector_store %arg5[%swap3A], %swap3A_58 {strides = array<i32>} : memref<128xi32, #tpu.memory_space<vmem>>, vector<16xi32>,
      %get3A_59 = arith.index_cast %scan3A_44 : i32 to index
      %get3A_60 = arith.constant 16 : index
      %get3A_61 = tpu.vector_load %arg4[%get3A_59, %get3A_60] {strides = array<i32>} : memref<158x128xi32, #tpu.memory_space<vmem>>, vector<1x16xi32>,
      %get3A_62 = vector.shape_cast %get3A_61 : vector<1x16xi32> to vector<16xi32>
      %sub3A_63 = vector.broadcast %mul3A_0 : i32 to vector<16xi32>
      %sub3A_64 = arith.subi %get3A_62, %sub3A_63 : vector<16xi32>
      %ge3A_65 = arith.constant 0 : i32
      %ge3A_66 = vector.broadcast %ge3A_65 : i32 to vector<16xi32>
      %ge3A_67 = arith.cmpi sge, %sub3A_64, %ge3A_66 : vector<16xi32>
      %lt3A_68 = arith.constant 5120 : i32
      %lt3A_69 = vector.broadcast %lt3A_68 : i32 to vector<16xi32>
      %lt3A_70 = arith.cmpi slt, %sub3A_64, %lt3A_69 : vector<16xi32>
      %and3A_71 = arith.andi %ge3A_67, %lt3A_70 : vector<16xi1>
      %jit3A_72 = arith.constant 5120 : i32
      %broadcast_in_dim3A_73 = vector.broadcast %jit3A_72 : i32 to vector<16xi32>
      %select_n3A_74 = arith.select %and3A_71, %sub3A_64, %broadcast_in_dim3A_73 : vector<16xi1>, vector<16xi32>
      %swap3A_75 = arith.constant 16 : index
      %swap3A_76 = tpu.vector_load %arg5[%swap3A_75] {strides = array<i32>} : memref<128xi32, #tpu.memory_space<vmem>>, vector<16xi32>,
      %swap3A_77 = vector.shape_cast %swap3A_76 : vector<16xi32> to vector<16xi32>
      %swap3A_78 = vector.shape_cast %select_n3A_74 : vector<16xi32> to vector<16xi32>
      tpu.vector_store %arg5[%swap3A_75], %swap3A_78 {strides = array<i32>} : memref<128xi32, #tpu.memory_space<vmem>>, vector<16xi32>,
      %get3A_79 = arith.index_cast %scan3A_44 : i32 to index
      %get3A_80 = arith.constant 32 : index
      %get3A_81 = tpu.vector_load %arg4[%get3A_79, %get3A_80] {strides = array<i32>} : memref<158x128xi32, #tpu.memory_space<vmem>>, vector<1x16xi32>,
      %get3A_82 = vector.shape_cast %get3A_81 : vector<1x16xi32> to vector<16xi32>
      %sub3A_83 = vector.broadcast %mul3A_0 : i32 to vector<16xi32>
      %sub3A_84 = arith.subi %get3A_82, %sub3A_83 : vector<16xi32>
      %ge3A_85 = arith.constant 0 : i32
      %ge3A_86 = vector.broadcast %ge3A_85 : i32 to vector<16xi32>
      %ge3A_87 = arith.cmpi sge, %sub3A_84, %ge3A_86 : vector<16xi32>
      %lt3A_88 = arith.constant 5120 : i32
      %lt3A_89 = vector.broadcast %lt3A_88 : i32 to vector<16xi32>
      %lt3A_90 = arith.cmpi slt, %sub3A_84, %lt3A_89 : vector<16xi32>
      %and3A_91 = arith.andi %ge3A_87, %lt3A_90 : vector<16xi1>
      %jit3A_92 = arith.constant 5120 : i32
      %broadcast_in_dim3A_93 = vector.broadcast %jit3A_92 : i32 to vector<16xi32>
      %select_n3A_94 = arith.select %and3A_91, %sub3A_84, %broadcast_in_dim3A_93 : vector<16xi1>, vector<16xi32>
      %swap3A_95 = arith.constant 32 : index
      %swap3A_96 = tpu.vector_load %arg5[%swap3A_95] {strides = array<i32>} : memref<128xi32, #tpu.memory_space<vmem>>, vector<16xi32>,
      %swap3A_97 = vector.shape_cast %swap3A_96 : vector<16xi32> to vector<16xi32>
      %swap3A_98 = vector.shape_cast %select_n3A_94 : vector<16xi32> to vector<16xi32>
      tpu.vector_store %arg5[%swap3A_95], %swap3A_98 {strides = array<i32>} : memref<128xi32, #tpu.memory_space<vmem>>, vector<16xi32>,
      %get3A_99 = arith.index_cast %scan3A_44 : i32 to index
      %get3A_100 = arith.constant 48 : index
      %get3A_101 = tpu.vector_load %arg4[%get3A_99, %get3A_100] {strides = array<i32>} : memref<158x128xi32, #tpu.memory_space<vmem>>, vector<1x16xi32>,
      %get3A_102 = vector.shape_cast %get3A_101 : vector<1x16xi32> to vector<16xi32>
      %sub3A_103 = vector.broadcast %mul3A_0 : i32 to vector<16xi32>
      %sub3A_104 = arith.subi %get3A_102, %sub3A_103 : vector<16xi32>
      %ge3A_105 = arith.constant 0 : i32
      %ge3A_106 = vector.broadcast %ge3A_105 : i32 to vector<16xi32>
      %ge3A_107 = arith.cmpi sge, %sub3A_104, %ge3A_106 : vector<16xi32>
      %lt3A_108 = arith.constant 5120 : i32
      %lt3A_109 = vector.broadcast %lt3A_108 : i32 to vector<16xi32>
      %lt3A_110 = arith.cmpi slt, %sub3A_104, %lt3A_109 : vector<16xi32>
      %and3A_111 = arith.andi %ge3A_107, %lt3A_110 : vector<16xi1>
      %jit3A_112 = arith.constant 5120 : i32
      %broadcast_in_dim3A_113 = vector.broadcast %jit3A_112 : i32 to vector<16xi32>
      %select_n3A_114 = arith.select %and3A_111, %sub3A_104, %broadcast_in_dim3A_113 : vector<16xi1>, vector<16xi32>
      %swap3A_115 = arith.constant 48 : index
      %swap3A_116 = tpu.vector_load %arg5[%swap3A_115] {strides = array<i32>} : memref<128xi32, #tpu.memory_space<vmem>>, vector<16xi32>,
      %swap3A_117 = vector.shape_cast %swap3A_116 : vector<16xi32> to vector<16xi32>
      %swap3A_118 = vector.shape_cast %select_n3A_114 : vector<16xi32> to vector<16xi32>
      tpu.vector_store %arg5[%swap3A_115], %swap3A_118 {strides = array<i32>} : memref<128xi32, #tpu.memory_space<vmem>>, vector<16xi32>,
      %get3A_119 = arith.index_cast %scan3A_44 : i32 to index
      %get3A_120 = arith.constant 64 : index
      %get3A_121 = tpu.vector_load %arg4[%get3A_119, %get3A_120] {strides = array<i32>} : memref<158x128xi32, #tpu.memory_space<vmem>>, vector<1x16xi32>,
      %get3A_122 = vector.shape_cast %get3A_121 : vector<1x16xi32> to vector<16xi32>
      %sub3A_123 = vector.broadcast %mul3A_0 : i32 to vector<16xi32>
      %sub3A_124 = arith.subi %get3A_122, %sub3A_123 : vector<16xi32>
      %ge3A_125 = arith.constant 0 : i32
      %ge3A_126 = vector.broadcast %ge3A_125 : i32 to vector<16xi32>
      %ge3A_127 = arith.cmpi sge, %sub3A_124, %ge3A_126 : vector<16xi32>
      %lt3A_128 = arith.constant 5120 : i32
      %lt3A_129 = vector.broadcast %lt3A_128 : i32 to vector<16xi32>
      %lt3A_130 = arith.cmpi slt, %sub3A_124, %lt3A_129 : vector<16xi32>
      %and3A_131 = arith.andi %ge3A_127, %lt3A_130 : vector<16xi1>
      %jit3A_132 = arith.constant 5120 : i32
      %broadcast_in_dim3A_133 = vector.broadcast %jit3A_132 : i32 to vector<16xi32>
      %select_n3A_134 = arith.select %and3A_131, %sub3A_124, %broadcast_in_dim3A_133 : vector<16xi1>, vector<16xi32>
      %swap3A_135 = arith.constant 64 : index
      %swap3A_136 = tpu.vector_load %arg5[%swap3A_135] {strides = array<i32>} : memref<128xi32, #tpu.memory_space<vmem>>, vector<16xi32>,
      %swap3A_137 = vector.shape_cast %swap3A_136 : vector<16xi32> to vector<16xi32>
      %swap3A_138 = vector.shape_cast %select_n3A_134 : vector<16xi32> to vector<16xi32>
      tpu.vector_store %arg5[%swap3A_135], %swap3A_138 {strides = array<i32>} : memref<128xi32, #tpu.memory_space<vmem>>, vector<16xi32>,
      %get3A_139 = arith.index_cast %scan3A_44 : i32 to index
      %get3A_140 = arith.constant 80 : index
      %get3A_141 = tpu.vector_load %arg4[%get3A_139, %get3A_140] {strides = array<i32>} : memref<158x128xi32, #tpu.memory_space<vmem>>, vector<1x16xi32>,
      %get3A_142 = vector.shape_cast %get3A_141 : vector<1x16xi32> to vector<16xi32>
      %sub3A_143 = vector.broadcast %mul3A_0 : i32 to vector<16xi32>
      %sub3A_144 = arith.subi %get3A_142, %sub3A_143 : vector<16xi32>
      %ge3A_145 = arith.constant 0 : i32
      %ge3A_146 = vector.broadcast %ge3A_145 : i32 to vector<16xi32>
      %ge3A_147 = arith.cmpi sge, %sub3A_144, %ge3A_146 : vector<16xi32>
      %lt3A_148 = arith.constant 5120 : i32
      %lt3A_149 = vector.broadcast %lt3A_148 : i32 to vector<16xi32>
      %lt3A_150 = arith.cmpi slt, %sub3A_144, %lt3A_149 : vector<16xi32>
      %and3A_151 = arith.andi %ge3A_147, %lt3A_150 : vector<16xi1>
      %jit3A_152 = arith.constant 5120 : i32
      %broadcast_in_dim3A_153 = vector.broadcast %jit3A_152 : i32 to vector<16xi32>
      %select_n3A_154 = arith.select %and3A_151, %sub3A_144, %broadcast_in_dim3A_153 : vector<16xi1>, vector<16xi32>
      %swap3A_155 = arith.constant 80 : index
      %swap3A_156 = tpu.vector_load %arg5[%swap3A_155] {strides = array<i32>} : memref<128xi32, #tpu.memory_space<vmem>>, vector<16xi32>,
      %swap3A_157 = vector.shape_cast %swap3A_156 : vector<16xi32> to vector<16xi32>
      %swap3A_158 = vector.shape_cast %select_n3A_154 : vector<16xi32> to vector<16xi32>
      tpu.vector_store %arg5[%swap3A_155], %swap3A_158 {strides = array<i32>} : memref<128xi32, #tpu.memory_space<vmem>>, vector<16xi32>,
      %get3A_159 = arith.index_cast %scan3A_44 : i32 to index
      %get3A_160 = arith.constant 96 : index
      %get3A_161 = tpu.vector_load %arg4[%get3A_159, %get3A_160] {strides = array<i32>} : memref<158x128xi32, #tpu.memory_space<vmem>>, vector<1x16xi32>,
      %get3A_162 = vector.shape_cast %get3A_161 : vector<1x16xi32> to vector<16xi32>
      %sub3A_163 = vector.broadcast %mul3A_0 : i32 to vector<16xi32>
      %sub3A_164 = arith.subi %get3A_162, %sub3A_163 : vector<16xi32>
      %ge3A_165 = arith.constant 0 : i32
      %ge3A_166 = vector.broadcast %ge3A_165 : i32 to vector<16xi32>
      %ge3A_167 = arith.cmpi sge, %sub3A_164, %ge3A_166 : vector<16xi32>
      %lt3A_168 = arith.constant 5120 : i32
      %lt3A_169 = vector.broadcast %lt3A_168 : i32 to vector<16xi32>
      %lt3A_170 = arith.cmpi slt, %sub3A_164, %lt3A_169 : vector<16xi32>
      %and3A_171 = arith.andi %ge3A_167, %lt3A_170 : vector<16xi1>
      %jit3A_172 = arith.constant 5120 : i32
      %broadcast_in_dim3A_173 = vector.broadcast %jit3A_172 : i32 to vector<16xi32>
      %select_n3A_174 = arith.select %and3A_171, %sub3A_164, %broadcast_in_dim3A_173 : vector<16xi1>, vector<16xi32>
      %swap3A_175 = arith.constant 96 : index
      %swap3A_176 = tpu.vector_load %arg5[%swap3A_175] {strides = array<i32>} : memref<128xi32, #tpu.memory_space<vmem>>, vector<16xi32>,
      %swap3A_177 = vector.shape_cast %swap3A_176 : vector<16xi32> to vector<16xi32>
      %swap3A_178 = vector.shape_cast %select_n3A_174 : vector<16xi32> to vector<16xi32>
      tpu.vector_store %arg5[%swap3A_175], %swap3A_178 {strides = array<i32>} : memref<128xi32, #tpu.memory_space<vmem>>, vector<16xi32>,
      %get3A_179 = arith.index_cast %scan3A_44 : i32 to index
      %get3A_180 = arith.constant 112 : index
      %get3A_181 = tpu.vector_load %arg4[%get3A_179, %get3A_180] {strides = array<i32>} : memref<158x128xi32, #tpu.memory_space<vmem>>, vector<1x16xi32>,
      %get3A_182 = vector.shape_cast %get3A_181 : vector<1x16xi32> to vector<16xi32>
      %sub3A_183 = vector.broadcast %mul3A_0 : i32 to vector<16xi32>
      %sub3A_184 = arith.subi %get3A_182, %sub3A_183 : vector<16xi32>
      %ge3A_185 = arith.constant 0 : i32
      %ge3A_186 = vector.broadcast %ge3A_185 : i32 to vector<16xi32>
      %ge3A_187 = arith.cmpi sge, %sub3A_184, %ge3A_186 : vector<16xi32>
      %lt3A_188 = arith.constant 5120 : i32
      %lt3A_189 = vector.broadcast %lt3A_188 : i32 to vector<16xi32>
      %lt3A_190 = arith.cmpi slt, %sub3A_184, %lt3A_189 : vector<16xi32>
      %and3A_191 = arith.andi %ge3A_187, %lt3A_190 : vector<16xi1>
      %jit3A_192 = arith.constant 5120 : i32
      %broadcast_in_dim3A_193 = vector.broadcast %jit3A_192 : i32 to vector<16xi32>
      %select_n3A_194 = arith.select %and3A_191, %sub3A_184, %broadcast_in_dim3A_193 : vector<16xi1>, vector<16xi32>
      %swap3A_195 = arith.constant 112 : index
      %swap3A_196 = tpu.vector_load %arg5[%swap3A_195] {strides = array<i32>} : memref<128xi32, #tpu.memory_space<vmem>>, vector<16xi32>,
      %swap3A_197 = vector.shape_cast %swap3A_196 : vector<16xi32> to vector<16xi32>
      %swap3A_198 = vector.shape_cast %select_n3A_194 : vector<16xi32> to vector<16xi32>
      tpu.vector_store %arg5[%swap3A_195], %swap3A_198 {strides = array<i32>} : memref<128xi32, #tpu.memory_space<vmem>>, vector<16xi32>,
      "tpu.region"() ({
        %run_scoped3A = tpu.sem_alloc : memref<!tpu.dma_semaphore, #tpu.memory_space<semaphore_mem>>
        %dma_start3A = arith.constant 0 : i32
        %dma_start3A_199 = arith.constant 0 : i32
        %dma_start3A_200 = tpu.memref_slice %arg7[%dma_start3A, %dma_start3A_199] : memref<5248x128xf32, #tpu.memory_space<vmem_shared>> -> memref<5248x128xf32, #tpu.memory_space<vmem_shared>>
        tpu.enqueue_indirect_dma source(%arg6 : memref<128x128xf32, #tpu.memory_space<vmem>>) target(%dma_start3A_200 : memref<5248x128xf32, #tpu.memory_space<vmem_shared>>) offsets(%arg5 : memref<128xi32, #tpu.memory_space<vmem>>) semaphore(%run_scoped3A : memref<!tpu.dma_semaphore, #tpu.memory_space<semaphore_mem>>) {add = true}
        %dma_wait3A = arith.constant 0 : i32
        %dma_wait3A_201 = arith.constant 0 : i32
        %dma_wait3A_202 = tpu.memref_slice %arg7[%dma_wait3A, %dma_wait3A_201] : memref<5248x128xf32, #tpu.memory_space<vmem_shared>> -> memref<5248x128xf32, #tpu.memory_space<vmem_shared>>
        tpu.wait_indirect_dma semaphore(%run_scoped3A : memref<!tpu.dma_semaphore, #tpu.memory_space<semaphore_mem>>) src(%arg6 : memref<128x128xf32, #tpu.memory_space<vmem>>) dst(%dma_wait3A_202 : memref<5248x128xf32, #tpu.memory_space<vmem_shared>>)
        tpu.yield
      }) : () -> ()
    }
    %scan3A_30 = arith.constant 158 : i32
    %barrier3A_31 = arith.constant 0 : index
    tpu.barrier barrier_id(%barrier3A_31)
    %add3A_32 = arith.constant 0 : i32
    %add3A_33 = arith.addi %mul3A_13, %add3A_32 : i32
    "tpu.region"() ({
      %run_scoped3A = tpu.sem_alloc : memref<!tpu.dma_semaphore, #tpu.memory_space<semaphore_mem>>
      %dma_start3A = arith.constant 0 : i32
      %dma_start3A_44 = arith.constant 0 : i32
      %dma_start3A_45 = tpu.memref_slice %arg6[%dma_start3A, %dma_start3A_44] : memref<128x128xf32, #tpu.memory_space<vmem>> -> memref<128x128xf32, #tpu.memory_space<vmem>>
      %dma_start3A_46 = arith.constant 0 : i32
      %dma_start3A_47 = tpu.memref_slice %arg7[%add3A_33, %dma_start3A_46] : memref<5248x128xf32, #tpu.memory_space<vmem_shared>> -> memref<128x128xf32, #tpu.memory_space<vmem_shared>>
      %dma_start3A_48 = arith.constant 0 : i32
      %dma_start3A_49 = arith.constant 0 : i32
      %dma_start3A_50 = tpu.memref_slice %arg6[%dma_start3A_48, %dma_start3A_49] : memref<128x128xf32, #tpu.memory_space<vmem>> -> memref<128x128xf32, #tpu.memory_space<vmem>>
      %dma_start3A_51 = arith.constant 0 : i32
      %dma_start3A_52 = tpu.memref_slice %arg7[%add3A_33, %dma_start3A_51] : memref<5248x128xf32, #tpu.memory_space<vmem_shared>> -> memref<128x128xf32, #tpu.memory_space<vmem_shared>>
      tpu.enqueue_dma source(%dma_start3A_52 : memref<128x128xf32, #tpu.memory_space<vmem_shared>>) target(%dma_start3A_50 : memref<128x128xf32, #tpu.memory_space<vmem>>) target_semaphore(%run_scoped3A : memref<!tpu.dma_semaphore, #tpu.memory_space<semaphore_mem>>)
      %dma_wait3A = arith.constant 0 : i32
      %dma_wait3A_53 = arith.constant 0 : i32
      %dma_wait3A_54 = tpu.memref_slice %arg6[%dma_wait3A, %dma_wait3A_53] : memref<128x128xf32, #tpu.memory_space<vmem>> -> memref<128x128xf32, #tpu.memory_space<vmem>>
      %dma_wait3A_55 = arith.constant 0 : i32
      %dma_wait3A_56 = tpu.memref_slice %arg7[%add3A_33, %dma_wait3A_55] : memref<5248x128xf32, #tpu.memory_space<vmem_shared>> -> memref<128x128xf32, #tpu.memory_space<vmem_shared>>
      %dma_wait3A_57 = arith.constant 0 : i32
      %dma_wait3A_58 = arith.constant 0 : i32
      %dma_wait3A_59 = tpu.memref_slice %arg6[%dma_wait3A_57, %dma_wait3A_58] : memref<128x128xf32, #tpu.memory_space<vmem>> -> memref<128x128xf32, #tpu.memory_space<vmem>>
      %dma_wait3A_60 = arith.constant 0 : i32
      %dma_wait3A_61 = tpu.memref_slice %arg7[%add3A_33, %dma_wait3A_60] : memref<5248x128xf32, #tpu.memory_space<vmem_shared>> -> memref<128x128xf32, #tpu.memory_space<vmem_shared>>
      tpu.wait_dma2 semaphore(%run_scoped3A : memref<!tpu.dma_semaphore, #tpu.memory_space<semaphore_mem>>) src(%dma_wait3A_61 : memref<128x128xf32, #tpu.memory_space<vmem_shared>>) dst(%dma_wait3A_59 : memref<128x128xf32, #tpu.memory_space<vmem>>)
      tpu.yield
    }) : () -> ()
    %add3A_34 = arith.constant 0 : i32
    %add3A_35 = arith.addi %mul3A_13, %add3A_34 : i32
    "tpu.region"() ({
      %run_scoped3A = tpu.sem_alloc : memref<!tpu.dma_semaphore, #tpu.memory_space<semaphore_mem>>
      %dma_start3A = arith.constant 0 : i32
      %dma_start3A_44 = arith.constant 0 : i32
      %dma_start3A_45 = tpu.memref_slice %arg6[%dma_start3A, %dma_start3A_44] : memref<128x128xf32, #tpu.memory_space<vmem>> -> memref<128x128xf32, #tpu.memory_space<vmem>>
      %dma_start3A_46 = arith.constant 0 : i32
      %dma_start3A_47 = tpu.memref_slice %arg3[%arg0, %add3A_35, %dma_start3A_46] : memref<2x5248x128xf32, #tpu.memory_space<hbm>> -> memref<1x128x128xf32, #tpu.memory_space<hbm>>
      %dma_start3A_48 = tpu.memref_squeeze %dma_start3A_47 : memref<1x128x128xf32, #tpu.memory_space<hbm>> -> memref<128x128xf32, #tpu.memory_space<hbm>>
      %dma_start3A_49 = arith.constant 0 : i32
      %dma_start3A_50 = tpu.memref_slice %arg3[%arg0, %add3A_35, %dma_start3A_49] : memref<2x5248x128xf32, #tpu.memory_space<hbm>> -> memref<1x128x128xf32, #tpu.memory_space<hbm>>
      %dma_start3A_51 = tpu.memref_squeeze %dma_start3A_50 : memref<1x128x128xf32, #tpu.memory_space<hbm>> -> memref<128x128xf32, #tpu.memory_space<hbm>>
      %dma_start3A_52 = arith.constant 0 : i32
      %dma_start3A_53 = arith.constant 0 : i32
      %dma_start3A_54 = tpu.memref_slice %arg6[%dma_start3A_52, %dma_start3A_53] : memref<128x128xf32, #tpu.memory_space<vmem>> -> memref<128x128xf32, #tpu.memory_space<vmem>>
      tpu.enqueue_dma source(%dma_start3A_54 : memref<128x128xf32, #tpu.memory_space<vmem>>) target(%dma_start3A_51 : memref<128x128xf32, #tpu.memory_space<hbm>>) target_semaphore(%run_scoped3A : memref<!tpu.dma_semaphore, #tpu.memory_space<semaphore_mem>>)
      %dma_wait3A = arith.constant 0 : i32
      %dma_wait3A_55 = arith.constant 0 : i32
      %dma_wait3A_56 = tpu.memref_slice %arg6[%dma_wait3A, %dma_wait3A_55] : memref<128x128xf32, #tpu.memory_space<vmem>> -> memref<128x128xf32, #tpu.memory_space<vmem>>
      %dma_wait3A_57 = arith.constant 0 : i32
      %dma_wait3A_58 = tpu.memref_slice %arg3[%arg0, %add3A_35, %dma_wait3A_57] : memref<2x5248x128xf32, #tpu.memory_space<hbm>> -> memref<1x128x128xf32, #tpu.memory_space<hbm>>
      %dma_wait3A_59 = tpu.memref_squeeze %dma_wait3A_58 : memref<1x128x128xf32, #tpu.memory_space<hbm>> -> memref<128x128xf32, #tpu.memory_space<hbm>>
      %dma_wait3A_60 = arith.constant 0 : i32
      %dma_wait3A_61 = tpu.memref_slice %arg3[%arg0, %add3A_35, %dma_wait3A_60] : memref<2x5248x128xf32, #tpu.memory_space<hbm>> -> memref<1x128x128xf32, #tpu.memory_space<hbm>>
      %dma_wait3A_62 = tpu.memref_squeeze %dma_wait3A_61 : memref<1x128x128xf32, #tpu.memory_space<hbm>> -> memref<128x128xf32, #tpu.memory_space<hbm>>
      %dma_wait3A_63 = arith.constant 0 : i32
      %dma_wait3A_64 = arith.constant 0 : i32
      %dma_wait3A_65 = tpu.memref_slice %arg6[%dma_wait3A_63, %dma_wait3A_64] : memref<128x128xf32, #tpu.memory_space<vmem>> -> memref<128x128xf32, #tpu.memory_space<vmem>>
      tpu.wait_dma2 semaphore(%run_scoped3A : memref<!tpu.dma_semaphore, #tpu.memory_space<semaphore_mem>>) src(%dma_wait3A_65 : memref<128x128xf32, #tpu.memory_space<vmem>>) dst(%dma_wait3A_62 : memref<128x128xf32, #tpu.memory_space<hbm>>)
      tpu.yield
    }) : () -> ()
    %add3A_36 = arith.constant 128 : i32
    %add3A_37 = arith.addi %mul3A_13, %add3A_36 : i32
    "tpu.region"() ({
      %run_scoped3A = tpu.sem_alloc : memref<!tpu.dma_semaphore, #tpu.memory_space<semaphore_mem>>
      %dma_start3A = arith.constant 0 : i32
      %dma_start3A_44 = arith.constant 0 : i32
      %dma_start3A_45 = tpu.memref_slice %arg6[%dma_start3A, %dma_start3A_44] : memref<128x128xf32, #tpu.memory_space<vmem>> -> memref<128x128xf32, #tpu.memory_space<vmem>>
      %dma_start3A_46 = arith.constant 0 : i32
      %dma_start3A_47 = tpu.memref_slice %arg7[%add3A_37, %dma_start3A_46] : memref<5248x128xf32, #tpu.memory_space<vmem_shared>> -> memref<128x128xf32, #tpu.memory_space<vmem_shared>>
      %dma_start3A_48 = arith.constant 0 : i32
      %dma_start3A_49 = arith.constant 0 : i32
      %dma_start3A_50 = tpu.memref_slice %arg6[%dma_start3A_48, %dma_start3A_49] : memref<128x128xf32, #tpu.memory_space<vmem>> -> memref<128x128xf32, #tpu.memory_space<vmem>>
      %dma_start3A_51 = arith.constant 0 : i32
      %dma_start3A_52 = tpu.memref_slice %arg7[%add3A_37, %dma_start3A_51] : memref<5248x128xf32, #tpu.memory_space<vmem_shared>> -> memref<128x128xf32, #tpu.memory_space<vmem_shared>>
      tpu.enqueue_dma source(%dma_start3A_52 : memref<128x128xf32, #tpu.memory_space<vmem_shared>>) target(%dma_start3A_50 : memref<128x128xf32, #tpu.memory_space<vmem>>) target_semaphore(%run_scoped3A : memref<!tpu.dma_semaphore, #tpu.memory_space<semaphore_mem>>)
      %dma_wait3A = arith.constant 0 : i32
      %dma_wait3A_53 = arith.constant 0 : i32
      %dma_wait3A_54 = tpu.memref_slice %arg6[%dma_wait3A, %dma_wait3A_53] : memref<128x128xf32, #tpu.memory_space<vmem>> -> memref<128x128xf32, #tpu.memory_space<vmem>>
      %dma_wait3A_55 = arith.constant 0 : i32
      %dma_wait3A_56 = tpu.memref_slice %arg7[%add3A_37, %dma_wait3A_55] : memref<5248x128xf32, #tpu.memory_space<vmem_shared>> -> memref<128x128xf32, #tpu.memory_space<vmem_shared>>
      %dma_wait3A_57 = arith.constant 0 : i32
      %dma_wait3A_58 = arith.constant 0 : i32
      %dma_wait3A_59 = tpu.memref_slice %arg6[%dma_wait3A_57, %dma_wait3A_58] : memref<128x128xf32, #tpu.memory_space<vmem>> -> memref<128x128xf32, #tpu.memory_space<vmem>>
      %dma_wait3A_60 = arith.constant 0 : i32
      %dma_wait3A_61 = tpu.memref_slice %arg7[%add3A_37, %dma_wait3A_60] : memref<5248x128xf32, #tpu.memory_space<vmem_shared>> -> memref<128x128xf32, #tpu.memory_space<vmem_shared>>
      tpu.wait_dma2 semaphore(%run_scoped3A : memref<!tpu.dma_semaphore, #tpu.memory_space<semaphore_mem>>) src(%dma_wait3A_61 : memref<128x128xf32, #tpu.memory_space<vmem_shared>>) dst(%dma_wait3A_59 : memref<128x128xf32, #tpu.memory_space<vmem>>)
      tpu.yield
    }) : () -> ()
    %add3A_38 = arith.constant 128 : i32
    %add3A_39 = arith.addi %mul3A_13, %add3A_38 : i32
    "tpu.region"() ({
      %run_scoped3A = tpu.sem_alloc : memref<!tpu.dma_semaphore, #tpu.memory_space<semaphore_mem>>
      %dma_start3A = arith.constant 0 : i32
      %dma_start3A_44 = arith.constant 0 : i32
      %dma_start3A_45 = tpu.memref_slice %arg6[%dma_start3A, %dma_start3A_44] : memref<128x128xf32, #tpu.memory_space<vmem>> -> memref<128x128xf32, #tpu.memory_space<vmem>>
      %dma_start3A_46 = arith.constant 0 : i32
      %dma_start3A_47 = tpu.memref_slice %arg3[%arg0, %add3A_39, %dma_start3A_46] : memref<2x5248x128xf32, #tpu.memory_space<hbm>> -> memref<1x128x128xf32, #tpu.memory_space<hbm>>
      %dma_start3A_48 = tpu.memref_squeeze %dma_start3A_47 : memref<1x128x128xf32, #tpu.memory_space<hbm>> -> memref<128x128xf32, #tpu.memory_space<hbm>>
      %dma_start3A_49 = arith.constant 0 : i32
      %dma_start3A_50 = tpu.memref_slice %arg3[%arg0, %add3A_39, %dma_start3A_49] : memref<2x5248x128xf32, #tpu.memory_space<hbm>> -> memref<1x128x128xf32, #tpu.memory_space<hbm>>
      %dma_start3A_51 = tpu.memref_squeeze %dma_start3A_50 : memref<1x128x128xf32, #tpu.memory_space<hbm>> -> memref<128x128xf32, #tpu.memory_space<hbm>>
      %dma_start3A_52 = arith.constant 0 : i32
      %dma_start3A_53 = arith.constant 0 : i32
      %dma_start3A_54 = tpu.memref_slice %arg6[%dma_start3A_52, %dma_start3A_53] : memref<128x128xf32, #tpu.memory_space<vmem>> -> memref<128x128xf32, #tpu.memory_space<vmem>>
      tpu.enqueue_dma source(%dma_start3A_54 : memref<128x128xf32, #tpu.memory_space<vmem>>) target(%dma_start3A_51 : memref<128x128xf32, #tpu.memory_space<hbm>>) target_semaphore(%run_scoped3A : memref<!tpu.dma_semaphore, #tpu.memory_space<semaphore_mem>>)
      %dma_wait3A = arith.constant 0 : i32
      %dma_wait3A_55 = arith.constant 0 : i32
      %dma_wait3A_56 = tpu.memref_slice %arg6[%dma_wait3A, %dma_wait3A_55] : memref<128x128xf32, #tpu.memory_space<vmem>> -> memref<128x128xf32, #tpu.memory_space<vmem>>
      %dma_wait3A_57 = arith.constant 0 : i32
      %dma_wait3A_58 = tpu.memref_slice %arg3[%arg0, %add3A_39, %dma_wait3A_57] : memref<2x5248x128xf32, #tpu.memory_space<hbm>> -> memref<1x128x128xf32, #tpu.memory_space<hbm>>
      %dma_wait3A_59 = tpu.memref_squeeze %dma_wait3A_58 : memref<1x128x128xf32, #tpu.memory_space<hbm>> -> memref<128x128xf32, #tpu.memory_space<hbm>>
      %dma_wait3A_60 = arith.constant 0 : i32
      %dma_wait3A_61 = tpu.memref_slice %arg3[%arg0, %add3A_39, %dma_wait3A_60] : memref<2x5248x128xf32, #tpu.memory_space<hbm>> -> memref<1x128x128xf32, #tpu.memory_space<hbm>>
      %dma_wait3A_62 = tpu.memref_squeeze %dma_wait3A_61 : memref<1x128x128xf32, #tpu.memory_space<hbm>> -> memref<128x128xf32, #tpu.memory_space<hbm>>
      %dma_wait3A_63 = arith.constant 0 : i32
      %dma_wait3A_64 = arith.constant 0 : i32
      %dma_wait3A_65 = tpu.memref_slice %arg6[%dma_wait3A_63, %dma_wait3A_64] : memref<128x128xf32, #tpu.memory_space<vmem>> -> memref<128x128xf32, #tpu.memory_space<vmem>>
      tpu.wait_dma2 semaphore(%run_scoped3A : memref<!tpu.dma_semaphore, #tpu.memory_space<semaphore_mem>>) src(%dma_wait3A_65 : memref<128x128xf32, #tpu.memory_space<vmem>>) dst(%dma_wait3A_62 : memref<128x128xf32, #tpu.memory_space<hbm>>)
      tpu.yield
    }) : () -> ()
    %add3A_40 = arith.constant 256 : i32
    %add3A_41 = arith.addi %mul3A_13, %add3A_40 : i32
    "tpu.region"() ({
      %run_scoped3A = tpu.sem_alloc : memref<!tpu.dma_semaphore, #tpu.memory_space<semaphore_mem>>
      %dma_start3A = arith.constant 0 : i32
      %dma_start3A_44 = arith.constant 0 : i32
      %dma_start3A_45 = tpu.memref_slice %arg6[%dma_start3A, %dma_start3A_44] : memref<128x128xf32, #tpu.memory_space<vmem>> -> memref<72x128xf32, #tpu.memory_space<vmem>>
      %dma_start3A_46 = arith.constant 0 : i32
      %dma_start3A_47 = tpu.memref_slice %arg7[%add3A_41, %dma_start3A_46] : memref<5248x128xf32, #tpu.memory_space<vmem_shared>> -> memref<72x128xf32, #tpu.memory_space<vmem_shared>>
      %dma_start3A_48 = arith.constant 0 : i32
      %dma_start3A_49 = arith.constant 0 : i32
      %dma_start3A_50 = tpu.memref_slice %arg6[%dma_start3A_48, %dma_start3A_49] : memref<128x128xf32, #tpu.memory_space<vmem>> -> memref<72x128xf32, #tpu.memory_space<vmem>>
      %dma_start3A_51 = arith.constant 0 : i32
      %dma_start3A_52 = tpu.memref_slice %arg7[%add3A_41, %dma_start3A_51] : memref<5248x128xf32, #tpu.memory_space<vmem_shared>> -> memref<72x128xf32, #tpu.memory_space<vmem_shared>>
      tpu.enqueue_dma source(%dma_start3A_52 : memref<72x128xf32, #tpu.memory_space<vmem_shared>>) target(%dma_start3A_50 : memref<72x128xf32, #tpu.memory_space<vmem>>) target_semaphore(%run_scoped3A : memref<!tpu.dma_semaphore, #tpu.memory_space<semaphore_mem>>)
      %dma_wait3A = arith.constant 0 : i32
      %dma_wait3A_53 = arith.constant 0 : i32
      %dma_wait3A_54 = tpu.memref_slice %arg6[%dma_wait3A, %dma_wait3A_53] : memref<128x128xf32, #tpu.memory_space<vmem>> -> memref<72x128xf32, #tpu.memory_space<vmem>>
      %dma_wait3A_55 = arith.constant 0 : i32
      %dma_wait3A_56 = tpu.memref_slice %arg7[%add3A_41, %dma_wait3A_55] : memref<5248x128xf32, #tpu.memory_space<vmem_shared>> -> memref<72x128xf32, #tpu.memory_space<vmem_shared>>
      %dma_wait3A_57 = arith.constant 0 : i32
      %dma_wait3A_58 = arith.constant 0 : i32
      %dma_wait3A_59 = tpu.memref_slice %arg6[%dma_wait3A_57, %dma_wait3A_58] : memref<128x128xf32, #tpu.memory_space<vmem>> -> memref<72x128xf32, #tpu.memory_space<vmem>>
      %dma_wait3A_60 = arith.constant 0 : i32
      %dma_wait3A_61 = tpu.memref_slice %arg7[%add3A_41, %dma_wait3A_60] : memref<5248x128xf32, #tpu.memory_space<vmem_shared>> -> memref<72x128xf32, #tpu.memory_space<vmem_shared>>
      tpu.wait_dma2 semaphore(%run_scoped3A : memref<!tpu.dma_semaphore, #tpu.memory_space<semaphore_mem>>) src(%dma_wait3A_61 : memref<72x128xf32, #tpu.memory_space<vmem_shared>>) dst(%dma_wait3A_59 : memref<72x128xf32, #tpu.memory_space<vmem>>)
      tpu.yield
    }) : () -> ()
    %add3A_42 = arith.constant 256 : i32
    %add3A_43 = arith.addi %mul3A_13, %add3A_42 : i32
    "tpu.region"() ({
      %run_scoped3A = tpu.sem_alloc : memref<!tpu.dma_semaphore, #tpu.memory_space<semaphore_mem>>
      %dma_start3A = arith.constant 0 : i32
      %dma_start3A_44 = arith.constant 0 : i32
      %dma_start3A_45 = tpu.memref_slice %arg6[%dma_start3A, %dma_start3A_44] : memref<128x128xf32, #tpu.memory_space<vmem>> -> memref<72x128xf32, #tpu.memory_space<vmem>>
      %dma_start3A_46 = arith.constant 0 : i32
      %dma_start3A_47 = tpu.memref_slice %arg3[%arg0, %add3A_43, %dma_start3A_46] : memref<2x5248x128xf32, #tpu.memory_space<hbm>> -> memref<1x72x128xf32, #tpu.memory_space<hbm>>
      %dma_start3A_48 = tpu.memref_squeeze %dma_start3A_47 : memref<1x72x128xf32, #tpu.memory_space<hbm>> -> memref<72x128xf32, #tpu.memory_space<hbm>>
      %dma_start3A_49 = arith.constant 0 : i32
      %dma_start3A_50 = tpu.memref_slice %arg3[%arg0, %add3A_43, %dma_start3A_49] : memref<2x5248x128xf32, #tpu.memory_space<hbm>> -> memref<1x72x128xf32, #tpu.memory_space<hbm>>
      %dma_start3A_51 = tpu.memref_squeeze %dma_start3A_50 : memref<1x72x128xf32, #tpu.memory_space<hbm>> -> memref<72x128xf32, #tpu.memory_space<hbm>>
      %dma_start3A_52 = arith.constant 0 : i32
      %dma_start3A_53 = arith.constant 0 : i32
      %dma_start3A_54 = tpu.memref_slice %arg6[%dma_start3A_52, %dma_start3A_53] : memref<128x128xf32, #tpu.memory_space<vmem>> -> memref<72x128xf32, #tpu.memory_space<vmem>>
      tpu.enqueue_dma source(%dma_start3A_54 : memref<72x128xf32, #tpu.memory_space<vmem>>) target(%dma_start3A_51 : memref<72x128xf32, #tpu.memory_space<hbm>>) target_semaphore(%run_scoped3A : memref<!tpu.dma_semaphore, #tpu.memory_space<semaphore_mem>>)
      %dma_wait3A = arith.constant 0 : i32
      %dma_wait3A_55 = arith.constant 0 : i32
      %dma_wait3A_56 = tpu.memref_slice %arg6[%dma_wait3A, %dma_wait3A_55] : memref<128x128xf32, #tpu.memory_space<vmem>> -> memref<72x128xf32, #tpu.memory_space<vmem>>
      %dma_wait3A_57 = arith.constant 0 : i32
      %dma_wait3A_58 = tpu.memref_slice %arg3[%arg0, %add3A_43, %dma_wait3A_57] : memref<2x5248x128xf32, #tpu.memory_space<hbm>> -> memref<1x72x128xf32, #tpu.memory_space<hbm>>
      %dma_wait3A_59 = tpu.memref_squeeze %dma_wait3A_58 : memref<1x72x128xf32, #tpu.memory_space<hbm>> -> memref<72x128xf32, #tpu.memory_space<hbm>>
      %dma_wait3A_60 = arith.constant 0 : i32
      %dma_wait3A_61 = tpu.memref_slice %arg3[%arg0, %add3A_43, %dma_wait3A_60] : memref<2x5248x128xf32, #tpu.memory_space<hbm>> -> memref<1x72x128xf32, #tpu.memory_space<hbm>>
      %dma_wait3A_62 = tpu.memref_squeeze %dma_wait3A_61 : memref<1x72x128xf32, #tpu.memory_space<hbm>> -> memref<72x128xf32, #tpu.memory_space<hbm>>
      %dma_wait3A_63 = arith.constant 0 : i32
      %dma_wait3A_64 = arith.constant 0 : i32
      %dma_wait3A_65 = tpu.memref_slice %arg6[%dma_wait3A_63, %dma_wait3A_64] : memref<128x128xf32, #tpu.memory_space<vmem>> -> memref<72x128xf32, #tpu.memory_space<vmem>>
      tpu.wait_dma2 semaphore(%run_scoped3A : memref<!tpu.dma_semaphore, #tpu.memory_space<semaphore_mem>>) src(%dma_wait3A_65 : memref<72x128xf32, #tpu.memory_space<vmem>>) dst(%dma_wait3A_62 : memref<72x128xf32, #tpu.memory_space<hbm>>)
      tpu.yield
    }) : () -> ()
    return
  }
}

#map = affine_map<(d0, d1) -> (0, 0)>
#map1 = affine_map<(d0, d1) -> (0, 0, 0)>
#map2 = affine_map<(d0, d1) -> (0, 0, 0, 0)>
module attributes {stable_mosaic.version = 14 : i64} {
  func.func @k(%arg0: i32, %arg1: i32, %arg2: memref<10240x128xf32, #tpu.memory_space<hbm>>, %arg3: memref<16x158x128xi32, #tpu.memory_space<hbm>>, %arg4: memref<16x158x1x128xi32, #tpu.memory_space<hbm>>, %arg5: memref<2x5248x128xf32, #tpu.memory_space<hbm>>, %arg6: memref<158x128xi32, #tpu.memory_space<vmem>>, %arg7: memref<3x1x128xi32, #tpu.memory_space<vmem>>, %arg8: memref<3x128xi32, #tpu.memory_space<vmem>>, %arg9: memref<3x128x128xf32, #tpu.memory_space<vmem>>, %arg10: memref<5248x128xf32, #tpu.memory_space<vmem_shared>>, %arg11: memref<!tpu.dma_semaphore, #tpu.memory_space<semaphore_mem>>, %arg12: memref<!tpu.dma_semaphore, #tpu.memory_space<semaphore_mem>>, %arg13: memref<!tpu.dma_semaphore, #tpu.memory_space<semaphore_mem>>) attributes {dimension_semantics = [#tpu.dimension_semantics<core_parallel>, #tpu.dimension_semantics<subcore_parallel>], iteration_bounds = array<i64: 2, 16>, scalar_prefetch = 0 : i64, scratch_operands = 8 : i64, tpu.core_type = #tpu.core_type<sc_vector_subcore>, window_params = [{transform_indices = #map}, {transform_indices = #map1}, {transform_indices = #map2}, {transform_indices = #map1}]} {
    %mul3A = arith.constant 5120 : i32
    %mul3A_0 = arith.muli %arg0, %mul3A : i32
    %broadcast_in_dim3A = arith.constant 0.000000e+00 : f32
    %broadcast_in_dim3A_1 = vector.broadcast %broadcast_in_dim3A : f32 to vector<16xf32>
    %scan3A = arith.constant 0 : i32
    %scan3A_2 = arith.constant 0 : i32
    %scan3A_3 = arith.constant 128 : i32
    %scan3A_4 = arith.addi %scan3A_2, %scan3A_3 : i32
    %scan3A_5 = arith.constant 1 : i32
    scf.for %scan3A_111 = %scan3A_2 to %scan3A_4 step %scan3A_5  : i32 {
      %swap3A = arith.constant 0 : i32
      %swap3A_112 = arith.index_cast %swap3A : i32 to index
      %swap3A_113 = arith.index_cast %scan3A_111 : i32 to index
      %swap3A_114 = arith.constant 0 : index
      %swap3A_115 = tpu.vector_load %arg9[%swap3A_112, %swap3A_113, %swap3A_114] {strides = array<i32>} : memref<3x128x128xf32, #tpu.memory_space<vmem>>, vector<1x1x16xf32>,
      %swap3A_116 = vector.shape_cast %swap3A_115 : vector<1x1x16xf32> to vector<16xf32>
      %swap3A_117 = vector.shape_cast %broadcast_in_dim3A_1 : vector<16xf32> to vector<1x1x16xf32>
      tpu.vector_store %arg9[%swap3A_112, %swap3A_113, %swap3A_114], %swap3A_117 {strides = array<i32>} : memref<3x128x128xf32, #tpu.memory_space<vmem>>, vector<1x1x16xf32>,
      %swap3A_118 = arith.constant 0 : i32
      %swap3A_119 = arith.index_cast %swap3A_118 : i32 to index
      %swap3A_120 = arith.index_cast %scan3A_111 : i32 to index
      %swap3A_121 = arith.constant 16 : index
      %swap3A_122 = tpu.vector_load %arg9[%swap3A_119, %swap3A_120, %swap3A_121] {strides = array<i32>} : memref<3x128x128xf32, #tpu.memory_space<vmem>>, vector<1x1x16xf32>,
      %swap3A_123 = vector.shape_cast %swap3A_122 : vector<1x1x16xf32> to vector<16xf32>
      %swap3A_124 = vector.shape_cast %broadcast_in_dim3A_1 : vector<16xf32> to vector<1x1x16xf32>
      tpu.vector_store %arg9[%swap3A_119, %swap3A_120, %swap3A_121], %swap3A_124 {strides = array<i32>} : memref<3x128x128xf32, #tpu.memory_space<vmem>>, vector<1x1x16xf32>,
      %swap3A_125 = arith.constant 0 : i32
      %swap3A_126 = arith.index_cast %swap3A_125 : i32 to index
      %swap3A_127 = arith.index_cast %scan3A_111 : i32 to index
      %swap3A_128 = arith.constant 32 : index
      %swap3A_129 = tpu.vector_load %arg9[%swap3A_126, %swap3A_127, %swap3A_128] {strides = array<i32>} : memref<3x128x128xf32, #tpu.memory_space<vmem>>, vector<1x1x16xf32>,
      %swap3A_130 = vector.shape_cast %swap3A_129 : vector<1x1x16xf32> to vector<16xf32>
      %swap3A_131 = vector.shape_cast %broadcast_in_dim3A_1 : vector<16xf32> to vector<1x1x16xf32>
      tpu.vector_store %arg9[%swap3A_126, %swap3A_127, %swap3A_128], %swap3A_131 {strides = array<i32>} : memref<3x128x128xf32, #tpu.memory_space<vmem>>, vector<1x1x16xf32>,
      %swap3A_132 = arith.constant 0 : i32
      %swap3A_133 = arith.index_cast %swap3A_132 : i32 to index
      %swap3A_134 = arith.index_cast %scan3A_111 : i32 to index
      %swap3A_135 = arith.constant 48 : index
      %swap3A_136 = tpu.vector_load %arg9[%swap3A_133, %swap3A_134, %swap3A_135] {strides = array<i32>} : memref<3x128x128xf32, #tpu.memory_space<vmem>>, vector<1x1x16xf32>,
      %swap3A_137 = vector.shape_cast %swap3A_136 : vector<1x1x16xf32> to vector<16xf32>
      %swap3A_138 = vector.shape_cast %broadcast_in_dim3A_1 : vector<16xf32> to vector<1x1x16xf32>
      tpu.vector_store %arg9[%swap3A_133, %swap3A_134, %swap3A_135], %swap3A_138 {strides = array<i32>} : memref<3x128x128xf32, #tpu.memory_space<vmem>>, vector<1x1x16xf32>,
      %swap3A_139 = arith.constant 0 : i32
      %swap3A_140 = arith.index_cast %swap3A_139 : i32 to index
      %swap3A_141 = arith.index_cast %scan3A_111 : i32 to index
      %swap3A_142 = arith.constant 64 : index
      %swap3A_143 = tpu.vector_load %arg9[%swap3A_140, %swap3A_141, %swap3A_142] {strides = array<i32>} : memref<3x128x128xf32, #tpu.memory_space<vmem>>, vector<1x1x16xf32>,
      %swap3A_144 = vector.shape_cast %swap3A_143 : vector<1x1x16xf32> to vector<16xf32>
      %swap3A_145 = vector.shape_cast %broadcast_in_dim3A_1 : vector<16xf32> to vector<1x1x16xf32>
      tpu.vector_store %arg9[%swap3A_140, %swap3A_141, %swap3A_142], %swap3A_145 {strides = array<i32>} : memref<3x128x128xf32, #tpu.memory_space<vmem>>, vector<1x1x16xf32>,
      %swap3A_146 = arith.constant 0 : i32
      %swap3A_147 = arith.index_cast %swap3A_146 : i32 to index
      %swap3A_148 = arith.index_cast %scan3A_111 : i32 to index
      %swap3A_149 = arith.constant 80 : index
      %swap3A_150 = tpu.vector_load %arg9[%swap3A_147, %swap3A_148, %swap3A_149] {strides = array<i32>} : memref<3x128x128xf32, #tpu.memory_space<vmem>>, vector<1x1x16xf32>,
      %swap3A_151 = vector.shape_cast %swap3A_150 : vector<1x1x16xf32> to vector<16xf32>
      %swap3A_152 = vector.shape_cast %broadcast_in_dim3A_1 : vector<16xf32> to vector<1x1x16xf32>
      tpu.vector_store %arg9[%swap3A_147, %swap3A_148, %swap3A_149], %swap3A_152 {strides = array<i32>} : memref<3x128x128xf32, #tpu.memory_space<vmem>>, vector<1x1x16xf32>,
      %swap3A_153 = arith.constant 0 : i32
      %swap3A_154 = arith.index_cast %swap3A_153 : i32 to index
      %swap3A_155 = arith.index_cast %scan3A_111 : i32 to index
      %swap3A_156 = arith.constant 96 : index
      %swap3A_157 = tpu.vector_load %arg9[%swap3A_154, %swap3A_155, %swap3A_156] {strides = array<i32>} : memref<3x128x128xf32, #tpu.memory_space<vmem>>, vector<1x1x16xf32>,
      %swap3A_158 = vector.shape_cast %swap3A_157 : vector<1x1x16xf32> to vector<16xf32>
      %swap3A_159 = vector.shape_cast %broadcast_in_dim3A_1 : vector<16xf32> to vector<1x1x16xf32>
      tpu.vector_store %arg9[%swap3A_154, %swap3A_155, %swap3A_156], %swap3A_159 {strides = array<i32>} : memref<3x128x128xf32, #tpu.memory_space<vmem>>, vector<1x1x16xf32>,
      %swap3A_160 = arith.constant 0 : i32
      %swap3A_161 = arith.index_cast %swap3A_160 : i32 to index
      %swap3A_162 = arith.index_cast %scan3A_111 : i32 to index
      %swap3A_163 = arith.constant 112 : index
      %swap3A_164 = tpu.vector_load %arg9[%swap3A_161, %swap3A_162, %swap3A_163] {strides = array<i32>} : memref<3x128x128xf32, #tpu.memory_space<vmem>>, vector<1x1x16xf32>,
      %swap3A_165 = vector.shape_cast %swap3A_164 : vector<1x1x16xf32> to vector<16xf32>
      %swap3A_166 = vector.shape_cast %broadcast_in_dim3A_1 : vector<16xf32> to vector<1x1x16xf32>
      tpu.vector_store %arg9[%swap3A_161, %swap3A_162, %swap3A_163], %swap3A_166 {strides = array<i32>} : memref<3x128x128xf32, #tpu.memory_space<vmem>>, vector<1x1x16xf32>,
    }
    %scan3A_6 = arith.constant 128 : i32
    %mul3A_7 = arith.constant 328 : i32
    %mul3A_8 = arith.muli %arg1, %mul3A_7 : i32
    %add3A = arith.constant 0 : i32
    %add3A_9 = arith.addi %mul3A_8, %add3A : i32
    %run_scoped3A = arith.constant 0 : i32
    "tpu.region"() ({
      %run_scoped3A_111 = tpu.sem_alloc : memref<!tpu.dma_semaphore, #tpu.memory_space<semaphore_mem>>
      %dma_start3A_112 = arith.constant 0 : i32
      %dma_start3A_113 = arith.constant 0 : i32
      %dma_start3A_114 = tpu.memref_slice %arg9[%run_scoped3A, %dma_start3A_112, %dma_start3A_113] : memref<3x128x128xf32, #tpu.memory_space<vmem>> -> memref<1x128x128xf32, #tpu.memory_space<vmem>>
      %dma_start3A_115 = tpu.memref_squeeze %dma_start3A_114 : memref<1x128x128xf32, #tpu.memory_space<vmem>> -> memref<128x128xf32, #tpu.memory_space<vmem>>
      %dma_start3A_116 = arith.constant 0 : i32
      %dma_start3A_117 = tpu.memref_slice %arg10[%add3A_9, %dma_start3A_116] : memref<5248x128xf32, #tpu.memory_space<vmem_shared>> -> memref<128x128xf32, #tpu.memory_space<vmem_shared>>
      %dma_start3A_118 = arith.constant 0 : i32
      %dma_start3A_119 = tpu.memref_slice %arg10[%add3A_9, %dma_start3A_118] : memref<5248x128xf32, #tpu.memory_space<vmem_shared>> -> memref<128x128xf32, #tpu.memory_space<vmem_shared>>
      %dma_start3A_120 = arith.constant 0 : i32
      %dma_start3A_121 = arith.constant 0 : i32
      %dma_start3A_122 = tpu.memref_slice %arg9[%run_scoped3A, %dma_start3A_120, %dma_start3A_121] : memref<3x128x128xf32, #tpu.memory_space<vmem>> -> memref<1x128x128xf32, #tpu.memory_space<vmem>>
      %dma_start3A_123 = tpu.memref_squeeze %dma_start3A_122 : memref<1x128x128xf32, #tpu.memory_space<vmem>> -> memref<128x128xf32, #tpu.memory_space<vmem>>
      tpu.enqueue_dma source(%dma_start3A_123 : memref<128x128xf32, #tpu.memory_space<vmem>>) target(%dma_start3A_119 : memref<128x128xf32, #tpu.memory_space<vmem_shared>>) target_semaphore(%run_scoped3A_111 : memref<!tpu.dma_semaphore, #tpu.memory_space<semaphore_mem>>)
      %dma_wait3A_124 = arith.constant 0 : i32
      %dma_wait3A_125 = arith.constant 0 : i32
      %dma_wait3A_126 = tpu.memref_slice %arg9[%run_scoped3A, %dma_wait3A_124, %dma_wait3A_125] : memref<3x128x128xf32, #tpu.memory_space<vmem>> -> memref<1x128x128xf32, #tpu.memory_space<vmem>>
      %dma_wait3A_127 = tpu.memref_squeeze %dma_wait3A_126 : memref<1x128x128xf32, #tpu.memory_space<vmem>> -> memref<128x128xf32, #tpu.memory_space<vmem>>
      %dma_wait3A_128 = arith.constant 0 : i32
      %dma_wait3A_129 = tpu.memref_slice %arg10[%add3A_9, %dma_wait3A_128] : memref<5248x128xf32, #tpu.memory_space<vmem_shared>> -> memref<128x128xf32, #tpu.memory_space<vmem_shared>>
      %dma_wait3A_130 = arith.constant 0 : i32
      %dma_wait3A_131 = tpu.memref_slice %arg10[%add3A_9, %dma_wait3A_130] : memref<5248x128xf32, #tpu.memory_space<vmem_shared>> -> memref<128x128xf32, #tpu.memory_space<vmem_shared>>
      %dma_wait3A_132 = arith.constant 0 : i32
      %dma_wait3A_133 = arith.constant 0 : i32
      %dma_wait3A_134 = tpu.memref_slice %arg9[%run_scoped3A, %dma_wait3A_132, %dma_wait3A_133] : memref<3x128x128xf32, #tpu.memory_space<vmem>> -> memref<1x128x128xf32, #tpu.memory_space<vmem>>
      %dma_wait3A_135 = tpu.memref_squeeze %dma_wait3A_134 : memref<1x128x128xf32, #tpu.memory_space<vmem>> -> memref<128x128xf32, #tpu.memory_space<vmem>>
      tpu.wait_dma2 semaphore(%run_scoped3A_111 : memref<!tpu.dma_semaphore, #tpu.memory_space<semaphore_mem>>) src(%dma_wait3A_135 : memref<128x128xf32, #tpu.memory_space<vmem>>) dst(%dma_wait3A_131 : memref<128x128xf32, #tpu.memory_space<vmem_shared>>)
      tpu.yield
    }) : () -> ()
    %add3A_10 = arith.constant 128 : i32
    %add3A_11 = arith.addi %mul3A_8, %add3A_10 : i32
    %run_scoped3A_12 = arith.constant 0 : i32
    "tpu.region"() ({
      %run_scoped3A_111 = tpu.sem_alloc : memref<!tpu.dma_semaphore, #tpu.memory_space<semaphore_mem>>
      %dma_start3A_112 = arith.constant 0 : i32
      %dma_start3A_113 = arith.constant 0 : i32
      %dma_start3A_114 = tpu.memref_slice %arg9[%run_scoped3A_12, %dma_start3A_112, %dma_start3A_113] : memref<3x128x128xf32, #tpu.memory_space<vmem>> -> memref<1x128x128xf32, #tpu.memory_space<vmem>>
      %dma_start3A_115 = tpu.memref_squeeze %dma_start3A_114 : memref<1x128x128xf32, #tpu.memory_space<vmem>> -> memref<128x128xf32, #tpu.memory_space<vmem>>
      %dma_start3A_116 = arith.constant 0 : i32
      %dma_start3A_117 = tpu.memref_slice %arg10[%add3A_11, %dma_start3A_116] : memref<5248x128xf32, #tpu.memory_space<vmem_shared>> -> memref<128x128xf32, #tpu.memory_space<vmem_shared>>
      %dma_start3A_118 = arith.constant 0 : i32
      %dma_start3A_119 = tpu.memref_slice %arg10[%add3A_11, %dma_start3A_118] : memref<5248x128xf32, #tpu.memory_space<vmem_shared>> -> memref<128x128xf32, #tpu.memory_space<vmem_shared>>
      %dma_start3A_120 = arith.constant 0 : i32
      %dma_start3A_121 = arith.constant 0 : i32
      %dma_start3A_122 = tpu.memref_slice %arg9[%run_scoped3A_12, %dma_start3A_120, %dma_start3A_121] : memref<3x128x128xf32, #tpu.memory_space<vmem>> -> memref<1x128x128xf32, #tpu.memory_space<vmem>>
      %dma_start3A_123 = tpu.memref_squeeze %dma_start3A_122 : memref<1x128x128xf32, #tpu.memory_space<vmem>> -> memref<128x128xf32, #tpu.memory_space<vmem>>
      tpu.enqueue_dma source(%dma_start3A_123 : memref<128x128xf32, #tpu.memory_space<vmem>>) target(%dma_start3A_119 : memref<128x128xf32, #tpu.memory_space<vmem_shared>>) target_semaphore(%run_scoped3A_111 : memref<!tpu.dma_semaphore, #tpu.memory_space<semaphore_mem>>)
      %dma_wait3A_124 = arith.constant 0 : i32
      %dma_wait3A_125 = arith.constant 0 : i32
      %dma_wait3A_126 = tpu.memref_slice %arg9[%run_scoped3A_12, %dma_wait3A_124, %dma_wait3A_125] : memref<3x128x128xf32, #tpu.memory_space<vmem>> -> memref<1x128x128xf32, #tpu.memory_space<vmem>>
      %dma_wait3A_127 = tpu.memref_squeeze %dma_wait3A_126 : memref<1x128x128xf32, #tpu.memory_space<vmem>> -> memref<128x128xf32, #tpu.memory_space<vmem>>
      %dma_wait3A_128 = arith.constant 0 : i32
      %dma_wait3A_129 = tpu.memref_slice %arg10[%add3A_11, %dma_wait3A_128] : memref<5248x128xf32, #tpu.memory_space<vmem_shared>> -> memref<128x128xf32, #tpu.memory_space<vmem_shared>>
      %dma_wait3A_130 = arith.constant 0 : i32
      %dma_wait3A_131 = tpu.memref_slice %arg10[%add3A_11, %dma_wait3A_130] : memref<5248x128xf32, #tpu.memory_space<vmem_shared>> -> memref<128x128xf32, #tpu.memory_space<vmem_shared>>
      %dma_wait3A_132 = arith.constant 0 : i32
      %dma_wait3A_133 = arith.constant 0 : i32
      %dma_wait3A_134 = tpu.memref_slice %arg9[%run_scoped3A_12, %dma_wait3A_132, %dma_wait3A_133] : memref<3x128x128xf32, #tpu.memory_space<vmem>> -> memref<1x128x128xf32, #tpu.memory_space<vmem>>
      %dma_wait3A_135 = tpu.memref_squeeze %dma_wait3A_134 : memref<1x128x128xf32, #tpu.memory_space<vmem>> -> memref<128x128xf32, #tpu.memory_space<vmem>>
      tpu.wait_dma2 semaphore(%run_scoped3A_111 : memref<!tpu.dma_semaphore, #tpu.memory_space<semaphore_mem>>) src(%dma_wait3A_135 : memref<128x128xf32, #tpu.memory_space<vmem>>) dst(%dma_wait3A_131 : memref<128x128xf32, #tpu.memory_space<vmem_shared>>)
      tpu.yield
    }) : () -> ()
    %add3A_13 = arith.constant 256 : i32
    %add3A_14 = arith.addi %mul3A_8, %add3A_13 : i32
    %run_scoped3A_15 = arith.constant 0 : i32
    "tpu.region"() ({
      %run_scoped3A_111 = tpu.sem_alloc : memref<!tpu.dma_semaphore, #tpu.memory_space<semaphore_mem>>
      %dma_start3A_112 = arith.constant 0 : i32
      %dma_start3A_113 = arith.constant 0 : i32
      %dma_start3A_114 = tpu.memref_slice %arg9[%run_scoped3A_15, %dma_start3A_112, %dma_start3A_113] : memref<3x128x128xf32, #tpu.memory_space<vmem>> -> memref<1x72x128xf32, #tpu.memory_space<vmem>>
      %dma_start3A_115 = tpu.memref_squeeze %dma_start3A_114 : memref<1x72x128xf32, #tpu.memory_space<vmem>> -> memref<72x128xf32, #tpu.memory_space<vmem>>
      %dma_start3A_116 = arith.constant 0 : i32
      %dma_start3A_117 = tpu.memref_slice %arg10[%add3A_14, %dma_start3A_116] : memref<5248x128xf32, #tpu.memory_space<vmem_shared>> -> memref<72x128xf32, #tpu.memory_space<vmem_shared>>
      %dma_start3A_118 = arith.constant 0 : i32
      %dma_start3A_119 = tpu.memref_slice %arg10[%add3A_14, %dma_start3A_118] : memref<5248x128xf32, #tpu.memory_space<vmem_shared>> -> memref<72x128xf32, #tpu.memory_space<vmem_shared>>
      %dma_start3A_120 = arith.constant 0 : i32
      %dma_start3A_121 = arith.constant 0 : i32
      %dma_start3A_122 = tpu.memref_slice %arg9[%run_scoped3A_15, %dma_start3A_120, %dma_start3A_121] : memref<3x128x128xf32, #tpu.memory_space<vmem>> -> memref<1x72x128xf32, #tpu.memory_space<vmem>>
      %dma_start3A_123 = tpu.memref_squeeze %dma_start3A_122 : memref<1x72x128xf32, #tpu.memory_space<vmem>> -> memref<72x128xf32, #tpu.memory_space<vmem>>
      tpu.enqueue_dma source(%dma_start3A_123 : memref<72x128xf32, #tpu.memory_space<vmem>>) target(%dma_start3A_119 : memref<72x128xf32, #tpu.memory_space<vmem_shared>>) target_semaphore(%run_scoped3A_111 : memref<!tpu.dma_semaphore, #tpu.memory_space<semaphore_mem>>)
      %dma_wait3A_124 = arith.constant 0 : i32
      %dma_wait3A_125 = arith.constant 0 : i32
      %dma_wait3A_126 = tpu.memref_slice %arg9[%run_scoped3A_15, %dma_wait3A_124, %dma_wait3A_125] : memref<3x128x128xf32, #tpu.memory_space<vmem>> -> memref<1x72x128xf32, #tpu.memory_space<vmem>>
      %dma_wait3A_127 = tpu.memref_squeeze %dma_wait3A_126 : memref<1x72x128xf32, #tpu.memory_space<vmem>> -> memref<72x128xf32, #tpu.memory_space<vmem>>
      %dma_wait3A_128 = arith.constant 0 : i32
      %dma_wait3A_129 = tpu.memref_slice %arg10[%add3A_14, %dma_wait3A_128] : memref<5248x128xf32, #tpu.memory_space<vmem_shared>> -> memref<72x128xf32, #tpu.memory_space<vmem_shared>>
      %dma_wait3A_130 = arith.constant 0 : i32
      %dma_wait3A_131 = tpu.memref_slice %arg10[%add3A_14, %dma_wait3A_130] : memref<5248x128xf32, #tpu.memory_space<vmem_shared>> -> memref<72x128xf32, #tpu.memory_space<vmem_shared>>
      %dma_wait3A_132 = arith.constant 0 : i32
      %dma_wait3A_133 = arith.constant 0 : i32
      %dma_wait3A_134 = tpu.memref_slice %arg9[%run_scoped3A_15, %dma_wait3A_132, %dma_wait3A_133] : memref<3x128x128xf32, #tpu.memory_space<vmem>> -> memref<1x72x128xf32, #tpu.memory_space<vmem>>
      %dma_wait3A_135 = tpu.memref_squeeze %dma_wait3A_134 : memref<1x72x128xf32, #tpu.memory_space<vmem>> -> memref<72x128xf32, #tpu.memory_space<vmem>>
      tpu.wait_dma2 semaphore(%run_scoped3A_111 : memref<!tpu.dma_semaphore, #tpu.memory_space<semaphore_mem>>) src(%dma_wait3A_135 : memref<72x128xf32, #tpu.memory_space<vmem>>) dst(%dma_wait3A_131 : memref<72x128xf32, #tpu.memory_space<vmem_shared>>)
      tpu.yield
    }) : () -> ()
    %barrier3A = arith.constant 0 : index
    tpu.barrier barrier_id(%barrier3A)
    "tpu.region"() ({
      %run_scoped3A_111 = tpu.sem_alloc : memref<!tpu.dma_semaphore, #tpu.memory_space<semaphore_mem>>
      %dma_start3A_112 = arith.constant 0 : i32
      %dma_start3A_113 = arith.constant 0 : i32
      %dma_start3A_114 = tpu.memref_slice %arg3[%arg1, %dma_start3A_112, %dma_start3A_113] : memref<16x158x128xi32, #tpu.memory_space<hbm>> -> memref<1x158x128xi32, #tpu.memory_space<hbm>>
      %dma_start3A_115 = tpu.memref_squeeze %dma_start3A_114 : memref<1x158x128xi32, #tpu.memory_space<hbm>> -> memref<158x128xi32, #tpu.memory_space<hbm>>
      %dma_start3A_116 = arith.constant 0 : i32
      %dma_start3A_117 = arith.constant 0 : i32
      %dma_start3A_118 = tpu.memref_slice %arg3[%arg1, %dma_start3A_116, %dma_start3A_117] : memref<16x158x128xi32, #tpu.memory_space<hbm>> -> memref<1x158x128xi32, #tpu.memory_space<hbm>>
      %dma_start3A_119 = tpu.memref_squeeze %dma_start3A_118 : memref<1x158x128xi32, #tpu.memory_space<hbm>> -> memref<158x128xi32, #tpu.memory_space<hbm>>
      tpu.enqueue_dma source(%dma_start3A_119 : memref<158x128xi32, #tpu.memory_space<hbm>>) target(%arg6 : memref<158x128xi32, #tpu.memory_space<vmem>>) target_semaphore(%run_scoped3A_111 : memref<!tpu.dma_semaphore, #tpu.memory_space<semaphore_mem>>)
      %dma_wait3A_120 = arith.constant 0 : i32
      %dma_wait3A_121 = arith.constant 0 : i32
      %dma_wait3A_122 = tpu.memref_slice %arg3[%arg1, %dma_wait3A_120, %dma_wait3A_121] : memref<16x158x128xi32, #tpu.memory_space<hbm>> -> memref<1x158x128xi32, #tpu.memory_space<hbm>>
      %dma_wait3A_123 = tpu.memref_squeeze %dma_wait3A_122 : memref<1x158x128xi32, #tpu.memory_space<hbm>> -> memref<158x128xi32, #tpu.memory_space<hbm>>
      %dma_wait3A_124 = arith.constant 0 : i32
      %dma_wait3A_125 = arith.constant 0 : i32
      %dma_wait3A_126 = tpu.memref_slice %arg3[%arg1, %dma_wait3A_124, %dma_wait3A_125] : memref<16x158x128xi32, #tpu.memory_space<hbm>> -> memref<1x158x128xi32, #tpu.memory_space<hbm>>
      %dma_wait3A_127 = tpu.memref_squeeze %dma_wait3A_126 : memref<1x158x128xi32, #tpu.memory_space<hbm>> -> memref<158x128xi32, #tpu.memory_space<hbm>>
      tpu.wait_dma2 semaphore(%run_scoped3A_111 : memref<!tpu.dma_semaphore, #tpu.memory_space<semaphore_mem>>) src(%dma_wait3A_127 : memref<158x128xi32, #tpu.memory_space<hbm>>) dst(%arg6 : memref<158x128xi32, #tpu.memory_space<vmem>>)
      tpu.yield
    }) : () -> ()
    %dma_start3A = arith.constant 0 : i32
    %dma_start3A_16 = arith.constant 0 : i32
    %dma_start3A_17 = arith.constant 0 : i32
    %dma_start3A_18 = arith.constant 0 : i32
    %dma_start3A_19 = tpu.memref_slice %arg7[%dma_start3A_16, %dma_start3A_17, %dma_start3A_18] : memref<3x1x128xi32, #tpu.memory_space<vmem>> -> memref<1x1x128xi32, #tpu.memory_space<vmem>>
    %dma_start3A_20 = tpu.memref_squeeze %dma_start3A_19 : memref<1x1x128xi32, #tpu.memory_space<vmem>> -> memref<1x128xi32, #tpu.memory_space<vmem>>
    %dma_start3A_21 = arith.constant 0 : i32
    %dma_start3A_22 = arith.constant 0 : i32
    %dma_start3A_23 = tpu.memref_slice %arg4[%arg1, %dma_start3A, %dma_start3A_21, %dma_start3A_22] : memref<16x158x1x128xi32, #tpu.memory_space<hbm>> -> memref<1x1x1x128xi32, #tpu.memory_space<hbm>>
    %dma_start3A_24 = tpu.memref_squeeze %dma_start3A_23 : memref<1x1x1x128xi32, #tpu.memory_space<hbm>> -> memref<1x128xi32, #tpu.memory_space<hbm>>
    %dma_start3A_25 = arith.constant 0 : i32
    %dma_start3A_26 = arith.constant 0 : i32
    %dma_start3A_27 = tpu.memref_slice %arg7[%dma_start3A_16, %dma_start3A_25, %dma_start3A_26] : memref<3x1x128xi32, #tpu.memory_space<vmem>> -> memref<1x1x128xi32, #tpu.memory_space<vmem>>
    %dma_start3A_28 = tpu.memref_squeeze %dma_start3A_27 : memref<1x1x128xi32, #tpu.memory_space<vmem>> -> memref<1x128xi32, #tpu.memory_space<vmem>>
    %dma_start3A_29 = arith.constant 0 : i32
    %dma_start3A_30 = arith.constant 0 : i32
    %dma_start3A_31 = tpu.memref_slice %arg4[%arg1, %dma_start3A, %dma_start3A_29, %dma_start3A_30] : memref<16x158x1x128xi32, #tpu.memory_space<hbm>> -> memref<1x1x1x128xi32, #tpu.memory_space<hbm>>
    %dma_start3A_32 = tpu.memref_squeeze %dma_start3A_31 : memref<1x1x1x128xi32, #tpu.memory_space<hbm>> -> memref<1x128xi32, #tpu.memory_space<hbm>>
    tpu.enqueue_dma source(%dma_start3A_32 : memref<1x128xi32, #tpu.memory_space<hbm>>) target(%dma_start3A_28 : memref<1x128xi32, #tpu.memory_space<vmem>>) target_semaphore(%arg12 : memref<!tpu.dma_semaphore, #tpu.memory_space<semaphore_mem>>)
    %dma_start3A_33 = arith.constant 0 : i32
    %dma_start3A_34 = arith.constant 0 : i32
    %dma_start3A_35 = arith.constant 0 : i32
    %dma_start3A_36 = arith.constant 0 : i32
    %dma_start3A_37 = tpu.memref_slice %arg9[%dma_start3A_34, %dma_start3A_35, %dma_start3A_36] : memref<3x128x128xf32, #tpu.memory_space<vmem>> -> memref<1x128x128xf32, #tpu.memory_space<vmem>>
    %dma_start3A_38 = tpu.memref_squeeze %dma_start3A_37 : memref<1x128x128xf32, #tpu.memory_space<vmem>> -> memref<128x128xf32, #tpu.memory_space<vmem>>
    %dma_start3A_39 = arith.constant 0 : i32
    %dma_start3A_40 = tpu.memref_slice %arg6[%dma_start3A_33, %dma_start3A_39] : memref<158x128xi32, #tpu.memory_space<vmem>> -> memref<1x128xi32, #tpu.memory_space<vmem>>
    %dma_start3A_41 = tpu.memref_squeeze %dma_start3A_40 : memref<1x128xi32, #tpu.memory_space<vmem>> -> memref<128xi32, #tpu.memory_space<vmem>>
    %dma_start3A_42 = arith.constant 0 : i32
    %dma_start3A_43 = arith.constant 0 : i32
    %dma_start3A_44 = tpu.memref_slice %arg2[%dma_start3A_42, %dma_start3A_43] : memref<10240x128xf32, #tpu.memory_space<hbm>> -> memref<10240x128xf32, #tpu.memory_space<hbm>>
    tpu.enqueue_indirect_dma source(%dma_start3A_44 : memref<10240x128xf32, #tpu.memory_space<hbm>>) target(%dma_start3A_38 : memref<128x128xf32, #tpu.memory_space<vmem>>) offsets(%dma_start3A_41 : memref<128xi32, #tpu.memory_space<vmem>>) semaphore(%arg11 : memref<!tpu.dma_semaphore, #tpu.memory_space<semaphore_mem>>)
    %dma_start3A_45 = arith.constant 1 : i32
    %dma_start3A_46 = arith.constant 1 : i32
    %dma_start3A_47 = arith.constant 0 : i32
    %dma_start3A_48 = arith.constant 0 : i32
    %dma_start3A_49 = tpu.memref_slice %arg7[%dma_start3A_46, %dma_start3A_47, %dma_start3A_48] : memref<3x1x128xi32, #tpu.memory_space<vmem>> -> memref<1x1x128xi32, #tpu.memory_space<vmem>>
    %dma_start3A_50 = tpu.memref_squeeze %dma_start3A_49 : memref<1x1x128xi32, #tpu.memory_space<vmem>> -> memref<1x128xi32, #tpu.memory_space<vmem>>
    %dma_start3A_51 = arith.constant 0 : i32
    %dma_start3A_52 = arith.constant 0 : i32
    %dma_start3A_53 = tpu.memref_slice %arg4[%arg1, %dma_start3A_45, %dma_start3A_51, %dma_start3A_52] : memref<16x158x1x128xi32, #tpu.memory_space<hbm>> -> memref<1x1x1x128xi32, #tpu.memory_space<hbm>>
    %dma_start3A_54 = tpu.memref_squeeze %dma_start3A_53 : memref<1x1x1x128xi32, #tpu.memory_space<hbm>> -> memref<1x128xi32, #tpu.memory_space<hbm>>
    %dma_start3A_55 = arith.constant 0 : i32
    %dma_start3A_56 = arith.constant 0 : i32
    %dma_start3A_57 = tpu.memref_slice %arg7[%dma_start3A_46, %dma_start3A_55, %dma_start3A_56] : memref<3x1x128xi32, #tpu.memory_space<vmem>> -> memref<1x1x128xi32, #tpu.memory_space<vmem>>
    %dma_start3A_58 = tpu.memref_squeeze %dma_start3A_57 : memref<1x1x128xi32, #tpu.memory_space<vmem>> -> memref<1x128xi32, #tpu.memory_space<vmem>>
    %dma_start3A_59 = arith.constant 0 : i32
    %dma_start3A_60 = arith.constant 0 : i32
    %dma_start3A_61 = tpu.memref_slice %arg4[%arg1, %dma_start3A_45, %dma_start3A_59, %dma_start3A_60] : memref<16x158x1x128xi32, #tpu.memory_space<hbm>> -> memref<1x1x1x128xi32, #tpu.memory_space<hbm>>
    %dma_start3A_62 = tpu.memref_squeeze %dma_start3A_61 : memref<1x1x1x128xi32, #tpu.memory_space<hbm>> -> memref<1x128xi32, #tpu.memory_space<hbm>>
    tpu.enqueue_dma source(%dma_start3A_62 : memref<1x128xi32, #tpu.memory_space<hbm>>) target(%dma_start3A_58 : memref<1x128xi32, #tpu.memory_space<vmem>>) target_semaphore(%arg12 : memref<!tpu.dma_semaphore, #tpu.memory_space<semaphore_mem>>)
    %dma_start3A_63 = arith.constant 1 : i32
    %dma_start3A_64 = arith.constant 1 : i32
    %dma_start3A_65 = arith.constant 0 : i32
    %dma_start3A_66 = arith.constant 0 : i32
    %dma_start3A_67 = tpu.memref_slice %arg9[%dma_start3A_64, %dma_start3A_65, %dma_start3A_66] : memref<3x128x128xf32, #tpu.memory_space<vmem>> -> memref<1x128x128xf32, #tpu.memory_space<vmem>>
    %dma_start3A_68 = tpu.memref_squeeze %dma_start3A_67 : memref<1x128x128xf32, #tpu.memory_space<vmem>> -> memref<128x128xf32, #tpu.memory_space<vmem>>
    %dma_start3A_69 = arith.constant 0 : i32
    %dma_start3A_70 = tpu.memref_slice %arg6[%dma_start3A_63, %dma_start3A_69] : memref<158x128xi32, #tpu.memory_space<vmem>> -> memref<1x128xi32, #tpu.memory_space<vmem>>
    %dma_start3A_71 = tpu.memref_squeeze %dma_start3A_70 : memref<1x128xi32, #tpu.memory_space<vmem>> -> memref<128xi32, #tpu.memory_space<vmem>>
    %dma_start3A_72 = arith.constant 0 : i32
    %dma_start3A_73 = arith.constant 0 : i32
    %dma_start3A_74 = tpu.memref_slice %arg2[%dma_start3A_72, %dma_start3A_73] : memref<10240x128xf32, #tpu.memory_space<hbm>> -> memref<10240x128xf32, #tpu.memory_space<hbm>>
    tpu.enqueue_indirect_dma source(%dma_start3A_74 : memref<10240x128xf32, #tpu.memory_space<hbm>>) target(%dma_start3A_68 : memref<128x128xf32, #tpu.memory_space<vmem>>) offsets(%dma_start3A_71 : memref<128xi32, #tpu.memory_space<vmem>>) semaphore(%arg11 : memref<!tpu.dma_semaphore, #tpu.memory_space<semaphore_mem>>)
    %scan3A_75 = arith.constant 0 : i32
    %scan3A_76 = arith.constant 0 : i32
    %scan3A_77 = arith.constant 158 : i32
    %scan3A_78 = arith.addi %scan3A_76, %scan3A_77 : i32
    %scan3A_79 = arith.constant 1 : i32
    scf.for %scan3A_111 = %scan3A_76 to %scan3A_78 step %scan3A_79  : i32 {
      %rem3A_112 = arith.constant 3 : i32
      %rem3A_113 = arith.remsi %scan3A_111, %rem3A_112 : i32
      %dma_wait3A_114 = arith.constant 0 : i32
      %dma_wait3A_115 = arith.constant 0 : i32
      %dma_wait3A_116 = tpu.memref_slice %arg9[%rem3A_113, %dma_wait3A_114, %dma_wait3A_115] : memref<3x128x128xf32, #tpu.memory_space<vmem>> -> memref<1x128x128xf32, #tpu.memory_space<vmem>>
      %dma_wait3A_117 = tpu.memref_squeeze %dma_wait3A_116 : memref<1x128x128xf32, #tpu.memory_space<vmem>> -> memref<128x128xf32, #tpu.memory_space<vmem>>
      %dma_wait3A_118 = arith.constant 0 : i32
      %dma_wait3A_119 = tpu.memref_slice %arg6[%scan3A_111, %dma_wait3A_118] : memref<158x128xi32, #tpu.memory_space<vmem>> -> memref<1x128xi32, #tpu.memory_space<vmem>>
      %dma_wait3A_120 = tpu.memref_squeeze %dma_wait3A_119 : memref<1x128xi32, #tpu.memory_space<vmem>> -> memref<128xi32, #tpu.memory_space<vmem>>
      %dma_wait3A_121 = arith.constant 0 : i32
      %dma_wait3A_122 = arith.constant 0 : i32
      %dma_wait3A_123 = tpu.memref_slice %arg2[%dma_wait3A_121, %dma_wait3A_122] : memref<10240x128xf32, #tpu.memory_space<hbm>> -> memref<10240x128xf32, #tpu.memory_space<hbm>>
      tpu.wait_indirect_dma semaphore(%arg11 : memref<!tpu.dma_semaphore, #tpu.memory_space<semaphore_mem>>) src(%dma_wait3A_123 : memref<10240x128xf32, #tpu.memory_space<hbm>>) dst(%dma_wait3A_117 : memref<128x128xf32, #tpu.memory_space<vmem>>)
      %dma_wait3A_124 = arith.constant 0 : i32
      %dma_wait3A_125 = arith.constant 0 : i32
      %dma_wait3A_126 = tpu.memref_slice %arg7[%rem3A_113, %dma_wait3A_124, %dma_wait3A_125] : memref<3x1x128xi32, #tpu.memory_space<vmem>> -> memref<1x1x128xi32, #tpu.memory_space<vmem>>
      %dma_wait3A_127 = tpu.memref_squeeze %dma_wait3A_126 : memref<1x1x128xi32, #tpu.memory_space<vmem>> -> memref<1x128xi32, #tpu.memory_space<vmem>>
      %dma_wait3A_128 = arith.constant 0 : i32
      %dma_wait3A_129 = arith.constant 0 : i32
      %dma_wait3A_130 = tpu.memref_slice %arg4[%arg1, %scan3A_111, %dma_wait3A_128, %dma_wait3A_129] : memref<16x158x1x128xi32, #tpu.memory_space<hbm>> -> memref<1x1x1x128xi32, #tpu.memory_space<hbm>>
      %dma_wait3A_131 = tpu.memref_squeeze %dma_wait3A_130 : memref<1x1x1x128xi32, #tpu.memory_space<hbm>> -> memref<1x128xi32, #tpu.memory_space<hbm>>
      %dma_wait3A_132 = arith.constant 0 : i32
      %dma_wait3A_133 = arith.constant 0 : i32
      %dma_wait3A_134 = tpu.memref_slice %arg7[%rem3A_113, %dma_wait3A_132, %dma_wait3A_133] : memref<3x1x128xi32, #tpu.memory_space<vmem>> -> memref<1x1x128xi32, #tpu.memory_space<vmem>>
      %dma_wait3A_135 = tpu.memref_squeeze %dma_wait3A_134 : memref<1x1x128xi32, #tpu.memory_space<vmem>> -> memref<1x128xi32, #tpu.memory_space<vmem>>
      %dma_wait3A_136 = arith.constant 0 : i32
      %dma_wait3A_137 = arith.constant 0 : i32
      %dma_wait3A_138 = tpu.memref_slice %arg4[%arg1, %scan3A_111, %dma_wait3A_136, %dma_wait3A_137] : memref<16x158x1x128xi32, #tpu.memory_space<hbm>> -> memref<1x1x1x128xi32, #tpu.memory_space<hbm>>
      %dma_wait3A_139 = tpu.memref_squeeze %dma_wait3A_138 : memref<1x1x1x128xi32, #tpu.memory_space<hbm>> -> memref<1x128xi32, #tpu.memory_space<hbm>>
      tpu.wait_dma2 semaphore(%arg12 : memref<!tpu.dma_semaphore, #tpu.memory_space<semaphore_mem>>) src(%dma_wait3A_139 : memref<1x128xi32, #tpu.memory_space<hbm>>) dst(%dma_wait3A_135 : memref<1x128xi32, #tpu.memory_space<vmem>>)
      %get3A = arith.constant 0 : i32
      %get3A_140 = arith.index_cast %rem3A_113 : i32 to index
      %get3A_141 = arith.index_cast %get3A : i32 to index
      %get3A_142 = arith.constant 0 : index
      %get3A_143 = tpu.vector_load %arg7[%get3A_140, %get3A_141, %get3A_142] {strides = array<i32>} : memref<3x1x128xi32, #tpu.memory_space<vmem>>, vector<1x1x16xi32>,
      %get3A_144 = vector.shape_cast %get3A_143 : vector<1x1x16xi32> to vector<16xi32>
      %sub3A = vector.broadcast %mul3A_0 : i32 to vector<16xi32>
      %sub3A_145 = arith.subi %get3A_144, %sub3A : vector<16xi32>
      %ge3A = arith.constant 0 : i32
      %ge3A_146 = vector.broadcast %ge3A : i32 to vector<16xi32>
      %ge3A_147 = arith.cmpi sge, %sub3A_145, %ge3A_146 : vector<16xi32>
      %lt3A = arith.constant 5120 : i32
      %lt3A_148 = vector.broadcast %lt3A : i32 to vector<16xi32>
      %lt3A_149 = arith.cmpi slt, %sub3A_145, %lt3A_148 : vector<16xi32>
      %and3A = arith.andi %ge3A_147, %lt3A_149 : vector<16xi1>
      %jit3A = arith.constant 5120 : i32
      %broadcast_in_dim3A_150 = vector.broadcast %jit3A : i32 to vector<16xi32>
      %select_n3A = arith.select %and3A, %sub3A_145, %broadcast_in_dim3A_150 : vector<16xi1>, vector<16xi32>
      %swap3A = arith.index_cast %rem3A_113 : i32 to index
      %swap3A_151 = arith.constant 0 : index
      %swap3A_152 = tpu.vector_load %arg8[%swap3A, %swap3A_151] {strides = array<i32>} : memref<3x128xi32, #tpu.memory_space<vmem>>, vector<1x16xi32>,
      %swap3A_153 = vector.shape_cast %swap3A_152 : vector<1x16xi32> to vector<16xi32>
      %swap3A_154 = vector.shape_cast %select_n3A : vector<16xi32> to vector<1x16xi32>
      tpu.vector_store %arg8[%swap3A, %swap3A_151], %swap3A_154 {strides = array<i32>} : memref<3x128xi32, #tpu.memory_space<vmem>>, vector<1x16xi32>,
      %get3A_155 = arith.constant 0 : i32
      %get3A_156 = arith.index_cast %rem3A_113 : i32 to index
      %get3A_157 = arith.index_cast %get3A_155 : i32 to index
      %get3A_158 = arith.constant 16 : index
      %get3A_159 = tpu.vector_load %arg7[%get3A_156, %get3A_157, %get3A_158] {strides = array<i32>} : memref<3x1x128xi32, #tpu.memory_space<vmem>>, vector<1x1x16xi32>,
      %get3A_160 = vector.shape_cast %get3A_159 : vector<1x1x16xi32> to vector<16xi32>
      %sub3A_161 = vector.broadcast %mul3A_0 : i32 to vector<16xi32>
      %sub3A_162 = arith.subi %get3A_160, %sub3A_161 : vector<16xi32>
      %ge3A_163 = arith.constant 0 : i32
      %ge3A_164 = vector.broadcast %ge3A_163 : i32 to vector<16xi32>
      %ge3A_165 = arith.cmpi sge, %sub3A_162, %ge3A_164 : vector<16xi32>
      %lt3A_166 = arith.constant 5120 : i32
      %lt3A_167 = vector.broadcast %lt3A_166 : i32 to vector<16xi32>
      %lt3A_168 = arith.cmpi slt, %sub3A_162, %lt3A_167 : vector<16xi32>
      %and3A_169 = arith.andi %ge3A_165, %lt3A_168 : vector<16xi1>
      %jit3A_170 = arith.constant 5120 : i32
      %broadcast_in_dim3A_171 = vector.broadcast %jit3A_170 : i32 to vector<16xi32>
      %select_n3A_172 = arith.select %and3A_169, %sub3A_162, %broadcast_in_dim3A_171 : vector<16xi1>, vector<16xi32>
      %swap3A_173 = arith.index_cast %rem3A_113 : i32 to index
      %swap3A_174 = arith.constant 16 : index
      %swap3A_175 = tpu.vector_load %arg8[%swap3A_173, %swap3A_174] {strides = array<i32>} : memref<3x128xi32, #tpu.memory_space<vmem>>, vector<1x16xi32>,
      %swap3A_176 = vector.shape_cast %swap3A_175 : vector<1x16xi32> to vector<16xi32>
      %swap3A_177 = vector.shape_cast %select_n3A_172 : vector<16xi32> to vector<1x16xi32>
      tpu.vector_store %arg8[%swap3A_173, %swap3A_174], %swap3A_177 {strides = array<i32>} : memref<3x128xi32, #tpu.memory_space<vmem>>, vector<1x16xi32>,
      %get3A_178 = arith.constant 0 : i32
      %get3A_179 = arith.index_cast %rem3A_113 : i32 to index
      %get3A_180 = arith.index_cast %get3A_178 : i32 to index
      %get3A_181 = arith.constant 32 : index
      %get3A_182 = tpu.vector_load %arg7[%get3A_179, %get3A_180, %get3A_181] {strides = array<i32>} : memref<3x1x128xi32, #tpu.memory_space<vmem>>, vector<1x1x16xi32>,
      %get3A_183 = vector.shape_cast %get3A_182 : vector<1x1x16xi32> to vector<16xi32>
      %sub3A_184 = vector.broadcast %mul3A_0 : i32 to vector<16xi32>
      %sub3A_185 = arith.subi %get3A_183, %sub3A_184 : vector<16xi32>
      %ge3A_186 = arith.constant 0 : i32
      %ge3A_187 = vector.broadcast %ge3A_186 : i32 to vector<16xi32>
      %ge3A_188 = arith.cmpi sge, %sub3A_185, %ge3A_187 : vector<16xi32>
      %lt3A_189 = arith.constant 5120 : i32
      %lt3A_190 = vector.broadcast %lt3A_189 : i32 to vector<16xi32>
      %lt3A_191 = arith.cmpi slt, %sub3A_185, %lt3A_190 : vector<16xi32>
      %and3A_192 = arith.andi %ge3A_188, %lt3A_191 : vector<16xi1>
      %jit3A_193 = arith.constant 5120 : i32
      %broadcast_in_dim3A_194 = vector.broadcast %jit3A_193 : i32 to vector<16xi32>
      %select_n3A_195 = arith.select %and3A_192, %sub3A_185, %broadcast_in_dim3A_194 : vector<16xi1>, vector<16xi32>
      %swap3A_196 = arith.index_cast %rem3A_113 : i32 to index
      %swap3A_197 = arith.constant 32 : index
      %swap3A_198 = tpu.vector_load %arg8[%swap3A_196, %swap3A_197] {strides = array<i32>} : memref<3x128xi32, #tpu.memory_space<vmem>>, vector<1x16xi32>,
      %swap3A_199 = vector.shape_cast %swap3A_198 : vector<1x16xi32> to vector<16xi32>
      %swap3A_200 = vector.shape_cast %select_n3A_195 : vector<16xi32> to vector<1x16xi32>
      tpu.vector_store %arg8[%swap3A_196, %swap3A_197], %swap3A_200 {strides = array<i32>} : memref<3x128xi32, #tpu.memory_space<vmem>>, vector<1x16xi32>,
      %get3A_201 = arith.constant 0 : i32
      %get3A_202 = arith.index_cast %rem3A_113 : i32 to index
      %get3A_203 = arith.index_cast %get3A_201 : i32 to index
      %get3A_204 = arith.constant 48 : index
      %get3A_205 = tpu.vector_load %arg7[%get3A_202, %get3A_203, %get3A_204] {strides = array<i32>} : memref<3x1x128xi32, #tpu.memory_space<vmem>>, vector<1x1x16xi32>,
      %get3A_206 = vector.shape_cast %get3A_205 : vector<1x1x16xi32> to vector<16xi32>
      %sub3A_207 = vector.broadcast %mul3A_0 : i32 to vector<16xi32>
      %sub3A_208 = arith.subi %get3A_206, %sub3A_207 : vector<16xi32>
      %ge3A_209 = arith.constant 0 : i32
      %ge3A_210 = vector.broadcast %ge3A_209 : i32 to vector<16xi32>
      %ge3A_211 = arith.cmpi sge, %sub3A_208, %ge3A_210 : vector<16xi32>
      %lt3A_212 = arith.constant 5120 : i32
      %lt3A_213 = vector.broadcast %lt3A_212 : i32 to vector<16xi32>
      %lt3A_214 = arith.cmpi slt, %sub3A_208, %lt3A_213 : vector<16xi32>
      %and3A_215 = arith.andi %ge3A_211, %lt3A_214 : vector<16xi1>
      %jit3A_216 = arith.constant 5120 : i32
      %broadcast_in_dim3A_217 = vector.broadcast %jit3A_216 : i32 to vector<16xi32>
      %select_n3A_218 = arith.select %and3A_215, %sub3A_208, %broadcast_in_dim3A_217 : vector<16xi1>, vector<16xi32>
      %swap3A_219 = arith.index_cast %rem3A_113 : i32 to index
      %swap3A_220 = arith.constant 48 : index
      %swap3A_221 = tpu.vector_load %arg8[%swap3A_219, %swap3A_220] {strides = array<i32>} : memref<3x128xi32, #tpu.memory_space<vmem>>, vector<1x16xi32>,
      %swap3A_222 = vector.shape_cast %swap3A_221 : vector<1x16xi32> to vector<16xi32>
      %swap3A_223 = vector.shape_cast %select_n3A_218 : vector<16xi32> to vector<1x16xi32>
      tpu.vector_store %arg8[%swap3A_219, %swap3A_220], %swap3A_223 {strides = array<i32>} : memref<3x128xi32, #tpu.memory_space<vmem>>, vector<1x16xi32>,
      %get3A_224 = arith.constant 0 : i32
      %get3A_225 = arith.index_cast %rem3A_113 : i32 to index
      %get3A_226 = arith.index_cast %get3A_224 : i32 to index
      %get3A_227 = arith.constant 64 : index
      %get3A_228 = tpu.vector_load %arg7[%get3A_225, %get3A_226, %get3A_227] {strides = array<i32>} : memref<3x1x128xi32, #tpu.memory_space<vmem>>, vector<1x1x16xi32>,
      %get3A_229 = vector.shape_cast %get3A_228 : vector<1x1x16xi32> to vector<16xi32>
      %sub3A_230 = vector.broadcast %mul3A_0 : i32 to vector<16xi32>
      %sub3A_231 = arith.subi %get3A_229, %sub3A_230 : vector<16xi32>
      %ge3A_232 = arith.constant 0 : i32
      %ge3A_233 = vector.broadcast %ge3A_232 : i32 to vector<16xi32>
      %ge3A_234 = arith.cmpi sge, %sub3A_231, %ge3A_233 : vector<16xi32>
      %lt3A_235 = arith.constant 5120 : i32
      %lt3A_236 = vector.broadcast %lt3A_235 : i32 to vector<16xi32>
      %lt3A_237 = arith.cmpi slt, %sub3A_231, %lt3A_236 : vector<16xi32>
      %and3A_238 = arith.andi %ge3A_234, %lt3A_237 : vector<16xi1>
      %jit3A_239 = arith.constant 5120 : i32
      %broadcast_in_dim3A_240 = vector.broadcast %jit3A_239 : i32 to vector<16xi32>
      %select_n3A_241 = arith.select %and3A_238, %sub3A_231, %broadcast_in_dim3A_240 : vector<16xi1>, vector<16xi32>
      %swap3A_242 = arith.index_cast %rem3A_113 : i32 to index
      %swap3A_243 = arith.constant 64 : index
      %swap3A_244 = tpu.vector_load %arg8[%swap3A_242, %swap3A_243] {strides = array<i32>} : memref<3x128xi32, #tpu.memory_space<vmem>>, vector<1x16xi32>,
      %swap3A_245 = vector.shape_cast %swap3A_244 : vector<1x16xi32> to vector<16xi32>
      %swap3A_246 = vector.shape_cast %select_n3A_241 : vector<16xi32> to vector<1x16xi32>
      tpu.vector_store %arg8[%swap3A_242, %swap3A_243], %swap3A_246 {strides = array<i32>} : memref<3x128xi32, #tpu.memory_space<vmem>>, vector<1x16xi32>,
      %get3A_247 = arith.constant 0 : i32
      %get3A_248 = arith.index_cast %rem3A_113 : i32 to index
      %get3A_249 = arith.index_cast %get3A_247 : i32 to index
      %get3A_250 = arith.constant 80 : index
      %get3A_251 = tpu.vector_load %arg7[%get3A_248, %get3A_249, %get3A_250] {strides = array<i32>} : memref<3x1x128xi32, #tpu.memory_space<vmem>>, vector<1x1x16xi32>,
      %get3A_252 = vector.shape_cast %get3A_251 : vector<1x1x16xi32> to vector<16xi32>
      %sub3A_253 = vector.broadcast %mul3A_0 : i32 to vector<16xi32>
      %sub3A_254 = arith.subi %get3A_252, %sub3A_253 : vector<16xi32>
      %ge3A_255 = arith.constant 0 : i32
      %ge3A_256 = vector.broadcast %ge3A_255 : i32 to vector<16xi32>
      %ge3A_257 = arith.cmpi sge, %sub3A_254, %ge3A_256 : vector<16xi32>
      %lt3A_258 = arith.constant 5120 : i32
      %lt3A_259 = vector.broadcast %lt3A_258 : i32 to vector<16xi32>
      %lt3A_260 = arith.cmpi slt, %sub3A_254, %lt3A_259 : vector<16xi32>
      %and3A_261 = arith.andi %ge3A_257, %lt3A_260 : vector<16xi1>
      %jit3A_262 = arith.constant 5120 : i32
      %broadcast_in_dim3A_263 = vector.broadcast %jit3A_262 : i32 to vector<16xi32>
      %select_n3A_264 = arith.select %and3A_261, %sub3A_254, %broadcast_in_dim3A_263 : vector<16xi1>, vector<16xi32>
      %swap3A_265 = arith.index_cast %rem3A_113 : i32 to index
      %swap3A_266 = arith.constant 80 : index
      %swap3A_267 = tpu.vector_load %arg8[%swap3A_265, %swap3A_266] {strides = array<i32>} : memref<3x128xi32, #tpu.memory_space<vmem>>, vector<1x16xi32>,
      %swap3A_268 = vector.shape_cast %swap3A_267 : vector<1x16xi32> to vector<16xi32>
      %swap3A_269 = vector.shape_cast %select_n3A_264 : vector<16xi32> to vector<1x16xi32>
      tpu.vector_store %arg8[%swap3A_265, %swap3A_266], %swap3A_269 {strides = array<i32>} : memref<3x128xi32, #tpu.memory_space<vmem>>, vector<1x16xi32>,
      %get3A_270 = arith.constant 0 : i32
      %get3A_271 = arith.index_cast %rem3A_113 : i32 to index
      %get3A_272 = arith.index_cast %get3A_270 : i32 to index
      %get3A_273 = arith.constant 96 : index
      %get3A_274 = tpu.vector_load %arg7[%get3A_271, %get3A_272, %get3A_273] {strides = array<i32>} : memref<3x1x128xi32, #tpu.memory_space<vmem>>, vector<1x1x16xi32>,
      %get3A_275 = vector.shape_cast %get3A_274 : vector<1x1x16xi32> to vector<16xi32>
      %sub3A_276 = vector.broadcast %mul3A_0 : i32 to vector<16xi32>
      %sub3A_277 = arith.subi %get3A_275, %sub3A_276 : vector<16xi32>
      %ge3A_278 = arith.constant 0 : i32
      %ge3A_279 = vector.broadcast %ge3A_278 : i32 to vector<16xi32>
      %ge3A_280 = arith.cmpi sge, %sub3A_277, %ge3A_279 : vector<16xi32>
      %lt3A_281 = arith.constant 5120 : i32
      %lt3A_282 = vector.broadcast %lt3A_281 : i32 to vector<16xi32>
      %lt3A_283 = arith.cmpi slt, %sub3A_277, %lt3A_282 : vector<16xi32>
      %and3A_284 = arith.andi %ge3A_280, %lt3A_283 : vector<16xi1>
      %jit3A_285 = arith.constant 5120 : i32
      %broadcast_in_dim3A_286 = vector.broadcast %jit3A_285 : i32 to vector<16xi32>
      %select_n3A_287 = arith.select %and3A_284, %sub3A_277, %broadcast_in_dim3A_286 : vector<16xi1>, vector<16xi32>
      %swap3A_288 = arith.index_cast %rem3A_113 : i32 to index
      %swap3A_289 = arith.constant 96 : index
      %swap3A_290 = tpu.vector_load %arg8[%swap3A_288, %swap3A_289] {strides = array<i32>} : memref<3x128xi32, #tpu.memory_space<vmem>>, vector<1x16xi32>,
      %swap3A_291 = vector.shape_cast %swap3A_290 : vector<1x16xi32> to vector<16xi32>
      %swap3A_292 = vector.shape_cast %select_n3A_287 : vector<16xi32> to vector<1x16xi32>
      tpu.vector_store %arg8[%swap3A_288, %swap3A_289], %swap3A_292 {strides = array<i32>} : memref<3x128xi32, #tpu.memory_space<vmem>>, vector<1x16xi32>,
      %get3A_293 = arith.constant 0 : i32
      %get3A_294 = arith.index_cast %rem3A_113 : i32 to index
      %get3A_295 = arith.index_cast %get3A_293 : i32 to index
      %get3A_296 = arith.constant 112 : index
      %get3A_297 = tpu.vector_load %arg7[%get3A_294, %get3A_295, %get3A_296] {strides = array<i32>} : memref<3x1x128xi32, #tpu.memory_space<vmem>>, vector<1x1x16xi32>,
      %get3A_298 = vector.shape_cast %get3A_297 : vector<1x1x16xi32> to vector<16xi32>
      %sub3A_299 = vector.broadcast %mul3A_0 : i32 to vector<16xi32>
      %sub3A_300 = arith.subi %get3A_298, %sub3A_299 : vector<16xi32>
      %ge3A_301 = arith.constant 0 : i32
      %ge3A_302 = vector.broadcast %ge3A_301 : i32 to vector<16xi32>
      %ge3A_303 = arith.cmpi sge, %sub3A_300, %ge3A_302 : vector<16xi32>
      %lt3A_304 = arith.constant 5120 : i32
      %lt3A_305 = vector.broadcast %lt3A_304 : i32 to vector<16xi32>
      %lt3A_306 = arith.cmpi slt, %sub3A_300, %lt3A_305 : vector<16xi32>
      %and3A_307 = arith.andi %ge3A_303, %lt3A_306 : vector<16xi1>
      %jit3A_308 = arith.constant 5120 : i32
      %broadcast_in_dim3A_309 = vector.broadcast %jit3A_308 : i32 to vector<16xi32>
      %select_n3A_310 = arith.select %and3A_307, %sub3A_300, %broadcast_in_dim3A_309 : vector<16xi1>, vector<16xi32>
      %swap3A_311 = arith.index_cast %rem3A_113 : i32 to index
      %swap3A_312 = arith.constant 112 : index
      %swap3A_313 = tpu.vector_load %arg8[%swap3A_311, %swap3A_312] {strides = array<i32>} : memref<3x128xi32, #tpu.memory_space<vmem>>, vector<1x16xi32>,
      %swap3A_314 = vector.shape_cast %swap3A_313 : vector<1x16xi32> to vector<16xi32>
      %swap3A_315 = vector.shape_cast %select_n3A_310 : vector<16xi32> to vector<1x16xi32>
      tpu.vector_store %arg8[%swap3A_311, %swap3A_312], %swap3A_315 {strides = array<i32>} : memref<3x128xi32, #tpu.memory_space<vmem>>, vector<1x16xi32>,
      %dma_start3A_316 = arith.constant 0 : i32
      %dma_start3A_317 = arith.constant 0 : i32
      %dma_start3A_318 = tpu.memref_slice %arg9[%rem3A_113, %dma_start3A_316, %dma_start3A_317] : memref<3x128x128xf32, #tpu.memory_space<vmem>> -> memref<1x128x128xf32, #tpu.memory_space<vmem>>
      %dma_start3A_319 = tpu.memref_squeeze %dma_start3A_318 : memref<1x128x128xf32, #tpu.memory_space<vmem>> -> memref<128x128xf32, #tpu.memory_space<vmem>>
      %dma_start3A_320 = arith.constant 0 : i32
      %dma_start3A_321 = tpu.memref_slice %arg8[%rem3A_113, %dma_start3A_320] : memref<3x128xi32, #tpu.memory_space<vmem>> -> memref<1x128xi32, #tpu.memory_space<vmem>>
      %dma_start3A_322 = tpu.memref_squeeze %dma_start3A_321 : memref<1x128xi32, #tpu.memory_space<vmem>> -> memref<128xi32, #tpu.memory_space<vmem>>
      %dma_start3A_323 = arith.constant 0 : i32
      %dma_start3A_324 = arith.constant 0 : i32
      %dma_start3A_325 = tpu.memref_slice %arg10[%dma_start3A_323, %dma_start3A_324] : memref<5248x128xf32, #tpu.memory_space<vmem_shared>> -> memref<5248x128xf32, #tpu.memory_space<vmem_shared>>
      tpu.enqueue_indirect_dma source(%dma_start3A_319 : memref<128x128xf32, #tpu.memory_space<vmem>>) target(%dma_start3A_325 : memref<5248x128xf32, #tpu.memory_space<vmem_shared>>) offsets(%dma_start3A_322 : memref<128xi32, #tpu.memory_space<vmem>>) semaphore(%arg13 : memref<!tpu.dma_semaphore, #tpu.memory_space<semaphore_mem>>) {add = true}
      %add3A_326 = arith.constant 3 : i32
      %add3A_327 = arith.addi %scan3A_111, %add3A_326 : i32
      %sub3A_328 = arith.constant 1 : i32
      %sub3A_329 = arith.subi %add3A_327, %sub3A_328 : i32
      %rem3A_330 = arith.constant 3 : i32
      %rem3A_331 = arith.remsi %sub3A_329, %rem3A_330 : i32
      %ge3A_332 = arith.constant 1 : i32
      %ge3A_333 = arith.cmpi sge, %scan3A_111, %ge3A_332 : i32
      %convert_element_type3A = arith.extui %ge3A_333 : i1 to i32
      %cond3A = arith.constant 0 : i32
      %cond3A_334 = arith.cmpi ne, %convert_element_type3A, %cond3A : i32
      scf.if %cond3A_334 {
        %dma_wait3A_344 = arith.constant 0 : i32
        %dma_wait3A_345 = arith.constant 0 : i32
        %dma_wait3A_346 = tpu.memref_slice %arg9[%rem3A_331, %dma_wait3A_344, %dma_wait3A_345] : memref<3x128x128xf32, #tpu.memory_space<vmem>> -> memref<1x128x128xf32, #tpu.memory_space<vmem>>
        %dma_wait3A_347 = tpu.memref_squeeze %dma_wait3A_346 : memref<1x128x128xf32, #tpu.memory_space<vmem>> -> memref<128x128xf32, #tpu.memory_space<vmem>>
        %dma_wait3A_348 = arith.constant 0 : i32
        %dma_wait3A_349 = tpu.memref_slice %arg8[%rem3A_331, %dma_wait3A_348] : memref<3x128xi32, #tpu.memory_space<vmem>> -> memref<1x128xi32, #tpu.memory_space<vmem>>
        %dma_wait3A_350 = tpu.memref_squeeze %dma_wait3A_349 : memref<1x128xi32, #tpu.memory_space<vmem>> -> memref<128xi32, #tpu.memory_space<vmem>>
        %dma_wait3A_351 = arith.constant 0 : i32
        %dma_wait3A_352 = arith.constant 0 : i32
        %dma_wait3A_353 = tpu.memref_slice %arg10[%dma_wait3A_351, %dma_wait3A_352] : memref<5248x128xf32, #tpu.memory_space<vmem_shared>> -> memref<5248x128xf32, #tpu.memory_space<vmem_shared>>
        tpu.wait_indirect_dma semaphore(%arg13 : memref<!tpu.dma_semaphore, #tpu.memory_space<semaphore_mem>>) src(%dma_wait3A_347 : memref<128x128xf32, #tpu.memory_space<vmem>>) dst(%dma_wait3A_353 : memref<5248x128xf32, #tpu.memory_space<vmem_shared>>)
      } else {
      }
      %add3A_335 = arith.constant 3 : i32
      %add3A_336 = arith.addi %scan3A_111, %add3A_335 : i32
      %sub3A_337 = arith.constant 1 : i32
      %sub3A_338 = arith.subi %add3A_336, %sub3A_337 : i32
      %lt3A_339 = arith.constant 158 : i32
      %lt3A_340 = arith.cmpi slt, %sub3A_338, %lt3A_339 : i32
      %convert_element_type3A_341 = arith.extui %lt3A_340 : i1 to i32
      %cond3A_342 = arith.constant 0 : i32
      %cond3A_343 = arith.cmpi ne, %convert_element_type3A_341, %cond3A_342 : i32
      scf.if %cond3A_343 {
        %add3A_344 = arith.constant 3 : i32
        %add3A_345 = arith.addi %scan3A_111, %add3A_344 : i32
        %sub3A_346 = arith.constant 1 : i32
        %sub3A_347 = arith.subi %add3A_345, %sub3A_346 : i32
        %dma_start3A_348 = arith.constant 0 : i32
        %dma_start3A_349 = arith.constant 0 : i32
        %dma_start3A_350 = tpu.memref_slice %arg7[%rem3A_331, %dma_start3A_348, %dma_start3A_349] : memref<3x1x128xi32, #tpu.memory_space<vmem>> -> memref<1x1x128xi32, #tpu.memory_space<vmem>>
        %dma_start3A_351 = tpu.memref_squeeze %dma_start3A_350 : memref<1x1x128xi32, #tpu.memory_space<vmem>> -> memref<1x128xi32, #tpu.memory_space<vmem>>
        %dma_start3A_352 = arith.constant 0 : i32
        %dma_start3A_353 = arith.constant 0 : i32
        %dma_start3A_354 = tpu.memref_slice %arg4[%arg1, %sub3A_347, %dma_start3A_352, %dma_start3A_353] : memref<16x158x1x128xi32, #tpu.memory_space<hbm>> -> memref<1x1x1x128xi32, #tpu.memory_space<hbm>>
        %dma_start3A_355 = tpu.memref_squeeze %dma_start3A_354 : memref<1x1x1x128xi32, #tpu.memory_space<hbm>> -> memref<1x128xi32, #tpu.memory_space<hbm>>
        %dma_start3A_356 = arith.constant 0 : i32
        %dma_start3A_357 = arith.constant 0 : i32
        %dma_start3A_358 = tpu.memref_slice %arg7[%rem3A_331, %dma_start3A_356, %dma_start3A_357] : memref<3x1x128xi32, #tpu.memory_space<vmem>> -> memref<1x1x128xi32, #tpu.memory_space<vmem>>
        %dma_start3A_359 = tpu.memref_squeeze %dma_start3A_358 : memref<1x1x128xi32, #tpu.memory_space<vmem>> -> memref<1x128xi32, #tpu.memory_space<vmem>>
        %dma_start3A_360 = arith.constant 0 : i32
        %dma_start3A_361 = arith.constant 0 : i32
        %dma_start3A_362 = tpu.memref_slice %arg4[%arg1, %sub3A_347, %dma_start3A_360, %dma_start3A_361] : memref<16x158x1x128xi32, #tpu.memory_space<hbm>> -> memref<1x1x1x128xi32, #tpu.memory_space<hbm>>
        %dma_start3A_363 = tpu.memref_squeeze %dma_start3A_362 : memref<1x1x1x128xi32, #tpu.memory_space<hbm>> -> memref<1x128xi32, #tpu.memory_space<hbm>>
        tpu.enqueue_dma source(%dma_start3A_363 : memref<1x128xi32, #tpu.memory_space<hbm>>) target(%dma_start3A_359 : memref<1x128xi32, #tpu.memory_space<vmem>>) target_semaphore(%arg12 : memref<!tpu.dma_semaphore, #tpu.memory_space<semaphore_mem>>)
        %add3A_364 = arith.constant 3 : i32
        %add3A_365 = arith.addi %scan3A_111, %add3A_364 : i32
        %sub3A_366 = arith.constant 1 : i32
        %sub3A_367 = arith.subi %add3A_365, %sub3A_366 : i32
        %dma_start3A_368 = arith.constant 0 : i32
        %dma_start3A_369 = arith.constant 0 : i32
        %dma_start3A_370 = tpu.memref_slice %arg9[%rem3A_331, %dma_start3A_368, %dma_start3A_369] : memref<3x128x128xf32, #tpu.memory_space<vmem>> -> memref<1x128x128xf32, #tpu.memory_space<vmem>>
        %dma_start3A_371 = tpu.memref_squeeze %dma_start3A_370 : memref<1x128x128xf32, #tpu.memory_space<vmem>> -> memref<128x128xf32, #tpu.memory_space<vmem>>
        %dma_start3A_372 = arith.constant 0 : i32
        %dma_start3A_373 = tpu.memref_slice %arg6[%sub3A_367, %dma_start3A_372] : memref<158x128xi32, #tpu.memory_space<vmem>> -> memref<1x128xi32, #tpu.memory_space<vmem>>
        %dma_start3A_374 = tpu.memref_squeeze %dma_start3A_373 : memref<1x128xi32, #tpu.memory_space<vmem>> -> memref<128xi32, #tpu.memory_space<vmem>>
        %dma_start3A_375 = arith.constant 0 : i32
        %dma_start3A_376 = arith.constant 0 : i32
        %dma_start3A_377 = tpu.memref_slice %arg2[%dma_start3A_375, %dma_start3A_376] : memref<10240x128xf32, #tpu.memory_space<hbm>> -> memref<10240x128xf32, #tpu.memory_space<hbm>>
        tpu.enqueue_indirect_dma source(%dma_start3A_377 : memref<10240x128xf32, #tpu.memory_space<hbm>>) target(%dma_start3A_371 : memref<128x128xf32, #tpu.memory_space<vmem>>) offsets(%dma_start3A_374 : memref<128xi32, #tpu.memory_space<vmem>>) semaphore(%arg11 : memref<!tpu.dma_semaphore, #tpu.memory_space<semaphore_mem>>)
      } else {
      }
    }
    %scan3A_80 = arith.constant 158 : i32
    %rem3A = arith.constant 157 : i32
    %rem3A_81 = arith.constant 3 : i32
    %rem3A_82 = arith.remsi %rem3A, %rem3A_81 : i32
    %dma_wait3A = arith.constant 0 : i32
    %dma_wait3A_83 = arith.constant 0 : i32
    %dma_wait3A_84 = tpu.memref_slice %arg9[%rem3A_82, %dma_wait3A, %dma_wait3A_83] : memref<3x128x128xf32, #tpu.memory_space<vmem>> -> memref<1x128x128xf32, #tpu.memory_space<vmem>>
    %dma_wait3A_85 = tpu.memref_squeeze %dma_wait3A_84 : memref<1x128x128xf32, #tpu.memory_space<vmem>> -> memref<128x128xf32, #tpu.memory_space<vmem>>
    %dma_wait3A_86 = arith.constant 0 : i32
    %dma_wait3A_87 = tpu.memref_slice %arg8[%rem3A_82, %dma_wait3A_86] : memref<3x128xi32, #tpu.memory_space<vmem>> -> memref<1x128xi32, #tpu.memory_space<vmem>>
    %dma_wait3A_88 = tpu.memref_squeeze %dma_wait3A_87 : memref<1x128xi32, #tpu.memory_space<vmem>> -> memref<128xi32, #tpu.memory_space<vmem>>
    %dma_wait3A_89 = arith.constant 0 : i32
    %dma_wait3A_90 = arith.constant 0 : i32
    %dma_wait3A_91 = tpu.memref_slice %arg10[%dma_wait3A_89, %dma_wait3A_90] : memref<5248x128xf32, #tpu.memory_space<vmem_shared>> -> memref<5248x128xf32, #tpu.memory_space<vmem_shared>>
    tpu.wait_indirect_dma semaphore(%arg13 : memref<!tpu.dma_semaphore, #tpu.memory_space<semaphore_mem>>) src(%dma_wait3A_85 : memref<128x128xf32, #tpu.memory_space<vmem>>) dst(%dma_wait3A_91 : memref<5248x128xf32, #tpu.memory_space<vmem_shared>>)
    %barrier3A_92 = arith.constant 0 : index
    tpu.barrier barrier_id(%barrier3A_92)
    %add3A_93 = arith.constant 0 : i32
    %add3A_94 = arith.addi %mul3A_8, %add3A_93 : i32
    %run_scoped3A_95 = arith.constant 0 : i32
    "tpu.region"() ({
      %run_scoped3A_111 = tpu.sem_alloc : memref<!tpu.dma_semaphore, #tpu.memory_space<semaphore_mem>>
      %dma_start3A_112 = arith.constant 0 : i32
      %dma_start3A_113 = arith.constant 0 : i32
      %dma_start3A_114 = tpu.memref_slice %arg9[%run_scoped3A_95, %dma_start3A_112, %dma_start3A_113] : memref<3x128x128xf32, #tpu.memory_space<vmem>> -> memref<1x128x128xf32, #tpu.memory_space<vmem>>
      %dma_start3A_115 = tpu.memref_squeeze %dma_start3A_114 : memref<1x128x128xf32, #tpu.memory_space<vmem>> -> memref<128x128xf32, #tpu.memory_space<vmem>>
      %dma_start3A_116 = arith.constant 0 : i32
      %dma_start3A_117 = tpu.memref_slice %arg10[%add3A_94, %dma_start3A_116] : memref<5248x128xf32, #tpu.memory_space<vmem_shared>> -> memref<128x128xf32, #tpu.memory_space<vmem_shared>>
      %dma_start3A_118 = arith.constant 0 : i32
      %dma_start3A_119 = arith.constant 0 : i32
      %dma_start3A_120 = tpu.memref_slice %arg9[%run_scoped3A_95, %dma_start3A_118, %dma_start3A_119] : memref<3x128x128xf32, #tpu.memory_space<vmem>> -> memref<1x128x128xf32, #tpu.memory_space<vmem>>
      %dma_start3A_121 = tpu.memref_squeeze %dma_start3A_120 : memref<1x128x128xf32, #tpu.memory_space<vmem>> -> memref<128x128xf32, #tpu.memory_space<vmem>>
      %dma_start3A_122 = arith.constant 0 : i32
      %dma_start3A_123 = tpu.memref_slice %arg10[%add3A_94, %dma_start3A_122] : memref<5248x128xf32, #tpu.memory_space<vmem_shared>> -> memref<128x128xf32, #tpu.memory_space<vmem_shared>>
      tpu.enqueue_dma source(%dma_start3A_123 : memref<128x128xf32, #tpu.memory_space<vmem_shared>>) target(%dma_start3A_121 : memref<128x128xf32, #tpu.memory_space<vmem>>) target_semaphore(%run_scoped3A_111 : memref<!tpu.dma_semaphore, #tpu.memory_space<semaphore_mem>>)
      %dma_wait3A_124 = arith.constant 0 : i32
      %dma_wait3A_125 = arith.constant 0 : i32
      %dma_wait3A_126 = tpu.memref_slice %arg9[%run_scoped3A_95, %dma_wait3A_124, %dma_wait3A_125] : memref<3x128x128xf32, #tpu.memory_space<vmem>> -> memref<1x128x128xf32, #tpu.memory_space<vmem>>
      %dma_wait3A_127 = tpu.memref_squeeze %dma_wait3A_126 : memref<1x128x128xf32, #tpu.memory_space<vmem>> -> memref<128x128xf32, #tpu.memory_space<vmem>>
      %dma_wait3A_128 = arith.constant 0 : i32
      %dma_wait3A_129 = tpu.memref_slice %arg10[%add3A_94, %dma_wait3A_128] : memref<5248x128xf32, #tpu.memory_space<vmem_shared>> -> memref<128x128xf32, #tpu.memory_space<vmem_shared>>
      %dma_wait3A_130 = arith.constant 0 : i32
      %dma_wait3A_131 = arith.constant 0 : i32
      %dma_wait3A_132 = tpu.memref_slice %arg9[%run_scoped3A_95, %dma_wait3A_130, %dma_wait3A_131] : memref<3x128x128xf32, #tpu.memory_space<vmem>> -> memref<1x128x128xf32, #tpu.memory_space<vmem>>
      %dma_wait3A_133 = tpu.memref_squeeze %dma_wait3A_132 : memref<1x128x128xf32, #tpu.memory_space<vmem>> -> memref<128x128xf32, #tpu.memory_space<vmem>>
      %dma_wait3A_134 = arith.constant 0 : i32
      %dma_wait3A_135 = tpu.memref_slice %arg10[%add3A_94, %dma_wait3A_134] : memref<5248x128xf32, #tpu.memory_space<vmem_shared>> -> memref<128x128xf32, #tpu.memory_space<vmem_shared>>
      tpu.wait_dma2 semaphore(%run_scoped3A_111 : memref<!tpu.dma_semaphore, #tpu.memory_space<semaphore_mem>>) src(%dma_wait3A_135 : memref<128x128xf32, #tpu.memory_space<vmem_shared>>) dst(%dma_wait3A_133 : memref<128x128xf32, #tpu.memory_space<vmem>>)
      tpu.yield
    }) : () -> ()
    %add3A_96 = arith.constant 0 : i32
    %add3A_97 = arith.addi %mul3A_8, %add3A_96 : i32
    %run_scoped3A_98 = arith.constant 0 : i32
    "tpu.region"() ({
      %run_scoped3A_111 = tpu.sem_alloc : memref<!tpu.dma_semaphore, #tpu.memory_space<semaphore_mem>>
      %dma_start3A_112 = arith.constant 0 : i32
      %dma_start3A_113 = arith.constant 0 : i32
      %dma_start3A_114 = tpu.memref_slice %arg9[%run_scoped3A_98, %dma_start3A_112, %dma_start3A_113] : memref<3x128x128xf32, #tpu.memory_space<vmem>> -> memref<1x128x128xf32, #tpu.memory_space<vmem>>
      %dma_start3A_115 = tpu.memref_squeeze %dma_start3A_114 : memref<1x128x128xf32, #tpu.memory_space<vmem>> -> memref<128x128xf32, #tpu.memory_space<vmem>>
      %dma_start3A_116 = arith.constant 0 : i32
      %dma_start3A_117 = tpu.memref_slice %arg5[%arg0, %add3A_97, %dma_start3A_116] : memref<2x5248x128xf32, #tpu.memory_space<hbm>> -> memref<1x128x128xf32, #tpu.memory_space<hbm>>
      %dma_start3A_118 = tpu.memref_squeeze %dma_start3A_117 : memref<1x128x128xf32, #tpu.memory_space<hbm>> -> memref<128x128xf32, #tpu.memory_space<hbm>>
      %dma_start3A_119 = arith.constant 0 : i32
      %dma_start3A_120 = tpu.memref_slice %arg5[%arg0, %add3A_97, %dma_start3A_119] : memref<2x5248x128xf32, #tpu.memory_space<hbm>> -> memref<1x128x128xf32, #tpu.memory_space<hbm>>
      %dma_start3A_121 = tpu.memref_squeeze %dma_start3A_120 : memref<1x128x128xf32, #tpu.memory_space<hbm>> -> memref<128x128xf32, #tpu.memory_space<hbm>>
      %dma_start3A_122 = arith.constant 0 : i32
      %dma_start3A_123 = arith.constant 0 : i32
      %dma_start3A_124 = tpu.memref_slice %arg9[%run_scoped3A_98, %dma_start3A_122, %dma_start3A_123] : memref<3x128x128xf32, #tpu.memory_space<vmem>> -> memref<1x128x128xf32, #tpu.memory_space<vmem>>
      %dma_start3A_125 = tpu.memref_squeeze %dma_start3A_124 : memref<1x128x128xf32, #tpu.memory_space<vmem>> -> memref<128x128xf32, #tpu.memory_space<vmem>>
      tpu.enqueue_dma source(%dma_start3A_125 : memref<128x128xf32, #tpu.memory_space<vmem>>) target(%dma_start3A_121 : memref<128x128xf32, #tpu.memory_space<hbm>>) target_semaphore(%run_scoped3A_111 : memref<!tpu.dma_semaphore, #tpu.memory_space<semaphore_mem>>)
      %dma_wait3A_126 = arith.constant 0 : i32
      %dma_wait3A_127 = arith.constant 0 : i32
      %dma_wait3A_128 = tpu.memref_slice %arg9[%run_scoped3A_98, %dma_wait3A_126, %dma_wait3A_127] : memref<3x128x128xf32, #tpu.memory_space<vmem>> -> memref<1x128x128xf32, #tpu.memory_space<vmem>>
      %dma_wait3A_129 = tpu.memref_squeeze %dma_wait3A_128 : memref<1x128x128xf32, #tpu.memory_space<vmem>> -> memref<128x128xf32, #tpu.memory_space<vmem>>
      %dma_wait3A_130 = arith.constant 0 : i32
      %dma_wait3A_131 = tpu.memref_slice %arg5[%arg0, %add3A_97, %dma_wait3A_130] : memref<2x5248x128xf32, #tpu.memory_space<hbm>> -> memref<1x128x128xf32, #tpu.memory_space<hbm>>
      %dma_wait3A_132 = tpu.memref_squeeze %dma_wait3A_131 : memref<1x128x128xf32, #tpu.memory_space<hbm>> -> memref<128x128xf32, #tpu.memory_space<hbm>>
      %dma_wait3A_133 = arith.constant 0 : i32
      %dma_wait3A_134 = tpu.memref_slice %arg5[%arg0, %add3A_97, %dma_wait3A_133] : memref<2x5248x128xf32, #tpu.memory_space<hbm>> -> memref<1x128x128xf32, #tpu.memory_space<hbm>>
      %dma_wait3A_135 = tpu.memref_squeeze %dma_wait3A_134 : memref<1x128x128xf32, #tpu.memory_space<hbm>> -> memref<128x128xf32, #tpu.memory_space<hbm>>
      %dma_wait3A_136 = arith.constant 0 : i32
      %dma_wait3A_137 = arith.constant 0 : i32
      %dma_wait3A_138 = tpu.memref_slice %arg9[%run_scoped3A_98, %dma_wait3A_136, %dma_wait3A_137] : memref<3x128x128xf32, #tpu.memory_space<vmem>> -> memref<1x128x128xf32, #tpu.memory_space<vmem>>
      %dma_wait3A_139 = tpu.memref_squeeze %dma_wait3A_138 : memref<1x128x128xf32, #tpu.memory_space<vmem>> -> memref<128x128xf32, #tpu.memory_space<vmem>>
      tpu.wait_dma2 semaphore(%run_scoped3A_111 : memref<!tpu.dma_semaphore, #tpu.memory_space<semaphore_mem>>) src(%dma_wait3A_139 : memref<128x128xf32, #tpu.memory_space<vmem>>) dst(%dma_wait3A_135 : memref<128x128xf32, #tpu.memory_space<hbm>>)
      tpu.yield
    }) : () -> ()
    %add3A_99 = arith.constant 128 : i32
    %add3A_100 = arith.addi %mul3A_8, %add3A_99 : i32
    %run_scoped3A_101 = arith.constant 0 : i32
    "tpu.region"() ({
      %run_scoped3A_111 = tpu.sem_alloc : memref<!tpu.dma_semaphore, #tpu.memory_space<semaphore_mem>>
      %dma_start3A_112 = arith.constant 0 : i32
      %dma_start3A_113 = arith.constant 0 : i32
      %dma_start3A_114 = tpu.memref_slice %arg9[%run_scoped3A_101, %dma_start3A_112, %dma_start3A_113] : memref<3x128x128xf32, #tpu.memory_space<vmem>> -> memref<1x128x128xf32, #tpu.memory_space<vmem>>
      %dma_start3A_115 = tpu.memref_squeeze %dma_start3A_114 : memref<1x128x128xf32, #tpu.memory_space<vmem>> -> memref<128x128xf32, #tpu.memory_space<vmem>>
      %dma_start3A_116 = arith.constant 0 : i32
      %dma_start3A_117 = tpu.memref_slice %arg10[%add3A_100, %dma_start3A_116] : memref<5248x128xf32, #tpu.memory_space<vmem_shared>> -> memref<128x128xf32, #tpu.memory_space<vmem_shared>>
      %dma_start3A_118 = arith.constant 0 : i32
      %dma_start3A_119 = arith.constant 0 : i32
      %dma_start3A_120 = tpu.memref_slice %arg9[%run_scoped3A_101, %dma_start3A_118, %dma_start3A_119] : memref<3x128x128xf32, #tpu.memory_space<vmem>> -> memref<1x128x128xf32, #tpu.memory_space<vmem>>
      %dma_start3A_121 = tpu.memref_squeeze %dma_start3A_120 : memref<1x128x128xf32, #tpu.memory_space<vmem>> -> memref<128x128xf32, #tpu.memory_space<vmem>>
      %dma_start3A_122 = arith.constant 0 : i32
      %dma_start3A_123 = tpu.memref_slice %arg10[%add3A_100, %dma_start3A_122] : memref<5248x128xf32, #tpu.memory_space<vmem_shared>> -> memref<128x128xf32, #tpu.memory_space<vmem_shared>>
      tpu.enqueue_dma source(%dma_start3A_123 : memref<128x128xf32, #tpu.memory_space<vmem_shared>>) target(%dma_start3A_121 : memref<128x128xf32, #tpu.memory_space<vmem>>) target_semaphore(%run_scoped3A_111 : memref<!tpu.dma_semaphore, #tpu.memory_space<semaphore_mem>>)
      %dma_wait3A_124 = arith.constant 0 : i32
      %dma_wait3A_125 = arith.constant 0 : i32
      %dma_wait3A_126 = tpu.memref_slice %arg9[%run_scoped3A_101, %dma_wait3A_124, %dma_wait3A_125] : memref<3x128x128xf32, #tpu.memory_space<vmem>> -> memref<1x128x128xf32, #tpu.memory_space<vmem>>
      %dma_wait3A_127 = tpu.memref_squeeze %dma_wait3A_126 : memref<1x128x128xf32, #tpu.memory_space<vmem>> -> memref<128x128xf32, #tpu.memory_space<vmem>>
      %dma_wait3A_128 = arith.constant 0 : i32
      %dma_wait3A_129 = tpu.memref_slice %arg10[%add3A_100, %dma_wait3A_128] : memref<5248x128xf32, #tpu.memory_space<vmem_shared>> -> memref<128x128xf32, #tpu.memory_space<vmem_shared>>
      %dma_wait3A_130 = arith.constant 0 : i32
      %dma_wait3A_131 = arith.constant 0 : i32
      %dma_wait3A_132 = tpu.memref_slice %arg9[%run_scoped3A_101, %dma_wait3A_130, %dma_wait3A_131] : memref<3x128x128xf32, #tpu.memory_space<vmem>> -> memref<1x128x128xf32, #tpu.memory_space<vmem>>
      %dma_wait3A_133 = tpu.memref_squeeze %dma_wait3A_132 : memref<1x128x128xf32, #tpu.memory_space<vmem>> -> memref<128x128xf32, #tpu.memory_space<vmem>>
      %dma_wait3A_134 = arith.constant 0 : i32
      %dma_wait3A_135 = tpu.memref_slice %arg10[%add3A_100, %dma_wait3A_134] : memref<5248x128xf32, #tpu.memory_space<vmem_shared>> -> memref<128x128xf32, #tpu.memory_space<vmem_shared>>
      tpu.wait_dma2 semaphore(%run_scoped3A_111 : memref<!tpu.dma_semaphore, #tpu.memory_space<semaphore_mem>>) src(%dma_wait3A_135 : memref<128x128xf32, #tpu.memory_space<vmem_shared>>) dst(%dma_wait3A_133 : memref<128x128xf32, #tpu.memory_space<vmem>>)
      tpu.yield
    }) : () -> ()
    %add3A_102 = arith.constant 128 : i32
    %add3A_103 = arith.addi %mul3A_8, %add3A_102 : i32
    %run_scoped3A_104 = arith.constant 0 : i32
    "tpu.region"() ({
      %run_scoped3A_111 = tpu.sem_alloc : memref<!tpu.dma_semaphore, #tpu.memory_space<semaphore_mem>>
      %dma_start3A_112 = arith.constant 0 : i32
      %dma_start3A_113 = arith.constant 0 : i32
      %dma_start3A_114 = tpu.memref_slice %arg9[%run_scoped3A_104, %dma_start3A_112, %dma_start3A_113] : memref<3x128x128xf32, #tpu.memory_space<vmem>> -> memref<1x128x128xf32, #tpu.memory_space<vmem>>
      %dma_start3A_115 = tpu.memref_squeeze %dma_start3A_114 : memref<1x128x128xf32, #tpu.memory_space<vmem>> -> memref<128x128xf32, #tpu.memory_space<vmem>>
      %dma_start3A_116 = arith.constant 0 : i32
      %dma_start3A_117 = tpu.memref_slice %arg5[%arg0, %add3A_103, %dma_start3A_116] : memref<2x5248x128xf32, #tpu.memory_space<hbm>> -> memref<1x128x128xf32, #tpu.memory_space<hbm>>
      %dma_start3A_118 = tpu.memref_squeeze %dma_start3A_117 : memref<1x128x128xf32, #tpu.memory_space<hbm>> -> memref<128x128xf32, #tpu.memory_space<hbm>>
      %dma_start3A_119 = arith.constant 0 : i32
      %dma_start3A_120 = tpu.memref_slice %arg5[%arg0, %add3A_103, %dma_start3A_119] : memref<2x5248x128xf32, #tpu.memory_space<hbm>> -> memref<1x128x128xf32, #tpu.memory_space<hbm>>
      %dma_start3A_121 = tpu.memref_squeeze %dma_start3A_120 : memref<1x128x128xf32, #tpu.memory_space<hbm>> -> memref<128x128xf32, #tpu.memory_space<hbm>>
      %dma_start3A_122 = arith.constant 0 : i32
      %dma_start3A_123 = arith.constant 0 : i32
      %dma_start3A_124 = tpu.memref_slice %arg9[%run_scoped3A_104, %dma_start3A_122, %dma_start3A_123] : memref<3x128x128xf32, #tpu.memory_space<vmem>> -> memref<1x128x128xf32, #tpu.memory_space<vmem>>
      %dma_start3A_125 = tpu.memref_squeeze %dma_start3A_124 : memref<1x128x128xf32, #tpu.memory_space<vmem>> -> memref<128x128xf32, #tpu.memory_space<vmem>>
      tpu.enqueue_dma source(%dma_start3A_125 : memref<128x128xf32, #tpu.memory_space<vmem>>) target(%dma_start3A_121 : memref<128x128xf32, #tpu.memory_space<hbm>>) target_semaphore(%run_scoped3A_111 : memref<!tpu.dma_semaphore, #tpu.memory_space<semaphore_mem>>)
      %dma_wait3A_126 = arith.constant 0 : i32
      %dma_wait3A_127 = arith.constant 0 : i32
      %dma_wait3A_128 = tpu.memref_slice %arg9[%run_scoped3A_104, %dma_wait3A_126, %dma_wait3A_127] : memref<3x128x128xf32, #tpu.memory_space<vmem>> -> memref<1x128x128xf32, #tpu.memory_space<vmem>>
      %dma_wait3A_129 = tpu.memref_squeeze %dma_wait3A_128 : memref<1x128x128xf32, #tpu.memory_space<vmem>> -> memref<128x128xf32, #tpu.memory_space<vmem>>
      %dma_wait3A_130 = arith.constant 0 : i32
      %dma_wait3A_131 = tpu.memref_slice %arg5[%arg0, %add3A_103, %dma_wait3A_130] : memref<2x5248x128xf32, #tpu.memory_space<hbm>> -> memref<1x128x128xf32, #tpu.memory_space<hbm>>
      %dma_wait3A_132 = tpu.memref_squeeze %dma_wait3A_131 : memref<1x128x128xf32, #tpu.memory_space<hbm>> -> memref<128x128xf32, #tpu.memory_space<hbm>>
      %dma_wait3A_133 = arith.constant 0 : i32
      %dma_wait3A_134 = tpu.memref_slice %arg5[%arg0, %add3A_103, %dma_wait3A_133] : memref<2x5248x128xf32, #tpu.memory_space<hbm>> -> memref<1x128x128xf32, #tpu.memory_space<hbm>>
      %dma_wait3A_135 = tpu.memref_squeeze %dma_wait3A_134 : memref<1x128x128xf32, #tpu.memory_space<hbm>> -> memref<128x128xf32, #tpu.memory_space<hbm>>
      %dma_wait3A_136 = arith.constant 0 : i32
      %dma_wait3A_137 = arith.constant 0 : i32
      %dma_wait3A_138 = tpu.memref_slice %arg9[%run_scoped3A_104, %dma_wait3A_136, %dma_wait3A_137] : memref<3x128x128xf32, #tpu.memory_space<vmem>> -> memref<1x128x128xf32, #tpu.memory_space<vmem>>
      %dma_wait3A_139 = tpu.memref_squeeze %dma_wait3A_138 : memref<1x128x128xf32, #tpu.memory_space<vmem>> -> memref<128x128xf32, #tpu.memory_space<vmem>>
      tpu.wait_dma2 semaphore(%run_scoped3A_111 : memref<!tpu.dma_semaphore, #tpu.memory_space<semaphore_mem>>) src(%dma_wait3A_139 : memref<128x128xf32, #tpu.memory_space<vmem>>) dst(%dma_wait3A_135 : memref<128x128xf32, #tpu.memory_space<hbm>>)
      tpu.yield
    }) : () -> ()
    %add3A_105 = arith.constant 256 : i32
    %add3A_106 = arith.addi %mul3A_8, %add3A_105 : i32
    %run_scoped3A_107 = arith.constant 0 : i32
    "tpu.region"() ({
      %run_scoped3A_111 = tpu.sem_alloc : memref<!tpu.dma_semaphore, #tpu.memory_space<semaphore_mem>>
      %dma_start3A_112 = arith.constant 0 : i32
      %dma_start3A_113 = arith.constant 0 : i32
      %dma_start3A_114 = tpu.memref_slice %arg9[%run_scoped3A_107, %dma_start3A_112, %dma_start3A_113] : memref<3x128x128xf32, #tpu.memory_space<vmem>> -> memref<1x72x128xf32, #tpu.memory_space<vmem>>
      %dma_start3A_115 = tpu.memref_squeeze %dma_start3A_114 : memref<1x72x128xf32, #tpu.memory_space<vmem>> -> memref<72x128xf32, #tpu.memory_space<vmem>>
      %dma_start3A_116 = arith.constant 0 : i32
      %dma_start3A_117 = tpu.memref_slice %arg10[%add3A_106, %dma_start3A_116] : memref<5248x128xf32, #tpu.memory_space<vmem_shared>> -> memref<72x128xf32, #tpu.memory_space<vmem_shared>>
      %dma_start3A_118 = arith.constant 0 : i32
      %dma_start3A_119 = arith.constant 0 : i32
      %dma_start3A_120 = tpu.memref_slice %arg9[%run_scoped3A_107, %dma_start3A_118, %dma_start3A_119] : memref<3x128x128xf32, #tpu.memory_space<vmem>> -> memref<1x72x128xf32, #tpu.memory_space<vmem>>
      %dma_start3A_121 = tpu.memref_squeeze %dma_start3A_120 : memref<1x72x128xf32, #tpu.memory_space<vmem>> -> memref<72x128xf32, #tpu.memory_space<vmem>>
      %dma_start3A_122 = arith.constant 0 : i32
      %dma_start3A_123 = tpu.memref_slice %arg10[%add3A_106, %dma_start3A_122] : memref<5248x128xf32, #tpu.memory_space<vmem_shared>> -> memref<72x128xf32, #tpu.memory_space<vmem_shared>>
      tpu.enqueue_dma source(%dma_start3A_123 : memref<72x128xf32, #tpu.memory_space<vmem_shared>>) target(%dma_start3A_121 : memref<72x128xf32, #tpu.memory_space<vmem>>) target_semaphore(%run_scoped3A_111 : memref<!tpu.dma_semaphore, #tpu.memory_space<semaphore_mem>>)
      %dma_wait3A_124 = arith.constant 0 : i32
      %dma_wait3A_125 = arith.constant 0 : i32
      %dma_wait3A_126 = tpu.memref_slice %arg9[%run_scoped3A_107, %dma_wait3A_124, %dma_wait3A_125] : memref<3x128x128xf32, #tpu.memory_space<vmem>> -> memref<1x72x128xf32, #tpu.memory_space<vmem>>
      %dma_wait3A_127 = tpu.memref_squeeze %dma_wait3A_126 : memref<1x72x128xf32, #tpu.memory_space<vmem>> -> memref<72x128xf32, #tpu.memory_space<vmem>>
      %dma_wait3A_128 = arith.constant 0 : i32
      %dma_wait3A_129 = tpu.memref_slice %arg10[%add3A_106, %dma_wait3A_128] : memref<5248x128xf32, #tpu.memory_space<vmem_shared>> -> memref<72x128xf32, #tpu.memory_space<vmem_shared>>
      %dma_wait3A_130 = arith.constant 0 : i32
      %dma_wait3A_131 = arith.constant 0 : i32
      %dma_wait3A_132 = tpu.memref_slice %arg9[%run_scoped3A_107, %dma_wait3A_130, %dma_wait3A_131] : memref<3x128x128xf32, #tpu.memory_space<vmem>> -> memref<1x72x128xf32, #tpu.memory_space<vmem>>
      %dma_wait3A_133 = tpu.memref_squeeze %dma_wait3A_132 : memref<1x72x128xf32, #tpu.memory_space<vmem>> -> memref<72x128xf32, #tpu.memory_space<vmem>>
      %dma_wait3A_134 = arith.constant 0 : i32
      %dma_wait3A_135 = tpu.memref_slice %arg10[%add3A_106, %dma_wait3A_134] : memref<5248x128xf32, #tpu.memory_space<vmem_shared>> -> memref<72x128xf32, #tpu.memory_space<vmem_shared>>
      tpu.wait_dma2 semaphore(%run_scoped3A_111 : memref<!tpu.dma_semaphore, #tpu.memory_space<semaphore_mem>>) src(%dma_wait3A_135 : memref<72x128xf32, #tpu.memory_space<vmem_shared>>) dst(%dma_wait3A_133 : memref<72x128xf32, #tpu.memory_space<vmem>>)
      tpu.yield
    }) : () -> ()
    %add3A_108 = arith.constant 256 : i32
    %add3A_109 = arith.addi %mul3A_8, %add3A_108 : i32
    %run_scoped3A_110 = arith.constant 0 : i32
    "tpu.region"() ({
      %run_scoped3A_111 = tpu.sem_alloc : memref<!tpu.dma_semaphore, #tpu.memory_space<semaphore_mem>>
      %dma_start3A_112 = arith.constant 0 : i32
      %dma_start3A_113 = arith.constant 0 : i32
      %dma_start3A_114 = tpu.memref_slice %arg9[%run_scoped3A_110, %dma_start3A_112, %dma_start3A_113] : memref<3x128x128xf32, #tpu.memory_space<vmem>> -> memref<1x72x128xf32, #tpu.memory_space<vmem>>
      %dma_start3A_115 = tpu.memref_squeeze %dma_start3A_114 : memref<1x72x128xf32, #tpu.memory_space<vmem>> -> memref<72x128xf32, #tpu.memory_space<vmem>>
      %dma_start3A_116 = arith.constant 0 : i32
      %dma_start3A_117 = tpu.memref_slice %arg5[%arg0, %add3A_109, %dma_start3A_116] : memref<2x5248x128xf32, #tpu.memory_space<hbm>> -> memref<1x72x128xf32, #tpu.memory_space<hbm>>
      %dma_start3A_118 = tpu.memref_squeeze %dma_start3A_117 : memref<1x72x128xf32, #tpu.memory_space<hbm>> -> memref<72x128xf32, #tpu.memory_space<hbm>>
      %dma_start3A_119 = arith.constant 0 : i32
      %dma_start3A_120 = tpu.memref_slice %arg5[%arg0, %add3A_109, %dma_start3A_119] : memref<2x5248x128xf32, #tpu.memory_space<hbm>> -> memref<1x72x128xf32, #tpu.memory_space<hbm>>
      %dma_start3A_121 = tpu.memref_squeeze %dma_start3A_120 : memref<1x72x128xf32, #tpu.memory_space<hbm>> -> memref<72x128xf32, #tpu.memory_space<hbm>>
      %dma_start3A_122 = arith.constant 0 : i32
      %dma_start3A_123 = arith.constant 0 : i32
      %dma_start3A_124 = tpu.memref_slice %arg9[%run_scoped3A_110, %dma_start3A_122, %dma_start3A_123] : memref<3x128x128xf32, #tpu.memory_space<vmem>> -> memref<1x72x128xf32, #tpu.memory_space<vmem>>
      %dma_start3A_125 = tpu.memref_squeeze %dma_start3A_124 : memref<1x72x128xf32, #tpu.memory_space<vmem>> -> memref<72x128xf32, #tpu.memory_space<vmem>>
      tpu.enqueue_dma source(%dma_start3A_125 : memref<72x128xf32, #tpu.memory_space<vmem>>) target(%dma_start3A_121 : memref<72x128xf32, #tpu.memory_space<hbm>>) target_semaphore(%run_scoped3A_111 : memref<!tpu.dma_semaphore, #tpu.memory_space<semaphore_mem>>)
      %dma_wait3A_126 = arith.constant 0 : i32
      %dma_wait3A_127 = arith.constant 0 : i32
      %dma_wait3A_128 = tpu.memref_slice %arg9[%run_scoped3A_110, %dma_wait3A_126, %dma_wait3A_127] : memref<3x128x128xf32, #tpu.memory_space<vmem>> -> memref<1x72x128xf32, #tpu.memory_space<vmem>>
      %dma_wait3A_129 = tpu.memref_squeeze %dma_wait3A_128 : memref<1x72x128xf32, #tpu.memory_space<vmem>> -> memref<72x128xf32, #tpu.memory_space<vmem>>
      %dma_wait3A_130 = arith.constant 0 : i32
      %dma_wait3A_131 = tpu.memref_slice %arg5[%arg0, %add3A_109, %dma_wait3A_130] : memref<2x5248x128xf32, #tpu.memory_space<hbm>> -> memref<1x72x128xf32, #tpu.memory_space<hbm>>
      %dma_wait3A_132 = tpu.memref_squeeze %dma_wait3A_131 : memref<1x72x128xf32, #tpu.memory_space<hbm>> -> memref<72x128xf32, #tpu.memory_space<hbm>>
      %dma_wait3A_133 = arith.constant 0 : i32
      %dma_wait3A_134 = tpu.memref_slice %arg5[%arg0, %add3A_109, %dma_wait3A_133] : memref<2x5248x128xf32, #tpu.memory_space<hbm>> -> memref<1x72x128xf32, #tpu.memory_space<hbm>>
      %dma_wait3A_135 = tpu.memref_squeeze %dma_wait3A_134 : memref<1x72x128xf32, #tpu.memory_space<hbm>> -> memref<72x128xf32, #tpu.memory_space<hbm>>
      %dma_wait3A_136 = arith.constant 0 : i32
      %dma_wait3A_137 = arith.constant 0 : i32
      %dma_wait3A_138 = tpu.memref_slice %arg9[%run_scoped3A_110, %dma_wait3A_136, %dma_wait3A_137] : memref<3x128x128xf32, #tpu.memory_space<vmem>> -> memref<1x72x128xf32, #tpu.memory_space<vmem>>
      %dma_wait3A_139 = tpu.memref_squeeze %dma_wait3A_138 : memref<1x72x128xf32, #tpu.memory_space<vmem>> -> memref<72x128xf32, #tpu.memory_space<vmem>>
      tpu.wait_dma2 semaphore(%run_scoped3A_111 : memref<!tpu.dma_semaphore, #tpu.memory_space<semaphore_mem>>) src(%dma_wait3A_139 : memref<72x128xf32, #tpu.memory_space<vmem>>) dst(%dma_wait3A_135 : memref<72x128xf32, #tpu.memory_space<hbm>>)
      tpu.yield
    }) : () -> ()
    return
  }
}

#map = affine_map<(d0, d1) -> (0, 0)>
#map1 = affine_map<(d0, d1) -> (0, 0, 0)>
#map2 = affine_map<(d0, d1) -> (0, 0, 0, 0)>
module attributes {stable_mosaic.version = 14 : i64} {
  func.func @k(%arg0: i32, %arg1: i32, %arg2: memref<10240x128xf32, #tpu.memory_space<hbm>>, %arg3: memref<16x158x128xi32, #tpu.memory_space<hbm>>, %arg4: memref<16x158x1x128xi32, #tpu.memory_space<hbm>>, %arg5: memref<2x5248x128xf32, #tpu.memory_space<hbm>>, %arg6: memref<158x128xi32, #tpu.memory_space<vmem>>, %arg7: memref<3x1x128xi32, #tpu.memory_space<vmem>>, %arg8: memref<3x128xi32, #tpu.memory_space<vmem>>, %arg9: memref<3x128x128xf32, #tpu.memory_space<vmem>>, %arg10: memref<5248x128xf32, #tpu.memory_space<vmem_shared>>, %arg11: memref<!tpu.dma_semaphore, #tpu.memory_space<semaphore_mem>>, %arg12: memref<!tpu.dma_semaphore, #tpu.memory_space<semaphore_mem>>, %arg13: memref<!tpu.dma_semaphore, #tpu.memory_space<semaphore_mem>>) attributes {dimension_semantics = [#tpu.dimension_semantics<core_parallel>, #tpu.dimension_semantics<subcore_parallel>], iteration_bounds = array<i64: 2, 16>, scalar_prefetch = 0 : i64, scratch_operands = 8 : i64, tpu.core_type = #tpu.core_type<sc_vector_subcore>, window_params = [{transform_indices = #map}, {transform_indices = #map1}, {transform_indices = #map2}, {transform_indices = #map1}]} {
    %mul3A = arith.constant 5120 : i32
    %mul3A_0 = arith.muli %arg0, %mul3A : i32
    %broadcast_in_dim3A = arith.constant 0.000000e+00 : f32
    %broadcast_in_dim3A_1 = vector.broadcast %broadcast_in_dim3A : f32 to vector<16xf32>
    %scan3A = arith.constant 0 : i32
    %scan3A_2 = arith.constant 0 : i32
    %scan3A_3 = arith.constant 128 : i32
    %scan3A_4 = arith.addi %scan3A_2, %scan3A_3 : i32
    %scan3A_5 = arith.constant 1 : i32
    scf.for %scan3A_111 = %scan3A_2 to %scan3A_4 step %scan3A_5  : i32 {
      %swap3A = arith.constant 0 : i32
      %swap3A_112 = arith.index_cast %swap3A : i32 to index
      %swap3A_113 = arith.index_cast %scan3A_111 : i32 to index
      %swap3A_114 = arith.constant 0 : index
      %swap3A_115 = tpu.vector_load %arg9[%swap3A_112, %swap3A_113, %swap3A_114] {strides = array<i32>} : memref<3x128x128xf32, #tpu.memory_space<vmem>>, vector<1x1x16xf32>,
      %swap3A_116 = vector.shape_cast %swap3A_115 : vector<1x1x16xf32> to vector<16xf32>
      %swap3A_117 = vector.shape_cast %broadcast_in_dim3A_1 : vector<16xf32> to vector<1x1x16xf32>
      tpu.vector_store %arg9[%swap3A_112, %swap3A_113, %swap3A_114], %swap3A_117 {strides = array<i32>} : memref<3x128x128xf32, #tpu.memory_space<vmem>>, vector<1x1x16xf32>,
      %swap3A_118 = arith.constant 0 : i32
      %swap3A_119 = arith.index_cast %swap3A_118 : i32 to index
      %swap3A_120 = arith.index_cast %scan3A_111 : i32 to index
      %swap3A_121 = arith.constant 16 : index
      %swap3A_122 = tpu.vector_load %arg9[%swap3A_119, %swap3A_120, %swap3A_121] {strides = array<i32>} : memref<3x128x128xf32, #tpu.memory_space<vmem>>, vector<1x1x16xf32>,
      %swap3A_123 = vector.shape_cast %swap3A_122 : vector<1x1x16xf32> to vector<16xf32>
      %swap3A_124 = vector.shape_cast %broadcast_in_dim3A_1 : vector<16xf32> to vector<1x1x16xf32>
      tpu.vector_store %arg9[%swap3A_119, %swap3A_120, %swap3A_121], %swap3A_124 {strides = array<i32>} : memref<3x128x128xf32, #tpu.memory_space<vmem>>, vector<1x1x16xf32>,
      %swap3A_125 = arith.constant 0 : i32
      %swap3A_126 = arith.index_cast %swap3A_125 : i32 to index
      %swap3A_127 = arith.index_cast %scan3A_111 : i32 to index
      %swap3A_128 = arith.constant 32 : index
      %swap3A_129 = tpu.vector_load %arg9[%swap3A_126, %swap3A_127, %swap3A_128] {strides = array<i32>} : memref<3x128x128xf32, #tpu.memory_space<vmem>>, vector<1x1x16xf32>,
      %swap3A_130 = vector.shape_cast %swap3A_129 : vector<1x1x16xf32> to vector<16xf32>
      %swap3A_131 = vector.shape_cast %broadcast_in_dim3A_1 : vector<16xf32> to vector<1x1x16xf32>
      tpu.vector_store %arg9[%swap3A_126, %swap3A_127, %swap3A_128], %swap3A_131 {strides = array<i32>} : memref<3x128x128xf32, #tpu.memory_space<vmem>>, vector<1x1x16xf32>,
      %swap3A_132 = arith.constant 0 : i32
      %swap3A_133 = arith.index_cast %swap3A_132 : i32 to index
      %swap3A_134 = arith.index_cast %scan3A_111 : i32 to index
      %swap3A_135 = arith.constant 48 : index
      %swap3A_136 = tpu.vector_load %arg9[%swap3A_133, %swap3A_134, %swap3A_135] {strides = array<i32>} : memref<3x128x128xf32, #tpu.memory_space<vmem>>, vector<1x1x16xf32>,
      %swap3A_137 = vector.shape_cast %swap3A_136 : vector<1x1x16xf32> to vector<16xf32>
      %swap3A_138 = vector.shape_cast %broadcast_in_dim3A_1 : vector<16xf32> to vector<1x1x16xf32>
      tpu.vector_store %arg9[%swap3A_133, %swap3A_134, %swap3A_135], %swap3A_138 {strides = array<i32>} : memref<3x128x128xf32, #tpu.memory_space<vmem>>, vector<1x1x16xf32>,
      %swap3A_139 = arith.constant 0 : i32
      %swap3A_140 = arith.index_cast %swap3A_139 : i32 to index
      %swap3A_141 = arith.index_cast %scan3A_111 : i32 to index
      %swap3A_142 = arith.constant 64 : index
      %swap3A_143 = tpu.vector_load %arg9[%swap3A_140, %swap3A_141, %swap3A_142] {strides = array<i32>} : memref<3x128x128xf32, #tpu.memory_space<vmem>>, vector<1x1x16xf32>,
      %swap3A_144 = vector.shape_cast %swap3A_143 : vector<1x1x16xf32> to vector<16xf32>
      %swap3A_145 = vector.shape_cast %broadcast_in_dim3A_1 : vector<16xf32> to vector<1x1x16xf32>
      tpu.vector_store %arg9[%swap3A_140, %swap3A_141, %swap3A_142], %swap3A_145 {strides = array<i32>} : memref<3x128x128xf32, #tpu.memory_space<vmem>>, vector<1x1x16xf32>,
      %swap3A_146 = arith.constant 0 : i32
      %swap3A_147 = arith.index_cast %swap3A_146 : i32 to index
      %swap3A_148 = arith.index_cast %scan3A_111 : i32 to index
      %swap3A_149 = arith.constant 80 : index
      %swap3A_150 = tpu.vector_load %arg9[%swap3A_147, %swap3A_148, %swap3A_149] {strides = array<i32>} : memref<3x128x128xf32, #tpu.memory_space<vmem>>, vector<1x1x16xf32>,
      %swap3A_151 = vector.shape_cast %swap3A_150 : vector<1x1x16xf32> to vector<16xf32>
      %swap3A_152 = vector.shape_cast %broadcast_in_dim3A_1 : vector<16xf32> to vector<1x1x16xf32>
      tpu.vector_store %arg9[%swap3A_147, %swap3A_148, %swap3A_149], %swap3A_152 {strides = array<i32>} : memref<3x128x128xf32, #tpu.memory_space<vmem>>, vector<1x1x16xf32>,
      %swap3A_153 = arith.constant 0 : i32
      %swap3A_154 = arith.index_cast %swap3A_153 : i32 to index
      %swap3A_155 = arith.index_cast %scan3A_111 : i32 to index
      %swap3A_156 = arith.constant 96 : index
      %swap3A_157 = tpu.vector_load %arg9[%swap3A_154, %swap3A_155, %swap3A_156] {strides = array<i32>} : memref<3x128x128xf32, #tpu.memory_space<vmem>>, vector<1x1x16xf32>,
      %swap3A_158 = vector.shape_cast %swap3A_157 : vector<1x1x16xf32> to vector<16xf32>
      %swap3A_159 = vector.shape_cast %broadcast_in_dim3A_1 : vector<16xf32> to vector<1x1x16xf32>
      tpu.vector_store %arg9[%swap3A_154, %swap3A_155, %swap3A_156], %swap3A_159 {strides = array<i32>} : memref<3x128x128xf32, #tpu.memory_space<vmem>>, vector<1x1x16xf32>,
      %swap3A_160 = arith.constant 0 : i32
      %swap3A_161 = arith.index_cast %swap3A_160 : i32 to index
      %swap3A_162 = arith.index_cast %scan3A_111 : i32 to index
      %swap3A_163 = arith.constant 112 : index
      %swap3A_164 = tpu.vector_load %arg9[%swap3A_161, %swap3A_162, %swap3A_163] {strides = array<i32>} : memref<3x128x128xf32, #tpu.memory_space<vmem>>, vector<1x1x16xf32>,
      %swap3A_165 = vector.shape_cast %swap3A_164 : vector<1x1x16xf32> to vector<16xf32>
      %swap3A_166 = vector.shape_cast %broadcast_in_dim3A_1 : vector<16xf32> to vector<1x1x16xf32>
      tpu.vector_store %arg9[%swap3A_161, %swap3A_162, %swap3A_163], %swap3A_166 {strides = array<i32>} : memref<3x128x128xf32, #tpu.memory_space<vmem>>, vector<1x1x16xf32>,
    }
    %scan3A_6 = arith.constant 128 : i32
    %mul3A_7 = arith.constant 328 : i32
    %mul3A_8 = arith.muli %arg1, %mul3A_7 : i32
    %add3A = arith.constant 0 : i32
    %add3A_9 = arith.addi %mul3A_8, %add3A : i32
    %run_scoped3A = arith.constant 0 : i32
    "tpu.region"() ({
      %run_scoped3A_111 = tpu.sem_alloc : memref<!tpu.dma_semaphore, #tpu.memory_space<semaphore_mem>>
      %dma_start3A_112 = arith.constant 0 : i32
      %dma_start3A_113 = arith.constant 0 : i32
      %dma_start3A_114 = tpu.memref_slice %arg9[%run_scoped3A, %dma_start3A_112, %dma_start3A_113] : memref<3x128x128xf32, #tpu.memory_space<vmem>> -> memref<1x128x128xf32, #tpu.memory_space<vmem>>
      %dma_start3A_115 = tpu.memref_squeeze %dma_start3A_114 : memref<1x128x128xf32, #tpu.memory_space<vmem>> -> memref<128x128xf32, #tpu.memory_space<vmem>>
      %dma_start3A_116 = arith.constant 0 : i32
      %dma_start3A_117 = tpu.memref_slice %arg10[%add3A_9, %dma_start3A_116] : memref<5248x128xf32, #tpu.memory_space<vmem_shared>> -> memref<128x128xf32, #tpu.memory_space<vmem_shared>>
      %dma_start3A_118 = arith.constant 0 : i32
      %dma_start3A_119 = tpu.memref_slice %arg10[%add3A_9, %dma_start3A_118] : memref<5248x128xf32, #tpu.memory_space<vmem_shared>> -> memref<128x128xf32, #tpu.memory_space<vmem_shared>>
      %dma_start3A_120 = arith.constant 0 : i32
      %dma_start3A_121 = arith.constant 0 : i32
      %dma_start3A_122 = tpu.memref_slice %arg9[%run_scoped3A, %dma_start3A_120, %dma_start3A_121] : memref<3x128x128xf32, #tpu.memory_space<vmem>> -> memref<1x128x128xf32, #tpu.memory_space<vmem>>
      %dma_start3A_123 = tpu.memref_squeeze %dma_start3A_122 : memref<1x128x128xf32, #tpu.memory_space<vmem>> -> memref<128x128xf32, #tpu.memory_space<vmem>>
      tpu.enqueue_dma source(%dma_start3A_123 : memref<128x128xf32, #tpu.memory_space<vmem>>) target(%dma_start3A_119 : memref<128x128xf32, #tpu.memory_space<vmem_shared>>) target_semaphore(%run_scoped3A_111 : memref<!tpu.dma_semaphore, #tpu.memory_space<semaphore_mem>>)
      %dma_wait3A_124 = arith.constant 0 : i32
      %dma_wait3A_125 = arith.constant 0 : i32
      %dma_wait3A_126 = tpu.memref_slice %arg9[%run_scoped3A, %dma_wait3A_124, %dma_wait3A_125] : memref<3x128x128xf32, #tpu.memory_space<vmem>> -> memref<1x128x128xf32, #tpu.memory_space<vmem>>
      %dma_wait3A_127 = tpu.memref_squeeze %dma_wait3A_126 : memref<1x128x128xf32, #tpu.memory_space<vmem>> -> memref<128x128xf32, #tpu.memory_space<vmem>>
      %dma_wait3A_128 = arith.constant 0 : i32
      %dma_wait3A_129 = tpu.memref_slice %arg10[%add3A_9, %dma_wait3A_128] : memref<5248x128xf32, #tpu.memory_space<vmem_shared>> -> memref<128x128xf32, #tpu.memory_space<vmem_shared>>
      %dma_wait3A_130 = arith.constant 0 : i32
      %dma_wait3A_131 = tpu.memref_slice %arg10[%add3A_9, %dma_wait3A_130] : memref<5248x128xf32, #tpu.memory_space<vmem_shared>> -> memref<128x128xf32, #tpu.memory_space<vmem_shared>>
      %dma_wait3A_132 = arith.constant 0 : i32
      %dma_wait3A_133 = arith.constant 0 : i32
      %dma_wait3A_134 = tpu.memref_slice %arg9[%run_scoped3A, %dma_wait3A_132, %dma_wait3A_133] : memref<3x128x128xf32, #tpu.memory_space<vmem>> -> memref<1x128x128xf32, #tpu.memory_space<vmem>>
      %dma_wait3A_135 = tpu.memref_squeeze %dma_wait3A_134 : memref<1x128x128xf32, #tpu.memory_space<vmem>> -> memref<128x128xf32, #tpu.memory_space<vmem>>
      tpu.wait_dma2 semaphore(%run_scoped3A_111 : memref<!tpu.dma_semaphore, #tpu.memory_space<semaphore_mem>>) src(%dma_wait3A_135 : memref<128x128xf32, #tpu.memory_space<vmem>>) dst(%dma_wait3A_131 : memref<128x128xf32, #tpu.memory_space<vmem_shared>>)
      tpu.yield
    }) : () -> ()
    %add3A_10 = arith.constant 128 : i32
    %add3A_11 = arith.addi %mul3A_8, %add3A_10 : i32
    %run_scoped3A_12 = arith.constant 0 : i32
    "tpu.region"() ({
      %run_scoped3A_111 = tpu.sem_alloc : memref<!tpu.dma_semaphore, #tpu.memory_space<semaphore_mem>>
      %dma_start3A_112 = arith.constant 0 : i32
      %dma_start3A_113 = arith.constant 0 : i32
      %dma_start3A_114 = tpu.memref_slice %arg9[%run_scoped3A_12, %dma_start3A_112, %dma_start3A_113] : memref<3x128x128xf32, #tpu.memory_space<vmem>> -> memref<1x128x128xf32, #tpu.memory_space<vmem>>
      %dma_start3A_115 = tpu.memref_squeeze %dma_start3A_114 : memref<1x128x128xf32, #tpu.memory_space<vmem>> -> memref<128x128xf32, #tpu.memory_space<vmem>>
      %dma_start3A_116 = arith.constant 0 : i32
      %dma_start3A_117 = tpu.memref_slice %arg10[%add3A_11, %dma_start3A_116] : memref<5248x128xf32, #tpu.memory_space<vmem_shared>> -> memref<128x128xf32, #tpu.memory_space<vmem_shared>>
      %dma_start3A_118 = arith.constant 0 : i32
      %dma_start3A_119 = tpu.memref_slice %arg10[%add3A_11, %dma_start3A_118] : memref<5248x128xf32, #tpu.memory_space<vmem_shared>> -> memref<128x128xf32, #tpu.memory_space<vmem_shared>>
      %dma_start3A_120 = arith.constant 0 : i32
      %dma_start3A_121 = arith.constant 0 : i32
      %dma_start3A_122 = tpu.memref_slice %arg9[%run_scoped3A_12, %dma_start3A_120, %dma_start3A_121] : memref<3x128x128xf32, #tpu.memory_space<vmem>> -> memref<1x128x128xf32, #tpu.memory_space<vmem>>
      %dma_start3A_123 = tpu.memref_squeeze %dma_start3A_122 : memref<1x128x128xf32, #tpu.memory_space<vmem>> -> memref<128x128xf32, #tpu.memory_space<vmem>>
      tpu.enqueue_dma source(%dma_start3A_123 : memref<128x128xf32, #tpu.memory_space<vmem>>) target(%dma_start3A_119 : memref<128x128xf32, #tpu.memory_space<vmem_shared>>) target_semaphore(%run_scoped3A_111 : memref<!tpu.dma_semaphore, #tpu.memory_space<semaphore_mem>>)
      %dma_wait3A_124 = arith.constant 0 : i32
      %dma_wait3A_125 = arith.constant 0 : i32
      %dma_wait3A_126 = tpu.memref_slice %arg9[%run_scoped3A_12, %dma_wait3A_124, %dma_wait3A_125] : memref<3x128x128xf32, #tpu.memory_space<vmem>> -> memref<1x128x128xf32, #tpu.memory_space<vmem>>
      %dma_wait3A_127 = tpu.memref_squeeze %dma_wait3A_126 : memref<1x128x128xf32, #tpu.memory_space<vmem>> -> memref<128x128xf32, #tpu.memory_space<vmem>>
      %dma_wait3A_128 = arith.constant 0 : i32
      %dma_wait3A_129 = tpu.memref_slice %arg10[%add3A_11, %dma_wait3A_128] : memref<5248x128xf32, #tpu.memory_space<vmem_shared>> -> memref<128x128xf32, #tpu.memory_space<vmem_shared>>
      %dma_wait3A_130 = arith.constant 0 : i32
      %dma_wait3A_131 = tpu.memref_slice %arg10[%add3A_11, %dma_wait3A_130] : memref<5248x128xf32, #tpu.memory_space<vmem_shared>> -> memref<128x128xf32, #tpu.memory_space<vmem_shared>>
      %dma_wait3A_132 = arith.constant 0 : i32
      %dma_wait3A_133 = arith.constant 0 : i32
      %dma_wait3A_134 = tpu.memref_slice %arg9[%run_scoped3A_12, %dma_wait3A_132, %dma_wait3A_133] : memref<3x128x128xf32, #tpu.memory_space<vmem>> -> memref<1x128x128xf32, #tpu.memory_space<vmem>>
      %dma_wait3A_135 = tpu.memref_squeeze %dma_wait3A_134 : memref<1x128x128xf32, #tpu.memory_space<vmem>> -> memref<128x128xf32, #tpu.memory_space<vmem>>
      tpu.wait_dma2 semaphore(%run_scoped3A_111 : memref<!tpu.dma_semaphore, #tpu.memory_space<semaphore_mem>>) src(%dma_wait3A_135 : memref<128x128xf32, #tpu.memory_space<vmem>>) dst(%dma_wait3A_131 : memref<128x128xf32, #tpu.memory_space<vmem_shared>>)
      tpu.yield
    }) : () -> ()
    %add3A_13 = arith.constant 256 : i32
    %add3A_14 = arith.addi %mul3A_8, %add3A_13 : i32
    %run_scoped3A_15 = arith.constant 0 : i32
    "tpu.region"() ({
      %run_scoped3A_111 = tpu.sem_alloc : memref<!tpu.dma_semaphore, #tpu.memory_space<semaphore_mem>>
      %dma_start3A_112 = arith.constant 0 : i32
      %dma_start3A_113 = arith.constant 0 : i32
      %dma_start3A_114 = tpu.memref_slice %arg9[%run_scoped3A_15, %dma_start3A_112, %dma_start3A_113] : memref<3x128x128xf32, #tpu.memory_space<vmem>> -> memref<1x72x128xf32, #tpu.memory_space<vmem>>
      %dma_start3A_115 = tpu.memref_squeeze %dma_start3A_114 : memref<1x72x128xf32, #tpu.memory_space<vmem>> -> memref<72x128xf32, #tpu.memory_space<vmem>>
      %dma_start3A_116 = arith.constant 0 : i32
      %dma_start3A_117 = tpu.memref_slice %arg10[%add3A_14, %dma_start3A_116] : memref<5248x128xf32, #tpu.memory_space<vmem_shared>> -> memref<72x128xf32, #tpu.memory_space<vmem_shared>>
      %dma_start3A_118 = arith.constant 0 : i32
      %dma_start3A_119 = tpu.memref_slice %arg10[%add3A_14, %dma_start3A_118] : memref<5248x128xf32, #tpu.memory_space<vmem_shared>> -> memref<72x128xf32, #tpu.memory_space<vmem_shared>>
      %dma_start3A_120 = arith.constant 0 : i32
      %dma_start3A_121 = arith.constant 0 : i32
      %dma_start3A_122 = tpu.memref_slice %arg9[%run_scoped3A_15, %dma_start3A_120, %dma_start3A_121] : memref<3x128x128xf32, #tpu.memory_space<vmem>> -> memref<1x72x128xf32, #tpu.memory_space<vmem>>
      %dma_start3A_123 = tpu.memref_squeeze %dma_start3A_122 : memref<1x72x128xf32, #tpu.memory_space<vmem>> -> memref<72x128xf32, #tpu.memory_space<vmem>>
      tpu.enqueue_dma source(%dma_start3A_123 : memref<72x128xf32, #tpu.memory_space<vmem>>) target(%dma_start3A_119 : memref<72x128xf32, #tpu.memory_space<vmem_shared>>) target_semaphore(%run_scoped3A_111 : memref<!tpu.dma_semaphore, #tpu.memory_space<semaphore_mem>>)
      %dma_wait3A_124 = arith.constant 0 : i32
      %dma_wait3A_125 = arith.constant 0 : i32
      %dma_wait3A_126 = tpu.memref_slice %arg9[%run_scoped3A_15, %dma_wait3A_124, %dma_wait3A_125] : memref<3x128x128xf32, #tpu.memory_space<vmem>> -> memref<1x72x128xf32, #tpu.memory_space<vmem>>
      %dma_wait3A_127 = tpu.memref_squeeze %dma_wait3A_126 : memref<1x72x128xf32, #tpu.memory_space<vmem>> -> memref<72x128xf32, #tpu.memory_space<vmem>>
      %dma_wait3A_128 = arith.constant 0 : i32
      %dma_wait3A_129 = tpu.memref_slice %arg10[%add3A_14, %dma_wait3A_128] : memref<5248x128xf32, #tpu.memory_space<vmem_shared>> -> memref<72x128xf32, #tpu.memory_space<vmem_shared>>
      %dma_wait3A_130 = arith.constant 0 : i32
      %dma_wait3A_131 = tpu.memref_slice %arg10[%add3A_14, %dma_wait3A_130] : memref<5248x128xf32, #tpu.memory_space<vmem_shared>> -> memref<72x128xf32, #tpu.memory_space<vmem_shared>>
      %dma_wait3A_132 = arith.constant 0 : i32
      %dma_wait3A_133 = arith.constant 0 : i32
      %dma_wait3A_134 = tpu.memref_slice %arg9[%run_scoped3A_15, %dma_wait3A_132, %dma_wait3A_133] : memref<3x128x128xf32, #tpu.memory_space<vmem>> -> memref<1x72x128xf32, #tpu.memory_space<vmem>>
      %dma_wait3A_135 = tpu.memref_squeeze %dma_wait3A_134 : memref<1x72x128xf32, #tpu.memory_space<vmem>> -> memref<72x128xf32, #tpu.memory_space<vmem>>
      tpu.wait_dma2 semaphore(%run_scoped3A_111 : memref<!tpu.dma_semaphore, #tpu.memory_space<semaphore_mem>>) src(%dma_wait3A_135 : memref<72x128xf32, #tpu.memory_space<vmem>>) dst(%dma_wait3A_131 : memref<72x128xf32, #tpu.memory_space<vmem_shared>>)
      tpu.yield
    }) : () -> ()
    %barrier3A = arith.constant 0 : index
    tpu.barrier barrier_id(%barrier3A)
    "tpu.region"() ({
      %run_scoped3A_111 = tpu.sem_alloc : memref<!tpu.dma_semaphore, #tpu.memory_space<semaphore_mem>>
      %dma_start3A_112 = arith.constant 0 : i32
      %dma_start3A_113 = arith.constant 0 : i32
      %dma_start3A_114 = tpu.memref_slice %arg3[%arg1, %dma_start3A_112, %dma_start3A_113] : memref<16x158x128xi32, #tpu.memory_space<hbm>> -> memref<1x158x128xi32, #tpu.memory_space<hbm>>
      %dma_start3A_115 = tpu.memref_squeeze %dma_start3A_114 : memref<1x158x128xi32, #tpu.memory_space<hbm>> -> memref<158x128xi32, #tpu.memory_space<hbm>>
      %dma_start3A_116 = arith.constant 0 : i32
      %dma_start3A_117 = arith.constant 0 : i32
      %dma_start3A_118 = tpu.memref_slice %arg3[%arg1, %dma_start3A_116, %dma_start3A_117] : memref<16x158x128xi32, #tpu.memory_space<hbm>> -> memref<1x158x128xi32, #tpu.memory_space<hbm>>
      %dma_start3A_119 = tpu.memref_squeeze %dma_start3A_118 : memref<1x158x128xi32, #tpu.memory_space<hbm>> -> memref<158x128xi32, #tpu.memory_space<hbm>>
      tpu.enqueue_dma source(%dma_start3A_119 : memref<158x128xi32, #tpu.memory_space<hbm>>) target(%arg6 : memref<158x128xi32, #tpu.memory_space<vmem>>) target_semaphore(%run_scoped3A_111 : memref<!tpu.dma_semaphore, #tpu.memory_space<semaphore_mem>>)
      %dma_wait3A_120 = arith.constant 0 : i32
      %dma_wait3A_121 = arith.constant 0 : i32
      %dma_wait3A_122 = tpu.memref_slice %arg3[%arg1, %dma_wait3A_120, %dma_wait3A_121] : memref<16x158x128xi32, #tpu.memory_space<hbm>> -> memref<1x158x128xi32, #tpu.memory_space<hbm>>
      %dma_wait3A_123 = tpu.memref_squeeze %dma_wait3A_122 : memref<1x158x128xi32, #tpu.memory_space<hbm>> -> memref<158x128xi32, #tpu.memory_space<hbm>>
      %dma_wait3A_124 = arith.constant 0 : i32
      %dma_wait3A_125 = arith.constant 0 : i32
      %dma_wait3A_126 = tpu.memref_slice %arg3[%arg1, %dma_wait3A_124, %dma_wait3A_125] : memref<16x158x128xi32, #tpu.memory_space<hbm>> -> memref<1x158x128xi32, #tpu.memory_space<hbm>>
      %dma_wait3A_127 = tpu.memref_squeeze %dma_wait3A_126 : memref<1x158x128xi32, #tpu.memory_space<hbm>> -> memref<158x128xi32, #tpu.memory_space<hbm>>
      tpu.wait_dma2 semaphore(%run_scoped3A_111 : memref<!tpu.dma_semaphore, #tpu.memory_space<semaphore_mem>>) src(%dma_wait3A_127 : memref<158x128xi32, #tpu.memory_space<hbm>>) dst(%arg6 : memref<158x128xi32, #tpu.memory_space<vmem>>)
      tpu.yield
    }) : () -> ()
    %dma_start3A = arith.constant 0 : i32
    %dma_start3A_16 = arith.constant 0 : i32
    %dma_start3A_17 = arith.constant 0 : i32
    %dma_start3A_18 = arith.constant 0 : i32
    %dma_start3A_19 = tpu.memref_slice %arg7[%dma_start3A_16, %dma_start3A_17, %dma_start3A_18] : memref<3x1x128xi32, #tpu.memory_space<vmem>> -> memref<1x1x128xi32, #tpu.memory_space<vmem>>
    %dma_start3A_20 = tpu.memref_squeeze %dma_start3A_19 : memref<1x1x128xi32, #tpu.memory_space<vmem>> -> memref<1x128xi32, #tpu.memory_space<vmem>>
    %dma_start3A_21 = arith.constant 0 : i32
    %dma_start3A_22 = arith.constant 0 : i32
    %dma_start3A_23 = tpu.memref_slice %arg4[%arg1, %dma_start3A, %dma_start3A_21, %dma_start3A_22] : memref<16x158x1x128xi32, #tpu.memory_space<hbm>> -> memref<1x1x1x128xi32, #tpu.memory_space<hbm>>
    %dma_start3A_24 = tpu.memref_squeeze %dma_start3A_23 : memref<1x1x1x128xi32, #tpu.memory_space<hbm>> -> memref<1x128xi32, #tpu.memory_space<hbm>>
    %dma_start3A_25 = arith.constant 0 : i32
    %dma_start3A_26 = arith.constant 0 : i32
    %dma_start3A_27 = tpu.memref_slice %arg7[%dma_start3A_16, %dma_start3A_25, %dma_start3A_26] : memref<3x1x128xi32, #tpu.memory_space<vmem>> -> memref<1x1x128xi32, #tpu.memory_space<vmem>>
    %dma_start3A_28 = tpu.memref_squeeze %dma_start3A_27 : memref<1x1x128xi32, #tpu.memory_space<vmem>> -> memref<1x128xi32, #tpu.memory_space<vmem>>
    %dma_start3A_29 = arith.constant 0 : i32
    %dma_start3A_30 = arith.constant 0 : i32
    %dma_start3A_31 = tpu.memref_slice %arg4[%arg1, %dma_start3A, %dma_start3A_29, %dma_start3A_30] : memref<16x158x1x128xi32, #tpu.memory_space<hbm>> -> memref<1x1x1x128xi32, #tpu.memory_space<hbm>>
    %dma_start3A_32 = tpu.memref_squeeze %dma_start3A_31 : memref<1x1x1x128xi32, #tpu.memory_space<hbm>> -> memref<1x128xi32, #tpu.memory_space<hbm>>
    tpu.enqueue_dma source(%dma_start3A_32 : memref<1x128xi32, #tpu.memory_space<hbm>>) target(%dma_start3A_28 : memref<1x128xi32, #tpu.memory_space<vmem>>) target_semaphore(%arg12 : memref<!tpu.dma_semaphore, #tpu.memory_space<semaphore_mem>>)
    %dma_start3A_33 = arith.constant 0 : i32
    %dma_start3A_34 = arith.constant 0 : i32
    %dma_start3A_35 = arith.constant 0 : i32
    %dma_start3A_36 = arith.constant 0 : i32
    %dma_start3A_37 = tpu.memref_slice %arg9[%dma_start3A_34, %dma_start3A_35, %dma_start3A_36] : memref<3x128x128xf32, #tpu.memory_space<vmem>> -> memref<1x128x128xf32, #tpu.memory_space<vmem>>
    %dma_start3A_38 = tpu.memref_squeeze %dma_start3A_37 : memref<1x128x128xf32, #tpu.memory_space<vmem>> -> memref<128x128xf32, #tpu.memory_space<vmem>>
    %dma_start3A_39 = arith.constant 0 : i32
    %dma_start3A_40 = tpu.memref_slice %arg6[%dma_start3A_33, %dma_start3A_39] : memref<158x128xi32, #tpu.memory_space<vmem>> -> memref<1x128xi32, #tpu.memory_space<vmem>>
    %dma_start3A_41 = tpu.memref_squeeze %dma_start3A_40 : memref<1x128xi32, #tpu.memory_space<vmem>> -> memref<128xi32, #tpu.memory_space<vmem>>
    %dma_start3A_42 = arith.constant 0 : i32
    %dma_start3A_43 = arith.constant 0 : i32
    %dma_start3A_44 = tpu.memref_slice %arg2[%dma_start3A_42, %dma_start3A_43] : memref<10240x128xf32, #tpu.memory_space<hbm>> -> memref<10240x128xf32, #tpu.memory_space<hbm>>
    tpu.enqueue_indirect_dma source(%dma_start3A_44 : memref<10240x128xf32, #tpu.memory_space<hbm>>) target(%dma_start3A_38 : memref<128x128xf32, #tpu.memory_space<vmem>>) offsets(%dma_start3A_41 : memref<128xi32, #tpu.memory_space<vmem>>) semaphore(%arg11 : memref<!tpu.dma_semaphore, #tpu.memory_space<semaphore_mem>>)
    %dma_start3A_45 = arith.constant 1 : i32
    %dma_start3A_46 = arith.constant 1 : i32
    %dma_start3A_47 = arith.constant 0 : i32
    %dma_start3A_48 = arith.constant 0 : i32
    %dma_start3A_49 = tpu.memref_slice %arg7[%dma_start3A_46, %dma_start3A_47, %dma_start3A_48] : memref<3x1x128xi32, #tpu.memory_space<vmem>> -> memref<1x1x128xi32, #tpu.memory_space<vmem>>
    %dma_start3A_50 = tpu.memref_squeeze %dma_start3A_49 : memref<1x1x128xi32, #tpu.memory_space<vmem>> -> memref<1x128xi32, #tpu.memory_space<vmem>>
    %dma_start3A_51 = arith.constant 0 : i32
    %dma_start3A_52 = arith.constant 0 : i32
    %dma_start3A_53 = tpu.memref_slice %arg4[%arg1, %dma_start3A_45, %dma_start3A_51, %dma_start3A_52] : memref<16x158x1x128xi32, #tpu.memory_space<hbm>> -> memref<1x1x1x128xi32, #tpu.memory_space<hbm>>
    %dma_start3A_54 = tpu.memref_squeeze %dma_start3A_53 : memref<1x1x1x128xi32, #tpu.memory_space<hbm>> -> memref<1x128xi32, #tpu.memory_space<hbm>>
    %dma_start3A_55 = arith.constant 0 : i32
    %dma_start3A_56 = arith.constant 0 : i32
    %dma_start3A_57 = tpu.memref_slice %arg7[%dma_start3A_46, %dma_start3A_55, %dma_start3A_56] : memref<3x1x128xi32, #tpu.memory_space<vmem>> -> memref<1x1x128xi32, #tpu.memory_space<vmem>>
    %dma_start3A_58 = tpu.memref_squeeze %dma_start3A_57 : memref<1x1x128xi32, #tpu.memory_space<vmem>> -> memref<1x128xi32, #tpu.memory_space<vmem>>
    %dma_start3A_59 = arith.constant 0 : i32
    %dma_start3A_60 = arith.constant 0 : i32
    %dma_start3A_61 = tpu.memref_slice %arg4[%arg1, %dma_start3A_45, %dma_start3A_59, %dma_start3A_60] : memref<16x158x1x128xi32, #tpu.memory_space<hbm>> -> memref<1x1x1x128xi32, #tpu.memory_space<hbm>>
    %dma_start3A_62 = tpu.memref_squeeze %dma_start3A_61 : memref<1x1x1x128xi32, #tpu.memory_space<hbm>> -> memref<1x128xi32, #tpu.memory_space<hbm>>
    tpu.enqueue_dma source(%dma_start3A_62 : memref<1x128xi32, #tpu.memory_space<hbm>>) target(%dma_start3A_58 : memref<1x128xi32, #tpu.memory_space<vmem>>) target_semaphore(%arg12 : memref<!tpu.dma_semaphore, #tpu.memory_space<semaphore_mem>>)
    %dma_start3A_63 = arith.constant 1 : i32
    %dma_start3A_64 = arith.constant 1 : i32
    %dma_start3A_65 = arith.constant 0 : i32
    %dma_start3A_66 = arith.constant 0 : i32
    %dma_start3A_67 = tpu.memref_slice %arg9[%dma_start3A_64, %dma_start3A_65, %dma_start3A_66] : memref<3x128x128xf32, #tpu.memory_space<vmem>> -> memref<1x128x128xf32, #tpu.memory_space<vmem>>
    %dma_start3A_68 = tpu.memref_squeeze %dma_start3A_67 : memref<1x128x128xf32, #tpu.memory_space<vmem>> -> memref<128x128xf32, #tpu.memory_space<vmem>>
    %dma_start3A_69 = arith.constant 0 : i32
    %dma_start3A_70 = tpu.memref_slice %arg6[%dma_start3A_63, %dma_start3A_69] : memref<158x128xi32, #tpu.memory_space<vmem>> -> memref<1x128xi32, #tpu.memory_space<vmem>>
    %dma_start3A_71 = tpu.memref_squeeze %dma_start3A_70 : memref<1x128xi32, #tpu.memory_space<vmem>> -> memref<128xi32, #tpu.memory_space<vmem>>
    %dma_start3A_72 = arith.constant 0 : i32
    %dma_start3A_73 = arith.constant 0 : i32
    %dma_start3A_74 = tpu.memref_slice %arg2[%dma_start3A_72, %dma_start3A_73] : memref<10240x128xf32, #tpu.memory_space<hbm>> -> memref<10240x128xf32, #tpu.memory_space<hbm>>
    tpu.enqueue_indirect_dma source(%dma_start3A_74 : memref<10240x128xf32, #tpu.memory_space<hbm>>) target(%dma_start3A_68 : memref<128x128xf32, #tpu.memory_space<vmem>>) offsets(%dma_start3A_71 : memref<128xi32, #tpu.memory_space<vmem>>) semaphore(%arg11 : memref<!tpu.dma_semaphore, #tpu.memory_space<semaphore_mem>>)
    %scan3A_75 = arith.constant 0 : i32
    %scan3A_76 = arith.constant 0 : i32
    %scan3A_77 = arith.constant 158 : i32
    %scan3A_78 = arith.addi %scan3A_76, %scan3A_77 : i32
    %scan3A_79 = arith.constant 1 : i32
    scf.for %scan3A_111 = %scan3A_76 to %scan3A_78 step %scan3A_79  : i32 {
      %rem3A_112 = arith.constant 3 : i32
      %rem3A_113 = arith.remsi %scan3A_111, %rem3A_112 : i32
      %dma_wait3A_114 = arith.constant 0 : i32
      %dma_wait3A_115 = arith.constant 0 : i32
      %dma_wait3A_116 = tpu.memref_slice %arg9[%rem3A_113, %dma_wait3A_114, %dma_wait3A_115] : memref<3x128x128xf32, #tpu.memory_space<vmem>> -> memref<1x128x128xf32, #tpu.memory_space<vmem>>
      %dma_wait3A_117 = tpu.memref_squeeze %dma_wait3A_116 : memref<1x128x128xf32, #tpu.memory_space<vmem>> -> memref<128x128xf32, #tpu.memory_space<vmem>>
      %dma_wait3A_118 = arith.constant 0 : i32
      %dma_wait3A_119 = tpu.memref_slice %arg6[%scan3A_111, %dma_wait3A_118] : memref<158x128xi32, #tpu.memory_space<vmem>> -> memref<1x128xi32, #tpu.memory_space<vmem>>
      %dma_wait3A_120 = tpu.memref_squeeze %dma_wait3A_119 : memref<1x128xi32, #tpu.memory_space<vmem>> -> memref<128xi32, #tpu.memory_space<vmem>>
      %dma_wait3A_121 = arith.constant 0 : i32
      %dma_wait3A_122 = arith.constant 0 : i32
      %dma_wait3A_123 = tpu.memref_slice %arg2[%dma_wait3A_121, %dma_wait3A_122] : memref<10240x128xf32, #tpu.memory_space<hbm>> -> memref<10240x128xf32, #tpu.memory_space<hbm>>
      tpu.wait_indirect_dma semaphore(%arg11 : memref<!tpu.dma_semaphore, #tpu.memory_space<semaphore_mem>>) src(%dma_wait3A_123 : memref<10240x128xf32, #tpu.memory_space<hbm>>) dst(%dma_wait3A_117 : memref<128x128xf32, #tpu.memory_space<vmem>>)
      %dma_wait3A_124 = arith.constant 0 : i32
      %dma_wait3A_125 = arith.constant 0 : i32
      %dma_wait3A_126 = tpu.memref_slice %arg7[%rem3A_113, %dma_wait3A_124, %dma_wait3A_125] : memref<3x1x128xi32, #tpu.memory_space<vmem>> -> memref<1x1x128xi32, #tpu.memory_space<vmem>>
      %dma_wait3A_127 = tpu.memref_squeeze %dma_wait3A_126 : memref<1x1x128xi32, #tpu.memory_space<vmem>> -> memref<1x128xi32, #tpu.memory_space<vmem>>
      %dma_wait3A_128 = arith.constant 0 : i32
      %dma_wait3A_129 = arith.constant 0 : i32
      %dma_wait3A_130 = tpu.memref_slice %arg4[%arg1, %scan3A_111, %dma_wait3A_128, %dma_wait3A_129] : memref<16x158x1x128xi32, #tpu.memory_space<hbm>> -> memref<1x1x1x128xi32, #tpu.memory_space<hbm>>
      %dma_wait3A_131 = tpu.memref_squeeze %dma_wait3A_130 : memref<1x1x1x128xi32, #tpu.memory_space<hbm>> -> memref<1x128xi32, #tpu.memory_space<hbm>>
      %dma_wait3A_132 = arith.constant 0 : i32
      %dma_wait3A_133 = arith.constant 0 : i32
      %dma_wait3A_134 = tpu.memref_slice %arg7[%rem3A_113, %dma_wait3A_132, %dma_wait3A_133] : memref<3x1x128xi32, #tpu.memory_space<vmem>> -> memref<1x1x128xi32, #tpu.memory_space<vmem>>
      %dma_wait3A_135 = tpu.memref_squeeze %dma_wait3A_134 : memref<1x1x128xi32, #tpu.memory_space<vmem>> -> memref<1x128xi32, #tpu.memory_space<vmem>>
      %dma_wait3A_136 = arith.constant 0 : i32
      %dma_wait3A_137 = arith.constant 0 : i32
      %dma_wait3A_138 = tpu.memref_slice %arg4[%arg1, %scan3A_111, %dma_wait3A_136, %dma_wait3A_137] : memref<16x158x1x128xi32, #tpu.memory_space<hbm>> -> memref<1x1x1x128xi32, #tpu.memory_space<hbm>>
      %dma_wait3A_139 = tpu.memref_squeeze %dma_wait3A_138 : memref<1x1x1x128xi32, #tpu.memory_space<hbm>> -> memref<1x128xi32, #tpu.memory_space<hbm>>
      tpu.wait_dma2 semaphore(%arg12 : memref<!tpu.dma_semaphore, #tpu.memory_space<semaphore_mem>>) src(%dma_wait3A_139 : memref<1x128xi32, #tpu.memory_space<hbm>>) dst(%dma_wait3A_135 : memref<1x128xi32, #tpu.memory_space<vmem>>)
      %get3A = arith.constant 0 : i32
      %get3A_140 = arith.index_cast %rem3A_113 : i32 to index
      %get3A_141 = arith.index_cast %get3A : i32 to index
      %get3A_142 = arith.constant 0 : index
      %get3A_143 = tpu.vector_load %arg7[%get3A_140, %get3A_141, %get3A_142] {strides = array<i32>} : memref<3x1x128xi32, #tpu.memory_space<vmem>>, vector<1x1x16xi32>,
      %get3A_144 = vector.shape_cast %get3A_143 : vector<1x1x16xi32> to vector<16xi32>
      %sub3A = vector.broadcast %mul3A_0 : i32 to vector<16xi32>
      %sub3A_145 = arith.subi %get3A_144, %sub3A : vector<16xi32>
      %ge3A = arith.constant 0 : i32
      %ge3A_146 = vector.broadcast %ge3A : i32 to vector<16xi32>
      %ge3A_147 = arith.cmpi sge, %sub3A_145, %ge3A_146 : vector<16xi32>
      %lt3A = arith.constant 5120 : i32
      %lt3A_148 = vector.broadcast %lt3A : i32 to vector<16xi32>
      %lt3A_149 = arith.cmpi slt, %sub3A_145, %lt3A_148 : vector<16xi32>
      %and3A = arith.andi %ge3A_147, %lt3A_149 : vector<16xi1>
      %jit3A = arith.constant 5120 : i32
      %broadcast_in_dim3A_150 = vector.broadcast %jit3A : i32 to vector<16xi32>
      %select_n3A = arith.select %and3A, %sub3A_145, %broadcast_in_dim3A_150 : vector<16xi1>, vector<16xi32>
      %swap3A = arith.index_cast %rem3A_113 : i32 to index
      %swap3A_151 = arith.constant 0 : index
      %swap3A_152 = tpu.vector_load %arg8[%swap3A, %swap3A_151] {strides = array<i32>} : memref<3x128xi32, #tpu.memory_space<vmem>>, vector<1x16xi32>,
      %swap3A_153 = vector.shape_cast %swap3A_152 : vector<1x16xi32> to vector<16xi32>
      %swap3A_154 = vector.shape_cast %select_n3A : vector<16xi32> to vector<1x16xi32>
      tpu.vector_store %arg8[%swap3A, %swap3A_151], %swap3A_154 {strides = array<i32>} : memref<3x128xi32, #tpu.memory_space<vmem>>, vector<1x16xi32>,
      %get3A_155 = arith.constant 0 : i32
      %get3A_156 = arith.index_cast %rem3A_113 : i32 to index
      %get3A_157 = arith.index_cast %get3A_155 : i32 to index
      %get3A_158 = arith.constant 16 : index
      %get3A_159 = tpu.vector_load %arg7[%get3A_156, %get3A_157, %get3A_158] {strides = array<i32>} : memref<3x1x128xi32, #tpu.memory_space<vmem>>, vector<1x1x16xi32>,
      %get3A_160 = vector.shape_cast %get3A_159 : vector<1x1x16xi32> to vector<16xi32>
      %sub3A_161 = vector.broadcast %mul3A_0 : i32 to vector<16xi32>
      %sub3A_162 = arith.subi %get3A_160, %sub3A_161 : vector<16xi32>
      %ge3A_163 = arith.constant 0 : i32
      %ge3A_164 = vector.broadcast %ge3A_163 : i32 to vector<16xi32>
      %ge3A_165 = arith.cmpi sge, %sub3A_162, %ge3A_164 : vector<16xi32>
      %lt3A_166 = arith.constant 5120 : i32
      %lt3A_167 = vector.broadcast %lt3A_166 : i32 to vector<16xi32>
      %lt3A_168 = arith.cmpi slt, %sub3A_162, %lt3A_167 : vector<16xi32>
      %and3A_169 = arith.andi %ge3A_165, %lt3A_168 : vector<16xi1>
      %jit3A_170 = arith.constant 5120 : i32
      %broadcast_in_dim3A_171 = vector.broadcast %jit3A_170 : i32 to vector<16xi32>
      %select_n3A_172 = arith.select %and3A_169, %sub3A_162, %broadcast_in_dim3A_171 : vector<16xi1>, vector<16xi32>
      %swap3A_173 = arith.index_cast %rem3A_113 : i32 to index
      %swap3A_174 = arith.constant 16 : index
      %swap3A_175 = tpu.vector_load %arg8[%swap3A_173, %swap3A_174] {strides = array<i32>} : memref<3x128xi32, #tpu.memory_space<vmem>>, vector<1x16xi32>,
      %swap3A_176 = vector.shape_cast %swap3A_175 : vector<1x16xi32> to vector<16xi32>
      %swap3A_177 = vector.shape_cast %select_n3A_172 : vector<16xi32> to vector<1x16xi32>
      tpu.vector_store %arg8[%swap3A_173, %swap3A_174], %swap3A_177 {strides = array<i32>} : memref<3x128xi32, #tpu.memory_space<vmem>>, vector<1x16xi32>,
      %get3A_178 = arith.constant 0 : i32
      %get3A_179 = arith.index_cast %rem3A_113 : i32 to index
      %get3A_180 = arith.index_cast %get3A_178 : i32 to index
      %get3A_181 = arith.constant 32 : index
      %get3A_182 = tpu.vector_load %arg7[%get3A_179, %get3A_180, %get3A_181] {strides = array<i32>} : memref<3x1x128xi32, #tpu.memory_space<vmem>>, vector<1x1x16xi32>,
      %get3A_183 = vector.shape_cast %get3A_182 : vector<1x1x16xi32> to vector<16xi32>
      %sub3A_184 = vector.broadcast %mul3A_0 : i32 to vector<16xi32>
      %sub3A_185 = arith.subi %get3A_183, %sub3A_184 : vector<16xi32>
      %ge3A_186 = arith.constant 0 : i32
      %ge3A_187 = vector.broadcast %ge3A_186 : i32 to vector<16xi32>
      %ge3A_188 = arith.cmpi sge, %sub3A_185, %ge3A_187 : vector<16xi32>
      %lt3A_189 = arith.constant 5120 : i32
      %lt3A_190 = vector.broadcast %lt3A_189 : i32 to vector<16xi32>
      %lt3A_191 = arith.cmpi slt, %sub3A_185, %lt3A_190 : vector<16xi32>
      %and3A_192 = arith.andi %ge3A_188, %lt3A_191 : vector<16xi1>
      %jit3A_193 = arith.constant 5120 : i32
      %broadcast_in_dim3A_194 = vector.broadcast %jit3A_193 : i32 to vector<16xi32>
      %select_n3A_195 = arith.select %and3A_192, %sub3A_185, %broadcast_in_dim3A_194 : vector<16xi1>, vector<16xi32>
      %swap3A_196 = arith.index_cast %rem3A_113 : i32 to index
      %swap3A_197 = arith.constant 32 : index
      %swap3A_198 = tpu.vector_load %arg8[%swap3A_196, %swap3A_197] {strides = array<i32>} : memref<3x128xi32, #tpu.memory_space<vmem>>, vector<1x16xi32>,
      %swap3A_199 = vector.shape_cast %swap3A_198 : vector<1x16xi32> to vector<16xi32>
      %swap3A_200 = vector.shape_cast %select_n3A_195 : vector<16xi32> to vector<1x16xi32>
      tpu.vector_store %arg8[%swap3A_196, %swap3A_197], %swap3A_200 {strides = array<i32>} : memref<3x128xi32, #tpu.memory_space<vmem>>, vector<1x16xi32>,
      %get3A_201 = arith.constant 0 : i32
      %get3A_202 = arith.index_cast %rem3A_113 : i32 to index
      %get3A_203 = arith.index_cast %get3A_201 : i32 to index
      %get3A_204 = arith.constant 48 : index
      %get3A_205 = tpu.vector_load %arg7[%get3A_202, %get3A_203, %get3A_204] {strides = array<i32>} : memref<3x1x128xi32, #tpu.memory_space<vmem>>, vector<1x1x16xi32>,
      %get3A_206 = vector.shape_cast %get3A_205 : vector<1x1x16xi32> to vector<16xi32>
      %sub3A_207 = vector.broadcast %mul3A_0 : i32 to vector<16xi32>
      %sub3A_208 = arith.subi %get3A_206, %sub3A_207 : vector<16xi32>
      %ge3A_209 = arith.constant 0 : i32
      %ge3A_210 = vector.broadcast %ge3A_209 : i32 to vector<16xi32>
      %ge3A_211 = arith.cmpi sge, %sub3A_208, %ge3A_210 : vector<16xi32>
      %lt3A_212 = arith.constant 5120 : i32
      %lt3A_213 = vector.broadcast %lt3A_212 : i32 to vector<16xi32>
      %lt3A_214 = arith.cmpi slt, %sub3A_208, %lt3A_213 : vector<16xi32>
      %and3A_215 = arith.andi %ge3A_211, %lt3A_214 : vector<16xi1>
      %jit3A_216 = arith.constant 5120 : i32
      %broadcast_in_dim3A_217 = vector.broadcast %jit3A_216 : i32 to vector<16xi32>
      %select_n3A_218 = arith.select %and3A_215, %sub3A_208, %broadcast_in_dim3A_217 : vector<16xi1>, vector<16xi32>
      %swap3A_219 = arith.index_cast %rem3A_113 : i32 to index
      %swap3A_220 = arith.constant 48 : index
      %swap3A_221 = tpu.vector_load %arg8[%swap3A_219, %swap3A_220] {strides = array<i32>} : memref<3x128xi32, #tpu.memory_space<vmem>>, vector<1x16xi32>,
      %swap3A_222 = vector.shape_cast %swap3A_221 : vector<1x16xi32> to vector<16xi32>
      %swap3A_223 = vector.shape_cast %select_n3A_218 : vector<16xi32> to vector<1x16xi32>
      tpu.vector_store %arg8[%swap3A_219, %swap3A_220], %swap3A_223 {strides = array<i32>} : memref<3x128xi32, #tpu.memory_space<vmem>>, vector<1x16xi32>,
      %get3A_224 = arith.constant 0 : i32
      %get3A_225 = arith.index_cast %rem3A_113 : i32 to index
      %get3A_226 = arith.index_cast %get3A_224 : i32 to index
      %get3A_227 = arith.constant 64 : index
      %get3A_228 = tpu.vector_load %arg7[%get3A_225, %get3A_226, %get3A_227] {strides = array<i32>} : memref<3x1x128xi32, #tpu.memory_space<vmem>>, vector<1x1x16xi32>,
      %get3A_229 = vector.shape_cast %get3A_228 : vector<1x1x16xi32> to vector<16xi32>
      %sub3A_230 = vector.broadcast %mul3A_0 : i32 to vector<16xi32>
      %sub3A_231 = arith.subi %get3A_229, %sub3A_230 : vector<16xi32>
      %ge3A_232 = arith.constant 0 : i32
      %ge3A_233 = vector.broadcast %ge3A_232 : i32 to vector<16xi32>
      %ge3A_234 = arith.cmpi sge, %sub3A_231, %ge3A_233 : vector<16xi32>
      %lt3A_235 = arith.constant 5120 : i32
      %lt3A_236 = vector.broadcast %lt3A_235 : i32 to vector<16xi32>
      %lt3A_237 = arith.cmpi slt, %sub3A_231, %lt3A_236 : vector<16xi32>
      %and3A_238 = arith.andi %ge3A_234, %lt3A_237 : vector<16xi1>
      %jit3A_239 = arith.constant 5120 : i32
      %broadcast_in_dim3A_240 = vector.broadcast %jit3A_239 : i32 to vector<16xi32>
      %select_n3A_241 = arith.select %and3A_238, %sub3A_231, %broadcast_in_dim3A_240 : vector<16xi1>, vector<16xi32>
      %swap3A_242 = arith.index_cast %rem3A_113 : i32 to index
      %swap3A_243 = arith.constant 64 : index
      %swap3A_244 = tpu.vector_load %arg8[%swap3A_242, %swap3A_243] {strides = array<i32>} : memref<3x128xi32, #tpu.memory_space<vmem>>, vector<1x16xi32>,
      %swap3A_245 = vector.shape_cast %swap3A_244 : vector<1x16xi32> to vector<16xi32>
      %swap3A_246 = vector.shape_cast %select_n3A_241 : vector<16xi32> to vector<1x16xi32>
      tpu.vector_store %arg8[%swap3A_242, %swap3A_243], %swap3A_246 {strides = array<i32>} : memref<3x128xi32, #tpu.memory_space<vmem>>, vector<1x16xi32>,
      %get3A_247 = arith.constant 0 : i32
      %get3A_248 = arith.index_cast %rem3A_113 : i32 to index
      %get3A_249 = arith.index_cast %get3A_247 : i32 to index
      %get3A_250 = arith.constant 80 : index
      %get3A_251 = tpu.vector_load %arg7[%get3A_248, %get3A_249, %get3A_250] {strides = array<i32>} : memref<3x1x128xi32, #tpu.memory_space<vmem>>, vector<1x1x16xi32>,
      %get3A_252 = vector.shape_cast %get3A_251 : vector<1x1x16xi32> to vector<16xi32>
      %sub3A_253 = vector.broadcast %mul3A_0 : i32 to vector<16xi32>
      %sub3A_254 = arith.subi %get3A_252, %sub3A_253 : vector<16xi32>
      %ge3A_255 = arith.constant 0 : i32
      %ge3A_256 = vector.broadcast %ge3A_255 : i32 to vector<16xi32>
      %ge3A_257 = arith.cmpi sge, %sub3A_254, %ge3A_256 : vector<16xi32>
      %lt3A_258 = arith.constant 5120 : i32
      %lt3A_259 = vector.broadcast %lt3A_258 : i32 to vector<16xi32>
      %lt3A_260 = arith.cmpi slt, %sub3A_254, %lt3A_259 : vector<16xi32>
      %and3A_261 = arith.andi %ge3A_257, %lt3A_260 : vector<16xi1>
      %jit3A_262 = arith.constant 5120 : i32
      %broadcast_in_dim3A_263 = vector.broadcast %jit3A_262 : i32 to vector<16xi32>
      %select_n3A_264 = arith.select %and3A_261, %sub3A_254, %broadcast_in_dim3A_263 : vector<16xi1>, vector<16xi32>
      %swap3A_265 = arith.index_cast %rem3A_113 : i32 to index
      %swap3A_266 = arith.constant 80 : index
      %swap3A_267 = tpu.vector_load %arg8[%swap3A_265, %swap3A_266] {strides = array<i32>} : memref<3x128xi32, #tpu.memory_space<vmem>>, vector<1x16xi32>,
      %swap3A_268 = vector.shape_cast %swap3A_267 : vector<1x16xi32> to vector<16xi32>
      %swap3A_269 = vector.shape_cast %select_n3A_264 : vector<16xi32> to vector<1x16xi32>
      tpu.vector_store %arg8[%swap3A_265, %swap3A_266], %swap3A_269 {strides = array<i32>} : memref<3x128xi32, #tpu.memory_space<vmem>>, vector<1x16xi32>,
      %get3A_270 = arith.constant 0 : i32
      %get3A_271 = arith.index_cast %rem3A_113 : i32 to index
      %get3A_272 = arith.index_cast %get3A_270 : i32 to index
      %get3A_273 = arith.constant 96 : index
      %get3A_274 = tpu.vector_load %arg7[%get3A_271, %get3A_272, %get3A_273] {strides = array<i32>} : memref<3x1x128xi32, #tpu.memory_space<vmem>>, vector<1x1x16xi32>,
      %get3A_275 = vector.shape_cast %get3A_274 : vector<1x1x16xi32> to vector<16xi32>
      %sub3A_276 = vector.broadcast %mul3A_0 : i32 to vector<16xi32>
      %sub3A_277 = arith.subi %get3A_275, %sub3A_276 : vector<16xi32>
      %ge3A_278 = arith.constant 0 : i32
      %ge3A_279 = vector.broadcast %ge3A_278 : i32 to vector<16xi32>
      %ge3A_280 = arith.cmpi sge, %sub3A_277, %ge3A_279 : vector<16xi32>
      %lt3A_281 = arith.constant 5120 : i32
      %lt3A_282 = vector.broadcast %lt3A_281 : i32 to vector<16xi32>
      %lt3A_283 = arith.cmpi slt, %sub3A_277, %lt3A_282 : vector<16xi32>
      %and3A_284 = arith.andi %ge3A_280, %lt3A_283 : vector<16xi1>
      %jit3A_285 = arith.constant 5120 : i32
      %broadcast_in_dim3A_286 = vector.broadcast %jit3A_285 : i32 to vector<16xi32>
      %select_n3A_287 = arith.select %and3A_284, %sub3A_277, %broadcast_in_dim3A_286 : vector<16xi1>, vector<16xi32>
      %swap3A_288 = arith.index_cast %rem3A_113 : i32 to index
      %swap3A_289 = arith.constant 96 : index
      %swap3A_290 = tpu.vector_load %arg8[%swap3A_288, %swap3A_289] {strides = array<i32>} : memref<3x128xi32, #tpu.memory_space<vmem>>, vector<1x16xi32>,
      %swap3A_291 = vector.shape_cast %swap3A_290 : vector<1x16xi32> to vector<16xi32>
      %swap3A_292 = vector.shape_cast %select_n3A_287 : vector<16xi32> to vector<1x16xi32>
      tpu.vector_store %arg8[%swap3A_288, %swap3A_289], %swap3A_292 {strides = array<i32>} : memref<3x128xi32, #tpu.memory_space<vmem>>, vector<1x16xi32>,
      %get3A_293 = arith.constant 0 : i32
      %get3A_294 = arith.index_cast %rem3A_113 : i32 to index
      %get3A_295 = arith.index_cast %get3A_293 : i32 to index
      %get3A_296 = arith.constant 112 : index
      %get3A_297 = tpu.vector_load %arg7[%get3A_294, %get3A_295, %get3A_296] {strides = array<i32>} : memref<3x1x128xi32, #tpu.memory_space<vmem>>, vector<1x1x16xi32>,
      %get3A_298 = vector.shape_cast %get3A_297 : vector<1x1x16xi32> to vector<16xi32>
      %sub3A_299 = vector.broadcast %mul3A_0 : i32 to vector<16xi32>
      %sub3A_300 = arith.subi %get3A_298, %sub3A_299 : vector<16xi32>
      %ge3A_301 = arith.constant 0 : i32
      %ge3A_302 = vector.broadcast %ge3A_301 : i32 to vector<16xi32>
      %ge3A_303 = arith.cmpi sge, %sub3A_300, %ge3A_302 : vector<16xi32>
      %lt3A_304 = arith.constant 5120 : i32
      %lt3A_305 = vector.broadcast %lt3A_304 : i32 to vector<16xi32>
      %lt3A_306 = arith.cmpi slt, %sub3A_300, %lt3A_305 : vector<16xi32>
      %and3A_307 = arith.andi %ge3A_303, %lt3A_306 : vector<16xi1>
      %jit3A_308 = arith.constant 5120 : i32
      %broadcast_in_dim3A_309 = vector.broadcast %jit3A_308 : i32 to vector<16xi32>
      %select_n3A_310 = arith.select %and3A_307, %sub3A_300, %broadcast_in_dim3A_309 : vector<16xi1>, vector<16xi32>
      %swap3A_311 = arith.index_cast %rem3A_113 : i32 to index
      %swap3A_312 = arith.constant 112 : index
      %swap3A_313 = tpu.vector_load %arg8[%swap3A_311, %swap3A_312] {strides = array<i32>} : memref<3x128xi32, #tpu.memory_space<vmem>>, vector<1x16xi32>,
      %swap3A_314 = vector.shape_cast %swap3A_313 : vector<1x16xi32> to vector<16xi32>
      %swap3A_315 = vector.shape_cast %select_n3A_310 : vector<16xi32> to vector<1x16xi32>
      tpu.vector_store %arg8[%swap3A_311, %swap3A_312], %swap3A_315 {strides = array<i32>} : memref<3x128xi32, #tpu.memory_space<vmem>>, vector<1x16xi32>,
      %dma_start3A_316 = arith.constant 0 : i32
      %dma_start3A_317 = arith.constant 0 : i32
      %dma_start3A_318 = tpu.memref_slice %arg9[%rem3A_113, %dma_start3A_316, %dma_start3A_317] : memref<3x128x128xf32, #tpu.memory_space<vmem>> -> memref<1x128x128xf32, #tpu.memory_space<vmem>>
      %dma_start3A_319 = tpu.memref_squeeze %dma_start3A_318 : memref<1x128x128xf32, #tpu.memory_space<vmem>> -> memref<128x128xf32, #tpu.memory_space<vmem>>
      %dma_start3A_320 = arith.constant 0 : i32
      %dma_start3A_321 = tpu.memref_slice %arg8[%rem3A_113, %dma_start3A_320] : memref<3x128xi32, #tpu.memory_space<vmem>> -> memref<1x128xi32, #tpu.memory_space<vmem>>
      %dma_start3A_322 = tpu.memref_squeeze %dma_start3A_321 : memref<1x128xi32, #tpu.memory_space<vmem>> -> memref<128xi32, #tpu.memory_space<vmem>>
      %dma_start3A_323 = arith.constant 0 : i32
      %dma_start3A_324 = arith.constant 0 : i32
      %dma_start3A_325 = tpu.memref_slice %arg10[%dma_start3A_323, %dma_start3A_324] : memref<5248x128xf32, #tpu.memory_space<vmem_shared>> -> memref<5248x128xf32, #tpu.memory_space<vmem_shared>>
      tpu.enqueue_indirect_dma source(%dma_start3A_319 : memref<128x128xf32, #tpu.memory_space<vmem>>) target(%dma_start3A_325 : memref<5248x128xf32, #tpu.memory_space<vmem_shared>>) offsets(%dma_start3A_322 : memref<128xi32, #tpu.memory_space<vmem>>) semaphore(%arg13 : memref<!tpu.dma_semaphore, #tpu.memory_space<semaphore_mem>>) {add = true}
      %add3A_326 = arith.constant 3 : i32
      %add3A_327 = arith.addi %scan3A_111, %add3A_326 : i32
      %sub3A_328 = arith.constant 1 : i32
      %sub3A_329 = arith.subi %add3A_327, %sub3A_328 : i32
      %rem3A_330 = arith.constant 3 : i32
      %rem3A_331 = arith.remsi %sub3A_329, %rem3A_330 : i32
      %ge3A_332 = arith.constant 1 : i32
      %ge3A_333 = arith.cmpi sge, %scan3A_111, %ge3A_332 : i32
      %convert_element_type3A = arith.extui %ge3A_333 : i1 to i32
      %cond3A = arith.constant 0 : i32
      %cond3A_334 = arith.cmpi ne, %convert_element_type3A, %cond3A : i32
      scf.if %cond3A_334 {
        %dma_wait3A_344 = arith.constant 0 : i32
        %dma_wait3A_345 = arith.constant 0 : i32
        %dma_wait3A_346 = tpu.memref_slice %arg9[%rem3A_331, %dma_wait3A_344, %dma_wait3A_345] : memref<3x128x128xf32, #tpu.memory_space<vmem>> -> memref<1x128x128xf32, #tpu.memory_space<vmem>>
        %dma_wait3A_347 = tpu.memref_squeeze %dma_wait3A_346 : memref<1x128x128xf32, #tpu.memory_space<vmem>> -> memref<128x128xf32, #tpu.memory_space<vmem>>
        %dma_wait3A_348 = arith.constant 0 : i32
        %dma_wait3A_349 = tpu.memref_slice %arg8[%rem3A_331, %dma_wait3A_348] : memref<3x128xi32, #tpu.memory_space<vmem>> -> memref<1x128xi32, #tpu.memory_space<vmem>>
        %dma_wait3A_350 = tpu.memref_squeeze %dma_wait3A_349 : memref<1x128xi32, #tpu.memory_space<vmem>> -> memref<128xi32, #tpu.memory_space<vmem>>
        %dma_wait3A_351 = arith.constant 0 : i32
        %dma_wait3A_352 = arith.constant 0 : i32
        %dma_wait3A_353 = tpu.memref_slice %arg10[%dma_wait3A_351, %dma_wait3A_352] : memref<5248x128xf32, #tpu.memory_space<vmem_shared>> -> memref<5248x128xf32, #tpu.memory_space<vmem_shared>>
        tpu.wait_indirect_dma semaphore(%arg13 : memref<!tpu.dma_semaphore, #tpu.memory_space<semaphore_mem>>) src(%dma_wait3A_347 : memref<128x128xf32, #tpu.memory_space<vmem>>) dst(%dma_wait3A_353 : memref<5248x128xf32, #tpu.memory_space<vmem_shared>>)
      } else {
      }
      %add3A_335 = arith.constant 3 : i32
      %add3A_336 = arith.addi %scan3A_111, %add3A_335 : i32
      %sub3A_337 = arith.constant 1 : i32
      %sub3A_338 = arith.subi %add3A_336, %sub3A_337 : i32
      %lt3A_339 = arith.constant 158 : i32
      %lt3A_340 = arith.cmpi slt, %sub3A_338, %lt3A_339 : i32
      %convert_element_type3A_341 = arith.extui %lt3A_340 : i1 to i32
      %cond3A_342 = arith.constant 0 : i32
      %cond3A_343 = arith.cmpi ne, %convert_element_type3A_341, %cond3A_342 : i32
      scf.if %cond3A_343 {
        %add3A_344 = arith.constant 3 : i32
        %add3A_345 = arith.addi %scan3A_111, %add3A_344 : i32
        %sub3A_346 = arith.constant 1 : i32
        %sub3A_347 = arith.subi %add3A_345, %sub3A_346 : i32
        %dma_start3A_348 = arith.constant 0 : i32
        %dma_start3A_349 = arith.constant 0 : i32
        %dma_start3A_350 = tpu.memref_slice %arg7[%rem3A_331, %dma_start3A_348, %dma_start3A_349] : memref<3x1x128xi32, #tpu.memory_space<vmem>> -> memref<1x1x128xi32, #tpu.memory_space<vmem>>
        %dma_start3A_351 = tpu.memref_squeeze %dma_start3A_350 : memref<1x1x128xi32, #tpu.memory_space<vmem>> -> memref<1x128xi32, #tpu.memory_space<vmem>>
        %dma_start3A_352 = arith.constant 0 : i32
        %dma_start3A_353 = arith.constant 0 : i32
        %dma_start3A_354 = tpu.memref_slice %arg4[%arg1, %sub3A_347, %dma_start3A_352, %dma_start3A_353] : memref<16x158x1x128xi32, #tpu.memory_space<hbm>> -> memref<1x1x1x128xi32, #tpu.memory_space<hbm>>
        %dma_start3A_355 = tpu.memref_squeeze %dma_start3A_354 : memref<1x1x1x128xi32, #tpu.memory_space<hbm>> -> memref<1x128xi32, #tpu.memory_space<hbm>>
        %dma_start3A_356 = arith.constant 0 : i32
        %dma_start3A_357 = arith.constant 0 : i32
        %dma_start3A_358 = tpu.memref_slice %arg7[%rem3A_331, %dma_start3A_356, %dma_start3A_357] : memref<3x1x128xi32, #tpu.memory_space<vmem>> -> memref<1x1x128xi32, #tpu.memory_space<vmem>>
        %dma_start3A_359 = tpu.memref_squeeze %dma_start3A_358 : memref<1x1x128xi32, #tpu.memory_space<vmem>> -> memref<1x128xi32, #tpu.memory_space<vmem>>
        %dma_start3A_360 = arith.constant 0 : i32
        %dma_start3A_361 = arith.constant 0 : i32
        %dma_start3A_362 = tpu.memref_slice %arg4[%arg1, %sub3A_347, %dma_start3A_360, %dma_start3A_361] : memref<16x158x1x128xi32, #tpu.memory_space<hbm>> -> memref<1x1x1x128xi32, #tpu.memory_space<hbm>>
        %dma_start3A_363 = tpu.memref_squeeze %dma_start3A_362 : memref<1x1x1x128xi32, #tpu.memory_space<hbm>> -> memref<1x128xi32, #tpu.memory_space<hbm>>
        tpu.enqueue_dma source(%dma_start3A_363 : memref<1x128xi32, #tpu.memory_space<hbm>>) target(%dma_start3A_359 : memref<1x128xi32, #tpu.memory_space<vmem>>) target_semaphore(%arg12 : memref<!tpu.dma_semaphore, #tpu.memory_space<semaphore_mem>>)
        %add3A_364 = arith.constant 3 : i32
        %add3A_365 = arith.addi %scan3A_111, %add3A_364 : i32
        %sub3A_366 = arith.constant 1 : i32
        %sub3A_367 = arith.subi %add3A_365, %sub3A_366 : i32
        %dma_start3A_368 = arith.constant 0 : i32
        %dma_start3A_369 = arith.constant 0 : i32
        %dma_start3A_370 = tpu.memref_slice %arg9[%rem3A_331, %dma_start3A_368, %dma_start3A_369] : memref<3x128x128xf32, #tpu.memory_space<vmem>> -> memref<1x128x128xf32, #tpu.memory_space<vmem>>
        %dma_start3A_371 = tpu.memref_squeeze %dma_start3A_370 : memref<1x128x128xf32, #tpu.memory_space<vmem>> -> memref<128x128xf32, #tpu.memory_space<vmem>>
        %dma_start3A_372 = arith.constant 0 : i32
        %dma_start3A_373 = tpu.memref_slice %arg6[%sub3A_367, %dma_start3A_372] : memref<158x128xi32, #tpu.memory_space<vmem>> -> memref<1x128xi32, #tpu.memory_space<vmem>>
        %dma_start3A_374 = tpu.memref_squeeze %dma_start3A_373 : memref<1x128xi32, #tpu.memory_space<vmem>> -> memref<128xi32, #tpu.memory_space<vmem>>
        %dma_start3A_375 = arith.constant 0 : i32
        %dma_start3A_376 = arith.constant 0 : i32
        %dma_start3A_377 = tpu.memref_slice %arg2[%dma_start3A_375, %dma_start3A_376] : memref<10240x128xf32, #tpu.memory_space<hbm>> -> memref<10240x128xf32, #tpu.memory_space<hbm>>
        tpu.enqueue_indirect_dma source(%dma_start3A_377 : memref<10240x128xf32, #tpu.memory_space<hbm>>) target(%dma_start3A_371 : memref<128x128xf32, #tpu.memory_space<vmem>>) offsets(%dma_start3A_374 : memref<128xi32, #tpu.memory_space<vmem>>) semaphore(%arg11 : memref<!tpu.dma_semaphore, #tpu.memory_space<semaphore_mem>>)
      } else {
      }
    }
    %scan3A_80 = arith.constant 158 : i32
    %rem3A = arith.constant 157 : i32
    %rem3A_81 = arith.constant 3 : i32
    %rem3A_82 = arith.remsi %rem3A, %rem3A_81 : i32
    %dma_wait3A = arith.constant 0 : i32
    %dma_wait3A_83 = arith.constant 0 : i32
    %dma_wait3A_84 = tpu.memref_slice %arg9[%rem3A_82, %dma_wait3A, %dma_wait3A_83] : memref<3x128x128xf32, #tpu.memory_space<vmem>> -> memref<1x128x128xf32, #tpu.memory_space<vmem>>
    %dma_wait3A_85 = tpu.memref_squeeze %dma_wait3A_84 : memref<1x128x128xf32, #tpu.memory_space<vmem>> -> memref<128x128xf32, #tpu.memory_space<vmem>>
    %dma_wait3A_86 = arith.constant 0 : i32
    %dma_wait3A_87 = tpu.memref_slice %arg8[%rem3A_82, %dma_wait3A_86] : memref<3x128xi32, #tpu.memory_space<vmem>> -> memref<1x128xi32, #tpu.memory_space<vmem>>
    %dma_wait3A_88 = tpu.memref_squeeze %dma_wait3A_87 : memref<1x128xi32, #tpu.memory_space<vmem>> -> memref<128xi32, #tpu.memory_space<vmem>>
    %dma_wait3A_89 = arith.constant 0 : i32
    %dma_wait3A_90 = arith.constant 0 : i32
    %dma_wait3A_91 = tpu.memref_slice %arg10[%dma_wait3A_89, %dma_wait3A_90] : memref<5248x128xf32, #tpu.memory_space<vmem_shared>> -> memref<5248x128xf32, #tpu.memory_space<vmem_shared>>
    tpu.wait_indirect_dma semaphore(%arg13 : memref<!tpu.dma_semaphore, #tpu.memory_space<semaphore_mem>>) src(%dma_wait3A_85 : memref<128x128xf32, #tpu.memory_space<vmem>>) dst(%dma_wait3A_91 : memref<5248x128xf32, #tpu.memory_space<vmem_shared>>)
    %barrier3A_92 = arith.constant 0 : index
    tpu.barrier barrier_id(%barrier3A_92)
    %add3A_93 = arith.constant 0 : i32
    %add3A_94 = arith.addi %mul3A_8, %add3A_93 : i32
    %run_scoped3A_95 = arith.constant 0 : i32
    "tpu.region"() ({
      %run_scoped3A_111 = tpu.sem_alloc : memref<!tpu.dma_semaphore, #tpu.memory_space<semaphore_mem>>
      %dma_start3A_112 = arith.constant 0 : i32
      %dma_start3A_113 = arith.constant 0 : i32
      %dma_start3A_114 = tpu.memref_slice %arg9[%run_scoped3A_95, %dma_start3A_112, %dma_start3A_113] : memref<3x128x128xf32, #tpu.memory_space<vmem>> -> memref<1x128x128xf32, #tpu.memory_space<vmem>>
      %dma_start3A_115 = tpu.memref_squeeze %dma_start3A_114 : memref<1x128x128xf32, #tpu.memory_space<vmem>> -> memref<128x128xf32, #tpu.memory_space<vmem>>
      %dma_start3A_116 = arith.constant 0 : i32
      %dma_start3A_117 = tpu.memref_slice %arg10[%add3A_94, %dma_start3A_116] : memref<5248x128xf32, #tpu.memory_space<vmem_shared>> -> memref<128x128xf32, #tpu.memory_space<vmem_shared>>
      %dma_start3A_118 = arith.constant 0 : i32
      %dma_start3A_119 = arith.constant 0 : i32
      %dma_start3A_120 = tpu.memref_slice %arg9[%run_scoped3A_95, %dma_start3A_118, %dma_start3A_119] : memref<3x128x128xf32, #tpu.memory_space<vmem>> -> memref<1x128x128xf32, #tpu.memory_space<vmem>>
      %dma_start3A_121 = tpu.memref_squeeze %dma_start3A_120 : memref<1x128x128xf32, #tpu.memory_space<vmem>> -> memref<128x128xf32, #tpu.memory_space<vmem>>
      %dma_start3A_122 = arith.constant 0 : i32
      %dma_start3A_123 = tpu.memref_slice %arg10[%add3A_94, %dma_start3A_122] : memref<5248x128xf32, #tpu.memory_space<vmem_shared>> -> memref<128x128xf32, #tpu.memory_space<vmem_shared>>
      tpu.enqueue_dma source(%dma_start3A_123 : memref<128x128xf32, #tpu.memory_space<vmem_shared>>) target(%dma_start3A_121 : memref<128x128xf32, #tpu.memory_space<vmem>>) target_semaphore(%run_scoped3A_111 : memref<!tpu.dma_semaphore, #tpu.memory_space<semaphore_mem>>)
      %dma_wait3A_124 = arith.constant 0 : i32
      %dma_wait3A_125 = arith.constant 0 : i32
      %dma_wait3A_126 = tpu.memref_slice %arg9[%run_scoped3A_95, %dma_wait3A_124, %dma_wait3A_125] : memref<3x128x128xf32, #tpu.memory_space<vmem>> -> memref<1x128x128xf32, #tpu.memory_space<vmem>>
      %dma_wait3A_127 = tpu.memref_squeeze %dma_wait3A_126 : memref<1x128x128xf32, #tpu.memory_space<vmem>> -> memref<128x128xf32, #tpu.memory_space<vmem>>
      %dma_wait3A_128 = arith.constant 0 : i32
      %dma_wait3A_129 = tpu.memref_slice %arg10[%add3A_94, %dma_wait3A_128] : memref<5248x128xf32, #tpu.memory_space<vmem_shared>> -> memref<128x128xf32, #tpu.memory_space<vmem_shared>>
      %dma_wait3A_130 = arith.constant 0 : i32
      %dma_wait3A_131 = arith.constant 0 : i32
      %dma_wait3A_132 = tpu.memref_slice %arg9[%run_scoped3A_95, %dma_wait3A_130, %dma_wait3A_131] : memref<3x128x128xf32, #tpu.memory_space<vmem>> -> memref<1x128x128xf32, #tpu.memory_space<vmem>>
      %dma_wait3A_133 = tpu.memref_squeeze %dma_wait3A_132 : memref<1x128x128xf32, #tpu.memory_space<vmem>> -> memref<128x128xf32, #tpu.memory_space<vmem>>
      %dma_wait3A_134 = arith.constant 0 : i32
      %dma_wait3A_135 = tpu.memref_slice %arg10[%add3A_94, %dma_wait3A_134] : memref<5248x128xf32, #tpu.memory_space<vmem_shared>> -> memref<128x128xf32, #tpu.memory_space<vmem_shared>>
      tpu.wait_dma2 semaphore(%run_scoped3A_111 : memref<!tpu.dma_semaphore, #tpu.memory_space<semaphore_mem>>) src(%dma_wait3A_135 : memref<128x128xf32, #tpu.memory_space<vmem_shared>>) dst(%dma_wait3A_133 : memref<128x128xf32, #tpu.memory_space<vmem>>)
      tpu.yield
    }) : () -> ()
    %add3A_96 = arith.constant 0 : i32
    %add3A_97 = arith.addi %mul3A_8, %add3A_96 : i32
    %run_scoped3A_98 = arith.constant 0 : i32
    "tpu.region"() ({
      %run_scoped3A_111 = tpu.sem_alloc : memref<!tpu.dma_semaphore, #tpu.memory_space<semaphore_mem>>
      %dma_start3A_112 = arith.constant 0 : i32
      %dma_start3A_113 = arith.constant 0 : i32
      %dma_start3A_114 = tpu.memref_slice %arg9[%run_scoped3A_98, %dma_start3A_112, %dma_start3A_113] : memref<3x128x128xf32, #tpu.memory_space<vmem>> -> memref<1x128x128xf32, #tpu.memory_space<vmem>>
      %dma_start3A_115 = tpu.memref_squeeze %dma_start3A_114 : memref<1x128x128xf32, #tpu.memory_space<vmem>> -> memref<128x128xf32, #tpu.memory_space<vmem>>
      %dma_start3A_116 = arith.constant 0 : i32
      %dma_start3A_117 = tpu.memref_slice %arg5[%arg0, %add3A_97, %dma_start3A_116] : memref<2x5248x128xf32, #tpu.memory_space<hbm>> -> memref<1x128x128xf32, #tpu.memory_space<hbm>>
      %dma_start3A_118 = tpu.memref_squeeze %dma_start3A_117 : memref<1x128x128xf32, #tpu.memory_space<hbm>> -> memref<128x128xf32, #tpu.memory_space<hbm>>
      %dma_start3A_119 = arith.constant 0 : i32
      %dma_start3A_120 = tpu.memref_slice %arg5[%arg0, %add3A_97, %dma_start3A_119] : memref<2x5248x128xf32, #tpu.memory_space<hbm>> -> memref<1x128x128xf32, #tpu.memory_space<hbm>>
      %dma_start3A_121 = tpu.memref_squeeze %dma_start3A_120 : memref<1x128x128xf32, #tpu.memory_space<hbm>> -> memref<128x128xf32, #tpu.memory_space<hbm>>
      %dma_start3A_122 = arith.constant 0 : i32
      %dma_start3A_123 = arith.constant 0 : i32
      %dma_start3A_124 = tpu.memref_slice %arg9[%run_scoped3A_98, %dma_start3A_122, %dma_start3A_123] : memref<3x128x128xf32, #tpu.memory_space<vmem>> -> memref<1x128x128xf32, #tpu.memory_space<vmem>>
      %dma_start3A_125 = tpu.memref_squeeze %dma_start3A_124 : memref<1x128x128xf32, #tpu.memory_space<vmem>> -> memref<128x128xf32, #tpu.memory_space<vmem>>
      tpu.enqueue_dma source(%dma_start3A_125 : memref<128x128xf32, #tpu.memory_space<vmem>>) target(%dma_start3A_121 : memref<128x128xf32, #tpu.memory_space<hbm>>) target_semaphore(%run_scoped3A_111 : memref<!tpu.dma_semaphore, #tpu.memory_space<semaphore_mem>>)
      %dma_wait3A_126 = arith.constant 0 : i32
      %dma_wait3A_127 = arith.constant 0 : i32
      %dma_wait3A_128 = tpu.memref_slice %arg9[%run_scoped3A_98, %dma_wait3A_126, %dma_wait3A_127] : memref<3x128x128xf32, #tpu.memory_space<vmem>> -> memref<1x128x128xf32, #tpu.memory_space<vmem>>
      %dma_wait3A_129 = tpu.memref_squeeze %dma_wait3A_128 : memref<1x128x128xf32, #tpu.memory_space<vmem>> -> memref<128x128xf32, #tpu.memory_space<vmem>>
      %dma_wait3A_130 = arith.constant 0 : i32
      %dma_wait3A_131 = tpu.memref_slice %arg5[%arg0, %add3A_97, %dma_wait3A_130] : memref<2x5248x128xf32, #tpu.memory_space<hbm>> -> memref<1x128x128xf32, #tpu.memory_space<hbm>>
      %dma_wait3A_132 = tpu.memref_squeeze %dma_wait3A_131 : memref<1x128x128xf32, #tpu.memory_space<hbm>> -> memref<128x128xf32, #tpu.memory_space<hbm>>
      %dma_wait3A_133 = arith.constant 0 : i32
      %dma_wait3A_134 = tpu.memref_slice %arg5[%arg0, %add3A_97, %dma_wait3A_133] : memref<2x5248x128xf32, #tpu.memory_space<hbm>> -> memref<1x128x128xf32, #tpu.memory_space<hbm>>
      %dma_wait3A_135 = tpu.memref_squeeze %dma_wait3A_134 : memref<1x128x128xf32, #tpu.memory_space<hbm>> -> memref<128x128xf32, #tpu.memory_space<hbm>>
      %dma_wait3A_136 = arith.constant 0 : i32
      %dma_wait3A_137 = arith.constant 0 : i32
      %dma_wait3A_138 = tpu.memref_slice %arg9[%run_scoped3A_98, %dma_wait3A_136, %dma_wait3A_137] : memref<3x128x128xf32, #tpu.memory_space<vmem>> -> memref<1x128x128xf32, #tpu.memory_space<vmem>>
      %dma_wait3A_139 = tpu.memref_squeeze %dma_wait3A_138 : memref<1x128x128xf32, #tpu.memory_space<vmem>> -> memref<128x128xf32, #tpu.memory_space<vmem>>
      tpu.wait_dma2 semaphore(%run_scoped3A_111 : memref<!tpu.dma_semaphore, #tpu.memory_space<semaphore_mem>>) src(%dma_wait3A_139 : memref<128x128xf32, #tpu.memory_space<vmem>>) dst(%dma_wait3A_135 : memref<128x128xf32, #tpu.memory_space<hbm>>)
      tpu.yield
    }) : () -> ()
    %add3A_99 = arith.constant 128 : i32
    %add3A_100 = arith.addi %mul3A_8, %add3A_99 : i32
    %run_scoped3A_101 = arith.constant 0 : i32
    "tpu.region"() ({
      %run_scoped3A_111 = tpu.sem_alloc : memref<!tpu.dma_semaphore, #tpu.memory_space<semaphore_mem>>
      %dma_start3A_112 = arith.constant 0 : i32
      %dma_start3A_113 = arith.constant 0 : i32
      %dma_start3A_114 = tpu.memref_slice %arg9[%run_scoped3A_101, %dma_start3A_112, %dma_start3A_113] : memref<3x128x128xf32, #tpu.memory_space<vmem>> -> memref<1x128x128xf32, #tpu.memory_space<vmem>>
      %dma_start3A_115 = tpu.memref_squeeze %dma_start3A_114 : memref<1x128x128xf32, #tpu.memory_space<vmem>> -> memref<128x128xf32, #tpu.memory_space<vmem>>
      %dma_start3A_116 = arith.constant 0 : i32
      %dma_start3A_117 = tpu.memref_slice %arg10[%add3A_100, %dma_start3A_116] : memref<5248x128xf32, #tpu.memory_space<vmem_shared>> -> memref<128x128xf32, #tpu.memory_space<vmem_shared>>
      %dma_start3A_118 = arith.constant 0 : i32
      %dma_start3A_119 = arith.constant 0 : i32
      %dma_start3A_120 = tpu.memref_slice %arg9[%run_scoped3A_101, %dma_start3A_118, %dma_start3A_119] : memref<3x128x128xf32, #tpu.memory_space<vmem>> -> memref<1x128x128xf32, #tpu.memory_space<vmem>>
      %dma_start3A_121 = tpu.memref_squeeze %dma_start3A_120 : memref<1x128x128xf32, #tpu.memory_space<vmem>> -> memref<128x128xf32, #tpu.memory_space<vmem>>
      %dma_start3A_122 = arith.constant 0 : i32
      %dma_start3A_123 = tpu.memref_slice %arg10[%add3A_100, %dma_start3A_122] : memref<5248x128xf32, #tpu.memory_space<vmem_shared>> -> memref<128x128xf32, #tpu.memory_space<vmem_shared>>
      tpu.enqueue_dma source(%dma_start3A_123 : memref<128x128xf32, #tpu.memory_space<vmem_shared>>) target(%dma_start3A_121 : memref<128x128xf32, #tpu.memory_space<vmem>>) target_semaphore(%run_scoped3A_111 : memref<!tpu.dma_semaphore, #tpu.memory_space<semaphore_mem>>)
      %dma_wait3A_124 = arith.constant 0 : i32
      %dma_wait3A_125 = arith.constant 0 : i32
      %dma_wait3A_126 = tpu.memref_slice %arg9[%run_scoped3A_101, %dma_wait3A_124, %dma_wait3A_125] : memref<3x128x128xf32, #tpu.memory_space<vmem>> -> memref<1x128x128xf32, #tpu.memory_space<vmem>>
      %dma_wait3A_127 = tpu.memref_squeeze %dma_wait3A_126 : memref<1x128x128xf32, #tpu.memory_space<vmem>> -> memref<128x128xf32, #tpu.memory_space<vmem>>
      %dma_wait3A_128 = arith.constant 0 : i32
      %dma_wait3A_129 = tpu.memref_slice %arg10[%add3A_100, %dma_wait3A_128] : memref<5248x128xf32, #tpu.memory_space<vmem_shared>> -> memref<128x128xf32, #tpu.memory_space<vmem_shared>>
      %dma_wait3A_130 = arith.constant 0 : i32
      %dma_wait3A_131 = arith.constant 0 : i32
      %dma_wait3A_132 = tpu.memref_slice %arg9[%run_scoped3A_101, %dma_wait3A_130, %dma_wait3A_131] : memref<3x128x128xf32, #tpu.memory_space<vmem>> -> memref<1x128x128xf32, #tpu.memory_space<vmem>>
      %dma_wait3A_133 = tpu.memref_squeeze %dma_wait3A_132 : memref<1x128x128xf32, #tpu.memory_space<vmem>> -> memref<128x128xf32, #tpu.memory_space<vmem>>
      %dma_wait3A_134 = arith.constant 0 : i32
      %dma_wait3A_135 = tpu.memref_slice %arg10[%add3A_100, %dma_wait3A_134] : memref<5248x128xf32, #tpu.memory_space<vmem_shared>> -> memref<128x128xf32, #tpu.memory_space<vmem_shared>>
      tpu.wait_dma2 semaphore(%run_scoped3A_111 : memref<!tpu.dma_semaphore, #tpu.memory_space<semaphore_mem>>) src(%dma_wait3A_135 : memref<128x128xf32, #tpu.memory_space<vmem_shared>>) dst(%dma_wait3A_133 : memref<128x128xf32, #tpu.memory_space<vmem>>)
      tpu.yield
    }) : () -> ()
    %add3A_102 = arith.constant 128 : i32
    %add3A_103 = arith.addi %mul3A_8, %add3A_102 : i32
    %run_scoped3A_104 = arith.constant 0 : i32
    "tpu.region"() ({
      %run_scoped3A_111 = tpu.sem_alloc : memref<!tpu.dma_semaphore, #tpu.memory_space<semaphore_mem>>
      %dma_start3A_112 = arith.constant 0 : i32
      %dma_start3A_113 = arith.constant 0 : i32
      %dma_start3A_114 = tpu.memref_slice %arg9[%run_scoped3A_104, %dma_start3A_112, %dma_start3A_113] : memref<3x128x128xf32, #tpu.memory_space<vmem>> -> memref<1x128x128xf32, #tpu.memory_space<vmem>>
      %dma_start3A_115 = tpu.memref_squeeze %dma_start3A_114 : memref<1x128x128xf32, #tpu.memory_space<vmem>> -> memref<128x128xf32, #tpu.memory_space<vmem>>
      %dma_start3A_116 = arith.constant 0 : i32
      %dma_start3A_117 = tpu.memref_slice %arg5[%arg0, %add3A_103, %dma_start3A_116] : memref<2x5248x128xf32, #tpu.memory_space<hbm>> -> memref<1x128x128xf32, #tpu.memory_space<hbm>>
      %dma_start3A_118 = tpu.memref_squeeze %dma_start3A_117 : memref<1x128x128xf32, #tpu.memory_space<hbm>> -> memref<128x128xf32, #tpu.memory_space<hbm>>
      %dma_start3A_119 = arith.constant 0 : i32
      %dma_start3A_120 = tpu.memref_slice %arg5[%arg0, %add3A_103, %dma_start3A_119] : memref<2x5248x128xf32, #tpu.memory_space<hbm>> -> memref<1x128x128xf32, #tpu.memory_space<hbm>>
      %dma_start3A_121 = tpu.memref_squeeze %dma_start3A_120 : memref<1x128x128xf32, #tpu.memory_space<hbm>> -> memref<128x128xf32, #tpu.memory_space<hbm>>
      %dma_start3A_122 = arith.constant 0 : i32
      %dma_start3A_123 = arith.constant 0 : i32
      %dma_start3A_124 = tpu.memref_slice %arg9[%run_scoped3A_104, %dma_start3A_122, %dma_start3A_123] : memref<3x128x128xf32, #tpu.memory_space<vmem>> -> memref<1x128x128xf32, #tpu.memory_space<vmem>>
      %dma_start3A_125 = tpu.memref_squeeze %dma_start3A_124 : memref<1x128x128xf32, #tpu.memory_space<vmem>> -> memref<128x128xf32, #tpu.memory_space<vmem>>
      tpu.enqueue_dma source(%dma_start3A_125 : memref<128x128xf32, #tpu.memory_space<vmem>>) target(%dma_start3A_121 : memref<128x128xf32, #tpu.memory_space<hbm>>) target_semaphore(%run_scoped3A_111 : memref<!tpu.dma_semaphore, #tpu.memory_space<semaphore_mem>>)
      %dma_wait3A_126 = arith.constant 0 : i32
      %dma_wait3A_127 = arith.constant 0 : i32
      %dma_wait3A_128 = tpu.memref_slice %arg9[%run_scoped3A_104, %dma_wait3A_126, %dma_wait3A_127] : memref<3x128x128xf32, #tpu.memory_space<vmem>> -> memref<1x128x128xf32, #tpu.memory_space<vmem>>
      %dma_wait3A_129 = tpu.memref_squeeze %dma_wait3A_128 : memref<1x128x128xf32, #tpu.memory_space<vmem>> -> memref<128x128xf32, #tpu.memory_space<vmem>>
      %dma_wait3A_130 = arith.constant 0 : i32
      %dma_wait3A_131 = tpu.memref_slice %arg5[%arg0, %add3A_103, %dma_wait3A_130] : memref<2x5248x128xf32, #tpu.memory_space<hbm>> -> memref<1x128x128xf32, #tpu.memory_space<hbm>>
      %dma_wait3A_132 = tpu.memref_squeeze %dma_wait3A_131 : memref<1x128x128xf32, #tpu.memory_space<hbm>> -> memref<128x128xf32, #tpu.memory_space<hbm>>
      %dma_wait3A_133 = arith.constant 0 : i32
      %dma_wait3A_134 = tpu.memref_slice %arg5[%arg0, %add3A_103, %dma_wait3A_133] : memref<2x5248x128xf32, #tpu.memory_space<hbm>> -> memref<1x128x128xf32, #tpu.memory_space<hbm>>
      %dma_wait3A_135 = tpu.memref_squeeze %dma_wait3A_134 : memref<1x128x128xf32, #tpu.memory_space<hbm>> -> memref<128x128xf32, #tpu.memory_space<hbm>>
      %dma_wait3A_136 = arith.constant 0 : i32
      %dma_wait3A_137 = arith.constant 0 : i32
      %dma_wait3A_138 = tpu.memref_slice %arg9[%run_scoped3A_104, %dma_wait3A_136, %dma_wait3A_137] : memref<3x128x128xf32, #tpu.memory_space<vmem>> -> memref<1x128x128xf32, #tpu.memory_space<vmem>>
      %dma_wait3A_139 = tpu.memref_squeeze %dma_wait3A_138 : memref<1x128x128xf32, #tpu.memory_space<vmem>> -> memref<128x128xf32, #tpu.memory_space<vmem>>
      tpu.wait_dma2 semaphore(%run_scoped3A_111 : memref<!tpu.dma_semaphore, #tpu.memory_space<semaphore_mem>>) src(%dma_wait3A_139 : memref<128x128xf32, #tpu.memory_space<vmem>>) dst(%dma_wait3A_135 : memref<128x128xf32, #tpu.memory_space<hbm>>)
      tpu.yield
    }) : () -> ()
    %add3A_105 = arith.constant 256 : i32
    %add3A_106 = arith.addi %mul3A_8, %add3A_105 : i32
    %run_scoped3A_107 = arith.constant 0 : i32
    "tpu.region"() ({
      %run_scoped3A_111 = tpu.sem_alloc : memref<!tpu.dma_semaphore, #tpu.memory_space<semaphore_mem>>
      %dma_start3A_112 = arith.constant 0 : i32
      %dma_start3A_113 = arith.constant 0 : i32
      %dma_start3A_114 = tpu.memref_slice %arg9[%run_scoped3A_107, %dma_start3A_112, %dma_start3A_113] : memref<3x128x128xf32, #tpu.memory_space<vmem>> -> memref<1x72x128xf32, #tpu.memory_space<vmem>>
      %dma_start3A_115 = tpu.memref_squeeze %dma_start3A_114 : memref<1x72x128xf32, #tpu.memory_space<vmem>> -> memref<72x128xf32, #tpu.memory_space<vmem>>
      %dma_start3A_116 = arith.constant 0 : i32
      %dma_start3A_117 = tpu.memref_slice %arg10[%add3A_106, %dma_start3A_116] : memref<5248x128xf32, #tpu.memory_space<vmem_shared>> -> memref<72x128xf32, #tpu.memory_space<vmem_shared>>
      %dma_start3A_118 = arith.constant 0 : i32
      %dma_start3A_119 = arith.constant 0 : i32
      %dma_start3A_120 = tpu.memref_slice %arg9[%run_scoped3A_107, %dma_start3A_118, %dma_start3A_119] : memref<3x128x128xf32, #tpu.memory_space<vmem>> -> memref<1x72x128xf32, #tpu.memory_space<vmem>>
      %dma_start3A_121 = tpu.memref_squeeze %dma_start3A_120 : memref<1x72x128xf32, #tpu.memory_space<vmem>> -> memref<72x128xf32, #tpu.memory_space<vmem>>
      %dma_start3A_122 = arith.constant 0 : i32
      %dma_start3A_123 = tpu.memref_slice %arg10[%add3A_106, %dma_start3A_122] : memref<5248x128xf32, #tpu.memory_space<vmem_shared>> -> memref<72x128xf32, #tpu.memory_space<vmem_shared>>
      tpu.enqueue_dma source(%dma_start3A_123 : memref<72x128xf32, #tpu.memory_space<vmem_shared>>) target(%dma_start3A_121 : memref<72x128xf32, #tpu.memory_space<vmem>>) target_semaphore(%run_scoped3A_111 : memref<!tpu.dma_semaphore, #tpu.memory_space<semaphore_mem>>)
      %dma_wait3A_124 = arith.constant 0 : i32
      %dma_wait3A_125 = arith.constant 0 : i32
      %dma_wait3A_126 = tpu.memref_slice %arg9[%run_scoped3A_107, %dma_wait3A_124, %dma_wait3A_125] : memref<3x128x128xf32, #tpu.memory_space<vmem>> -> memref<1x72x128xf32, #tpu.memory_space<vmem>>
      %dma_wait3A_127 = tpu.memref_squeeze %dma_wait3A_126 : memref<1x72x128xf32, #tpu.memory_space<vmem>> -> memref<72x128xf32, #tpu.memory_space<vmem>>
      %dma_wait3A_128 = arith.constant 0 : i32
      %dma_wait3A_129 = tpu.memref_slice %arg10[%add3A_106, %dma_wait3A_128] : memref<5248x128xf32, #tpu.memory_space<vmem_shared>> -> memref<72x128xf32, #tpu.memory_space<vmem_shared>>
      %dma_wait3A_130 = arith.constant 0 : i32
      %dma_wait3A_131 = arith.constant 0 : i32
      %dma_wait3A_132 = tpu.memref_slice %arg9[%run_scoped3A_107, %dma_wait3A_130, %dma_wait3A_131] : memref<3x128x128xf32, #tpu.memory_space<vmem>> -> memref<1x72x128xf32, #tpu.memory_space<vmem>>
      %dma_wait3A_133 = tpu.memref_squeeze %dma_wait3A_132 : memref<1x72x128xf32, #tpu.memory_space<vmem>> -> memref<72x128xf32, #tpu.memory_space<vmem>>
      %dma_wait3A_134 = arith.constant 0 : i32
      %dma_wait3A_135 = tpu.memref_slice %arg10[%add3A_106, %dma_wait3A_134] : memref<5248x128xf32, #tpu.memory_space<vmem_shared>> -> memref<72x128xf32, #tpu.memory_space<vmem_shared>>
      tpu.wait_dma2 semaphore(%run_scoped3A_111 : memref<!tpu.dma_semaphore, #tpu.memory_space<semaphore_mem>>) src(%dma_wait3A_135 : memref<72x128xf32, #tpu.memory_space<vmem_shared>>) dst(%dma_wait3A_133 : memref<72x128xf32, #tpu.memory_space<vmem>>)
      tpu.yield
    }) : () -> ()
    %add3A_108 = arith.constant 256 : i32
    %add3A_109 = arith.addi %mul3A_8, %add3A_108 : i32
    %run_scoped3A_110 = arith.constant 0 : i32
    "tpu.region"() ({
      %run_scoped3A_111 = tpu.sem_alloc : memref<!tpu.dma_semaphore, #tpu.memory_space<semaphore_mem>>
      %dma_start3A_112 = arith.constant 0 : i32
      %dma_start3A_113 = arith.constant 0 : i32
      %dma_start3A_114 = tpu.memref_slice %arg9[%run_scoped3A_110, %dma_start3A_112, %dma_start3A_113] : memref<3x128x128xf32, #tpu.memory_space<vmem>> -> memref<1x72x128xf32, #tpu.memory_space<vmem>>
      %dma_start3A_115 = tpu.memref_squeeze %dma_start3A_114 : memref<1x72x128xf32, #tpu.memory_space<vmem>> -> memref<72x128xf32, #tpu.memory_space<vmem>>
      %dma_start3A_116 = arith.constant 0 : i32
      %dma_start3A_117 = tpu.memref_slice %arg5[%arg0, %add3A_109, %dma_start3A_116] : memref<2x5248x128xf32, #tpu.memory_space<hbm>> -> memref<1x72x128xf32, #tpu.memory_space<hbm>>
      %dma_start3A_118 = tpu.memref_squeeze %dma_start3A_117 : memref<1x72x128xf32, #tpu.memory_space<hbm>> -> memref<72x128xf32, #tpu.memory_space<hbm>>
      %dma_start3A_119 = arith.constant 0 : i32
      %dma_start3A_120 = tpu.memref_slice %arg5[%arg0, %add3A_109, %dma_start3A_119] : memref<2x5248x128xf32, #tpu.memory_space<hbm>> -> memref<1x72x128xf32, #tpu.memory_space<hbm>>
      %dma_start3A_121 = tpu.memref_squeeze %dma_start3A_120 : memref<1x72x128xf32, #tpu.memory_space<hbm>> -> memref<72x128xf32, #tpu.memory_space<hbm>>
      %dma_start3A_122 = arith.constant 0 : i32
      %dma_start3A_123 = arith.constant 0 : i32
      %dma_start3A_124 = tpu.memref_slice %arg9[%run_scoped3A_110, %dma_start3A_122, %dma_start3A_123] : memref<3x128x128xf32, #tpu.memory_space<vmem>> -> memref<1x72x128xf32, #tpu.memory_space<vmem>>
      %dma_start3A_125 = tpu.memref_squeeze %dma_start3A_124 : memref<1x72x128xf32, #tpu.memory_space<vmem>> -> memref<72x128xf32, #tpu.memory_space<vmem>>
      tpu.enqueue_dma source(%dma_start3A_125 : memref<72x128xf32, #tpu.memory_space<vmem>>) target(%dma_start3A_121 : memref<72x128xf32, #tpu.memory_space<hbm>>) target_semaphore(%run_scoped3A_111 : memref<!tpu.dma_semaphore, #tpu.memory_space<semaphore_mem>>)
      %dma_wait3A_126 = arith.constant 0 : i32
      %dma_wait3A_127 = arith.constant 0 : i32
      %dma_wait3A_128 = tpu.memref_slice %arg9[%run_scoped3A_110, %dma_wait3A_126, %dma_wait3A_127] : memref<3x128x128xf32, #tpu.memory_space<vmem>> -> memref<1x72x128xf32, #tpu.memory_space<vmem>>
      %dma_wait3A_129 = tpu.memref_squeeze %dma_wait3A_128 : memref<1x72x128xf32, #tpu.memory_space<vmem>> -> memref<72x128xf32, #tpu.memory_space<vmem>>
      %dma_wait3A_130 = arith.constant 0 : i32
      %dma_wait3A_131 = tpu.memref_slice %arg5[%arg0, %add3A_109, %dma_wait3A_130] : memref<2x5248x128xf32, #tpu.memory_space<hbm>> -> memref<1x72x128xf32, #tpu.memory_space<hbm>>
      %dma_wait3A_132 = tpu.memref_squeeze %dma_wait3A_131 : memref<1x72x128xf32, #tpu.memory_space<hbm>> -> memref<72x128xf32, #tpu.memory_space<hbm>>
      %dma_wait3A_133 = arith.constant 0 : i32
      %dma_wait3A_134 = tpu.memref_slice %arg5[%arg0, %add3A_109, %dma_wait3A_133] : memref<2x5248x128xf32, #tpu.memory_space<hbm>> -> memref<1x72x128xf32, #tpu.memory_space<hbm>>
      %dma_wait3A_135 = tpu.memref_squeeze %dma_wait3A_134 : memref<1x72x128xf32, #tpu.memory_space<hbm>> -> memref<72x128xf32, #tpu.memory_space<hbm>>
      %dma_wait3A_136 = arith.constant 0 : i32
      %dma_wait3A_137 = arith.constant 0 : i32
      %dma_wait3A_138 = tpu.memref_slice %arg9[%run_scoped3A_110, %dma_wait3A_136, %dma_wait3A_137] : memref<3x128x128xf32, #tpu.memory_space<vmem>> -> memref<1x72x128xf32, #tpu.memory_space<vmem>>
      %dma_wait3A_139 = tpu.memref_squeeze %dma_wait3A_138 : memref<1x72x128xf32, #tpu.memory_space<vmem>> -> memref<72x128xf32, #tpu.memory_space<vmem>>
      tpu.wait_dma2 semaphore(%run_scoped3A_111 : memref<!tpu.dma_semaphore, #tpu.memory_space<semaphore_mem>>) src(%dma_wait3A_139 : memref<72x128xf32, #tpu.memory_space<vmem>>) dst(%dma_wait3A_135 : memref<72x128xf32, #tpu.memory_space<hbm>>)
      tpu.yield
    }) : () -> ()
    return
  }
}

module attributes {stable_mosaic.version = 14 : i64} {
  func.func @_comb_body(%arg0: i32, %arg1: memref<1x128x128xf32, #tpu.memory_space<vmem>>, %arg2: memref<128x128xf32, #tpu.memory_space<vmem>>, %arg3: memref<1x128x128xf32, #tpu.memory_space<vmem>>, %arg4: memref<1x128xf32, #tpu.memory_space<vmem>>, %arg5: memref<128x128xf32, #tpu.memory_space<vmem>>, %arg6: memref<128x128xf32, #tpu.memory_space<vmem>>, %arg7: memref<128x128xf32, #tpu.memory_space<vmem>>) attributes {dimension_semantics = [#tpu.dimension_semantics<arbitrary>], iteration_bounds = array<i64: 80>, scalar_prefetch = 0 : i64, scratch_operands = 0 : i64, tpu.core_type = #tpu.core_type<tc>, window_params = [{transform_indices = @transform_0, window_bounds = array<i64: 1, 128, 128>}, {transform_indices = @transform_1, window_bounds = array<i64: 128, 128>}, {transform_indices = @transform_2, window_bounds = array<i64: 1, 128, 128>}, {pipeline_mode = #tpu.pipeline_mode<synchronous>, transform_indices = @transform_3, window_bounds = array<i64: 1, 128>}, {pipeline_mode = #tpu.pipeline_mode<synchronous>, transform_indices = @transform_4, window_bounds = array<i64: 128, 128>}, {transform_indices = @transform_5, window_bounds = array<i64: 128, 128>}, {transform_indices = @transform_6, window_bounds = array<i64: 128, 128>}]} {
    %get3A = arith.constant 0 : index
    %get3A_0 = arith.constant 0 : index
    %get3A_1 = arith.constant 0 : index
    %get3A_2 = vector.load %arg3[%get3A, %get3A_0, %get3A_1] : memref<1x128x128xf32, #tpu.memory_space<vmem>>, vector<1x128x128xf32>
    %slice3A = vector.extract_strided_slice %get3A_2 {offsets = [0, 0, 0], sizes = [1, 128, 1], strides = [1, 1, 1]} : vector<1x128x128xf32> to vector<1x128x1xf32>
    %squeeze3A = vector.shape_cast %slice3A : vector<1x128x1xf32> to vector<128x1xf32>
    %iota3A = tpu.iota {dimensions = array<i32: 0>} : vector<128x1xi32>
    %mul3A = arith.constant 128 : i32
    %mul3A_3 = arith.muli %arg0, %mul3A : i32
    %add3A = vector.broadcast %mul3A_3 : i32 to vector<128x1xi32>
    %add3A_4 = arith.addi %iota3A, %add3A : vector<128x1xi32>
    %lt3A = arith.constant 10000 : i32
    %lt3A_5 = vector.broadcast %lt3A : i32 to vector<128x1xi32>
    %lt3A_6 = arith.cmpi slt, %add3A_4, %lt3A_5 : vector<128x1xi32>
    %jit3A = arith.constant 1.000000e+00 : f32
    %jit3A_7 = arith.constant 0.000000e+00 : f32
    %broadcast_in_dim3A = vector.broadcast %jit3A : f32 to vector<128x1xf32>
    %broadcast_in_dim3A_8 = vector.broadcast %jit3A_7 : f32 to vector<128x1xf32>
    %select_n3A = arith.select %lt3A_6, %broadcast_in_dim3A, %broadcast_in_dim3A_8 : vector<128x1xi1>, vector<128x1xf32>
    %add3A_9 = arith.addf %squeeze3A, %select_n3A : vector<128x1xf32>
    %gt3A = arith.constant 0.000000e+00 : f32
    %gt3A_10 = vector.broadcast %gt3A : f32 to vector<128x1xf32>
    %gt3A_11 = arith.cmpf ogt, %add3A_9, %gt3A_10 : vector<128x1xf32>
    %max3A = arith.constant 1.000000e+00 : f32
    %max3A_12 = vector.broadcast %max3A : f32 to vector<128x1xf32>
    %max3A_13 = arith.maximumf %add3A_9, %max3A_12 : vector<128x1xf32>
    %rsqrt3A = math.rsqrt %max3A_13 : vector<128x1xf32>
    %jit3A_14 = arith.constant 0.000000e+00 : f32
    %broadcast_in_dim3A_15 = vector.broadcast %jit3A_14 : f32 to vector<128x1xf32>
    %select_n3A_16 = arith.select %gt3A_11, %rsqrt3A, %broadcast_in_dim3A_15 : vector<128x1xi1>, vector<128x1xf32>
    %get3A_17 = arith.constant 0 : index
    %get3A_18 = arith.constant 0 : index
    %get3A_19 = arith.constant 0 : index
    %get3A_20 = vector.load %arg1[%get3A_17, %get3A_18, %get3A_19] : memref<1x128x128xf32, #tpu.memory_space<vmem>>, vector<1x128x128xf32>
    %get3A_21 = vector.shape_cast %get3A_20 : vector<1x128x128xf32> to vector<128x128xf32>
    %mul3A_22 = vector.broadcast %select_n3A_16 : vector<128x1xf32> to vector<128x128xf32>
    %mul3A_23 = arith.mulf %mul3A_22, %get3A_21 : vector<128x128xf32>
    %mul3A_24 = arith.mulf %select_n3A_16, %select_n3A_16 : vector<128x1xf32>
    %get3A_25 = arith.constant 0 : index
    %get3A_26 = arith.constant 0 : index
    %get3A_27 = vector.load %arg2[%get3A_25, %get3A_26] : memref<128x128xf32, #tpu.memory_space<vmem>>, vector<128x128xf32>
    %mul3A_28 = vector.broadcast %mul3A_24 : vector<128x1xf32> to vector<128x128xf32>
    %mul3A_29 = arith.mulf %mul3A_28, %get3A_27 : vector<128x128xf32>
    %add3A_30 = arith.addf %mul3A_23, %mul3A_29 : vector<128x128xf32>
    %get3A_31 = arith.constant 0 : index
    %get3A_32 = arith.constant 0 : index
    %get3A_33 = vector.load %arg4[%get3A_31, %get3A_32] : memref<1x128xf32, #tpu.memory_space<vmem>>, vector<1x128xf32>
    %add3A_34 = vector.broadcast %get3A_33 : vector<1x128xf32> to vector<128x128xf32>
    %add3A_35 = arith.addf %add3A_30, %add3A_34 : vector<128x128xf32>
    %max3A_36 = arith.constant 0.000000e+00 : f32
    %max3A_37 = vector.broadcast %max3A_36 : f32 to vector<128x128xf32>
    %max3A_38 = arith.maximumf %add3A_35, %max3A_37 : vector<128x128xf32>
    %get3A_39 = arith.constant 0 : index
    %get3A_40 = arith.constant 0 : index
    %get3A_41 = vector.load %arg5[%get3A_39, %get3A_40] : memref<128x128xf32, #tpu.memory_space<vmem>>, vector<128x128xf32>
    %dot_general3A = arith.constant dense<0.000000e+00> : vector<128x128xf32>
    %dot_general3A_42 = tpu.matmul %max3A_38, %get3A_41, %dot_general3A {dimension_numbers = #tpu.dot_dimension_numbers<[1], [0], [0], [1], [0, 0, 1, 1], [], []>, transpose_lhs_hint = false} : vector<128x128xf32>, vector<128x128xf32>, vector<128x128xf32> -> vector<128x128xf32>
    %swap3A = arith.constant 0 : index
    %swap3A_43 = arith.constant 0 : index
    %swap3A_44 = vector.load %arg6[%swap3A, %swap3A_43] : memref<128x128xf32, #tpu.memory_space<vmem>>, vector<128x128xf32>
    tpu.vector_store %arg6[%swap3A, %swap3A_43], %dot_general3A_42 {strides = array<i32>} : memref<128x128xf32, #tpu.memory_space<vmem>>, vector<128x128xf32>,
    %mul3A_45 = vector.broadcast %select_n3A_16 : vector<128x1xf32> to vector<128x128xf32>
    %mul3A_46 = arith.mulf %mul3A_45, %dot_general3A_42 : vector<128x128xf32>
    %swap3A_47 = arith.constant 0 : index
    %swap3A_48 = arith.constant 0 : index
    %swap3A_49 = vector.load %arg7[%swap3A_47, %swap3A_48] : memref<128x128xf32, #tpu.memory_space<vmem>>, vector<128x128xf32>
    tpu.vector_store %arg7[%swap3A_47, %swap3A_48], %mul3A_46 {strides = array<i32>} : memref<128x128xf32, #tpu.memory_space<vmem>>, vector<128x128xf32>,
    return
  }
  func.func @transform_0(%arg0: i32) -> (i32, i32, i32) {
    %jit3A = arith.constant 40 : i32
    %div3A = arith.divsi %arg0, %jit3A : i32
    %sign3A = arith.constant 0 : i32
    %sign3A_0 = arith.cmpi sgt, %arg0, %sign3A : i32
    %sign3A_1 = arith.extui %sign3A_0 : i1 to i32
    %sign3A_2 = arith.constant 0 : i32
    %sign3A_3 = arith.cmpi slt, %arg0, %sign3A_2 : i32
    %sign3A_4 = arith.extui %sign3A_3 : i1 to i32
    %sign3A_5 = arith.subi %sign3A_1, %sign3A_4 : i32
    %sign3A_6 = arith.constant 0 : i32
    %sign3A_7 = arith.cmpi sgt, %jit3A, %sign3A_6 : i32
    %sign3A_8 = arith.extui %sign3A_7 : i1 to i32
    %sign3A_9 = arith.constant 0 : i32
    %sign3A_10 = arith.cmpi slt, %jit3A, %sign3A_9 : i32
    %sign3A_11 = arith.extui %sign3A_10 : i1 to i32
    %sign3A_12 = arith.subi %sign3A_8, %sign3A_11 : i32
    %ne3A = arith.cmpi ne, %sign3A_5, %sign3A_12 : i32
    %rem3A = arith.remsi %arg0, %jit3A : i32
    %ne3A_13 = arith.constant 0 : i32
    %ne3A_14 = arith.cmpi ne, %rem3A, %ne3A_13 : i32
    %and3A = arith.andi %ne3A, %ne3A_14 : i1
    %sub3A = arith.constant 1 : i32
    %sub3A_15 = arith.subi %div3A, %sub3A : i32
    %select_n3A = arith.select %and3A, %sub3A_15, %div3A : i32
    %jit3A_16 = arith.constant 40 : i32
    %eq3A = arith.constant 0 : i32
    %eq3A_17 = arith.cmpi eq, %jit3A_16, %eq3A : i32
    %jit3A_18 = arith.constant 1 : i32
    %select_n3A_19 = arith.select %eq3A_17, %jit3A_18, %jit3A_16 : i32
    %rem3A_20 = arith.remsi %arg0, %select_n3A_19 : i32
    %ne3A_21 = arith.constant 0 : i32
    %ne3A_22 = arith.cmpi ne, %rem3A_20, %ne3A_21 : i32
    %lt3A = arith.constant 0 : i32
    %lt3A_23 = arith.cmpi slt, %rem3A_20, %lt3A : i32
    %lt3A_24 = arith.constant 0 : i32
    %lt3A_25 = arith.cmpi slt, %select_n3A_19, %lt3A_24 : i32
    %ne3A_26 = arith.xori %lt3A_23, %lt3A_25 : i1
    %and3A_27 = arith.andi %ne3A_26, %ne3A_22 : i1
    %add3A = arith.addi %rem3A_20, %select_n3A_19 : i32
    %select_n3A_28 = arith.select %and3A_27, %add3A, %rem3A_20 : i32
    %c0_i32 = arith.constant 0 : i32
    %c0_i32_29 = arith.constant 0 : i32
    return %select_n3A, %select_n3A_28, %c0_i32 : i32, i32, i32
  }
  func.func @transform_1(%arg0: i32) -> (i32, i32) {
    %c0_i32 = arith.constant 0 : i32
    %c0_i32_0 = arith.constant 0 : i32
    return %arg0, %c0_i32 : i32, i32
  }
  func.func @transform_2(%arg0: i32) -> (i32, i32, i32) {
    %jit3A = arith.constant 40 : i32
    %div3A = arith.divsi %arg0, %jit3A : i32
    %sign3A = arith.constant 0 : i32
    %sign3A_0 = arith.cmpi sgt, %arg0, %sign3A : i32
    %sign3A_1 = arith.extui %sign3A_0 : i1 to i32
    %sign3A_2 = arith.constant 0 : i32
    %sign3A_3 = arith.cmpi slt, %arg0, %sign3A_2 : i32
    %sign3A_4 = arith.extui %sign3A_3 : i1 to i32
    %sign3A_5 = arith.subi %sign3A_1, %sign3A_4 : i32
    %sign3A_6 = arith.constant 0 : i32
    %sign3A_7 = arith.cmpi sgt, %jit3A, %sign3A_6 : i32
    %sign3A_8 = arith.extui %sign3A_7 : i1 to i32
    %sign3A_9 = arith.constant 0 : i32
    %sign3A_10 = arith.cmpi slt, %jit3A, %sign3A_9 : i32
    %sign3A_11 = arith.extui %sign3A_10 : i1 to i32
    %sign3A_12 = arith.subi %sign3A_8, %sign3A_11 : i32
    %ne3A = arith.cmpi ne, %sign3A_5, %sign3A_12 : i32
    %rem3A = arith.remsi %arg0, %jit3A : i32
    %ne3A_13 = arith.constant 0 : i32
    %ne3A_14 = arith.cmpi ne, %rem3A, %ne3A_13 : i32
    %and3A = arith.andi %ne3A, %ne3A_14 : i1
    %sub3A = arith.constant 1 : i32
    %sub3A_15 = arith.subi %div3A, %sub3A : i32
    %select_n3A = arith.select %and3A, %sub3A_15, %div3A : i32
    %jit3A_16 = arith.constant 40 : i32
    %eq3A = arith.constant 0 : i32
    %eq3A_17 = arith.cmpi eq, %jit3A_16, %eq3A : i32
    %jit3A_18 = arith.constant 1 : i32
    %select_n3A_19 = arith.select %eq3A_17, %jit3A_18, %jit3A_16 : i32
    %rem3A_20 = arith.remsi %arg0, %select_n3A_19 : i32
    %ne3A_21 = arith.constant 0 : i32
    %ne3A_22 = arith.cmpi ne, %rem3A_20, %ne3A_21 : i32
    %lt3A = arith.constant 0 : i32
    %lt3A_23 = arith.cmpi slt, %rem3A_20, %lt3A : i32
    %lt3A_24 = arith.constant 0 : i32
    %lt3A_25 = arith.cmpi slt, %select_n3A_19, %lt3A_24 : i32
    %ne3A_26 = arith.xori %lt3A_23, %lt3A_25 : i1
    %and3A_27 = arith.andi %ne3A_26, %ne3A_22 : i1
    %add3A = arith.addi %rem3A_20, %select_n3A_19 : i32
    %select_n3A_28 = arith.select %and3A_27, %add3A, %rem3A_20 : i32
    %c0_i32 = arith.constant 0 : i32
    %c0_i32_29 = arith.constant 0 : i32
    return %select_n3A, %select_n3A_28, %c0_i32 : i32, i32, i32
  }
  func.func @transform_3(%arg0: i32) -> (i32, i32) {
    %c0_i32 = arith.constant 0 : i32
    %c0_i32_0 = arith.constant 0 : i32
    %c0_i32_1 = arith.constant 0 : i32
    return %c0_i32, %c0_i32_0 : i32, i32
  }
  func.func @transform_4(%arg0: i32) -> (i32, i32) {
    %c0_i32 = arith.constant 0 : i32
    %c0_i32_0 = arith.constant 0 : i32
    %c0_i32_1 = arith.constant 0 : i32
    return %c0_i32, %c0_i32_0 : i32, i32
  }
  func.func @transform_5(%arg0: i32) -> (i32, i32) {
    %c0_i32 = arith.constant 0 : i32
    %c0_i32_0 = arith.constant 0 : i32
    return %arg0, %c0_i32 : i32, i32
  }
  func.func @transform_6(%arg0: i32) -> (i32, i32) {
    %c0_i32 = arith.constant 0 : i32
    %c0_i32_0 = arith.constant 0 : i32
    return %arg0, %c0_i32 : i32, i32
  }
}

module attributes {stable_mosaic.version = 14 : i64} {
  func.func @_k1_body(%arg0: i32, %arg1: memref<128x128xf32, #tpu.memory_space<vmem>>, %arg2: memref<128x128xf32, #tpu.memory_space<vmem>>, %arg3: memref<128x128xf32, #tpu.memory_space<vmem>>, %arg4: memref<1x128xf32, #tpu.memory_space<vmem>>, %arg5: memref<1x128xf32, #tpu.memory_space<vmem>>, %arg6: memref<128x128xf32, #tpu.memory_space<vmem>>, %arg7: memref<1x128x128xf32, #tpu.memory_space<vmem>>, %arg8: memref<128x128xf32, #tpu.memory_space<vmem>>, %arg9: memref<128x128xf32, #tpu.memory_space<vmem>>) attributes {dimension_semantics = [#tpu.dimension_semantics<arbitrary>], iteration_bounds = array<i64: 80>, scalar_prefetch = 0 : i64, scratch_operands = 0 : i64, tpu.core_type = #tpu.core_type<tc>, window_params = [{transform_indices = @transform_0, window_bounds = array<i64: 128, 128>}, {pipeline_mode = #tpu.pipeline_mode<synchronous>, transform_indices = @transform_1, window_bounds = array<i64: 128, 128>}, {pipeline_mode = #tpu.pipeline_mode<synchronous>, transform_indices = @transform_2, window_bounds = array<i64: 128, 128>}, {pipeline_mode = #tpu.pipeline_mode<synchronous>, transform_indices = @transform_3, window_bounds = array<i64: 1, 128>}, {pipeline_mode = #tpu.pipeline_mode<synchronous>, transform_indices = @transform_4, window_bounds = array<i64: 1, 128>}, {pipeline_mode = #tpu.pipeline_mode<synchronous>, transform_indices = @transform_5, window_bounds = array<i64: 128, 128>}, {transform_indices = @transform_6, window_bounds = array<i64: 1, 128, 128>}, {transform_indices = @transform_7, window_bounds = array<i64: 128, 128>}, {transform_indices = @transform_8, window_bounds = array<i64: 128, 128>}]} {
    %eq3A = arith.constant 0 : i32
    %eq3A_0 = arith.cmpi eq, %arg0, %eq3A : i32
    %get3A = arith.constant 0 : index
    %get3A_1 = arith.constant 0 : index
    %get3A_2 = vector.load %arg2[%get3A, %get3A_1] : memref<128x128xf32, #tpu.memory_space<vmem>>, vector<128x128xf32>
    %get3A_3 = arith.constant 0 : index
    %get3A_4 = arith.constant 0 : index
    %get3A_5 = vector.load %arg3[%get3A_3, %get3A_4] : memref<128x128xf32, #tpu.memory_space<vmem>>, vector<128x128xf32>
    %select_n3A = arith.select %eq3A_0, %get3A_2, %get3A_5 : vector<128x128xf32>
    %get3A_6 = arith.constant 0 : index
    %get3A_7 = arith.constant 0 : index
    %get3A_8 = vector.load %arg4[%get3A_6, %get3A_7] : memref<1x128xf32, #tpu.memory_space<vmem>>, vector<1x128xf32>
    %get3A_9 = arith.constant 0 : index
    %get3A_10 = arith.constant 0 : index
    %get3A_11 = vector.load %arg5[%get3A_9, %get3A_10] : memref<1x128xf32, #tpu.memory_space<vmem>>, vector<1x128xf32>
    %select_n3A_12 = arith.select %eq3A_0, %get3A_8, %get3A_11 : vector<1x128xf32>
    %get3A_13 = arith.constant 0 : index
    %get3A_14 = arith.constant 0 : index
    %get3A_15 = vector.load %arg1[%get3A_13, %get3A_14] : memref<128x128xf32, #tpu.memory_space<vmem>>, vector<128x128xf32>
    %dot_general3A = arith.constant dense<0.000000e+00> : vector<128x128xf32>
    %dot_general3A_16 = tpu.matmul %get3A_15, %select_n3A, %dot_general3A {dimension_numbers = #tpu.dot_dimension_numbers<[1], [0], [0], [1], [0, 0, 1, 1], [], []>, transpose_lhs_hint = false} : vector<128x128xf32>, vector<128x128xf32>, vector<128x128xf32> -> vector<128x128xf32>
    %add3A = vector.broadcast %select_n3A_12 : vector<1x128xf32> to vector<128x128xf32>
    %add3A_17 = arith.addf %dot_general3A_16, %add3A : vector<128x128xf32>
    %get3A_18 = arith.constant 0 : index
    %get3A_19 = arith.constant 0 : index
    %get3A_20 = vector.load %arg6[%get3A_18, %get3A_19] : memref<128x128xf32, #tpu.memory_space<vmem>>, vector<128x128xf32>
    %dot_general3A_21 = arith.constant dense<0.000000e+00> : vector<128x128xf32>
    %dot_general3A_22 = tpu.matmul %add3A_17, %get3A_20, %dot_general3A_21 {dimension_numbers = #tpu.dot_dimension_numbers<[1], [0], [0], [1], [0, 0, 1, 1], [], []>, transpose_lhs_hint = false} : vector<128x128xf32>, vector<128x128xf32>, vector<128x128xf32> -> vector<128x128xf32>
    %get3A_23 = arith.constant 0 : index
    %get3A_24 = arith.constant 0 : index
    %get3A_25 = arith.constant 0 : index
    %get3A_26 = vector.load %arg7[%get3A_23, %get3A_24, %get3A_25] : memref<1x128x128xf32, #tpu.memory_space<vmem>>, vector<1x128x128xf32>
    %slice3A = vector.extract_strided_slice %get3A_26 {offsets = [0, 0, 0], sizes = [1, 128, 1], strides = [1, 1, 1]} : vector<1x128x128xf32> to vector<1x128x1xf32>
    %squeeze3A = vector.shape_cast %slice3A : vector<1x128x1xf32> to vector<128x1xf32>
    %iota3A = tpu.iota {dimensions = array<i32: 0>} : vector<128x1xi32>
    %mul3A = arith.constant 128 : i32
    %mul3A_27 = arith.muli %arg0, %mul3A : i32
    %add3A_28 = vector.broadcast %mul3A_27 : i32 to vector<128x1xi32>
    %add3A_29 = arith.addi %iota3A, %add3A_28 : vector<128x1xi32>
    %lt3A = arith.constant 10000 : i32
    %lt3A_30 = vector.broadcast %lt3A : i32 to vector<128x1xi32>
    %lt3A_31 = arith.cmpi slt, %add3A_29, %lt3A_30 : vector<128x1xi32>
    %jit3A = arith.constant 1.000000e+00 : f32
    %jit3A_32 = arith.constant 0.000000e+00 : f32
    %broadcast_in_dim3A = vector.broadcast %jit3A : f32 to vector<128x1xf32>
    %broadcast_in_dim3A_33 = vector.broadcast %jit3A_32 : f32 to vector<128x1xf32>
    %select_n3A_34 = arith.select %lt3A_31, %broadcast_in_dim3A, %broadcast_in_dim3A_33 : vector<128x1xi1>, vector<128x1xf32>
    %add3A_35 = arith.addf %squeeze3A, %select_n3A_34 : vector<128x1xf32>
    %gt3A = arith.constant 0.000000e+00 : f32
    %gt3A_36 = vector.broadcast %gt3A : f32 to vector<128x1xf32>
    %gt3A_37 = arith.cmpf ogt, %add3A_35, %gt3A_36 : vector<128x1xf32>
    %max3A = arith.constant 1.000000e+00 : f32
    %max3A_38 = vector.broadcast %max3A : f32 to vector<128x1xf32>
    %max3A_39 = arith.maximumf %add3A_35, %max3A_38 : vector<128x1xf32>
    %rsqrt3A = math.rsqrt %max3A_39 : vector<128x1xf32>
    %jit3A_40 = arith.constant 0.000000e+00 : f32
    %broadcast_in_dim3A_41 = vector.broadcast %jit3A_40 : f32 to vector<128x1xf32>
    %select_n3A_42 = arith.select %gt3A_37, %rsqrt3A, %broadcast_in_dim3A_41 : vector<128x1xi1>, vector<128x1xf32>
    %swap3A = arith.constant 0 : index
    %swap3A_43 = arith.constant 0 : index
    %swap3A_44 = vector.load %arg8[%swap3A, %swap3A_43] : memref<128x128xf32, #tpu.memory_space<vmem>>, vector<128x128xf32>
    tpu.vector_store %arg8[%swap3A, %swap3A_43], %dot_general3A_22 {strides = array<i32>} : memref<128x128xf32, #tpu.memory_space<vmem>>, vector<128x128xf32>,
    %mul3A_45 = vector.broadcast %select_n3A_42 : vector<128x1xf32> to vector<128x128xf32>
    %mul3A_46 = arith.mulf %mul3A_45, %dot_general3A_22 : vector<128x128xf32>
    %swap3A_47 = arith.constant 0 : index
    %swap3A_48 = arith.constant 0 : index
    %swap3A_49 = vector.load %arg9[%swap3A_47, %swap3A_48] : memref<128x128xf32, #tpu.memory_space<vmem>>, vector<128x128xf32>
    tpu.vector_store %arg9[%swap3A_47, %swap3A_48], %mul3A_46 {strides = array<i32>} : memref<128x128xf32, #tpu.memory_space<vmem>>, vector<128x128xf32>,
    return
  }
  func.func @transform_0(%arg0: i32) -> (i32, i32) {
    %c0_i32 = arith.constant 0 : i32
    %c0_i32_0 = arith.constant 0 : i32
    return %arg0, %c0_i32 : i32, i32
  }
  func.func @transform_1(%arg0: i32) -> (i32, i32) {
    %c0_i32 = arith.constant 0 : i32
    %c0_i32_0 = arith.constant 0 : i32
    %c0_i32_1 = arith.constant 0 : i32
    return %c0_i32, %c0_i32_0 : i32, i32
  }
  func.func @transform_2(%arg0: i32) -> (i32, i32) {
    %c0_i32 = arith.constant 0 : i32
    %c0_i32_0 = arith.constant 0 : i32
    %c0_i32_1 = arith.constant 0 : i32
    return %c0_i32, %c0_i32_0 : i32, i32
  }
  func.func @transform_3(%arg0: i32) -> (i32, i32) {
    %c0_i32 = arith.constant 0 : i32
    %c0_i32_0 = arith.constant 0 : i32
    %c0_i32_1 = arith.constant 0 : i32
    return %c0_i32, %c0_i32_0 : i32, i32
  }
  func.func @transform_4(%arg0: i32) -> (i32, i32) {
    %c0_i32 = arith.constant 0 : i32
    %c0_i32_0 = arith.constant 0 : i32
    %c0_i32_1 = arith.constant 0 : i32
    return %c0_i32, %c0_i32_0 : i32, i32
  }
  func.func @transform_5(%arg0: i32) -> (i32, i32) {
    %c0_i32 = arith.constant 0 : i32
    %c0_i32_0 = arith.constant 0 : i32
    %c0_i32_1 = arith.constant 0 : i32
    return %c0_i32, %c0_i32_0 : i32, i32
  }
  func.func @transform_6(%arg0: i32) -> (i32, i32, i32) {
    %jit3A = arith.constant 40 : i32
    %div3A = arith.divsi %arg0, %jit3A : i32
    %sign3A = arith.constant 0 : i32
    %sign3A_0 = arith.cmpi sgt, %arg0, %sign3A : i32
    %sign3A_1 = arith.extui %sign3A_0 : i1 to i32
    %sign3A_2 = arith.constant 0 : i32
    %sign3A_3 = arith.cmpi slt, %arg0, %sign3A_2 : i32
    %sign3A_4 = arith.extui %sign3A_3 : i1 to i32
    %sign3A_5 = arith.subi %sign3A_1, %sign3A_4 : i32
    %sign3A_6 = arith.constant 0 : i32
    %sign3A_7 = arith.cmpi sgt, %jit3A, %sign3A_6 : i32
    %sign3A_8 = arith.extui %sign3A_7 : i1 to i32
    %sign3A_9 = arith.constant 0 : i32
    %sign3A_10 = arith.cmpi slt, %jit3A, %sign3A_9 : i32
    %sign3A_11 = arith.extui %sign3A_10 : i1 to i32
    %sign3A_12 = arith.subi %sign3A_8, %sign3A_11 : i32
    %ne3A = arith.cmpi ne, %sign3A_5, %sign3A_12 : i32
    %rem3A = arith.remsi %arg0, %jit3A : i32
    %ne3A_13 = arith.constant 0 : i32
    %ne3A_14 = arith.cmpi ne, %rem3A, %ne3A_13 : i32
    %and3A = arith.andi %ne3A, %ne3A_14 : i1
    %sub3A = arith.constant 1 : i32
    %sub3A_15 = arith.subi %div3A, %sub3A : i32
    %select_n3A = arith.select %and3A, %sub3A_15, %div3A : i32
    %jit3A_16 = arith.constant 40 : i32
    %eq3A = arith.constant 0 : i32
    %eq3A_17 = arith.cmpi eq, %jit3A_16, %eq3A : i32
    %jit3A_18 = arith.constant 1 : i32
    %select_n3A_19 = arith.select %eq3A_17, %jit3A_18, %jit3A_16 : i32
    %rem3A_20 = arith.remsi %arg0, %select_n3A_19 : i32
    %ne3A_21 = arith.constant 0 : i32
    %ne3A_22 = arith.cmpi ne, %rem3A_20, %ne3A_21 : i32
    %lt3A = arith.constant 0 : i32
    %lt3A_23 = arith.cmpi slt, %rem3A_20, %lt3A : i32
    %lt3A_24 = arith.constant 0 : i32
    %lt3A_25 = arith.cmpi slt, %select_n3A_19, %lt3A_24 : i32
    %ne3A_26 = arith.xori %lt3A_23, %lt3A_25 : i1
    %and3A_27 = arith.andi %ne3A_26, %ne3A_22 : i1
    %add3A = arith.addi %rem3A_20, %select_n3A_19 : i32
    %select_n3A_28 = arith.select %and3A_27, %add3A, %rem3A_20 : i32
    %c0_i32 = arith.constant 0 : i32
    %c0_i32_29 = arith.constant 0 : i32
    return %select_n3A, %select_n3A_28, %c0_i32 : i32, i32, i32
  }
  func.func @transform_7(%arg0: i32) -> (i32, i32) {
    %c0_i32 = arith.constant 0 : i32
    %c0_i32_0 = arith.constant 0 : i32
    return %arg0, %c0_i32 : i32, i32
  }
  func.func @transform_8(%arg0: i32) -> (i32, i32) {
    %c0_i32 = arith.constant 0 : i32
    %c0_i32_0 = arith.constant 0 : i32
    return %arg0, %c0_i32 : i32, i32
  }
}

module attributes {stable_mosaic.version = 14 : i64} {
  func.func @_final_body(%arg0: i32, %arg1: memref<1x128x128xf32, #tpu.memory_space<vmem>>, %arg2: memref<128x128xf32, #tpu.memory_space<vmem>>, %arg3: memref<1x128x128xf32, #tpu.memory_space<vmem>>, %arg4: memref<1x128xf32, #tpu.memory_space<vmem>>, %arg5: memref<128x128xf32, #tpu.memory_space<vmem>>) attributes {dimension_semantics = [#tpu.dimension_semantics<arbitrary>], iteration_bounds = array<i64: 80>, scalar_prefetch = 0 : i64, scratch_operands = 0 : i64, tpu.core_type = #tpu.core_type<tc>, window_params = [{transform_indices = @transform_0, window_bounds = array<i64: 1, 128, 128>}, {transform_indices = @transform_1, window_bounds = array<i64: 128, 128>}, {transform_indices = @transform_2, window_bounds = array<i64: 1, 128, 128>}, {pipeline_mode = #tpu.pipeline_mode<synchronous>, transform_indices = @transform_3, window_bounds = array<i64: 1, 128>}, {transform_indices = @transform_4, window_bounds = array<i64: 128, 128>}]} {
    %get3A = arith.constant 0 : index
    %get3A_0 = arith.constant 0 : index
    %get3A_1 = arith.constant 0 : index
    %get3A_2 = vector.load %arg3[%get3A, %get3A_0, %get3A_1] : memref<1x128x128xf32, #tpu.memory_space<vmem>>, vector<1x128x128xf32>
    %slice3A = vector.extract_strided_slice %get3A_2 {offsets = [0, 0, 0], sizes = [1, 128, 1], strides = [1, 1, 1]} : vector<1x128x128xf32> to vector<1x128x1xf32>
    %squeeze3A = vector.shape_cast %slice3A : vector<1x128x1xf32> to vector<128x1xf32>
    %iota3A = tpu.iota {dimensions = array<i32: 0>} : vector<128x1xi32>
    %mul3A = arith.constant 128 : i32
    %mul3A_3 = arith.muli %arg0, %mul3A : i32
    %add3A = vector.broadcast %mul3A_3 : i32 to vector<128x1xi32>
    %add3A_4 = arith.addi %iota3A, %add3A : vector<128x1xi32>
    %lt3A = arith.constant 10000 : i32
    %lt3A_5 = vector.broadcast %lt3A : i32 to vector<128x1xi32>
    %lt3A_6 = arith.cmpi slt, %add3A_4, %lt3A_5 : vector<128x1xi32>
    %jit3A = arith.constant 1.000000e+00 : f32
    %jit3A_7 = arith.constant 0.000000e+00 : f32
    %broadcast_in_dim3A = vector.broadcast %jit3A : f32 to vector<128x1xf32>
    %broadcast_in_dim3A_8 = vector.broadcast %jit3A_7 : f32 to vector<128x1xf32>
    %select_n3A = arith.select %lt3A_6, %broadcast_in_dim3A, %broadcast_in_dim3A_8 : vector<128x1xi1>, vector<128x1xf32>
    %add3A_9 = arith.addf %squeeze3A, %select_n3A : vector<128x1xf32>
    %gt3A = arith.constant 0.000000e+00 : f32
    %gt3A_10 = vector.broadcast %gt3A : f32 to vector<128x1xf32>
    %gt3A_11 = arith.cmpf ogt, %add3A_9, %gt3A_10 : vector<128x1xf32>
    %max3A = arith.constant 1.000000e+00 : f32
    %max3A_12 = vector.broadcast %max3A : f32 to vector<128x1xf32>
    %max3A_13 = arith.maximumf %add3A_9, %max3A_12 : vector<128x1xf32>
    %rsqrt3A = math.rsqrt %max3A_13 : vector<128x1xf32>
    %jit3A_14 = arith.constant 0.000000e+00 : f32
    %broadcast_in_dim3A_15 = vector.broadcast %jit3A_14 : f32 to vector<128x1xf32>
    %select_n3A_16 = arith.select %gt3A_11, %rsqrt3A, %broadcast_in_dim3A_15 : vector<128x1xi1>, vector<128x1xf32>
    %get3A_17 = arith.constant 0 : index
    %get3A_18 = arith.constant 0 : index
    %get3A_19 = arith.constant 0 : index
    %get3A_20 = vector.load %arg1[%get3A_17, %get3A_18, %get3A_19] : memref<1x128x128xf32, #tpu.memory_space<vmem>>, vector<1x128x128xf32>
    %get3A_21 = vector.shape_cast %get3A_20 : vector<1x128x128xf32> to vector<128x128xf32>
    %mul3A_22 = vector.broadcast %select_n3A_16 : vector<128x1xf32> to vector<128x128xf32>
    %mul3A_23 = arith.mulf %mul3A_22, %get3A_21 : vector<128x128xf32>
    %mul3A_24 = arith.mulf %select_n3A_16, %select_n3A_16 : vector<128x1xf32>
    %get3A_25 = arith.constant 0 : index
    %get3A_26 = arith.constant 0 : index
    %get3A_27 = vector.load %arg2[%get3A_25, %get3A_26] : memref<128x128xf32, #tpu.memory_space<vmem>>, vector<128x128xf32>
    %mul3A_28 = vector.broadcast %mul3A_24 : vector<128x1xf32> to vector<128x128xf32>
    %mul3A_29 = arith.mulf %mul3A_28, %get3A_27 : vector<128x128xf32>
    %add3A_30 = arith.addf %mul3A_23, %mul3A_29 : vector<128x128xf32>
    %get3A_31 = arith.constant 0 : index
    %get3A_32 = arith.constant 0 : index
    %get3A_33 = vector.load %arg4[%get3A_31, %get3A_32] : memref<1x128xf32, #tpu.memory_space<vmem>>, vector<1x128xf32>
    %add3A_34 = vector.broadcast %get3A_33 : vector<1x128xf32> to vector<128x128xf32>
    %add3A_35 = arith.addf %add3A_30, %add3A_34 : vector<128x128xf32>
    %swap3A = arith.constant 0 : index
    %swap3A_36 = arith.constant 0 : index
    %swap3A_37 = vector.load %arg5[%swap3A, %swap3A_36] : memref<128x128xf32, #tpu.memory_space<vmem>>, vector<128x128xf32>
    tpu.vector_store %arg5[%swap3A, %swap3A_36], %add3A_35 {strides = array<i32>} : memref<128x128xf32, #tpu.memory_space<vmem>>, vector<128x128xf32>,
    return
  }
  func.func @transform_0(%arg0: i32) -> (i32, i32, i32) {
    %jit3A = arith.constant 40 : i32
    %div3A = arith.divsi %arg0, %jit3A : i32
    %sign3A = arith.constant 0 : i32
    %sign3A_0 = arith.cmpi sgt, %arg0, %sign3A : i32
    %sign3A_1 = arith.extui %sign3A_0 : i1 to i32
    %sign3A_2 = arith.constant 0 : i32
    %sign3A_3 = arith.cmpi slt, %arg0, %sign3A_2 : i32
    %sign3A_4 = arith.extui %sign3A_3 : i1 to i32
    %sign3A_5 = arith.subi %sign3A_1, %sign3A_4 : i32
    %sign3A_6 = arith.constant 0 : i32
    %sign3A_7 = arith.cmpi sgt, %jit3A, %sign3A_6 : i32
    %sign3A_8 = arith.extui %sign3A_7 : i1 to i32
    %sign3A_9 = arith.constant 0 : i32
    %sign3A_10 = arith.cmpi slt, %jit3A, %sign3A_9 : i32
    %sign3A_11 = arith.extui %sign3A_10 : i1 to i32
    %sign3A_12 = arith.subi %sign3A_8, %sign3A_11 : i32
    %ne3A = arith.cmpi ne, %sign3A_5, %sign3A_12 : i32
    %rem3A = arith.remsi %arg0, %jit3A : i32
    %ne3A_13 = arith.constant 0 : i32
    %ne3A_14 = arith.cmpi ne, %rem3A, %ne3A_13 : i32
    %and3A = arith.andi %ne3A, %ne3A_14 : i1
    %sub3A = arith.constant 1 : i32
    %sub3A_15 = arith.subi %div3A, %sub3A : i32
    %select_n3A = arith.select %and3A, %sub3A_15, %div3A : i32
    %jit3A_16 = arith.constant 40 : i32
    %eq3A = arith.constant 0 : i32
    %eq3A_17 = arith.cmpi eq, %jit3A_16, %eq3A : i32
    %jit3A_18 = arith.constant 1 : i32
    %select_n3A_19 = arith.select %eq3A_17, %jit3A_18, %jit3A_16 : i32
    %rem3A_20 = arith.remsi %arg0, %select_n3A_19 : i32
    %ne3A_21 = arith.constant 0 : i32
    %ne3A_22 = arith.cmpi ne, %rem3A_20, %ne3A_21 : i32
    %lt3A = arith.constant 0 : i32
    %lt3A_23 = arith.cmpi slt, %rem3A_20, %lt3A : i32
    %lt3A_24 = arith.constant 0 : i32
    %lt3A_25 = arith.cmpi slt, %select_n3A_19, %lt3A_24 : i32
    %ne3A_26 = arith.xori %lt3A_23, %lt3A_25 : i1
    %and3A_27 = arith.andi %ne3A_26, %ne3A_22 : i1
    %add3A = arith.addi %rem3A_20, %select_n3A_19 : i32
    %select_n3A_28 = arith.select %and3A_27, %add3A, %rem3A_20 : i32
    %c0_i32 = arith.constant 0 : i32
    %c0_i32_29 = arith.constant 0 : i32
    return %select_n3A, %select_n3A_28, %c0_i32 : i32, i32, i32
  }
  func.func @transform_1(%arg0: i32) -> (i32, i32) {
    %c0_i32 = arith.constant 0 : i32
    %c0_i32_0 = arith.constant 0 : i32
    return %arg0, %c0_i32 : i32, i32
  }
  func.func @transform_2(%arg0: i32) -> (i32, i32, i32) {
    %jit3A = arith.constant 40 : i32
    %div3A = arith.divsi %arg0, %jit3A : i32
    %sign3A = arith.constant 0 : i32
    %sign3A_0 = arith.cmpi sgt, %arg0, %sign3A : i32
    %sign3A_1 = arith.extui %sign3A_0 : i1 to i32
    %sign3A_2 = arith.constant 0 : i32
    %sign3A_3 = arith.cmpi slt, %arg0, %sign3A_2 : i32
    %sign3A_4 = arith.extui %sign3A_3 : i1 to i32
    %sign3A_5 = arith.subi %sign3A_1, %sign3A_4 : i32
    %sign3A_6 = arith.constant 0 : i32
    %sign3A_7 = arith.cmpi sgt, %jit3A, %sign3A_6 : i32
    %sign3A_8 = arith.extui %sign3A_7 : i1 to i32
    %sign3A_9 = arith.constant 0 : i32
    %sign3A_10 = arith.cmpi slt, %jit3A, %sign3A_9 : i32
    %sign3A_11 = arith.extui %sign3A_10 : i1 to i32
    %sign3A_12 = arith.subi %sign3A_8, %sign3A_11 : i32
    %ne3A = arith.cmpi ne, %sign3A_5, %sign3A_12 : i32
    %rem3A = arith.remsi %arg0, %jit3A : i32
    %ne3A_13 = arith.constant 0 : i32
    %ne3A_14 = arith.cmpi ne, %rem3A, %ne3A_13 : i32
    %and3A = arith.andi %ne3A, %ne3A_14 : i1
    %sub3A = arith.constant 1 : i32
    %sub3A_15 = arith.subi %div3A, %sub3A : i32
    %select_n3A = arith.select %and3A, %sub3A_15, %div3A : i32
    %jit3A_16 = arith.constant 40 : i32
    %eq3A = arith.constant 0 : i32
    %eq3A_17 = arith.cmpi eq, %jit3A_16, %eq3A : i32
    %jit3A_18 = arith.constant 1 : i32
    %select_n3A_19 = arith.select %eq3A_17, %jit3A_18, %jit3A_16 : i32
    %rem3A_20 = arith.remsi %arg0, %select_n3A_19 : i32
    %ne3A_21 = arith.constant 0 : i32
    %ne3A_22 = arith.cmpi ne, %rem3A_20, %ne3A_21 : i32
    %lt3A = arith.constant 0 : i32
    %lt3A_23 = arith.cmpi slt, %rem3A_20, %lt3A : i32
    %lt3A_24 = arith.constant 0 : i32
    %lt3A_25 = arith.cmpi slt, %select_n3A_19, %lt3A_24 : i32
    %ne3A_26 = arith.xori %lt3A_23, %lt3A_25 : i1
    %and3A_27 = arith.andi %ne3A_26, %ne3A_22 : i1
    %add3A = arith.addi %rem3A_20, %select_n3A_19 : i32
    %select_n3A_28 = arith.select %and3A_27, %add3A, %rem3A_20 : i32
    %c0_i32 = arith.constant 0 : i32
    %c0_i32_29 = arith.constant 0 : i32
    return %select_n3A, %select_n3A_28, %c0_i32 : i32, i32, i32
  }
  func.func @transform_3(%arg0: i32) -> (i32, i32) {
    %c0_i32 = arith.constant 0 : i32
    %c0_i32_0 = arith.constant 0 : i32
    %c0_i32_1 = arith.constant 0 : i32
    return %c0_i32, %c0_i32_0 : i32, i32
  }
  func.func @transform_4(%arg0: i32) -> (i32, i32) {
    %c0_i32 = arith.constant 0 : i32
    %c0_i32_0 = arith.constant 0 : i32
    return %arg0, %c0_i32 : i32, i32
  }
}

</mosaic_0001>

<sc_bundles>
// kernel: kernel.10.cloned.1.call-start
scs
__scs_entry_jumppad:
0x0: {  	(pc) =	sbr.rel $0x88, $3  }
0x1: {  	(tag) =	ssettag $0x0;
	lr =	simm.s32 $0x1  }
0x2: {  	[smem:$0x3F95] =	sst lr;
	_ =	strace $0xD0000000  }
0x3: {  	_ = 	snop  }
0x4: {  	_ = 	snop  }
0x5: {  	_ = 	snop  }
0x6: {  	_ = 	snop  }
0x7: {  	_ = 	snop  }
__scs_overlays_trampoline_lowered:
0x8: {  	[smem:$0x3FA4] =	sst s0  }
0x9: {  	[smem:$0x3FA5] =	sst s1  }
0xa: {  	[smem:$0x3FA6] =	sst s2  }
0xb: {  	[smem:$0x3FA7] =	sst s3  }
0xc: {  	[smem:$0x3FA8] =	sst s4  }
0xd: {  	[smem:$0x3FA9] =	sst s5  }
0xe: {  	[smem:$0x3FAA] =	sst s6  }
0xf: {  	[smem:$0x3FAB] =	sst s7  }
0x10: {  	[smem:$0x3FAC] =	sst s8  }
0x11: {  	[smem:$0x3FAD] =	sst s9;
	s0 =	simm.s32 @!p0 $0x0  }
0x12: {  	s1 =	sld [smem:$0x3F93];
	s0 =	simm.s32 @p0 $0x1  }
0x13: {  	[smem:$0x3FAE] =	sst s0;
	s0 =	simm.s32 @!p1 $0x0  }
0x14: {  	s2 =	sld [smem:$0x3F92];
	s0 =	simm.s32 @p1 $0x1  }
0x15: {  	[smem:$0x3FAF] =	sst s0;
	s0 =	simm.s32 @!p2 $0x0  }
0x16: {  	s3 =	sld [smem:$0x3FDB];
	s0 =	simm.s32 @p2 $0x1  }
0x17: {  	s4 =	simm.s32 $0x1BF5;
	[smem:$0x3FB1] =	sst s0  }
0x18: {  	s0 =	sld [smem:$0x3F94];
	_ =	swait.ge [sflag:s4], $0x0  }
0x19: {  	s7 =	sld [smem:$0x3F95]  }
0x1a: {  	s8 =	sadd.s32 $0xFFFFE003, lr  }
0x1b: {  	s9 =	sadd.s32 $0xFFFFFEF7, lr;
	s5 =	simm.s32 $0xFFFFFFFF;
	p2 =	slt.u32 s8, $0xFFFFF086  }
0x1c: {  	p1 =	slt.u32 s9, $0xF7A;
	s5 =	simm.s32 @!p2 $0x0  }
0x1d: {  	s5 =	simm.s32 @p1 $0x1;
	p0 =	seq.s32 s7, s2  }
0x1e: {  	s7 =	smul.u32 @!p0 $0xF7A, s2;
	p2 =	seq.s32 @!p0 s5, $0x0  }
0x1f: {  	s9 =	smul.u32 $0xF7A, s1;
	s8 =	simm.s32 @!p0 $0x1BF5;
	p2 =	por !p2, p0  }
0x20: {  	[sflag:s8] =	ssyncset.s32 @!p0 $0xFFFFF086;
	s6 =	sadd.s32 @!p0 s3, s7;
	s7 =	simm.s32 @!p0 $0x108  }
0x21: {  	s3 =	sadd.s32 s3, s9;
	s6 =	sadd.s32 @!p0 $0x88, s6;
	s7 =	simm.s32 @p2 $0x1082  }
0x22: {  	[simem:s7], [sflag:s8] =	dma.local @!p0 [hbm:s6], $0xF7A  }
0x23: {  	s9 =	sor.u32 $0xD0000000, s2;
	s6 =	simm.s32 $0x108;
	_ =	swait.ge @!p0 [sflag:s8], $0x0  }
0x24: {  	s3 =	sadd.s32 $0x88, s3;
	s6 =	simm.s32 @!p1 $0x1082;
	[sflag:s4] =	ssyncset.s32 $0xFFFFF086  }
0x25: {  	[simem:s6], [sflag:s4] =	dma.local [hbm:s3], $0xF7A  }
0x26: {  	[smem:$0x3F95] =	sst s1;
	(tag) =	ssettag s2;
	_ =	strace s9  }
0x27: {  	s1 =	sld [smem:$0x3FA5]  }
0x28: {  	s2 =	sld [smem:$0x3FA6]  }
0x29: {  	s4 =	sld [smem:$0x3FA8]  }
0x2a: {  	p0 =	seq.s32 s5, $0x0;
	s5 =	sld [smem:$0x3FA9]  }
0x2b: {  	s6 =	sld [smem:$0x3FAA]  }
0x2c: {  	s7 =	sld [smem:$0x3FAB]  }
0x2d: {  	s3 =	simm.s32 $0x108;
	s8 =	sld [smem:$0x3FAC]  }
0x2e: {  	s3 =	simm.s32 @!p0 $0x1082;
	s9 =	sld [smem:$0x3FAD]  }
0x2f: {  	lr =	sadd.s32 s0, s3;
	s0 =	sld [smem:$0x3FA4]  }
0x30: {  	s3 =	sld [smem:$0x3FA7]  }
0x31: {  	[smem:$0x3FB0] =	sst s10  }
0x32: {  	s10 =	sld [smem:$0x3FAE];
	_ =	sdelay $0x3  }
0x33: {  	p0 =	seq.s32 s10, $0x1;
	s10 =	sld [smem:$0x3FB0];
	_ =	sdelay $0x3  }
0x34: {  	[smem:$0x3FB0] =	sst s10  }
0x35: {  	s10 =	sld [smem:$0x3FAF];
	_ =	sdelay $0x3  }
0x36: {  	p1 =	seq.s32 s10, $0x1;
	s10 =	sld [smem:$0x3FB0];
	_ =	sdelay $0x3  }
0x37: {  	[smem:$0x3FB0] =	sst s10  }
0x38: {  	s10 =	sld [smem:$0x3FB1]  }
0x39: {  	_ = 	snop;
	(pc) =	sbr.ind lr, $3  }
0x3a: {  	_ = 	snop  }
0x3b: {  	_ = 	snop  }
0x3c: {  	p2 =	seq.s32 s10, $0x1;
	s10 =	sld [smem:$0x3FB0]  }
0x3d: {  	_ =	shalt  }
0x3e: {  	_ =	shalt  }
0x3f: {  	_ =	shalt  }
0x40: {  	_ =	shalt  }
0x41: {  	_ =	shalt  }
0x42: {  	_ =	shalt  }
0x43: {  	_ =	shalt  }
0x44: {  	_ =	shalt  }
0x45: {  	_ =	shalt  }
0x46: {  	_ =	shalt  }
0x47: {  	_ =	shalt  }
0x48: {  	_ =	shalt  }
0x49: {  	_ =	shalt  }
0x4a: {  	_ =	shalt  }
0x4b: {  	_ =	shalt  }
0x4c: {  	_ =	shalt  }
0x4d: {  	_ =	shalt  }
0x4e: {  	_ =	shalt  }
0x4f: {  	_ =	shalt  }
0x50: {  	_ =	shalt  }
0x51: {  	_ =	shalt  }
0x52: {  	_ =	shalt  }
0x53: {  	_ =	shalt  }
0x54: {  	_ =	shalt  }
0x55: {  	_ =	shalt  }
0x56: {  	_ =	shalt  }
0x57: {  	_ =	shalt  }
0x58: {  	_ =	shalt  }
0x59: {  	_ =	shalt  }
0x5a: {  	_ =	shalt  }
0x5b: {  	_ =	shalt  }
0x5c: {  	_ =	shalt  }
0x5d: {  	_ =	shalt  }
0x5e: {  	_ =	shalt  }
0x5f: {  	_ =	shalt  }
0x60: {  	_ =	shalt  }
0x61: {  	_ =	shalt  }
0x62: {  	_ =	shalt  }
0x63: {  	_ =	shalt  }
0x64: {  	_ =	shalt  }
0x65: {  	_ =	shalt  }
0x66: {  	_ =	shalt  }
0x67: {  	_ =	shalt  }
0x68: {  	_ =	shalt  }
0x69: {  	_ =	shalt  }
0x6a: {  	_ =	shalt  }
0x6b: {  	_ =	shalt  }
0x6c: {  	_ =	shalt  }
0x6d: {  	_ =	shalt  }
0x6e: {  	_ =	shalt  }
0x6f: {  	_ =	shalt  }
0x70: {  	_ =	shalt  }
0x71: {  	_ =	shalt  }
0x72: {  	_ =	shalt  }
0x73: {  	_ =	shalt  }
0x74: {  	_ =	shalt  }
0x75: {  	_ =	shalt  }
0x76: {  	_ =	shalt  }
0x77: {  	_ =	shalt  }
0x78: {  	_ =	shalt  }
0x79: {  	_ =	shalt  }
0x7a: {  	_ =	shalt  }
0x7b: {  	_ =	shalt  }
0x7c: {  	_ =	shalt  }
0x7d: {  	_ =	shalt  }
0x7e: {  	_ =	shalt  }
0x7f: {  	_ =	shalt  }
0x80: {  	_ =	shalt  }
0x81: {  	_ =	shalt  }
0x82: {  	_ =	shalt  }
0x83: {  	_ =	shalt  }
0x84: {  	_ =	shalt  }
0x85: {  	_ =	shalt  }
0x86: {  	_ =	shalt  }
0x87: {  	_ =	shalt  }
.Lfunc_end0:
.L_simem_size_0:
called_computation_lowered:
.L_overlay_start_0:
0x88: {  	s2 =	sld [smem:$0x3FD9]  }
0x89: {  	s3 =	sld [smem:$0x3FFE];
	_ =	sdelay $0x1  }
0x8a: {  	s1 =	srdreg.scid  }
0x8b: {  	s0 =	sand.u32 $0x1, s1  }
0x8c: {  	s17 =	sshll.u32 s0, $0xA;
	s2 =	sadd.s32 s3, s2  }
0x8d: {  	s2 =	sadd.s32 s2, s17  }
0x8e: {  	[smem:$0x3FBC] =	sst s2  }
0x8f: {  	_ = 	snop  }
0x90: {  	s2 =	sld [smem:$0x3FD0];
	(tm) =	ssettm $0x1  }
0x91: {  	s18 =	sld [smem:$0x3FFB];
	_ =	sdelay $0x3  }
0x92: {  	_ =	strace s18  }
0x93: {  	s3 =	sld [smem:$0x3FFC];
	_ =	sdelay $0x3  }
0x94: {  	_ =	strace s3  }
0x95: {  	s3 =	sld [smem:$0x3FFD];
	_ =	sdelay $0x3  }
0x96: {  	_ =	strace s3  }
0x97: {  	_ =	strace $0x8FFFFFFF  }
0x98: {  	s19 =	sld [smem:$0x3FDB];
	_ =	sdelay $0x1  }
0x99: {  	s4 =	simm.s32 $_scs_section_size  }
0x9a: {  	s5 =	simm.s32 $_size__tile_overlayer_lowered;
	s6 =	simm.s32 $_tile_overlayer_lowered  }
0x9b: {  	s22 =	simm.s32 $0x1BFF;
	s21 =	sshll.u32 s6, $0x1;
	s3 =	sadd.s32 s4, s19  }
0x9c: {  	s7 =	simm.s32 $0x0;
	s20 =	sshll.u32 s5, $0x1;
	s5 =	sadd.s32 s21, s3  }
0x9d: {  	[timem:s7], [sflag:s22] =	dma.local [hbm:s5], s20  }
0x9e: {  	_ =	swait.ge [sflag:s22], s20  }
0x9f: {  	s4 =	ssub.s32 $0x0, s20;
	[sflag:s22] =	ssyncset.done $0x0  }
0xa0: {  	[sflag:s22] =	ssyncadd.s32 s4;
	_ =	sdelay $0x1  }
0xa1: {  	s23 =	simm.s32 $0x1B8B  }
0xa2: {  	_ =	swait.ge [sflag:s23], $0x1  }
0xa3: {  	[sflag:s23] =	ssyncset.done $0x0  }
0xa4: {  	s25 =	simm.s32 $0x1B8E;
	s24 =	sld [smem:$0x3FFE];
	[sflag:s23] =	ssyncadd.s32 $0xFFFFFFFF  }
0xa5: {  	s26 =	simm.s32 $execute0_lowered;
	[smem:$0x3FD2] =	sst s25  }
0xa6: {  	s5 =	sshll.u32 s26, $0x1;
	_ =	strace $0x80000046;
	[dreg:$0x1] =	wrdreg $0xFFFFFFFF  }
0xa7: {  	s28 =	simm.s32 $_size_execute0_lowered;
	s3 =	sadd.s32 s3, s5;
	[dreg:$0x0] =	wrdreg $0x0  }
0xa8: {  	s5 =	sshll.u32 s28, $0x1;
	[dreg:$0x2] =	wrdreg s3  }
0xa9: {  	[dreg:$0x3] =	wrdreg s5  }
0xaa: {  	[dreg:$0x4] =	wrdreg $0xC0  }
0xab: {  	_ =	task [dreg:s7], $0x5FFFF  }
0xac: {  	[dreg:$0x1] =	wrdreg $0xFFFFFFFF  }
0xad: {  	[dreg:$0x0] =	wrdreg $0x60  }
0xae: {  	[dreg:$0x2] =	wrdreg s2  }
0xaf: {  	[dreg:$0x3] =	wrdreg s24  }
0xb0: {  	[dreg:$0x4] =	wrdreg $0x90800  }
0xb1: {  	[dreg:$0x5] =	wrdreg $0x9  }
0xb2: {  	_ =	task.clear_ibuf [dreg:s7], $0x6FFFF;
	_ =	strace $0x90000046  }
0xb3: {  	s29 =	simm.s32 $0x9;
	_ =	strace $0x80000048  }
0xb4: {  	_ =	swait.ge [sflag:s29], $0x1  }
0xb5: {  	[sflag:s29] =	ssyncadd.s32 $0xFFFFFFFF  }
0xb6: {  	_ =	strace $0x90000048  }
0xb7: {  	_ =	sfence  }
0xb8: {  	s30 =	sld [smem:$0x0];
	_ =	sdelay $0x2  }
0xb9: {  	s31 =	sshll.u32 s1, $0xD;
	s1 =	sshrl.u32 s1, $0x2  }
0xba: {  	s3 =	sand.u32 $0x4000, s31;
	s1 =	sadd.s32 s1, s30  }
0xbb: {  	s0 =	sor.u32 s3, s0;
	s1 =	sshll.u32 s1, $0x11  }
0xbc: {  	s0 =	sor.u32 s1, s0  }
0xbd: {  	s0 =	sadd.s32 $0x8F2B, s0  }
0xbe: {  	[sflag:s0] =	ssyncadd.remote.s32 $0x1  }
0xbf: {  	_ =	sfence.sel $0xFFFF  }
0xc0: {  	[dreg:$0x0] =	wrdreg $0xFFFFFFFF;
	(pc) =	sbr.abs _section_cstart, $3  }
0xc1: {  	[dreg:$0x1] =	wrdreg $0xFFFFFFFF  }
0xc2: {  	_ =	task.clear_ibuf [dreg:s7], $0x2FFFF;
	_ =	strace $0x9FFFFFFF  }
0xc3: {  	(tm) =	ssettm $0x7FFFFFFF  }
tec
execute0_lowered:
.L_overlay_start_1:
0x0: {  	(tag) =	ssettag $0x1  }
0x1: {  	s7 =	rddreg [dreg:$0x0]  }
0x2: {  	s4 =	rddreg [dreg:$0x1]  }
0x3: {  	s1 =	rddreg [dreg:$0x2]  }
0x4: {  	s0 =	rddreg [dreg:$0x3];
	s2 =	stileid.u32  }
0x5: {  	s3 =	simm.s32 $0x0;
	s5 =	srdreg.scid;
	s6 =	smul.u32 $0x29000, s2  }
0x6: {  	s16 =	simm.s32 $0x0;
	[smem:$0x7FF] =	sst s3;
	s9 =	smul.u32 $0xA400, s2  }
0x7: {  	s5 =	sand.u32 $0x1, s5;
	s10 =	sadd.s32 $0xE000, s4;
	s28 =	smul.u32 $0xA00, s2  }
0x8: {  	_ =	strace $0x80000047;
	s26 =	ssub.s32 $0x2, s5;
	s14 =	smul.u32 $0x1400, s5  }
0x9: {  	s15 =	smul.u32 $0xA4000, s5;
	s8 =	sshrl.u32 s26, $0x1;
	s6 =	sshrl.u32 s6, $0x2  }
0xa: {  	s12 =	sadd.s32 $0x4000, s9;
	s13 =	sadd.s32 $0x8000, s9;
	s7 =	sadd.s32 s7, s28  }
0xb: {  	s11 =	ssub.s32 s26, s8;
	s4 =	sadd.s32 s6, s1;
	s5 =	sadd.s32 s12, s1  }
0xc: {  	s6 =	sadd.s32 s13, s1;
	s29 =	sadd.s32 s9, s15;
	s30 =	sadd.s32 s15, s12  }
0xd: {  	s31 =	sadd.s32 s15, s13;
	s13 =	simm.s32 $0x1;
	v1 =	vmov s14;
	s14 =	simm.s32 $0x80  }
0xe: {  	s15 =	simm.s32 $0x5000;
	s8 =	sshrl.u32 s29, $0x3;
	s9 =	sshrl.u32 s30, $0x3  }
0xf: {  	v0 =	vimm.f32 $0.0e+00;
	vm0 =	vcmask $0x300;
	s12 =	sshrl.u32 s31, $0x3;
	s11 =	smax.u32 s11, $0x1;
	s8 =	sadd.s32 s10, s8  }
0x10: {  	v2 =	vsel vm0, $0x3F800000, v0;
	s9 =	sadd.s32 s10, s9;
	s10 =	sadd.s32 s10, s12;
	s12 =	simm.s32 $0x5080  }
.LBB2_1:
0x11: {  	s17 =	simm.s32 $0x0;
	s18 =	simm.s32 $0x200  }
.LBB2_2:
0x12: {  	p0 =	sne.s32 s18, $0xFE00;
	[tilespmem:s17+$0x50F0] =	vst v0  }
0x13: {  	[tilespmem:s17+$0x5080] =	vst v0  }
0x14: {  	[tilespmem:s17+$0x5090] =	vst v0  }
.Ltmp0:
0x15: {  	[tilespmem:s17+$0x50A0] =	vst v0;
	(pc) =	sbr.rel @p0 .LBB2_2-.Ltmp0, $4  }
0x16: {  	[tilespmem:s17+$0x50B0] =	vst v0  }
0x17: {  	[tilespmem:s17+$0x50C0] =	vst v0  }
0x18: {  	[tilespmem:s17+$0x50D0] =	vst v0  }
0x19: {  	[tilespmem:s17+$0x50E0] =	vst v0;
	s17 =	sshra.s32 s18, $0x2;
	s18 =	sadd.s32 $0x200, s18  }
0x1a: {  	[tilespmem:s17+$0x50F0] =	vst v0  }
0x1b: {  	[tilespmem:s17+$0x5080] =	vst v0  }
0x1c: {  	[tilespmem:s17+$0x5090] =	vst v0  }
0x1d: {  	[tilespmem:s17+$0x50A0] =	vst v0  }
0x1e: {  	[tilespmem:s17+$0x50B0] =	vst v0  }
0x1f: {  	[tilespmem:s17+$0x50C0] =	vst v0  }
0x20: {  	[tilespmem:s17+$0x50D0] =	vst v0  }
0x21: {  	[tilespmem:s17+$0x50E0] =	vst v0  }
0x22: {  	[spmem:s4] =	stream.linear.scatter [tilespmem:s12], [sflag:$0x1], $0x4000, $0x38;
	[tilespmem:$0x13480] =	vst v63  }
0x23: {  	_ =	swait.ge [sflag:s13], $0x4000  }
0x24: {  	[sflag:s13] =	ssyncset.done $0x0  }
0x25: {  	[sflag:s13] =	ssyncadd.s32 $0xFFFFC000  }
0x26: {  	[spmem:s5] =	stream.linear.scatter [tilespmem:s12], [sflag:$0x1], $0x4000, $0x38;
	[tilespmem:$0x13480] =	vst v63  }
0x27: {  	_ =	swait.ge [sflag:s13], $0x4000  }
0x28: {  	[sflag:s13] =	ssyncset.done $0x0  }
0x29: {  	[sflag:s13] =	ssyncadd.s32 $0xFFFFC000  }
0x2a: {  	[spmem:s6] =	stream.linear.scatter [tilespmem:s12], [sflag:$0x1], $0x2400, $0x38;
	[tilespmem:$0x13480] =	vst v63  }
0x2b: {  	_ =	swait.ge [sflag:s13], $0x2400  }
0x2c: {  	[sflag:s13] =	ssyncset.done $0x0  }
0x2d: {  	s17 =	simm.s32 $0x200;
	s18 =	simm.s32 $0x0;
	[sflag:s13] =	ssyncadd.s32 $0xFFFFDC00  }
.LBB2_4:
0x2e: {  	p0 =	sne.s32 s17, $0xFE00;
	[tilespmem:s18+$0x5080] =	vst v2;
	s18 =	smov.u32 s17;
	s17 =	sadd.s32 $0x200, s17  }
.Ltmp1:
0x2f: {  	(pc) =	sbr.rel @p0 .LBB2_4-.Ltmp1, $2  }
0x30: {  	_ =	sdelay $0x2  }
0x31: {  	s18 =	sshra.s32 s18, $0x2  }
0x32: {  	[tilespmem:s18+$0x5080] =	vst v2  }
0x33: {  	s17 =	simm.s32 $0x0;
	[bflag:$0x0] =	sbarrier.arrive $0xFFFF  }
0x34: {  	[tilespmem:s17], [sflag:$0x1] =	stream.linear.gather [hbm4b:s7+s17], $0x4F00, $0x38;
	[tilespmem:$0x13480] =	vst v63  }
0x35: {  	_ =	swait.ge [sflag:s13], $0x4F00  }
0x36: {  	[sflag:s13] =	ssyncset.done $0x0  }
0x37: {  	s31 =	simm.s32 $0x0;
	[sflag:s13] =	ssyncadd.s32 $0xFFFFB100  }
0x38: {  	v3 =	vld [tilespmem:s31+$0x0];
	_ =	sdelay $0x4  }
0x39: {  	v3 =	vsub.s32 v3, v1  }
0x3a: {  	v3 =	vmin.u32 v3, $0x1400  }
0x3b: {  	[tilespmem:$0x5000] =	vst v3  }
0x3c: {  	v3 =	vld [tilespmem:s31+$0x10];
	_ =	sdelay $0x4  }
0x3d: {  	v3 =	vsub.s32 v3, v1  }
0x3e: {  	v3 =	vmin.u32 v3, $0x1400  }
0x3f: {  	[tilespmem:$0x5010] =	vst v3  }
0x40: {  	v3 =	vld [tilespmem:s31+$0x20];
	_ =	sdelay $0x4  }
0x41: {  	v3 =	vsub.s32 v3, v1  }
0x42: {  	v3 =	vmin.u32 v3, $0x1400  }
0x43: {  	[tilespmem:$0x5020] =	vst v3  }
0x44: {  	v3 =	vld [tilespmem:s31+$0x30];
	_ =	sdelay $0x4  }
0x45: {  	v3 =	vsub.s32 v3, v1  }
0x46: {  	v3 =	vmin.u32 v3, $0x1400  }
0x47: {  	[tilespmem:$0x5030] =	vst v3  }
0x48: {  	v3 =	vld [tilespmem:s31+$0x40];
	_ =	sdelay $0x4  }
0x49: {  	v3 =	vsub.s32 v3, v1  }
0x4a: {  	v3 =	vmin.u32 v3, $0x1400  }
0x4b: {  	[tilespmem:$0x5040] =	vst v3  }
0x4c: {  	v3 =	vld [tilespmem:s31+$0x50];
	_ =	sdelay $0x4  }
0x4d: {  	v3 =	vsub.s32 v3, v1  }
0x4e: {  	v3 =	vmin.u32 v3, $0x1400  }
0x4f: {  	[tilespmem:$0x5050] =	vst v3  }
0x50: {  	v3 =	vld [tilespmem:s31+$0x60];
	_ =	sdelay $0x4  }
0x51: {  	v3 =	vsub.s32 v3, v1  }
0x52: {  	v3 =	vmin.u32 v3, $0x1400  }
0x53: {  	[tilespmem:$0x5060] =	vst v3  }
0x54: {  	v3 =	vld [tilespmem:s31+$0x70];
	_ =	sdelay $0x4  }
0x55: {  	v3 =	vsub.s32 v3, v1  }
0x56: {  	v3 =	vmin.u32 v3, $0x1400  }
0x57: {  	[tilespmem:$0x5070] =	vst v3  }
0x58: {  	[spmem:s1] =	stream.indirect.scatter.add.f32 [tilespmem:s12], [sflag:$0x1], $0x80, s15, s14, $0xb8;
	[tilespmem:$0x13480] =	vst v63  }
0x59: {  	_ =	swait.ge [sflag:s13], $0x4000  }
0x5a: {  	s20 =	simm.s32 $0x400;
	s17 =	simm.s32 $0x200;
	[sflag:s13] =	ssyncset.done $0x0  }
.LBB2_6:
0x5b: {  	s19 =	sshra.s32 s17, $0x2  }
0x5c: {  	[sflag:s13] =	ssyncadd.s32 $0xFFFFC000;
	s17 =	smov.u32 s20;
	s18 =	sadd.s32 $0x200, s20  }
0x5d: {  	p0 =	sne.s32 s20, $0x13A00;
	v3 =	vld [tilespmem:s19+$0x0];
	_ =	sdelay $0x4  }
0x5e: {  	v3 =	vsub.s32 v3, v1  }
0x5f: {  	v3 =	vmin.u32 v3, $0x1400  }
0x60: {  	[tilespmem:$0x5000] =	vst v3  }
0x61: {  	v3 =	vld [tilespmem:s19+$0x10];
	_ =	sdelay $0x4  }
0x62: {  	v3 =	vsub.s32 v3, v1  }
0x63: {  	v3 =	vmin.u32 v3, $0x1400  }
0x64: {  	[tilespmem:$0x5010] =	vst v3  }
0x65: {  	v3 =	vld [tilespmem:s19+$0x20];
	_ =	sdelay $0x4  }
0x66: {  	v3 =	vsub.s32 v3, v1  }
0x67: {  	v3 =	vmin.u32 v3, $0x1400  }
0x68: {  	[tilespmem:$0x5020] =	vst v3  }
0x69: {  	v3 =	vld [tilespmem:s19+$0x30];
	_ =	sdelay $0x4  }
0x6a: {  	v3 =	vsub.s32 v3, v1  }
0x6b: {  	v3 =	vmin.u32 v3, $0x1400  }
0x6c: {  	[tilespmem:$0x5030] =	vst v3  }
0x6d: {  	v3 =	vld [tilespmem:s19+$0x40];
	_ =	sdelay $0x4  }
0x6e: {  	v3 =	vsub.s32 v3, v1  }
0x6f: {  	v3 =	vmin.u32 v3, $0x1400  }
0x70: {  	[tilespmem:$0x5040] =	vst v3  }
0x71: {  	v3 =	vld [tilespmem:s19+$0x50];
	_ =	sdelay $0x4  }
0x72: {  	v3 =	vsub.s32 v3, v1  }
0x73: {  	v3 =	vmin.u32 v3, $0x1400  }
0x74: {  	[tilespmem:$0x5050] =	vst v3  }
0x75: {  	v3 =	vld [tilespmem:s19+$0x60];
	_ =	sdelay $0x4  }
0x76: {  	v3 =	vsub.s32 v3, v1  }
0x77: {  	v3 =	vmin.u32 v3, $0x1400  }
0x78: {  	[tilespmem:$0x5060] =	vst v3  }
0x79: {  	v3 =	vld [tilespmem:s19+$0x70];
	_ =	sdelay $0x4  }
0x7a: {  	v3 =	vsub.s32 v3, v1  }
.Ltmp2:
0x7b: {  	v3 =	vmin.u32 v3, $0x1400;
	(pc) =	sbr.rel @p0 .LBB2_6-.Ltmp2, $4  }
0x7c: {  	[tilespmem:$0x5070] =	vst v3  }
0x7d: {  	[spmem:s1] =	stream.indirect.scatter.add.f32 [tilespmem:s12], [sflag:$0x1], $0x80, s15, s14, $0xb8;
	[tilespmem:$0x13480] =	vst v63  }
0x7e: {  	_ =	swait.ge [sflag:s13], $0x4000  }
0x7f: {  	s20 =	smov.u32 s18;
	[sflag:s13] =	ssyncset.done $0x0  }
0x80: {  	s17 =	sshra.s32 s17, $0x2;
	[sflag:s13] =	ssyncadd.s32 $0xFFFFC000  }
0x81: {  	v3 =	vld [tilespmem:s17+$0x0];
	_ =	sdelay $0x4  }
0x82: {  	v3 =	vsub.s32 v3, v1  }
0x83: {  	v3 =	vmin.u32 v3, $0x1400  }
0x84: {  	[tilespmem:$0x5000] =	vst v3  }
0x85: {  	v3 =	vld [tilespmem:s17+$0x10];
	_ =	sdelay $0x4  }
0x86: {  	v3 =	vsub.s32 v3, v1  }
0x87: {  	v3 =	vmin.u32 v3, $0x1400  }
0x88: {  	[tilespmem:$0x5010] =	vst v3  }
0x89: {  	v3 =	vld [tilespmem:s17+$0x20];
	_ =	sdelay $0x4  }
0x8a: {  	v3 =	vsub.s32 v3, v1  }
0x8b: {  	v3 =	vmin.u32 v3, $0x1400  }
0x8c: {  	[tilespmem:$0x5020] =	vst v3  }
0x8d: {  	v3 =	vld [tilespmem:s17+$0x30];
	_ =	sdelay $0x4  }
0x8e: {  	v3 =	vsub.s32 v3, v1  }
0x8f: {  	v3 =	vmin.u32 v3, $0x1400  }
0x90: {  	[tilespmem:$0x5030] =	vst v3  }
0x91: {  	v3 =	vld [tilespmem:s17+$0x40];
	_ =	sdelay $0x4  }
0x92: {  	v3 =	vsub.s32 v3, v1  }
0x93: {  	v3 =	vmin.u32 v3, $0x1400  }
0x94: {  	[tilespmem:$0x5040] =	vst v3  }
0x95: {  	v3 =	vld [tilespmem:s17+$0x50];
	_ =	sdelay $0x4  }
0x96: {  	v3 =	vsub.s32 v3, v1  }
0x97: {  	v3 =	vmin.u32 v3, $0x1400  }
0x98: {  	[tilespmem:$0x5050] =	vst v3  }
0x99: {  	v3 =	vld [tilespmem:s17+$0x60];
	_ =	sdelay $0x4  }
0x9a: {  	v3 =	vsub.s32 v3, v1  }
0x9b: {  	v3 =	vmin.u32 v3, $0x1400  }
0x9c: {  	[tilespmem:$0x5060] =	vst v3  }
0x9d: {  	v3 =	vld [tilespmem:s17+$0x70];
	_ =	sdelay $0x4  }
0x9e: {  	v3 =	vsub.s32 v3, v1  }
0x9f: {  	v3 =	vmin.u32 v3, $0x1400  }
0xa0: {  	[tilespmem:$0x5070] =	vst v3  }
0xa1: {  	[spmem:s1] =	stream.indirect.scatter.add.f32 [tilespmem:s12], [sflag:$0x1], $0x80, s15, s14, $0xb8;
	[tilespmem:$0x13480] =	vst v63  }
0xa2: {  	_ =	swait.ge [sflag:s13], $0x4000  }
0xa3: {  	[sflag:s13] =	ssyncset.done $0x0  }
0xa4: {  	[sflag:s13] =	ssyncadd.s32 $0xFFFFC000  }
0xa5: {  	[bflag:$0x0] =	sbarrier.arrive $0xFFFF  }
0xa6: {  	[tilespmem:s12], [sflag:$0x1] =	stream.linear.gather [spmem:s4], $0x4000, $0x38;
	[tilespmem:$0x13480] =	vst v63  }
0xa7: {  	_ =	swait.ge [sflag:s13], $0x4000  }
0xa8: {  	[sflag:s13] =	ssyncset.done $0x0  }
0xa9: {  	[sflag:s13] =	ssyncadd.s32 $0xFFFFC000  }
0xaa: {  	[hbm4b:s8+s3] =	stream.linear.scatter [tilespmem:s12], [sflag:$0x1], $0x4000, $0x38;
	[tilespmem:$0x13480] =	vst v63  }
0xab: {  	_ =	swait.ge [sflag:s13], $0x4000  }
0xac: {  	[sflag:s13] =	ssyncset.done $0x0  }
0xad: {  	[sflag:s13] =	ssyncadd.s32 $0xFFFFC000  }
0xae: {  	[tilespmem:s12], [sflag:$0x1] =	stream.linear.gather [spmem:s5], $0x4000, $0x38;
	[tilespmem:$0x13480] =	vst v63  }
0xaf: {  	_ =	swait.ge [sflag:s13], $0x4000  }
0xb0: {  	[sflag:s13] =	ssyncset.done $0x0  }
0xb1: {  	[sflag:s13] =	ssyncadd.s32 $0xFFFFC000  }
0xb2: {  	[hbm4b:s9+s3] =	stream.linear.scatter [tilespmem:s12], [sflag:$0x1], $0x4000, $0x38;
	[tilespmem:$0x13480] =	vst v63  }
0xb3: {  	_ =	swait.ge [sflag:s13], $0x4000  }
0xb4: {  	[sflag:s13] =	ssyncset.done $0x0  }
0xb5: {  	[sflag:s13] =	ssyncadd.s32 $0xFFFFC000  }
0xb6: {  	[tilespmem:s12], [sflag:$0x1] =	stream.linear.gather [spmem:s6], $0x2400, $0x38;
	[tilespmem:$0x13480] =	vst v63  }
0xb7: {  	s16 =	sadd.s32 $0x1, s16;
	_ =	swait.ge [sflag:s13], $0x2400  }
0xb8: {  	p0 =	sne.s32 s16, s11;
	[sflag:s13] =	ssyncset.done $0x0  }
.Ltmp3:
0xb9: {  	[sflag:s13] =	ssyncadd.s32 $0xFFFFDC00;
	(pc) =	sbr.rel @p0 .LBB2_1-.Ltmp3, $4  }
0xba: {  	[hbm4b:s10+s3] =	stream.linear.scatter [tilespmem:s12], [sflag:$0x1], $0x2400, $0x38;
	[tilespmem:$0x13480] =	vst v63  }
0xbb: {  	_ =	swait.ge [sflag:s13], $0x2400  }
0xbc: {  	[sflag:s13] =	ssyncset.done $0x0  }
0xbd: {  	[sflag:s13] =	ssyncadd.s32 $0xFFFFDC00  }
0xbe: {  	_ =	sfence.sel $0x180000  }
0xbf: {  	[bflag:$0x0] =	sbarrier.arrive $0xFFFF  }
0xc0: {  	p0 =	sne.s32 s2, $0x0;
	_ =	strace $0x90000047  }
0xc1: {  	s0 =	sadd.s32 @!p0 $0x100000, s0;
	[bflag:$0x2] =	sbarrier.arrive $0xFFFF  }
0xc2: {  	[sflag:s0] =	ssyncadd.tile.s32 @!p0 $0x1;
	_ =	shalt  }
.Lfunc_end2:
_tile_overlayer_lowered:
.L_overlay_start_2:
0xc3: {  	(tag) =	ssettag $0x2  }
0xc4: {  	s0 =	rddreg [dreg:$0x0];
	s2 =	stileid.u32  }
0xc5: {  	s1 =	rddreg [dreg:$0x1];
	p0 =	sne.s32 s2, $0x0  }
0xc6: {  	s3 =	rddreg [dreg:$0x2];
	[bflag:$0x3] =	sbarrier.arrive $0xFFFF;
	s2 =	simm.s32 @!p0 $0x1C01  }
0xc7: {  	[timem:s3], [sflag:s2] =	dma.local @!p0 [hbm:s0], s1  }
0xc8: {  	s0 =	simm.s32 @!p0 $0x1  }
0xc9: {  	_ =	swait.ge @!p0 [sflag:s0], s1  }
0xca: {  	s1 =	ssub.s32 @!p0 $0x0, s1;
	[sflag:s0] =	ssyncset.done @!p0 $0x0  }
0xcb: {  	[sflag:s0] =	ssyncadd.s32 @!p0 s1  }
0xcc: {  	[bflag:$0x3] =	sbarrier.arrive $0xFFFF  }
0xcd: {  	_ =	shalt  }

// kernel: kernel.13.cloned.1.call-start
scs
__scs_entry_jumppad:
0x0: {  	(pc) =	sbr.rel $0x88, $3  }
0x1: {  	(tag) =	ssettag $0x0;
	lr =	simm.s32 $0x1  }
0x2: {  	[smem:$0x3F95] =	sst lr;
	_ =	strace $0xD0000000  }
0x3: {  	_ = 	snop  }
0x4: {  	_ = 	snop  }
0x5: {  	_ = 	snop  }
0x6: {  	_ = 	snop  }
0x7: {  	_ = 	snop  }
__scs_overlays_trampoline_lowered:
0x8: {  	[smem:$0x3FA4] =	sst s0  }
0x9: {  	[smem:$0x3FA5] =	sst s1  }
0xa: {  	[smem:$0x3FA6] =	sst s2  }
0xb: {  	[smem:$0x3FA7] =	sst s3  }
0xc: {  	[smem:$0x3FA8] =	sst s4  }
0xd: {  	[smem:$0x3FA9] =	sst s5  }
0xe: {  	[smem:$0x3FAA] =	sst s6  }
0xf: {  	[smem:$0x3FAB] =	sst s7  }
0x10: {  	[smem:$0x3FAC] =	sst s8  }
0x11: {  	[smem:$0x3FAD] =	sst s9;
	s0 =	simm.s32 @!p0 $0x0  }
0x12: {  	s1 =	sld [smem:$0x3F93];
	s0 =	simm.s32 @p0 $0x1  }
0x13: {  	[smem:$0x3FAE] =	sst s0;
	s0 =	simm.s32 @!p1 $0x0  }
0x14: {  	s2 =	sld [smem:$0x3F92];
	s0 =	simm.s32 @p1 $0x1  }
0x15: {  	[smem:$0x3FAF] =	sst s0;
	s0 =	simm.s32 @!p2 $0x0  }
0x16: {  	s3 =	sld [smem:$0x3FDB];
	s0 =	simm.s32 @p2 $0x1  }
0x17: {  	s4 =	simm.s32 $0x1BF5;
	[smem:$0x3FB1] =	sst s0  }
0x18: {  	s0 =	sld [smem:$0x3F94];
	_ =	swait.ge [sflag:s4], $0x0  }
0x19: {  	s7 =	sld [smem:$0x3F95]  }
0x1a: {  	s8 =	sadd.s32 $0xFFFFE003, lr  }
0x1b: {  	s9 =	sadd.s32 $0xFFFFFEF7, lr;
	s5 =	simm.s32 $0xFFFFFFFF;
	p2 =	slt.u32 s8, $0xFFFFF086  }
0x1c: {  	p1 =	slt.u32 s9, $0xF7A;
	s5 =	simm.s32 @!p2 $0x0  }
0x1d: {  	s5 =	simm.s32 @p1 $0x1;
	p0 =	seq.s32 s7, s2  }
0x1e: {  	s7 =	smul.u32 @!p0 $0xF7A, s2;
	p2 =	seq.s32 @!p0 s5, $0x0  }
0x1f: {  	s9 =	smul.u32 $0xF7A, s1;
	s8 =	simm.s32 @!p0 $0x1BF5;
	p2 =	por !p2, p0  }
0x20: {  	[sflag:s8] =	ssyncset.s32 @!p0 $0xFFFFF086;
	s6 =	sadd.s32 @!p0 s3, s7;
	s7 =	simm.s32 @!p0 $0x108  }
0x21: {  	s3 =	sadd.s32 s3, s9;
	s6 =	sadd.s32 @!p0 $0x88, s6;
	s7 =	simm.s32 @p2 $0x1082  }
0x22: {  	[simem:s7], [sflag:s8] =	dma.local @!p0 [hbm:s6], $0xF7A  }
0x23: {  	s9 =	sor.u32 $0xD0000000, s2;
	s6 =	simm.s32 $0x108;
	_ =	swait.ge @!p0 [sflag:s8], $0x0  }
0x24: {  	s3 =	sadd.s32 $0x88, s3;
	s6 =	simm.s32 @!p1 $0x1082;
	[sflag:s4] =	ssyncset.s32 $0xFFFFF086  }
0x25: {  	[simem:s6], [sflag:s4] =	dma.local [hbm:s3], $0xF7A  }
0x26: {  	[smem:$0x3F95] =	sst s1;
	(tag) =	ssettag s2;
	_ =	strace s9  }
0x27: {  	s1 =	sld [smem:$0x3FA5]  }
0x28: {  	s2 =	sld [smem:$0x3FA6]  }
0x29: {  	s4 =	sld [smem:$0x3FA8]  }
0x2a: {  	p0 =	seq.s32 s5, $0x0;
	s5 =	sld [smem:$0x3FA9]  }
0x2b: {  	s6 =	sld [smem:$0x3FAA]  }
0x2c: {  	s7 =	sld [smem:$0x3FAB]  }
0x2d: {  	s3 =	simm.s32 $0x108;
	s8 =	sld [smem:$0x3FAC]  }
0x2e: {  	s3 =	simm.s32 @!p0 $0x1082;
	s9 =	sld [smem:$0x3FAD]  }
0x2f: {  	lr =	sadd.s32 s0, s3;
	s0 =	sld [smem:$0x3FA4]  }
0x30: {  	s3 =	sld [smem:$0x3FA7]  }
0x31: {  	[smem:$0x3FB0] =	sst s10  }
0x32: {  	s10 =	sld [smem:$0x3FAE];
	_ =	sdelay $0x3  }
0x33: {  	p0 =	seq.s32 s10, $0x1;
	s10 =	sld [smem:$0x3FB0];
	_ =	sdelay $0x3  }
0x34: {  	[smem:$0x3FB0] =	sst s10  }
0x35: {  	s10 =	sld [smem:$0x3FAF];
	_ =	sdelay $0x3  }
0x36: {  	p1 =	seq.s32 s10, $0x1;
	s10 =	sld [smem:$0x3FB0];
	_ =	sdelay $0x3  }
0x37: {  	[smem:$0x3FB0] =	sst s10  }
0x38: {  	s10 =	sld [smem:$0x3FB1]  }
0x39: {  	_ = 	snop;
	(pc) =	sbr.ind lr, $3  }
0x3a: {  	_ = 	snop  }
0x3b: {  	_ = 	snop  }
0x3c: {  	p2 =	seq.s32 s10, $0x1;
	s10 =	sld [smem:$0x3FB0]  }
0x3d: {  	_ =	shalt  }
0x3e: {  	_ =	shalt  }
0x3f: {  	_ =	shalt  }
0x40: {  	_ =	shalt  }
0x41: {  	_ =	shalt  }
0x42: {  	_ =	shalt  }
0x43: {  	_ =	shalt  }
0x44: {  	_ =	shalt  }
0x45: {  	_ =	shalt  }
0x46: {  	_ =	shalt  }
0x47: {  	_ =	shalt  }
0x48: {  	_ =	shalt  }
0x49: {  	_ =	shalt  }
0x4a: {  	_ =	shalt  }
0x4b: {  	_ =	shalt  }
0x4c: {  	_ =	shalt  }
0x4d: {  	_ =	shalt  }
0x4e: {  	_ =	shalt  }
0x4f: {  	_ =	shalt  }
0x50: {  	_ =	shalt  }
0x51: {  	_ =	shalt  }
0x52: {  	_ =	shalt  }
0x53: {  	_ =	shalt  }
0x54: {  	_ =	shalt  }
0x55: {  	_ =	shalt  }
0x56: {  	_ =	shalt  }
0x57: {  	_ =	shalt  }
0x58: {  	_ =	shalt  }
0x59: {  	_ =	shalt  }
0x5a: {  	_ =	shalt  }
0x5b: {  	_ =	shalt  }
0x5c: {  	_ =	shalt  }
0x5d: {  	_ =	shalt  }
0x5e: {  	_ =	shalt  }
0x5f: {  	_ =	shalt  }
0x60: {  	_ =	shalt  }
0x61: {  	_ =	shalt  }
0x62: {  	_ =	shalt  }
0x63: {  	_ =	shalt  }
0x64: {  	_ =	shalt  }
0x65: {  	_ =	shalt  }
0x66: {  	_ =	shalt  }
0x67: {  	_ =	shalt  }
0x68: {  	_ =	shalt  }
0x69: {  	_ =	shalt  }
0x6a: {  	_ =	shalt  }
0x6b: {  	_ =	shalt  }
0x6c: {  	_ =	shalt  }
0x6d: {  	_ =	shalt  }
0x6e: {  	_ =	shalt  }
0x6f: {  	_ =	shalt  }
0x70: {  	_ =	shalt  }
0x71: {  	_ =	shalt  }
0x72: {  	_ =	shalt  }
0x73: {  	_ =	shalt  }
0x74: {  	_ =	shalt  }
0x75: {  	_ =	shalt  }
0x76: {  	_ =	shalt  }
0x77: {  	_ =	shalt  }
0x78: {  	_ =	shalt  }
0x79: {  	_ =	shalt  }
0x7a: {  	_ =	shalt  }
0x7b: {  	_ =	shalt  }
0x7c: {  	_ =	shalt  }
0x7d: {  	_ =	shalt  }
0x7e: {  	_ =	shalt  }
0x7f: {  	_ =	shalt  }
0x80: {  	_ =	shalt  }
0x81: {  	_ =	shalt  }
0x82: {  	_ =	shalt  }
0x83: {  	_ =	shalt  }
0x84: {  	_ =	shalt  }
0x85: {  	_ =	shalt  }
0x86: {  	_ =	shalt  }
0x87: {  	_ =	shalt  }
.Lfunc_end0:
.L_simem_size_0:
called_computation.1_lowered:
.L_overlay_start_0:
0x88: {  	s2 =	sld [smem:$0x3FD9]  }
0x89: {  	s3 =	sld [smem:$0x3FFE];
	_ =	sdelay $0x1  }
0x8a: {  	s1 =	srdreg.scid  }
0x8b: {  	s0 =	sand.u32 $0x1, s1  }
0x8c: {  	s16 =	sshll.u32 s0, $0xA;
	s2 =	sadd.s32 s3, s2  }
0x8d: {  	s2 =	sadd.s32 s2, s16  }
0x8e: {  	[smem:$0x3FBC] =	sst s2  }
0x8f: {  	_ = 	snop  }
0x90: {  	(tm) =	ssettm $0x1  }
0x91: {  	s17 =	sld [smem:$0x3FFB];
	_ =	sdelay $0x3  }
0x92: {  	_ =	strace s17  }
0x93: {  	s2 =	sld [smem:$0x3FFC];
	_ =	sdelay $0x3  }
0x94: {  	_ =	strace s2  }
0x95: {  	s2 =	sld [smem:$0x3FFD];
	_ =	sdelay $0x3  }
0x96: {  	_ =	strace s2  }
0x97: {  	_ =	strace $0x8FFFFFFF  }
0x98: {  	s18 =	sld [smem:$0x3FDB];
	_ =	sdelay $0x1  }
0x99: {  	s19 =	simm.s32 $_scs_section_size  }
0x9a: {  	s4 =	simm.s32 $_size__tile_overlayer_lowered;
	s5 =	simm.s32 $_tile_overlayer_lowered  }
0x9b: {  	s22 =	simm.s32 $0x1BFF;
	s21 =	sshll.u32 s5, $0x1;
	s2 =	sadd.s32 s19, s18  }
0x9c: {  	s6 =	simm.s32 $0x0;
	s20 =	sshll.u32 s4, $0x1;
	s4 =	sadd.s32 s21, s2  }
0x9d: {  	[timem:s6], [sflag:s22] =	dma.local [hbm:s4], s20  }
0x9e: {  	_ =	swait.ge [sflag:s22], s20  }
0x9f: {  	s3 =	ssub.s32 $0x0, s20;
	[sflag:s22] =	ssyncset.done $0x0  }
0xa0: {  	[sflag:s22] =	ssyncadd.s32 s3;
	_ =	sdelay $0x1  }
0xa1: {  	s23 =	simm.s32 $0x1B8B  }
0xa2: {  	_ =	swait.ge [sflag:s23], $0x1  }
0xa3: {  	[sflag:s23] =	ssyncset.done $0x0  }
0xa4: {  	s25 =	simm.s32 $0x1B8E;
	s24 =	sld [smem:$0x3FFE];
	[sflag:s23] =	ssyncadd.s32 $0xFFFFFFFF  }
0xa5: {  	s26 =	simm.s32 $execute0_lowered;
	[smem:$0x3FD2] =	sst s25  }
0xa6: {  	s4 =	sshll.u32 s26, $0x1;
	_ =	strace $0x80000049;
	[dreg:$0x1] =	wrdreg $0xFFFFFFFF  }
0xa7: {  	s28 =	simm.s32 $_size_execute0_lowered;
	s2 =	sadd.s32 s2, s4;
	[dreg:$0x0] =	wrdreg $0x0  }
0xa8: {  	s4 =	sshll.u32 s28, $0x1;
	[dreg:$0x2] =	wrdreg s2  }
0xa9: {  	[dreg:$0x3] =	wrdreg s4  }
0xaa: {  	[dreg:$0x4] =	wrdreg $0xC0  }
0xab: {  	_ =	task [dreg:s6], $0x5FFFF  }
0xac: {  	[dreg:$0x1] =	wrdreg $0xFFFFFFFF  }
0xad: {  	[dreg:$0x0] =	wrdreg $0x60  }
0xae: {  	[dreg:$0x2] =	wrdreg s24  }
0xaf: {  	[dreg:$0x3] =	wrdreg $0x113800  }
0xb0: {  	[dreg:$0x4] =	wrdreg $0x9  }
0xb1: {  	_ =	task.clear_ibuf [dreg:s6], $0x5FFFF;
	_ =	strace $0x90000049  }
0xb2: {  	s29 =	simm.s32 $0x9;
	_ =	strace $0x8000004B  }
0xb3: {  	_ =	swait.ge [sflag:s29], $0x1  }
0xb4: {  	[sflag:s29] =	ssyncadd.s32 $0xFFFFFFFF  }
0xb5: {  	_ =	strace $0x9000004B  }
0xb6: {  	_ =	sfence  }
0xb7: {  	s30 =	sld [smem:$0x0];
	_ =	sdelay $0x2  }
0xb8: {  	s31 =	sshll.u32 s1, $0xD;
	s1 =	sshrl.u32 s1, $0x2  }
0xb9: {  	s3 =	sand.u32 $0x4000, s31;
	s1 =	sadd.s32 s1, s30  }
0xba: {  	s0 =	sor.u32 s3, s0;
	s1 =	sshll.u32 s1, $0x11  }
0xbb: {  	s0 =	sor.u32 s1, s0  }
0xbc: {  	s0 =	sadd.s32 $0x8F2B, s0  }
0xbd: {  	[sflag:s0] =	ssyncadd.remote.s32 $0x1  }
0xbe: {  	_ =	sfence.sel $0xFFFF  }
0xbf: {  	[dreg:$0x0] =	wrdreg $0xFFFFFFFF;
	(pc) =	sbr.abs _section_cstart, $3  }
0xc0: {  	[dreg:$0x1] =	wrdreg $0xFFFFFFFF  }
0xc1: {  	_ =	task.clear_ibuf [dreg:s6], $0x2FFFF;
	_ =	strace $0x9FFFFFFF  }
0xc2: {  	(tm) =	ssettm $0x7FFFFFFF  }
0xc3: {  	_ =	shalt  }
tec
execute0_lowered:
.L_overlay_start_1:
0x0: {  	(tag) =	ssettag $0x1  }
0x1: {  	s5 =	rddreg [dreg:$0x0]  }
0x2: {  	s2 =	rddreg [dreg:$0x1];
	s1 =	stileid.u32  }
0x3: {  	s3 =	simm.s32 $0x0;
	s4 =	srdreg.scid;
	s6 =	smul.u32 $0xA00, s1  }
0x4: {  	s19 =	simm.s32 $0x80;
	s20 =	simm.s32 $0x5080;
	s8 =	smul.u32 $0x29000, s1  }
0x5: {  	s21 =	simm.s32 $0x9380;
	s22 =	simm.s32 $0x1;
	s10 =	smul.u32 $0xA400, s1  }
0x6: {  	[smem:$0x7FF] =	sst s3;
	s7 =	sand.u32 $0x1, s4;
	s28 =	smul.u32 $0x4F00, s1  }
0x7: {  	s4 =	sadd.s32 $0x41000, s5;
	s14 =	sadd.s32 $0x4200, s5;
	s29 =	smul.u32 $0x9E0, s1  }
0x8: {  	s13 =	sadd.s32 $0x69000, s5;
	_ =	strace $0x8000004A;
	s23 =	smul.u32 $0x1400, s7  }
0x9: {  	s24 =	ssub.s32 $0x2, s7;
	s12 =	smul.u32 $0xA4000, s7;
	s9 =	sadd.s32 s6, s5  }
0xa: {  	s25 =	sshrl.u32 s24, $0x1;
	s26 =	sshrl.u32 s8, $0x2;
	s11 =	sadd.s32 $0x4000, s10  }
0xb: {  	s16 =	sadd.s32 $0x8000, s10;
	s8 =	sshrl.u32 s28, $0x3;
	s15 =	ssub.s32 s24, s25  }
0xc: {  	s5 =	sadd.s32 s26, s2;
	s6 =	sadd.s32 s11, s2;
	s7 =	sadd.s32 s16, s2  }
0xd: {  	s8 =	sadd.s32 s14, s8;
	s17 =	sadd.s32 s10, s12;
	s9 =	sadd.s32 $0x37000, s9  }
0xe: {  	s18 =	sadd.s32 s12, s11;
	s12 =	sadd.s32 s12, s16;
	s16 =	sadd.s32 s29, s14  }
0xf: {  	v0 =	vmov s23;
	s23 =	simm.s32 $0x2;
	s24 =	simm.s32 $0x3;
	s25 =	simm.s32 $0x0  }
0x10: {  	s10 =	sadd.s32 $0x10, s8;
	s17 =	sshrl.u32 s17, $0x3;
	s30 =	sshrl.u32 s18, $0x3  }
0x11: {  	s31 =	sshrl.u32 s12, $0x3;
	s14 =	smax.u32 s15, $0x1;
	s15 =	sadd.s32 $0x20, s16  }
0x12: {  	s16 =	simm.s32 $0x5380;
	s18 =	simm.s32 $0x5000;
	s11 =	sadd.s32 s13, s17  }
0x13: {  	v1 =	vimm.f32 $0.0e+00;
	s12 =	sadd.s32 s13, s30;
	s13 =	sadd.s32 s13, s31;
	s17 =	simm.s32 $0x4  }
.LBB2_1:
0x14: {  	s26 =	simm.s32 $0x0;
	s28 =	simm.s32 $0x200  }
.LBB2_2:
0x15: {  	p0 =	sne.s32 s28, $0xFE00;
	[tilespmem:s26+$0x53F0] =	vst v1  }
0x16: {  	[tilespmem:s26+$0x5380] =	vst v1  }
0x17: {  	[tilespmem:s26+$0x5390] =	vst v1  }
.Ltmp0:
0x18: {  	[tilespmem:s26+$0x53A0] =	vst v1;
	(pc) =	sbr.rel @p0 .LBB2_2-.Ltmp0, $4  }
0x19: {  	[tilespmem:s26+$0x53B0] =	vst v1  }
0x1a: {  	[tilespmem:s26+$0x53C0] =	vst v1  }
0x1b: {  	[tilespmem:s26+$0x53D0] =	vst v1  }
0x1c: {  	[tilespmem:s26+$0x53E0] =	vst v1;
	s26 =	sshra.s32 s28, $0x2;
	s28 =	sadd.s32 $0x200, s28  }
0x1d: {  	[tilespmem:s26+$0x53F0] =	vst v1  }
0x1e: {  	[tilespmem:s26+$0x5380] =	vst v1  }
0x1f: {  	[tilespmem:s26+$0x5390] =	vst v1  }
0x20: {  	[tilespmem:s26+$0x53A0] =	vst v1  }
0x21: {  	[tilespmem:s26+$0x53B0] =	vst v1  }
0x22: {  	[tilespmem:s26+$0x53C0] =	vst v1  }
0x23: {  	[tilespmem:s26+$0x53D0] =	vst v1  }
0x24: {  	[tilespmem:s26+$0x53E0] =	vst v1  }
0x25: {  	[spmem:s5] =	stream.linear.scatter [tilespmem:s16], [sflag:$0x4], $0x4000, $0x38;
	[tilespmem:$0x1B780] =	vst v63  }
0x26: {  	_ =	swait.ge [sflag:s17], $0x4000  }
0x27: {  	[sflag:s17] =	ssyncset.done $0x0  }
0x28: {  	[sflag:s17] =	ssyncadd.s32 $0xFFFFC000  }
0x29: {  	[spmem:s6] =	stream.linear.scatter [tilespmem:s16], [sflag:$0x4], $0x4000, $0x38;
	[tilespmem:$0x1B780] =	vst v63  }
0x2a: {  	_ =	swait.ge [sflag:s17], $0x4000  }
0x2b: {  	[sflag:s17] =	ssyncset.done $0x0  }
0x2c: {  	[sflag:s17] =	ssyncadd.s32 $0xFFFFC000  }
0x2d: {  	[spmem:s7] =	stream.linear.scatter [tilespmem:s16], [sflag:$0x4], $0x2400, $0x38;
	[tilespmem:$0x1B780] =	vst v63  }
0x2e: {  	_ =	swait.ge [sflag:s17], $0x2400  }
0x2f: {  	[sflag:s17] =	ssyncset.done $0x0  }
0x30: {  	[sflag:s17] =	ssyncadd.s32 $0xFFFFDC00  }
0x31: {  	s26 =	simm.s32 $0x0;
	[bflag:$0x0] =	sbarrier.arrive $0xFFFF  }
0x32: {  	[tilespmem:s26], [sflag:$0x4] =	stream.linear.gather [hbm4b:s9+s26], $0x4F00, $0x38;
	[tilespmem:$0x1B780] =	vst v63  }
0x33: {  	_ =	swait.ge [sflag:s17], $0x4F00  }
0x34: {  	[sflag:s17] =	ssyncset.done $0x0  }
0x35: {  	[sflag:s17] =	ssyncadd.s32 $0xFFFFB100  }
0x36: {  	[tilespmem:s18], [sflag:$0x2] =	stream.linear.gather [hbm4b:s8+s26], $0x80, $0x38;
	[tilespmem:$0x1B780] =	vst v63  }
0x37: {  	_ = 	snop  }
0x38: {  	[tilespmem:s16], [sflag:$0x1] =	stream.indirect.gather [hbm4b:s4+s19], $0x80, s26, s19, $0xb8;
	[tilespmem:$0x1B780] =	vst v63  }
0x39: {  	_ = 	snop  }
0x3a: {  	[tilespmem:s20], [sflag:$0x2] =	stream.linear.gather [hbm4b:s10+s26], $0x80, $0x38;
	[tilespmem:$0x1B780] =	vst v63  }
0x3b: {  	s28 =	simm.s32 $0x100;
	s29 =	smov.u32 s15  }
0x3c: {  	[tilespmem:s21], [sflag:$0x1] =	stream.indirect.gather [hbm4b:s4+s19], $0x80, s19, s19, $0xb8;
	[tilespmem:$0x1B780] =	vst v63  }
.LBB2_4:
0x3d: {  	s30 =	smul.u32 $0xAB, s26;
	_ =	sdelay $0x1  }
0x3e: {  	s30 =	sshrl.u32 s30, $0x9  }
0x3f: {  	s30 =	sand.u32 $0x7F, s30  }
0x40: {  	_ =	swait.ge [sflag:s22], $0x4000;
	s30 =	smul.u32 $0x3, s30  }
0x41: {  	[sflag:s22] =	ssyncset.done $0x0  }
0x42: {  	[sflag:s22] =	ssyncadd.s32 $0xFFFFC000;
	s30 =	ssub.s32 s26, s30  }
0x43: {  	_ =	swait.ge [sflag:s23], $0x80;
	s30 =	sand.u32 $0xFF, s30  }
0x44: {  	[sflag:s23] =	ssyncset.done $0x0;
	s31 =	sshll.u32 s30, $0x7  }
0x45: {  	[sflag:s23] =	ssyncadd.s32 $0xFFFFFF80;
	s0 =	sor.u32 $0x5000, s31  }
0x46: {  	v2 =	vld [tilespmem:s0+$0x0];
	_ =	sdelay $0x4  }
0x47: {  	v2 =	vsub.s32 v2, v0  }
0x48: {  	v2 =	vmin.u32 v2, $0x1400  }
0x49: {  	s0 =	sor.u32 $0x5010, s31;
	[tilespmem:s31+$0x5180] =	vst v2  }
0x4a: {  	v2 =	vld [tilespmem:s0+$0x0];
	_ =	sdelay $0x4  }
0x4b: {  	v2 =	vsub.s32 v2, v0  }
0x4c: {  	v2 =	vmin.u32 v2, $0x1400  }
0x4d: {  	s0 =	sor.u32 $0x5020, s31;
	[tilespmem:s31+$0x5190] =	vst v2  }
0x4e: {  	v2 =	vld [tilespmem:s0+$0x0];
	_ =	sdelay $0x4  }
0x4f: {  	v2 =	vsub.s32 v2, v0  }
0x50: {  	v2 =	vmin.u32 v2, $0x1400  }
0x51: {  	s0 =	sor.u32 $0x5030, s31;
	[tilespmem:s31+$0x51A0] =	vst v2  }
0x52: {  	v2 =	vld [tilespmem:s0+$0x0];
	_ =	sdelay $0x4  }
0x53: {  	v2 =	vsub.s32 v2, v0  }
0x54: {  	v2 =	vmin.u32 v2, $0x1400  }
0x55: {  	s0 =	sor.u32 $0x5040, s31;
	[tilespmem:s31+$0x51B0] =	vst v2  }
0x56: {  	v2 =	vld [tilespmem:s0+$0x0];
	_ =	sdelay $0x4  }
0x57: {  	v2 =	vsub.s32 v2, v0  }
0x58: {  	v2 =	vmin.u32 v2, $0x1400  }
0x59: {  	s0 =	sor.u32 $0x5050, s31;
	[tilespmem:s31+$0x51C0] =	vst v2  }
0x5a: {  	v2 =	vld [tilespmem:s0+$0x0];
	_ =	sdelay $0x4  }
0x5b: {  	v2 =	vsub.s32 v2, v0  }
0x5c: {  	v2 =	vmin.u32 v2, $0x1400  }
0x5d: {  	s0 =	sor.u32 $0x5060, s31;
	[tilespmem:s31+$0x51D0] =	vst v2  }
0x5e: {  	v2 =	vld [tilespmem:s0+$0x0];
	_ =	sdelay $0x4  }
0x5f: {  	v2 =	vsub.s32 v2, v0  }
0x60: {  	v2 =	vmin.u32 v2, $0x1400  }
0x61: {  	s0 =	sor.u32 $0x5070, s31;
	[tilespmem:s31+$0x51E0] =	vst v2  }
0x62: {  	v2 =	vld [tilespmem:s0+$0x0];
	_ =	sdelay $0x4  }
0x63: {  	v2 =	vsub.s32 v2, v0  }
0x64: {  	s30 =	sshll.u32 s30, $0xE;
	v2 =	vmin.u32 v2, $0x1400  }
0x65: {  	p0 =	seq.s32 s26, $0x0;
	s0 =	sadd.s32 $0x5380, s30;
	s30 =	sadd.s32 $0x5180, s31;
	[tilespmem:s31+$0x51F0] =	vst v2  }
0x66: {  	[spmem:s2] =	stream.indirect.scatter.add.f32 [tilespmem:s0], [sflag:$0x3], $0x80, s30, s19, $0xb8;
	[tilespmem:$0x1B780] =	vst v63  }
0x67: {  	s0 =	simm.s32 @!p0 $0x3  }
0x68: {  	p1 =	sgt.u32 @!p0 s26, $0x9B;
	_ =	swait.ge @!p0 [sflag:s0], $0x4000  }
0x69: {  	p1 =	por p0, !p1;
	[sflag:s0] =	ssyncset.done @!p0 $0x0  }
0x6a: {  	[sflag:s0] =	ssyncadd.s32 @!p0 $0xFFFFC000;
	s0 =	sadd.s32 @p1 $0x2, s26  }
0x6b: {  	s30 =	sand.u32 @p1 $0xFF, s0  }
0x6c: {  	s30 =	smul.u32 @p1 $0xAB, s30;
	_ =	sdelay $0x1  }
0x6d: {  	s30 =	sshrl.u32 @p1 s30, $0x9  }
0x6e: {  	s30 =	smul.u32 @p1 $0x3, s30;
	_ =	sdelay $0x1  }
0x6f: {  	s0 =	ssub.s32 @p1 s0, s30  }
0x70: {  	s26 =	sadd.s32 $0x1, s26;
	s0 =	sand.u32 @p1 $0xFF, s0  }
0x71: {  	p0 =	sne.s32 s26, $0x9E;
	s30 =	sshll.u32 @p1 s0, $0x7  }
.Ltmp1:
0x72: {  	s0 =	sshll.u32 @p1 s0, $0xE;
	s30 =	sadd.s32 @p1 $0x5000, s30;
	(pc) =	sbr.rel @p0 .LBB2_4-.Ltmp1, $4  }
0x73: {  	[tilespmem:s30], [sflag:$0x2] =	stream.linear.gather @p1 [hbm4b:s29+s3], $0x80, $0x38;
	[tilespmem:$0x1B780] =	vst v63  }
0x74: {  	s0 =	sadd.s32 @p1 $0x5380, s0  }
0x75: {  	[tilespmem:s0], [sflag:$0x1] =	stream.indirect.gather @p1 [hbm4b:s4+s19], $0x80, s28, s19, $0xb8;
	[tilespmem:$0x1B780] =	vst v63  }
0x76: {  	s29 =	sadd.s32 $0x10, s29;
	s28 =	sadd.s32 $0x80, s28  }
0x77: {  	_ =	swait.ge [sflag:s24], $0x4000  }
0x78: {  	[sflag:s24] =	ssyncset.done $0x0  }
0x79: {  	[sflag:s24] =	ssyncadd.s32 $0xFFFFC000  }
0x7a: {  	[bflag:$0x0] =	sbarrier.arrive $0xFFFF  }
0x7b: {  	[tilespmem:s16], [sflag:$0x4] =	stream.linear.gather [spmem:s5], $0x4000, $0x38;
	[tilespmem:$0x1B780] =	vst v63  }
0x7c: {  	_ =	swait.ge [sflag:s17], $0x4000  }
0x7d: {  	[sflag:s17] =	ssyncset.done $0x0  }
0x7e: {  	[sflag:s17] =	ssyncadd.s32 $0xFFFFC000  }
0x7f: {  	[hbm4b:s11+s3] =	stream.linear.scatter [tilespmem:s16], [sflag:$0x4], $0x4000, $0x38;
	[tilespmem:$0x1B780] =	vst v63  }
0x80: {  	_ =	swait.ge [sflag:s17], $0x4000  }
0x81: {  	[sflag:s17] =	ssyncset.done $0x0  }
0x82: {  	[sflag:s17] =	ssyncadd.s32 $0xFFFFC000  }
0x83: {  	[tilespmem:s16], [sflag:$0x4] =	stream.linear.gather [spmem:s6], $0x4000, $0x38;
	[tilespmem:$0x1B780] =	vst v63  }
0x84: {  	_ =	swait.ge [sflag:s17], $0x4000  }
0x85: {  	[sflag:s17] =	ssyncset.done $0x0  }
0x86: {  	[sflag:s17] =	ssyncadd.s32 $0xFFFFC000  }
0x87: {  	[hbm4b:s12+s3] =	stream.linear.scatter [tilespmem:s16], [sflag:$0x4], $0x4000, $0x38;
	[tilespmem:$0x1B780] =	vst v63  }
0x88: {  	_ =	swait.ge [sflag:s17], $0x4000  }
0x89: {  	[sflag:s17] =	ssyncset.done $0x0  }
0x8a: {  	[sflag:s17] =	ssyncadd.s32 $0xFFFFC000  }
0x8b: {  	[tilespmem:s16], [sflag:$0x4] =	stream.linear.gather [spmem:s7], $0x2400, $0x38;
	[tilespmem:$0x1B780] =	vst v63  }
0x8c: {  	s25 =	sadd.s32 $0x1, s25;
	_ =	swait.ge [sflag:s17], $0x2400  }
0x8d: {  	p0 =	sne.s32 s25, s14;
	[sflag:s17] =	ssyncset.done $0x0  }
.Ltmp2:
0x8e: {  	[sflag:s17] =	ssyncadd.s32 $0xFFFFDC00;
	(pc) =	sbr.rel @p0 .LBB2_1-.Ltmp2, $4  }
0x8f: {  	[hbm4b:s13+s3] =	stream.linear.scatter [tilespmem:s16], [sflag:$0x4], $0x2400, $0x38;
	[tilespmem:$0x1B780] =	vst v63  }
0x90: {  	_ =	swait.ge [sflag:s17], $0x2400  }
0x91: {  	[sflag:s17] =	ssyncset.done $0x0  }
0x92: {  	[sflag:s17] =	ssyncadd.s32 $0xFFFFDC00  }
0x93: {  	_ =	sfence.sel $0x180000  }
0x94: {  	[bflag:$0x0] =	sbarrier.arrive $0xFFFF  }
0x95: {  	_ =	strace $0x9000004A  }
0x96: {  	[bflag:$0x2] =	sbarrier.arrive $0xFFFF  }
0x97: {  	p0 =	sne.s32 s1, $0x0;
	s0 =	rddreg [dreg:$0x2]  }
0x98: {  	s0 =	sadd.s32 @!p0 $0x100000, s0  }
0x99: {  	[sflag:s0] =	ssyncadd.tile.s32 @!p0 $0x1;
	_ =	shalt  }
.Lfunc_end2:
_tile_overlayer_lowered:
.L_overlay_start_2:
0x9a: {  	(tag) =	ssettag $0x2  }
0x9b: {  	s0 =	rddreg [dreg:$0x0];
	s2 =	stileid.u32  }
0x9c: {  	s1 =	rddreg [dreg:$0x1];
	p0 =	sne.s32 s2, $0x0  }
0x9d: {  	s3 =	rddreg [dreg:$0x2];
	[bflag:$0x3] =	sbarrier.arrive $0xFFFF;
	s2 =	simm.s32 @!p0 $0x1C04  }
0x9e: {  	[timem:s3], [sflag:s2] =	dma.local @!p0 [hbm:s0], s1  }
0x9f: {  	s0 =	simm.s32 @!p0 $0x4  }
0xa0: {  	_ =	swait.ge @!p0 [sflag:s0], s1  }
0xa1: {  	s1 =	ssub.s32 @!p0 $0x0, s1;
	[sflag:s0] =	ssyncset.done @!p0 $0x0  }
0xa2: {  	[sflag:s0] =	ssyncadd.s32 @!p0 s1  }
0xa3: {  	[bflag:$0x3] =	sbarrier.arrive $0xFFFF  }
0xa4: {  	_ =	shalt  }

// kernel: kernel.16.cloned.1.call-start
scs
__scs_entry_jumppad:
0x0: {  	(pc) =	sbr.rel $0x88, $3  }
0x1: {  	(tag) =	ssettag $0x0;
	lr =	simm.s32 $0x1  }
0x2: {  	[smem:$0x3F95] =	sst lr;
	_ =	strace $0xD0000000  }
0x3: {  	_ = 	snop  }
0x4: {  	_ = 	snop  }
0x5: {  	_ = 	snop  }
0x6: {  	_ = 	snop  }
0x7: {  	_ = 	snop  }
__scs_overlays_trampoline_lowered:
0x8: {  	[smem:$0x3FA4] =	sst s0  }
0x9: {  	[smem:$0x3FA5] =	sst s1  }
0xa: {  	[smem:$0x3FA6] =	sst s2  }
0xb: {  	[smem:$0x3FA7] =	sst s3  }
0xc: {  	[smem:$0x3FA8] =	sst s4  }
0xd: {  	[smem:$0x3FA9] =	sst s5  }
0xe: {  	[smem:$0x3FAA] =	sst s6  }
0xf: {  	[smem:$0x3FAB] =	sst s7  }
0x10: {  	[smem:$0x3FAC] =	sst s8  }
0x11: {  	[smem:$0x3FAD] =	sst s9;
	s0 =	simm.s32 @!p0 $0x0  }
0x12: {  	s1 =	sld [smem:$0x3F93];
	s0 =	simm.s32 @p0 $0x1  }
0x13: {  	[smem:$0x3FAE] =	sst s0;
	s0 =	simm.s32 @!p1 $0x0  }
0x14: {  	s2 =	sld [smem:$0x3F92];
	s0 =	simm.s32 @p1 $0x1  }
0x15: {  	[smem:$0x3FAF] =	sst s0;
	s0 =	simm.s32 @!p2 $0x0  }
0x16: {  	s3 =	sld [smem:$0x3FDB];
	s0 =	simm.s32 @p2 $0x1  }
0x17: {  	s4 =	simm.s32 $0x1BF5;
	[smem:$0x3FB1] =	sst s0  }
0x18: {  	s0 =	sld [smem:$0x3F94];
	_ =	swait.ge [sflag:s4], $0x0  }
0x19: {  	s7 =	sld [smem:$0x3F95]  }
0x1a: {  	s8 =	sadd.s32 $0xFFFFE003, lr  }
0x1b: {  	s9 =	sadd.s32 $0xFFFFFEF7, lr;
	s5 =	simm.s32 $0xFFFFFFFF;
	p2 =	slt.u32 s8, $0xFFFFF086  }
0x1c: {  	p1 =	slt.u32 s9, $0xF7A;
	s5 =	simm.s32 @!p2 $0x0  }
0x1d: {  	s5 =	simm.s32 @p1 $0x1;
	p0 =	seq.s32 s7, s2  }
0x1e: {  	s7 =	smul.u32 @!p0 $0xF7A, s2;
	p2 =	seq.s32 @!p0 s5, $0x0  }
0x1f: {  	s9 =	smul.u32 $0xF7A, s1;
	s8 =	simm.s32 @!p0 $0x1BF5;
	p2 =	por !p2, p0  }
0x20: {  	[sflag:s8] =	ssyncset.s32 @!p0 $0xFFFFF086;
	s6 =	sadd.s32 @!p0 s3, s7;
	s7 =	simm.s32 @!p0 $0x108  }
0x21: {  	s3 =	sadd.s32 s3, s9;
	s6 =	sadd.s32 @!p0 $0x88, s6;
	s7 =	simm.s32 @p2 $0x1082  }
0x22: {  	[simem:s7], [sflag:s8] =	dma.local @!p0 [hbm:s6], $0xF7A  }
0x23: {  	s9 =	sor.u32 $0xD0000000, s2;
	s6 =	simm.s32 $0x108;
	_ =	swait.ge @!p0 [sflag:s8], $0x0  }
0x24: {  	s3 =	sadd.s32 $0x88, s3;
	s6 =	simm.s32 @!p1 $0x1082;
	[sflag:s4] =	ssyncset.s32 $0xFFFFF086  }
0x25: {  	[simem:s6], [sflag:s4] =	dma.local [hbm:s3], $0xF7A  }
0x26: {  	[smem:$0x3F95] =	sst s1;
	(tag) =	ssettag s2;
	_ =	strace s9  }
0x27: {  	s1 =	sld [smem:$0x3FA5]  }
0x28: {  	s2 =	sld [smem:$0x3FA6]  }
0x29: {  	s4 =	sld [smem:$0x3FA8]  }
0x2a: {  	p0 =	seq.s32 s5, $0x0;
	s5 =	sld [smem:$0x3FA9]  }
0x2b: {  	s6 =	sld [smem:$0x3FAA]  }
0x2c: {  	s7 =	sld [smem:$0x3FAB]  }
0x2d: {  	s3 =	simm.s32 $0x108;
	s8 =	sld [smem:$0x3FAC]  }
0x2e: {  	s3 =	simm.s32 @!p0 $0x1082;
	s9 =	sld [smem:$0x3FAD]  }
0x2f: {  	lr =	sadd.s32 s0, s3;
	s0 =	sld [smem:$0x3FA4]  }
0x30: {  	s3 =	sld [smem:$0x3FA7]  }
0x31: {  	[smem:$0x3FB0] =	sst s10  }
0x32: {  	s10 =	sld [smem:$0x3FAE];
	_ =	sdelay $0x3  }
0x33: {  	p0 =	seq.s32 s10, $0x1;
	s10 =	sld [smem:$0x3FB0];
	_ =	sdelay $0x3  }
0x34: {  	[smem:$0x3FB0] =	sst s10  }
0x35: {  	s10 =	sld [smem:$0x3FAF];
	_ =	sdelay $0x3  }
0x36: {  	p1 =	seq.s32 s10, $0x1;
	s10 =	sld [smem:$0x3FB0];
	_ =	sdelay $0x3  }
0x37: {  	[smem:$0x3FB0] =	sst s10  }
0x38: {  	s10 =	sld [smem:$0x3FB1]  }
0x39: {  	_ = 	snop;
	(pc) =	sbr.ind lr, $3  }
0x3a: {  	_ = 	snop  }
0x3b: {  	_ = 	snop  }
0x3c: {  	p2 =	seq.s32 s10, $0x1;
	s10 =	sld [smem:$0x3FB0]  }
0x3d: {  	_ =	shalt  }
0x3e: {  	_ =	shalt  }
0x3f: {  	_ =	shalt  }
0x40: {  	_ =	shalt  }
0x41: {  	_ =	shalt  }
0x42: {  	_ =	shalt  }
0x43: {  	_ =	shalt  }
0x44: {  	_ =	shalt  }
0x45: {  	_ =	shalt  }
0x46: {  	_ =	shalt  }
0x47: {  	_ =	shalt  }
0x48: {  	_ =	shalt  }
0x49: {  	_ =	shalt  }
0x4a: {  	_ =	shalt  }
0x4b: {  	_ =	shalt  }
0x4c: {  	_ =	shalt  }
0x4d: {  	_ =	shalt  }
0x4e: {  	_ =	shalt  }
0x4f: {  	_ =	shalt  }
0x50: {  	_ =	shalt  }
0x51: {  	_ =	shalt  }
0x52: {  	_ =	shalt  }
0x53: {  	_ =	shalt  }
0x54: {  	_ =	shalt  }
0x55: {  	_ =	shalt  }
0x56: {  	_ =	shalt  }
0x57: {  	_ =	shalt  }
0x58: {  	_ =	shalt  }
0x59: {  	_ =	shalt  }
0x5a: {  	_ =	shalt  }
0x5b: {  	_ =	shalt  }
0x5c: {  	_ =	shalt  }
0x5d: {  	_ =	shalt  }
0x5e: {  	_ =	shalt  }
0x5f: {  	_ =	shalt  }
0x60: {  	_ =	shalt  }
0x61: {  	_ =	shalt  }
0x62: {  	_ =	shalt  }
0x63: {  	_ =	shalt  }
0x64: {  	_ =	shalt  }
0x65: {  	_ =	shalt  }
0x66: {  	_ =	shalt  }
0x67: {  	_ =	shalt  }
0x68: {  	_ =	shalt  }
0x69: {  	_ =	shalt  }
0x6a: {  	_ =	shalt  }
0x6b: {  	_ =	shalt  }
0x6c: {  	_ =	shalt  }
0x6d: {  	_ =	shalt  }
0x6e: {  	_ =	shalt  }
0x6f: {  	_ =	shalt  }
0x70: {  	_ =	shalt  }
0x71: {  	_ =	shalt  }
0x72: {  	_ =	shalt  }
0x73: {  	_ =	shalt  }
0x74: {  	_ =	shalt  }
0x75: {  	_ =	shalt  }
0x76: {  	_ =	shalt  }
0x77: {  	_ =	shalt  }
0x78: {  	_ =	shalt  }
0x79: {  	_ =	shalt  }
0x7a: {  	_ =	shalt  }
0x7b: {  	_ =	shalt  }
0x7c: {  	_ =	shalt  }
0x7d: {  	_ =	shalt  }
0x7e: {  	_ =	shalt  }
0x7f: {  	_ =	shalt  }
0x80: {  	_ =	shalt  }
0x81: {  	_ =	shalt  }
0x82: {  	_ =	shalt  }
0x83: {  	_ =	shalt  }
0x84: {  	_ =	shalt  }
0x85: {  	_ =	shalt  }
0x86: {  	_ =	shalt  }
0x87: {  	_ =	shalt  }
.Lfunc_end0:
.L_simem_size_0:
called_computation.2_lowered:
.L_overlay_start_0:
0x88: {  	s2 =	sld [smem:$0x3FD9]  }
0x89: {  	s3 =	sld [smem:$0x3FFE];
	_ =	sdelay $0x1  }
0x8a: {  	s1 =	srdreg.scid  }
0x8b: {  	s0 =	sand.u32 $0x1, s1  }
0x8c: {  	s16 =	sshll.u32 s0, $0xA;
	s2 =	sadd.s32 s3, s2  }
0x8d: {  	s2 =	sadd.s32 s2, s16  }
0x8e: {  	[smem:$0x3FBC] =	sst s2  }
0x8f: {  	_ = 	snop  }
0x90: {  	(tm) =	ssettm $0x1  }
0x91: {  	s17 =	sld [smem:$0x3FFB];
	_ =	sdelay $0x3  }
0x92: {  	_ =	strace s17  }
0x93: {  	s2 =	sld [smem:$0x3FFC];
	_ =	sdelay $0x3  }
0x94: {  	_ =	strace s2  }
0x95: {  	s2 =	sld [smem:$0x3FFD];
	_ =	sdelay $0x3  }
0x96: {  	_ =	strace s2  }
0x97: {  	_ =	strace $0x8FFFFFFF  }
0x98: {  	s18 =	sld [smem:$0x3FDB];
	_ =	sdelay $0x1  }
0x99: {  	s19 =	simm.s32 $_scs_section_size  }
0x9a: {  	s4 =	simm.s32 $_size__tile_overlayer_lowered;
	s5 =	simm.s32 $_tile_overlayer_lowered  }
0x9b: {  	s22 =	simm.s32 $0x1BFF;
	s21 =	sshll.u32 s5, $0x1;
	s2 =	sadd.s32 s19, s18  }
0x9c: {  	s6 =	simm.s32 $0x0;
	s20 =	sshll.u32 s4, $0x1;
	s4 =	sadd.s32 s21, s2  }
0x9d: {  	[timem:s6], [sflag:s22] =	dma.local [hbm:s4], s20  }
0x9e: {  	_ =	swait.ge [sflag:s22], s20  }
0x9f: {  	s3 =	ssub.s32 $0x0, s20;
	[sflag:s22] =	ssyncset.done $0x0  }
0xa0: {  	[sflag:s22] =	ssyncadd.s32 s3;
	_ =	sdelay $0x1  }
0xa1: {  	s23 =	simm.s32 $0x1B8B  }
0xa2: {  	_ =	swait.ge [sflag:s23], $0x1  }
0xa3: {  	[sflag:s23] =	ssyncset.done $0x0  }
0xa4: {  	s25 =	simm.s32 $0x1B8E;
	s24 =	sld [smem:$0x3FFE];
	[sflag:s23] =	ssyncadd.s32 $0xFFFFFFFF  }
0xa5: {  	s26 =	simm.s32 $execute0_lowered;
	[smem:$0x3FD2] =	sst s25  }
0xa6: {  	s4 =	sshll.u32 s26, $0x1;
	_ =	strace $0x8000004C;
	[dreg:$0x1] =	wrdreg $0xFFFFFFFF  }
0xa7: {  	s28 =	simm.s32 $_size_execute0_lowered;
	s2 =	sadd.s32 s2, s4;
	[dreg:$0x0] =	wrdreg $0x0  }
0xa8: {  	s4 =	sshll.u32 s28, $0x1;
	[dreg:$0x2] =	wrdreg s2  }
0xa9: {  	[dreg:$0x3] =	wrdreg s4  }
0xaa: {  	[dreg:$0x4] =	wrdreg $0xC0  }
0xab: {  	_ =	task [dreg:s6], $0x5FFFF  }
0xac: {  	[dreg:$0x1] =	wrdreg $0xFFFFFFFF  }
0xad: {  	[dreg:$0x0] =	wrdreg $0x60  }
0xae: {  	[dreg:$0x2] =	wrdreg s24  }
0xaf: {  	[dreg:$0x3] =	wrdreg $0x113800  }
0xb0: {  	[dreg:$0x4] =	wrdreg $0x9  }
0xb1: {  	_ =	task.clear_ibuf [dreg:s6], $0x5FFFF;
	_ =	strace $0x9000004C  }
0xb2: {  	s29 =	simm.s32 $0x9;
	_ =	strace $0x8000004E  }
0xb3: {  	_ =	swait.ge [sflag:s29], $0x1  }
0xb4: {  	[sflag:s29] =	ssyncadd.s32 $0xFFFFFFFF  }
0xb5: {  	_ =	strace $0x9000004E  }
0xb6: {  	_ =	sfence  }
0xb7: {  	s30 =	sld [smem:$0x0];
	_ =	sdelay $0x2  }
0xb8: {  	s31 =	sshll.u32 s1, $0xD;
	s1 =	sshrl.u32 s1, $0x2  }
0xb9: {  	s3 =	sand.u32 $0x4000, s31;
	s1 =	sadd.s32 s1, s30  }
0xba: {  	s0 =	sor.u32 s3, s0;
	s1 =	sshll.u32 s1, $0x11  }
0xbb: {  	s0 =	sor.u32 s1, s0  }
0xbc: {  	s0 =	sadd.s32 $0x8F2B, s0  }
0xbd: {  	[sflag:s0] =	ssyncadd.remote.s32 $0x1  }
0xbe: {  	_ =	sfence.sel $0xFFFF  }
0xbf: {  	[dreg:$0x0] =	wrdreg $0xFFFFFFFF;
	(pc) =	sbr.abs _section_cstart, $3  }
0xc0: {  	[dreg:$0x1] =	wrdreg $0xFFFFFFFF  }
0xc1: {  	_ =	task.clear_ibuf [dreg:s6], $0x2FFFF;
	_ =	strace $0x9FFFFFFF  }
0xc2: {  	(tm) =	ssettm $0x7FFFFFFF  }
0xc3: {  	_ =	shalt  }
tec
execute0_lowered:
.L_overlay_start_1:
0x0: {  	(tag) =	ssettag $0x1  }
0x1: {  	s5 =	rddreg [dreg:$0x0]  }
0x2: {  	s2 =	rddreg [dreg:$0x1];
	s1 =	stileid.u32  }
0x3: {  	s3 =	simm.s32 $0x0;
	s4 =	srdreg.scid;
	s6 =	smul.u32 $0xA00, s1  }
0x4: {  	s19 =	simm.s32 $0x80;
	s20 =	simm.s32 $0x5080;
	s8 =	smul.u32 $0x29000, s1  }
0x5: {  	s21 =	simm.s32 $0x9380;
	s22 =	simm.s32 $0x1;
	s10 =	smul.u32 $0xA400, s1  }
0x6: {  	[smem:$0x7FF] =	sst s3;
	s7 =	sand.u32 $0x1, s4;
	s28 =	smul.u32 $0x4F00, s1  }
0x7: {  	s4 =	sadd.s32 $0x41000, s5;
	s14 =	sadd.s32 $0x4200, s5;
	s29 =	smul.u32 $0x9E0, s1  }
0x8: {  	s13 =	sadd.s32 $0x69000, s5;
	_ =	strace $0x8000004D;
	s23 =	smul.u32 $0x1400, s7  }
0x9: {  	s24 =	ssub.s32 $0x2, s7;
	s12 =	smul.u32 $0xA4000, s7;
	s9 =	sadd.s32 s6, s5  }
0xa: {  	s25 =	sshrl.u32 s24, $0x1;
	s26 =	sshrl.u32 s8, $0x2;
	s11 =	sadd.s32 $0x4000, s10  }
0xb: {  	s16 =	sadd.s32 $0x8000, s10;
	s8 =	sshrl.u32 s28, $0x3;
	s15 =	ssub.s32 s24, s25  }
0xc: {  	s5 =	sadd.s32 s26, s2;
	s6 =	sadd.s32 s11, s2;
	s7 =	sadd.s32 s16, s2  }
0xd: {  	s8 =	sadd.s32 s14, s8;
	s17 =	sadd.s32 s10, s12;
	s9 =	sadd.s32 $0x37000, s9  }
0xe: {  	s18 =	sadd.s32 s12, s11;
	s12 =	sadd.s32 s12, s16;
	s16 =	sadd.s32 s29, s14  }
0xf: {  	v0 =	vmov s23;
	s23 =	simm.s32 $0x2;
	s24 =	simm.s32 $0x3;
	s25 =	simm.s32 $0x0  }
0x10: {  	s10 =	sadd.s32 $0x10, s8;
	s17 =	sshrl.u32 s17, $0x3;
	s30 =	sshrl.u32 s18, $0x3  }
0x11: {  	s31 =	sshrl.u32 s12, $0x3;
	s14 =	smax.u32 s15, $0x1;
	s15 =	sadd.s32 $0x20, s16  }
0x12: {  	s16 =	simm.s32 $0x5380;
	s18 =	simm.s32 $0x5000;
	s11 =	sadd.s32 s13, s17  }
0x13: {  	v1 =	vimm.f32 $0.0e+00;
	s12 =	sadd.s32 s13, s30;
	s13 =	sadd.s32 s13, s31;
	s17 =	simm.s32 $0x4  }
.LBB2_1:
0x14: {  	s26 =	simm.s32 $0x0;
	s28 =	simm.s32 $0x200  }
.LBB2_2:
0x15: {  	p0 =	sne.s32 s28, $0xFE00;
	[tilespmem:s26+$0x53F0] =	vst v1  }
0x16: {  	[tilespmem:s26+$0x5380] =	vst v1  }
0x17: {  	[tilespmem:s26+$0x5390] =	vst v1  }
.Ltmp0:
0x18: {  	[tilespmem:s26+$0x53A0] =	vst v1;
	(pc) =	sbr.rel @p0 .LBB2_2-.Ltmp0, $4  }
0x19: {  	[tilespmem:s26+$0x53B0] =	vst v1  }
0x1a: {  	[tilespmem:s26+$0x53C0] =	vst v1  }
0x1b: {  	[tilespmem:s26+$0x53D0] =	vst v1  }
0x1c: {  	[tilespmem:s26+$0x53E0] =	vst v1;
	s26 =	sshra.s32 s28, $0x2;
	s28 =	sadd.s32 $0x200, s28  }
0x1d: {  	[tilespmem:s26+$0x53F0] =	vst v1  }
0x1e: {  	[tilespmem:s26+$0x5380] =	vst v1  }
0x1f: {  	[tilespmem:s26+$0x5390] =	vst v1  }
0x20: {  	[tilespmem:s26+$0x53A0] =	vst v1  }
0x21: {  	[tilespmem:s26+$0x53B0] =	vst v1  }
0x22: {  	[tilespmem:s26+$0x53C0] =	vst v1  }
0x23: {  	[tilespmem:s26+$0x53D0] =	vst v1  }
0x24: {  	[tilespmem:s26+$0x53E0] =	vst v1  }
0x25: {  	[spmem:s5] =	stream.linear.scatter [tilespmem:s16], [sflag:$0x4], $0x4000, $0x38;
	[tilespmem:$0x1B780] =	vst v63  }
0x26: {  	_ =	swait.ge [sflag:s17], $0x4000  }
0x27: {  	[sflag:s17] =	ssyncset.done $0x0  }
0x28: {  	[sflag:s17] =	ssyncadd.s32 $0xFFFFC000  }
0x29: {  	[spmem:s6] =	stream.linear.scatter [tilespmem:s16], [sflag:$0x4], $0x4000, $0x38;
	[tilespmem:$0x1B780] =	vst v63  }
0x2a: {  	_ =	swait.ge [sflag:s17], $0x4000  }
0x2b: {  	[sflag:s17] =	ssyncset.done $0x0  }
0x2c: {  	[sflag:s17] =	ssyncadd.s32 $0xFFFFC000  }
0x2d: {  	[spmem:s7] =	stream.linear.scatter [tilespmem:s16], [sflag:$0x4], $0x2400, $0x38;
	[tilespmem:$0x1B780] =	vst v63  }
0x2e: {  	_ =	swait.ge [sflag:s17], $0x2400  }
0x2f: {  	[sflag:s17] =	ssyncset.done $0x0  }
0x30: {  	[sflag:s17] =	ssyncadd.s32 $0xFFFFDC00  }
0x31: {  	s26 =	simm.s32 $0x0;
	[bflag:$0x0] =	sbarrier.arrive $0xFFFF  }
0x32: {  	[tilespmem:s26], [sflag:$0x4] =	stream.linear.gather [hbm4b:s9+s26], $0x4F00, $0x38;
	[tilespmem:$0x1B780] =	vst v63  }
0x33: {  	_ =	swait.ge [sflag:s17], $0x4F00  }
0x34: {  	[sflag:s17] =	ssyncset.done $0x0  }
0x35: {  	[sflag:s17] =	ssyncadd.s32 $0xFFFFB100  }
0x36: {  	[tilespmem:s18], [sflag:$0x2] =	stream.linear.gather [hbm4b:s8+s26], $0x80, $0x38;
	[tilespmem:$0x1B780] =	vst v63  }
0x37: {  	_ = 	snop  }
0x38: {  	[tilespmem:s16], [sflag:$0x1] =	stream.indirect.gather [hbm4b:s4+s19], $0x80, s26, s19, $0xb8;
	[tilespmem:$0x1B780] =	vst v63  }
0x39: {  	_ = 	snop  }
0x3a: {  	[tilespmem:s20], [sflag:$0x2] =	stream.linear.gather [hbm4b:s10+s26], $0x80, $0x38;
	[tilespmem:$0x1B780] =	vst v63  }
0x3b: {  	s28 =	simm.s32 $0x100;
	s29 =	smov.u32 s15  }
0x3c: {  	[tilespmem:s21], [sflag:$0x1] =	stream.indirect.gather [hbm4b:s4+s19], $0x80, s19, s19, $0xb8;
	[tilespmem:$0x1B780] =	vst v63  }
.LBB2_4:
0x3d: {  	s30 =	smul.u32 $0xAB, s26;
	_ =	sdelay $0x1  }
0x3e: {  	s30 =	sshrl.u32 s30, $0x9  }
0x3f: {  	s30 =	sand.u32 $0x7F, s30  }
0x40: {  	_ =	swait.ge [sflag:s22], $0x4000;
	s30 =	smul.u32 $0x3, s30  }
0x41: {  	[sflag:s22] =	ssyncset.done $0x0  }
0x42: {  	[sflag:s22] =	ssyncadd.s32 $0xFFFFC000;
	s30 =	ssub.s32 s26, s30  }
0x43: {  	_ =	swait.ge [sflag:s23], $0x80;
	s30 =	sand.u32 $0xFF, s30  }
0x44: {  	[sflag:s23] =	ssyncset.done $0x0;
	s31 =	sshll.u32 s30, $0x7  }
0x45: {  	[sflag:s23] =	ssyncadd.s32 $0xFFFFFF80;
	s0 =	sor.u32 $0x5000, s31  }
0x46: {  	v2 =	vld [tilespmem:s0+$0x0];
	_ =	sdelay $0x4  }
0x47: {  	v2 =	vsub.s32 v2, v0  }
0x48: {  	v2 =	vmin.u32 v2, $0x1400  }
0x49: {  	s0 =	sor.u32 $0x5010, s31;
	[tilespmem:s31+$0x5180] =	vst v2  }
0x4a: {  	v2 =	vld [tilespmem:s0+$0x0];
	_ =	sdelay $0x4  }
0x4b: {  	v2 =	vsub.s32 v2, v0  }
0x4c: {  	v2 =	vmin.u32 v2, $0x1400  }
0x4d: {  	s0 =	sor.u32 $0x5020, s31;
	[tilespmem:s31+$0x5190] =	vst v2  }
0x4e: {  	v2 =	vld [tilespmem:s0+$0x0];
	_ =	sdelay $0x4  }
0x4f: {  	v2 =	vsub.s32 v2, v0  }
0x50: {  	v2 =	vmin.u32 v2, $0x1400  }
0x51: {  	s0 =	sor.u32 $0x5030, s31;
	[tilespmem:s31+$0x51A0] =	vst v2  }
0x52: {  	v2 =	vld [tilespmem:s0+$0x0];
	_ =	sdelay $0x4  }
0x53: {  	v2 =	vsub.s32 v2, v0  }
0x54: {  	v2 =	vmin.u32 v2, $0x1400  }
0x55: {  	s0 =	sor.u32 $0x5040, s31;
	[tilespmem:s31+$0x51B0] =	vst v2  }
0x56: {  	v2 =	vld [tilespmem:s0+$0x0];
	_ =	sdelay $0x4  }
0x57: {  	v2 =	vsub.s32 v2, v0  }
0x58: {  	v2 =	vmin.u32 v2, $0x1400  }
0x59: {  	s0 =	sor.u32 $0x5050, s31;
	[tilespmem:s31+$0x51C0] =	vst v2  }
0x5a: {  	v2 =	vld [tilespmem:s0+$0x0];
	_ =	sdelay $0x4  }
0x5b: {  	v2 =	vsub.s32 v2, v0  }
0x5c: {  	v2 =	vmin.u32 v2, $0x1400  }
0x5d: {  	s0 =	sor.u32 $0x5060, s31;
	[tilespmem:s31+$0x51D0] =	vst v2  }
0x5e: {  	v2 =	vld [tilespmem:s0+$0x0];
	_ =	sdelay $0x4  }
0x5f: {  	v2 =	vsub.s32 v2, v0  }
0x60: {  	v2 =	vmin.u32 v2, $0x1400  }
0x61: {  	s0 =	sor.u32 $0x5070, s31;
	[tilespmem:s31+$0x51E0] =	vst v2  }
0x62: {  	v2 =	vld [tilespmem:s0+$0x0];
	_ =	sdelay $0x4  }
0x63: {  	v2 =	vsub.s32 v2, v0  }
0x64: {  	s30 =	sshll.u32 s30, $0xE;
	v2 =	vmin.u32 v2, $0x1400  }
0x65: {  	p0 =	seq.s32 s26, $0x0;
	s0 =	sadd.s32 $0x5380, s30;
	s30 =	sadd.s32 $0x5180, s31;
	[tilespmem:s31+$0x51F0] =	vst v2  }
0x66: {  	[spmem:s2] =	stream.indirect.scatter.add.f32 [tilespmem:s0], [sflag:$0x3], $0x80, s30, s19, $0xb8;
	[tilespmem:$0x1B780] =	vst v63  }
0x67: {  	s0 =	simm.s32 @!p0 $0x3  }
0x68: {  	p1 =	sgt.u32 @!p0 s26, $0x9B;
	_ =	swait.ge @!p0 [sflag:s0], $0x4000  }
0x69: {  	p1 =	por p0, !p1;
	[sflag:s0] =	ssyncset.done @!p0 $0x0  }
0x6a: {  	[sflag:s0] =	ssyncadd.s32 @!p0 $0xFFFFC000;
	s0 =	sadd.s32 @p1 $0x2, s26  }
0x6b: {  	s30 =	sand.u32 @p1 $0xFF, s0  }
0x6c: {  	s30 =	smul.u32 @p1 $0xAB, s30;
	_ =	sdelay $0x1  }
0x6d: {  	s30 =	sshrl.u32 @p1 s30, $0x9  }
0x6e: {  	s30 =	smul.u32 @p1 $0x3, s30;
	_ =	sdelay $0x1  }
0x6f: {  	s0 =	ssub.s32 @p1 s0, s30  }
0x70: {  	s26 =	sadd.s32 $0x1, s26;
	s0 =	sand.u32 @p1 $0xFF, s0  }
0x71: {  	p0 =	sne.s32 s26, $0x9E;
	s30 =	sshll.u32 @p1 s0, $0x7  }
.Ltmp1:
0x72: {  	s0 =	sshll.u32 @p1 s0, $0xE;
	s30 =	sadd.s32 @p1 $0x5000, s30;
	(pc) =	sbr.rel @p0 .LBB2_4-.Ltmp1, $4  }
0x73: {  	[tilespmem:s30], [sflag:$0x2] =	stream.linear.gather @p1 [hbm4b:s29+s3], $0x80, $0x38;
	[tilespmem:$0x1B780] =	vst v63  }
0x74: {  	s0 =	sadd.s32 @p1 $0x5380, s0  }
0x75: {  	[tilespmem:s0], [sflag:$0x1] =	stream.indirect.gather @p1 [hbm4b:s4+s19], $0x80, s28, s19, $0xb8;
	[tilespmem:$0x1B780] =	vst v63  }
0x76: {  	s29 =	sadd.s32 $0x10, s29;
	s28 =	sadd.s32 $0x80, s28  }
0x77: {  	_ =	swait.ge [sflag:s24], $0x4000  }
0x78: {  	[sflag:s24] =	ssyncset.done $0x0  }
0x79: {  	[sflag:s24] =	ssyncadd.s32 $0xFFFFC000  }
0x7a: {  	[bflag:$0x0] =	sbarrier.arrive $0xFFFF  }
0x7b: {  	[tilespmem:s16], [sflag:$0x4] =	stream.linear.gather [spmem:s5], $0x4000, $0x38;
	[tilespmem:$0x1B780] =	vst v63  }
0x7c: {  	_ =	swait.ge [sflag:s17], $0x4000  }
0x7d: {  	[sflag:s17] =	ssyncset.done $0x0  }
0x7e: {  	[sflag:s17] =	ssyncadd.s32 $0xFFFFC000  }
0x7f: {  	[hbm4b:s11+s3] =	stream.linear.scatter [tilespmem:s16], [sflag:$0x4], $0x4000, $0x38;
	[tilespmem:$0x1B780] =	vst v63  }
0x80: {  	_ =	swait.ge [sflag:s17], $0x4000  }
0x81: {  	[sflag:s17] =	ssyncset.done $0x0  }
0x82: {  	[sflag:s17] =	ssyncadd.s32 $0xFFFFC000  }
0x83: {  	[tilespmem:s16], [sflag:$0x4] =	stream.linear.gather [spmem:s6], $0x4000, $0x38;
	[tilespmem:$0x1B780] =	vst v63  }
0x84: {  	_ =	swait.ge [sflag:s17], $0x4000  }
0x85: {  	[sflag:s17] =	ssyncset.done $0x0  }
0x86: {  	[sflag:s17] =	ssyncadd.s32 $0xFFFFC000  }
0x87: {  	[hbm4b:s12+s3] =	stream.linear.scatter [tilespmem:s16], [sflag:$0x4], $0x4000, $0x38;
	[tilespmem:$0x1B780] =	vst v63  }
0x88: {  	_ =	swait.ge [sflag:s17], $0x4000  }
0x89: {  	[sflag:s17] =	ssyncset.done $0x0  }
0x8a: {  	[sflag:s17] =	ssyncadd.s32 $0xFFFFC000  }
0x8b: {  	[tilespmem:s16], [sflag:$0x4] =	stream.linear.gather [spmem:s7], $0x2400, $0x38;
	[tilespmem:$0x1B780] =	vst v63  }
0x8c: {  	s25 =	sadd.s32 $0x1, s25;
	_ =	swait.ge [sflag:s17], $0x2400  }
0x8d: {  	p0 =	sne.s32 s25, s14;
	[sflag:s17] =	ssyncset.done $0x0  }
.Ltmp2:
0x8e: {  	[sflag:s17] =	ssyncadd.s32 $0xFFFFDC00;
	(pc) =	sbr.rel @p0 .LBB2_1-.Ltmp2, $4  }
0x8f: {  	[hbm4b:s13+s3] =	stream.linear.scatter [tilespmem:s16], [sflag:$0x4], $0x2400, $0x38;
	[tilespmem:$0x1B780] =	vst v63  }
0x90: {  	_ =	swait.ge [sflag:s17], $0x2400  }
0x91: {  	[sflag:s17] =	ssyncset.done $0x0  }
0x92: {  	[sflag:s17] =	ssyncadd.s32 $0xFFFFDC00  }
0x93: {  	_ =	sfence.sel $0x180000  }
0x94: {  	[bflag:$0x0] =	sbarrier.arrive $0xFFFF  }
0x95: {  	_ =	strace $0x9000004D  }
0x96: {  	[bflag:$0x2] =	sbarrier.arrive $0xFFFF  }
0x97: {  	p0 =	sne.s32 s1, $0x0;
	s0 =	rddreg [dreg:$0x2]  }
0x98: {  	s0 =	sadd.s32 @!p0 $0x100000, s0  }
0x99: {  	[sflag:s0] =	ssyncadd.tile.s32 @!p0 $0x1;
	_ =	shalt  }
.Lfunc_end2:
_tile_overlayer_lowered:
.L_overlay_start_2:
0x9a: {  	(tag) =	ssettag $0x2  }
0x9b: {  	s0 =	rddreg [dreg:$0x0];
	s2 =	stileid.u32  }
0x9c: {  	s1 =	rddreg [dreg:$0x1];
	p0 =	sne.s32 s2, $0x0  }
0x9d: {  	s3 =	rddreg [dreg:$0x2];
	[bflag:$0x3] =	sbarrier.arrive $0xFFFF;
	s2 =	simm.s32 @!p0 $0x1C04  }
0x9e: {  	[timem:s3], [sflag:s2] =	dma.local @!p0 [hbm:s0], s1  }
0x9f: {  	s0 =	simm.s32 @!p0 $0x4  }
0xa0: {  	_ =	swait.ge @!p0 [sflag:s0], s1  }
0xa1: {  	s1 =	ssub.s32 @!p0 $0x0, s1;
	[sflag:s0] =	ssyncset.done @!p0 $0x0  }
0xa2: {  	[sflag:s0] =	ssyncadd.s32 @!p0 s1  }
0xa3: {  	[bflag:$0x3] =	sbarrier.arrive $0xFFFF  }
0xa4: {  	_ =	shalt  }

// kernel: kernel.19.cloned.1.call-start
scs
__scs_entry_jumppad:
0x0: {  	(pc) =	sbr.rel $0x88, $3  }
0x1: {  	(tag) =	ssettag $0x0;
	lr =	simm.s32 $0x1  }
0x2: {  	[smem:$0x3F95] =	sst lr;
	_ =	strace $0xD0000000  }
0x3: {  	_ = 	snop  }
0x4: {  	_ = 	snop  }
0x5: {  	_ = 	snop  }
0x6: {  	_ = 	snop  }
0x7: {  	_ = 	snop  }
__scs_overlays_trampoline_lowered:
0x8: {  	[smem:$0x3FA4] =	sst s0  }
0x9: {  	[smem:$0x3FA5] =	sst s1  }
0xa: {  	[smem:$0x3FA6] =	sst s2  }
0xb: {  	[smem:$0x3FA7] =	sst s3  }
0xc: {  	[smem:$0x3FA8] =	sst s4  }
0xd: {  	[smem:$0x3FA9] =	sst s5  }
0xe: {  	[smem:$0x3FAA] =	sst s6  }
0xf: {  	[smem:$0x3FAB] =	sst s7  }
0x10: {  	[smem:$0x3FAC] =	sst s8  }
0x11: {  	[smem:$0x3FAD] =	sst s9;
	s0 =	simm.s32 @!p0 $0x0  }
0x12: {  	s1 =	sld [smem:$0x3F93];
	s0 =	simm.s32 @p0 $0x1  }
0x13: {  	[smem:$0x3FAE] =	sst s0;
	s0 =	simm.s32 @!p1 $0x0  }
0x14: {  	s2 =	sld [smem:$0x3F92];
	s0 =	simm.s32 @p1 $0x1  }
0x15: {  	[smem:$0x3FAF] =	sst s0;
	s0 =	simm.s32 @!p2 $0x0  }
0x16: {  	s3 =	sld [smem:$0x3FDB];
	s0 =	simm.s32 @p2 $0x1  }
0x17: {  	s4 =	simm.s32 $0x1BF5;
	[smem:$0x3FB1] =	sst s0  }
0x18: {  	s0 =	sld [smem:$0x3F94];
	_ =	swait.ge [sflag:s4], $0x0  }
0x19: {  	s7 =	sld [smem:$0x3F95]  }
0x1a: {  	s8 =	sadd.s32 $0xFFFFE003, lr  }
0x1b: {  	s9 =	sadd.s32 $0xFFFFFEF7, lr;
	s5 =	simm.s32 $0xFFFFFFFF;
	p2 =	slt.u32 s8, $0xFFFFF086  }
0x1c: {  	p1 =	slt.u32 s9, $0xF7A;
	s5 =	simm.s32 @!p2 $0x0  }
0x1d: {  	s5 =	simm.s32 @p1 $0x1;
	p0 =	seq.s32 s7, s2  }
0x1e: {  	s7 =	smul.u32 @!p0 $0xF7A, s2;
	p2 =	seq.s32 @!p0 s5, $0x0  }
0x1f: {  	s9 =	smul.u32 $0xF7A, s1;
	s8 =	simm.s32 @!p0 $0x1BF5;
	p2 =	por !p2, p0  }
0x20: {  	[sflag:s8] =	ssyncset.s32 @!p0 $0xFFFFF086;
	s6 =	sadd.s32 @!p0 s3, s7;
	s7 =	simm.s32 @!p0 $0x108  }
0x21: {  	s3 =	sadd.s32 s3, s9;
	s6 =	sadd.s32 @!p0 $0x88, s6;
	s7 =	simm.s32 @p2 $0x1082  }
0x22: {  	[simem:s7], [sflag:s8] =	dma.local @!p0 [hbm:s6], $0xF7A  }
0x23: {  	s9 =	sor.u32 $0xD0000000, s2;
	s6 =	simm.s32 $0x108;
	_ =	swait.ge @!p0 [sflag:s8], $0x0  }
0x24: {  	s3 =	sadd.s32 $0x88, s3;
	s6 =	simm.s32 @!p1 $0x1082;
	[sflag:s4] =	ssyncset.s32 $0xFFFFF086  }
0x25: {  	[simem:s6], [sflag:s4] =	dma.local [hbm:s3], $0xF7A  }
0x26: {  	[smem:$0x3F95] =	sst s1;
	(tag) =	ssettag s2;
	_ =	strace s9  }
0x27: {  	s1 =	sld [smem:$0x3FA5]  }
0x28: {  	s2 =	sld [smem:$0x3FA6]  }
0x29: {  	s4 =	sld [smem:$0x3FA8]  }
0x2a: {  	p0 =	seq.s32 s5, $0x0;
	s5 =	sld [smem:$0x3FA9]  }
0x2b: {  	s6 =	sld [smem:$0x3FAA]  }
0x2c: {  	s7 =	sld [smem:$0x3FAB]  }
0x2d: {  	s3 =	simm.s32 $0x108;
	s8 =	sld [smem:$0x3FAC]  }
0x2e: {  	s3 =	simm.s32 @!p0 $0x1082;
	s9 =	sld [smem:$0x3FAD]  }
0x2f: {  	lr =	sadd.s32 s0, s3;
	s0 =	sld [smem:$0x3FA4]  }
0x30: {  	s3 =	sld [smem:$0x3FA7]  }
0x31: {  	[smem:$0x3FB0] =	sst s10  }
0x32: {  	s10 =	sld [smem:$0x3FAE];
	_ =	sdelay $0x3  }
0x33: {  	p0 =	seq.s32 s10, $0x1;
	s10 =	sld [smem:$0x3FB0];
	_ =	sdelay $0x3  }
0x34: {  	[smem:$0x3FB0] =	sst s10  }
0x35: {  	s10 =	sld [smem:$0x3FAF];
	_ =	sdelay $0x3  }
0x36: {  	p1 =	seq.s32 s10, $0x1;
	s10 =	sld [smem:$0x3FB0];
	_ =	sdelay $0x3  }
0x37: {  	[smem:$0x3FB0] =	sst s10  }
0x38: {  	s10 =	sld [smem:$0x3FB1]  }
0x39: {  	_ = 	snop;
	(pc) =	sbr.ind lr, $3  }
0x3a: {  	_ = 	snop  }
0x3b: {  	_ = 	snop  }
0x3c: {  	p2 =	seq.s32 s10, $0x1;
	s10 =	sld [smem:$0x3FB0]  }
0x3d: {  	_ =	shalt  }
0x3e: {  	_ =	shalt  }
0x3f: {  	_ =	shalt  }
0x40: {  	_ =	shalt  }
0x41: {  	_ =	shalt  }
0x42: {  	_ =	shalt  }
0x43: {  	_ =	shalt  }
0x44: {  	_ =	shalt  }
0x45: {  	_ =	shalt  }
0x46: {  	_ =	shalt  }
0x47: {  	_ =	shalt  }
0x48: {  	_ =	shalt  }
0x49: {  	_ =	shalt  }
0x4a: {  	_ =	shalt  }
0x4b: {  	_ =	shalt  }
0x4c: {  	_ =	shalt  }
0x4d: {  	_ =	shalt  }
0x4e: {  	_ =	shalt  }
0x4f: {  	_ =	shalt  }
0x50: {  	_ =	shalt  }
0x51: {  	_ =	shalt  }
0x52: {  	_ =	shalt  }
0x53: {  	_ =	shalt  }
0x54: {  	_ =	shalt  }
0x55: {  	_ =	shalt  }
0x56: {  	_ =	shalt  }
0x57: {  	_ =	shalt  }
0x58: {  	_ =	shalt  }
0x59: {  	_ =	shalt  }
0x5a: {  	_ =	shalt  }
0x5b: {  	_ =	shalt  }
0x5c: {  	_ =	shalt  }
0x5d: {  	_ =	shalt  }
0x5e: {  	_ =	shalt  }
0x5f: {  	_ =	shalt  }
0x60: {  	_ =	shalt  }
0x61: {  	_ =	shalt  }
0x62: {  	_ =	shalt  }
0x63: {  	_ =	shalt  }
0x64: {  	_ =	shalt  }
0x65: {  	_ =	shalt  }
0x66: {  	_ =	shalt  }
0x67: {  	_ =	shalt  }
0x68: {  	_ =	shalt  }
0x69: {  	_ =	shalt  }
0x6a: {  	_ =	shalt  }
0x6b: {  	_ =	shalt  }
0x6c: {  	_ =	shalt  }
0x6d: {  	_ =	shalt  }
0x6e: {  	_ =	shalt  }
0x6f: {  	_ =	shalt  }
0x70: {  	_ =	shalt  }
0x71: {  	_ =	shalt  }
0x72: {  	_ =	shalt  }
0x73: {  	_ =	shalt  }
0x74: {  	_ =	shalt  }
0x75: {  	_ =	shalt  }
0x76: {  	_ =	shalt  }
0x77: {  	_ =	shalt  }
0x78: {  	_ =	shalt  }
0x79: {  	_ =	shalt  }
0x7a: {  	_ =	shalt  }
0x7b: {  	_ =	shalt  }
0x7c: {  	_ =	shalt  }
0x7d: {  	_ =	shalt  }
0x7e: {  	_ =	shalt  }
0x7f: {  	_ =	shalt  }
0x80: {  	_ =	shalt  }
0x81: {  	_ =	shalt  }
0x82: {  	_ =	shalt  }
0x83: {  	_ =	shalt  }
0x84: {  	_ =	shalt  }
0x85: {  	_ =	shalt  }
0x86: {  	_ =	shalt  }
0x87: {  	_ =	shalt  }
.Lfunc_end0:
.L_simem_size_0:
called_computation.3_lowered:
.L_overlay_start_0:
0x88: {  	s2 =	sld [smem:$0x3FD9]  }
0x89: {  	s3 =	sld [smem:$0x3FFE];
	_ =	sdelay $0x1  }
0x8a: {  	s1 =	srdreg.scid  }
0x8b: {  	s0 =	sand.u32 $0x1, s1  }
0x8c: {  	s16 =	sshll.u32 s0, $0xA;
	s2 =	sadd.s32 s3, s2  }
0x8d: {  	s2 =	sadd.s32 s2, s16  }
0x8e: {  	[smem:$0x3FBC] =	sst s2  }
0x8f: {  	_ = 	snop  }
0x90: {  	(tm) =	ssettm $0x1  }
0x91: {  	s17 =	sld [smem:$0x3FFB];
	_ =	sdelay $0x3  }
0x92: {  	_ =	strace s17  }
0x93: {  	s2 =	sld [smem:$0x3FFC];
	_ =	sdelay $0x3  }
0x94: {  	_ =	strace s2  }
0x95: {  	s2 =	sld [smem:$0x3FFD];
	_ =	sdelay $0x3  }
0x96: {  	_ =	strace s2  }
0x97: {  	_ =	strace $0x8FFFFFFF  }
0x98: {  	s18 =	sld [smem:$0x3FDB];
	_ =	sdelay $0x1  }
0x99: {  	s19 =	simm.s32 $_scs_section_size  }
0x9a: {  	s4 =	simm.s32 $_size__tile_overlayer_lowered;
	s5 =	simm.s32 $_tile_overlayer_lowered  }
0x9b: {  	s22 =	simm.s32 $0x1BFF;
	s21 =	sshll.u32 s5, $0x1;
	s2 =	sadd.s32 s19, s18  }
0x9c: {  	s6 =	simm.s32 $0x0;
	s20 =	sshll.u32 s4, $0x1;
	s4 =	sadd.s32 s21, s2  }
0x9d: {  	[timem:s6], [sflag:s22] =	dma.local [hbm:s4], s20  }
0x9e: {  	_ =	swait.ge [sflag:s22], s20  }
0x9f: {  	s3 =	ssub.s32 $0x0, s20;
	[sflag:s22] =	ssyncset.done $0x0  }
0xa0: {  	[sflag:s22] =	ssyncadd.s32 s3;
	_ =	sdelay $0x1  }
0xa1: {  	s23 =	simm.s32 $0x1B8B  }
0xa2: {  	_ =	swait.ge [sflag:s23], $0x1  }
0xa3: {  	[sflag:s23] =	ssyncset.done $0x0  }
0xa4: {  	s25 =	simm.s32 $0x1B8E;
	s24 =	sld [smem:$0x3FFE];
	[sflag:s23] =	ssyncadd.s32 $0xFFFFFFFF  }
0xa5: {  	s26 =	simm.s32 $execute0_lowered;
	[smem:$0x3FD2] =	sst s25  }
0xa6: {  	s4 =	sshll.u32 s26, $0x1;
	_ =	strace $0x8000004F;
	[dreg:$0x1] =	wrdreg $0xFFFFFFFF  }
0xa7: {  	s28 =	simm.s32 $_size_execute0_lowered;
	s2 =	sadd.s32 s2, s4;
	[dreg:$0x0] =	wrdreg $0x0  }
0xa8: {  	s4 =	sshll.u32 s28, $0x1;
	[dreg:$0x2] =	wrdreg s2  }
0xa9: {  	[dreg:$0x3] =	wrdreg s4  }
0xaa: {  	[dreg:$0x4] =	wrdreg $0xC0  }
0xab: {  	_ =	task [dreg:s6], $0x5FFFF  }
0xac: {  	[dreg:$0x1] =	wrdreg $0xFFFFFFFF  }
0xad: {  	[dreg:$0x0] =	wrdreg $0x60  }
0xae: {  	[dreg:$0x2] =	wrdreg s24  }
0xaf: {  	[dreg:$0x3] =	wrdreg $0x113800  }
0xb0: {  	[dreg:$0x4] =	wrdreg $0x9  }
0xb1: {  	_ =	task.clear_ibuf [dreg:s6], $0x5FFFF;
	_ =	strace $0x9000004F  }
0xb2: {  	s29 =	simm.s32 $0x9;
	_ =	strace $0x80000051  }
0xb3: {  	_ =	swait.ge [sflag:s29], $0x1  }
0xb4: {  	[sflag:s29] =	ssyncadd.s32 $0xFFFFFFFF  }
0xb5: {  	_ =	strace $0x90000051  }
0xb6: {  	_ =	sfence  }
0xb7: {  	s30 =	sld [smem:$0x0];
	_ =	sdelay $0x2  }
0xb8: {  	s31 =	sshll.u32 s1, $0xD;
	s1 =	sshrl.u32 s1, $0x2  }
0xb9: {  	s3 =	sand.u32 $0x4000, s31;
	s1 =	sadd.s32 s1, s30  }
0xba: {  	s0 =	sor.u32 s3, s0;
	s1 =	sshll.u32 s1, $0x11  }
0xbb: {  	s0 =	sor.u32 s1, s0  }
0xbc: {  	s0 =	sadd.s32 $0x8F2B, s0  }
0xbd: {  	[sflag:s0] =	ssyncadd.remote.s32 $0x1  }
0xbe: {  	_ =	sfence.sel $0xFFFF  }
0xbf: {  	[dreg:$0x0] =	wrdreg $0xFFFFFFFF;
	(pc) =	sbr.abs _section_cstart, $3  }
0xc0: {  	[dreg:$0x1] =	wrdreg $0xFFFFFFFF  }
0xc1: {  	_ =	task.clear_ibuf [dreg:s6], $0x2FFFF;
	_ =	strace $0x9FFFFFFF  }
0xc2: {  	(tm) =	ssettm $0x7FFFFFFF  }
0xc3: {  	_ =	shalt  }
tec
execute0_lowered:
.L_overlay_start_1:
0x0: {  	(tag) =	ssettag $0x1  }
0x1: {  	s5 =	rddreg [dreg:$0x0]  }
0x2: {  	s2 =	rddreg [dreg:$0x1];
	s1 =	stileid.u32  }
0x3: {  	s3 =	simm.s32 $0x0;
	s4 =	srdreg.scid;
	s6 =	smul.u32 $0xA00, s1  }
0x4: {  	s19 =	simm.s32 $0x80;
	s20 =	simm.s32 $0x5080;
	s8 =	smul.u32 $0x29000, s1  }
0x5: {  	s21 =	simm.s32 $0x9380;
	s22 =	simm.s32 $0x1;
	s10 =	smul.u32 $0xA400, s1  }
0x6: {  	[smem:$0x7FF] =	sst s3;
	s7 =	sand.u32 $0x1, s4;
	s28 =	smul.u32 $0x4F00, s1  }
0x7: {  	s4 =	sadd.s32 $0x41000, s5;
	s14 =	sadd.s32 $0x4200, s5;
	s29 =	smul.u32 $0x9E0, s1  }
0x8: {  	s13 =	sadd.s32 $0x69000, s5;
	_ =	strace $0x80000050;
	s23 =	smul.u32 $0x1400, s7  }
0x9: {  	s24 =	ssub.s32 $0x2, s7;
	s12 =	smul.u32 $0xA4000, s7;
	s9 =	sadd.s32 s6, s5  }
0xa: {  	s25 =	sshrl.u32 s24, $0x1;
	s26 =	sshrl.u32 s8, $0x2;
	s11 =	sadd.s32 $0x4000, s10  }
0xb: {  	s16 =	sadd.s32 $0x8000, s10;
	s8 =	sshrl.u32 s28, $0x3;
	s15 =	ssub.s32 s24, s25  }
0xc: {  	s5 =	sadd.s32 s26, s2;
	s6 =	sadd.s32 s11, s2;
	s7 =	sadd.s32 s16, s2  }
0xd: {  	s8 =	sadd.s32 s14, s8;
	s17 =	sadd.s32 s10, s12;
	s9 =	sadd.s32 $0x37000, s9  }
0xe: {  	s18 =	sadd.s32 s12, s11;
	s12 =	sadd.s32 s12, s16;
	s16 =	sadd.s32 s29, s14  }
0xf: {  	v0 =	vmov s23;
	s23 =	simm.s32 $0x2;
	s24 =	simm.s32 $0x3;
	s25 =	simm.s32 $0x0  }
0x10: {  	s10 =	sadd.s32 $0x10, s8;
	s17 =	sshrl.u32 s17, $0x3;
	s30 =	sshrl.u32 s18, $0x3  }
0x11: {  	s31 =	sshrl.u32 s12, $0x3;
	s14 =	smax.u32 s15, $0x1;
	s15 =	sadd.s32 $0x20, s16  }
0x12: {  	s16 =	simm.s32 $0x5380;
	s18 =	simm.s32 $0x5000;
	s11 =	sadd.s32 s13, s17  }
0x13: {  	v1 =	vimm.f32 $0.0e+00;
	s12 =	sadd.s32 s13, s30;
	s13 =	sadd.s32 s13, s31;
	s17 =	simm.s32 $0x4  }
.LBB2_1:
0x14: {  	s26 =	simm.s32 $0x0;
	s28 =	simm.s32 $0x200  }
.LBB2_2:
0x15: {  	p0 =	sne.s32 s28, $0xFE00;
	[tilespmem:s26+$0x53F0] =	vst v1  }
0x16: {  	[tilespmem:s26+$0x5380] =	vst v1  }
0x17: {  	[tilespmem:s26+$0x5390] =	vst v1  }
.Ltmp0:
0x18: {  	[tilespmem:s26+$0x53A0] =	vst v1;
	(pc) =	sbr.rel @p0 .LBB2_2-.Ltmp0, $4  }
0x19: {  	[tilespmem:s26+$0x53B0] =	vst v1  }
0x1a: {  	[tilespmem:s26+$0x53C0] =	vst v1  }
0x1b: {  	[tilespmem:s26+$0x53D0] =	vst v1  }
0x1c: {  	[tilespmem:s26+$0x53E0] =	vst v1;
	s26 =	sshra.s32 s28, $0x2;
	s28 =	sadd.s32 $0x200, s28  }
0x1d: {  	[tilespmem:s26+$0x53F0] =	vst v1  }
0x1e: {  	[tilespmem:s26+$0x5380] =	vst v1  }
0x1f: {  	[tilespmem:s26+$0x5390] =	vst v1  }
0x20: {  	[tilespmem:s26+$0x53A0] =	vst v1  }
0x21: {  	[tilespmem:s26+$0x53B0] =	vst v1  }
0x22: {  	[tilespmem:s26+$0x53C0] =	vst v1  }
0x23: {  	[tilespmem:s26+$0x53D0] =	vst v1  }
0x24: {  	[tilespmem:s26+$0x53E0] =	vst v1  }
0x25: {  	[spmem:s5] =	stream.linear.scatter [tilespmem:s16], [sflag:$0x4], $0x4000, $0x38;
	[tilespmem:$0x1B780] =	vst v63  }
0x26: {  	_ =	swait.ge [sflag:s17], $0x4000  }
0x27: {  	[sflag:s17] =	ssyncset.done $0x0  }
0x28: {  	[sflag:s17] =	ssyncadd.s32 $0xFFFFC000  }
0x29: {  	[spmem:s6] =	stream.linear.scatter [tilespmem:s16], [sflag:$0x4], $0x4000, $0x38;
	[tilespmem:$0x1B780] =	vst v63  }
0x2a: {  	_ =	swait.ge [sflag:s17], $0x4000  }
0x2b: {  	[sflag:s17] =	ssyncset.done $0x0  }
0x2c: {  	[sflag:s17] =	ssyncadd.s32 $0xFFFFC000  }
0x2d: {  	[spmem:s7] =	stream.linear.scatter [tilespmem:s16], [sflag:$0x4], $0x2400, $0x38;
	[tilespmem:$0x1B780] =	vst v63  }
0x2e: {  	_ =	swait.ge [sflag:s17], $0x2400  }
0x2f: {  	[sflag:s17] =	ssyncset.done $0x0  }
0x30: {  	[sflag:s17] =	ssyncadd.s32 $0xFFFFDC00  }
0x31: {  	s26 =	simm.s32 $0x0;
	[bflag:$0x0] =	sbarrier.arrive $0xFFFF  }
0x32: {  	[tilespmem:s26], [sflag:$0x4] =	stream.linear.gather [hbm4b:s9+s26], $0x4F00, $0x38;
	[tilespmem:$0x1B780] =	vst v63  }
0x33: {  	_ =	swait.ge [sflag:s17], $0x4F00  }
0x34: {  	[sflag:s17] =	ssyncset.done $0x0  }
0x35: {  	[sflag:s17] =	ssyncadd.s32 $0xFFFFB100  }
0x36: {  	[tilespmem:s18], [sflag:$0x2] =	stream.linear.gather [hbm4b:s8+s26], $0x80, $0x38;
	[tilespmem:$0x1B780] =	vst v63  }
0x37: {  	_ = 	snop  }
0x38: {  	[tilespmem:s16], [sflag:$0x1] =	stream.indirect.gather [hbm4b:s4+s19], $0x80, s26, s19, $0xb8;
	[tilespmem:$0x1B780] =	vst v63  }
0x39: {  	_ = 	snop  }
0x3a: {  	[tilespmem:s20], [sflag:$0x2] =	stream.linear.gather [hbm4b:s10+s26], $0x80, $0x38;
	[tilespmem:$0x1B780] =	vst v63  }
0x3b: {  	s28 =	simm.s32 $0x100;
	s29 =	smov.u32 s15  }
0x3c: {  	[tilespmem:s21], [sflag:$0x1] =	stream.indirect.gather [hbm4b:s4+s19], $0x80, s19, s19, $0xb8;
	[tilespmem:$0x1B780] =	vst v63  }
.LBB2_4:
0x3d: {  	s30 =	smul.u32 $0xAB, s26;
	_ =	sdelay $0x1  }
0x3e: {  	s30 =	sshrl.u32 s30, $0x9  }
0x3f: {  	s30 =	sand.u32 $0x7F, s30  }
0x40: {  	_ =	swait.ge [sflag:s22], $0x4000;
	s30 =	smul.u32 $0x3, s30  }
0x41: {  	[sflag:s22] =	ssyncset.done $0x0  }
0x42: {  	[sflag:s22] =	ssyncadd.s32 $0xFFFFC000;
	s30 =	ssub.s32 s26, s30  }
0x43: {  	_ =	swait.ge [sflag:s23], $0x80;
	s30 =	sand.u32 $0xFF, s30  }
0x44: {  	[sflag:s23] =	ssyncset.done $0x0;
	s31 =	sshll.u32 s30, $0x7  }
0x45: {  	[sflag:s23] =	ssyncadd.s32 $0xFFFFFF80;
	s0 =	sor.u32 $0x5000, s31  }
0x46: {  	v2 =	vld [tilespmem:s0+$0x0];
	_ =	sdelay $0x4  }
0x47: {  	v2 =	vsub.s32 v2, v0  }
0x48: {  	v2 =	vmin.u32 v2, $0x1400  }
0x49: {  	s0 =	sor.u32 $0x5010, s31;
	[tilespmem:s31+$0x5180] =	vst v2  }
0x4a: {  	v2 =	vld [tilespmem:s0+$0x0];
	_ =	sdelay $0x4  }
0x4b: {  	v2 =	vsub.s32 v2, v0  }
0x4c: {  	v2 =	vmin.u32 v2, $0x1400  }
0x4d: {  	s0 =	sor.u32 $0x5020, s31;
	[tilespmem:s31+$0x5190] =	vst v2  }
0x4e: {  	v2 =	vld [tilespmem:s0+$0x0];
	_ =	sdelay $0x4  }
0x4f: {  	v2 =	vsub.s32 v2, v0  }
0x50: {  	v2 =	vmin.u32 v2, $0x1400  }
0x51: {  	s0 =	sor.u32 $0x5030, s31;
	[tilespmem:s31+$0x51A0] =	vst v2  }
0x52: {  	v2 =	vld [tilespmem:s0+$0x0];
	_ =	sdelay $0x4  }
0x53: {  	v2 =	vsub.s32 v2, v0  }
0x54: {  	v2 =	vmin.u32 v2, $0x1400  }
0x55: {  	s0 =	sor.u32 $0x5040, s31;
	[tilespmem:s31+$0x51B0] =	vst v2  }
0x56: {  	v2 =	vld [tilespmem:s0+$0x0];
	_ =	sdelay $0x4  }
0x57: {  	v2 =	vsub.s32 v2, v0  }
0x58: {  	v2 =	vmin.u32 v2, $0x1400  }
0x59: {  	s0 =	sor.u32 $0x5050, s31;
	[tilespmem:s31+$0x51C0] =	vst v2  }
0x5a: {  	v2 =	vld [tilespmem:s0+$0x0];
	_ =	sdelay $0x4  }
0x5b: {  	v2 =	vsub.s32 v2, v0  }
0x5c: {  	v2 =	vmin.u32 v2, $0x1400  }
0x5d: {  	s0 =	sor.u32 $0x5060, s31;
	[tilespmem:s31+$0x51D0] =	vst v2  }
0x5e: {  	v2 =	vld [tilespmem:s0+$0x0];
	_ =	sdelay $0x4  }
0x5f: {  	v2 =	vsub.s32 v2, v0  }
0x60: {  	v2 =	vmin.u32 v2, $0x1400  }
0x61: {  	s0 =	sor.u32 $0x5070, s31;
	[tilespmem:s31+$0x51E0] =	vst v2  }
0x62: {  	v2 =	vld [tilespmem:s0+$0x0];
	_ =	sdelay $0x4  }
0x63: {  	v2 =	vsub.s32 v2, v0  }
0x64: {  	s30 =	sshll.u32 s30, $0xE;
	v2 =	vmin.u32 v2, $0x1400  }
0x65: {  	p0 =	seq.s32 s26, $0x0;
	s0 =	sadd.s32 $0x5380, s30;
	s30 =	sadd.s32 $0x5180, s31;
	[tilespmem:s31+$0x51F0] =	vst v2  }
0x66: {  	[spmem:s2] =	stream.indirect.scatter.add.f32 [tilespmem:s0], [sflag:$0x3], $0x80, s30, s19, $0xb8;
	[tilespmem:$0x1B780] =	vst v63  }
0x67: {  	s0 =	simm.s32 @!p0 $0x3  }
0x68: {  	p1 =	sgt.u32 @!p0 s26, $0x9B;
	_ =	swait.ge @!p0 [sflag:s0], $0x4000  }
0x69: {  	p1 =	por p0, !p1;
	[sflag:s0] =	ssyncset.done @!p0 $0x0  }
0x6a: {  	[sflag:s0] =	ssyncadd.s32 @!p0 $0xFFFFC000;
	s0 =	sadd.s32 @p1 $0x2, s26  }
0x6b: {  	s30 =	sand.u32 @p1 $0xFF, s0  }
0x6c: {  	s30 =	smul.u32 @p1 $0xAB, s30;
	_ =	sdelay $0x1  }
0x6d: {  	s30 =	sshrl.u32 @p1 s30, $0x9  }
0x6e: {  	s30 =	smul.u32 @p1 $0x3, s30;
	_ =	sdelay $0x1  }
0x6f: {  	s0 =	ssub.s32 @p1 s0, s30  }
0x70: {  	s26 =	sadd.s32 $0x1, s26;
	s0 =	sand.u32 @p1 $0xFF, s0  }
0x71: {  	p0 =	sne.s32 s26, $0x9E;
	s30 =	sshll.u32 @p1 s0, $0x7  }
.Ltmp1:
0x72: {  	s0 =	sshll.u32 @p1 s0, $0xE;
	s30 =	sadd.s32 @p1 $0x5000, s30;
	(pc) =	sbr.rel @p0 .LBB2_4-.Ltmp1, $4  }
0x73: {  	[tilespmem:s30], [sflag:$0x2] =	stream.linear.gather @p1 [hbm4b:s29+s3], $0x80, $0x38;
	[tilespmem:$0x1B780] =	vst v63  }
0x74: {  	s0 =	sadd.s32 @p1 $0x5380, s0  }
0x75: {  	[tilespmem:s0], [sflag:$0x1] =	stream.indirect.gather @p1 [hbm4b:s4+s19], $0x80, s28, s19, $0xb8;
	[tilespmem:$0x1B780] =	vst v63  }
0x76: {  	s29 =	sadd.s32 $0x10, s29;
	s28 =	sadd.s32 $0x80, s28  }
0x77: {  	_ =	swait.ge [sflag:s24], $0x4000  }
0x78: {  	[sflag:s24] =	ssyncset.done $0x0  }
0x79: {  	[sflag:s24] =	ssyncadd.s32 $0xFFFFC000  }
0x7a: {  	[bflag:$0x0] =	sbarrier.arrive $0xFFFF  }
0x7b: {  	[tilespmem:s16], [sflag:$0x4] =	stream.linear.gather [spmem:s5], $0x4000, $0x38;
	[tilespmem:$0x1B780] =	vst v63  }
0x7c: {  	_ =	swait.ge [sflag:s17], $0x4000  }
0x7d: {  	[sflag:s17] =	ssyncset.done $0x0  }
0x7e: {  	[sflag:s17] =	ssyncadd.s32 $0xFFFFC000  }
0x7f: {  	[hbm4b:s11+s3] =	stream.linear.scatter [tilespmem:s16], [sflag:$0x4], $0x4000, $0x38;
	[tilespmem:$0x1B780] =	vst v63  }
0x80: {  	_ =	swait.ge [sflag:s17], $0x4000  }
0x81: {  	[sflag:s17] =	ssyncset.done $0x0  }
0x82: {  	[sflag:s17] =	ssyncadd.s32 $0xFFFFC000  }
0x83: {  	[tilespmem:s16], [sflag:$0x4] =	stream.linear.gather [spmem:s6], $0x4000, $0x38;
	[tilespmem:$0x1B780] =	vst v63  }
0x84: {  	_ =	swait.ge [sflag:s17], $0x4000  }
0x85: {  	[sflag:s17] =	ssyncset.done $0x0  }
0x86: {  	[sflag:s17] =	ssyncadd.s32 $0xFFFFC000  }
0x87: {  	[hbm4b:s12+s3] =	stream.linear.scatter [tilespmem:s16], [sflag:$0x4], $0x4000, $0x38;
	[tilespmem:$0x1B780] =	vst v63  }
0x88: {  	_ =	swait.ge [sflag:s17], $0x4000  }
0x89: {  	[sflag:s17] =	ssyncset.done $0x0  }
0x8a: {  	[sflag:s17] =	ssyncadd.s32 $0xFFFFC000  }
0x8b: {  	[tilespmem:s16], [sflag:$0x4] =	stream.linear.gather [spmem:s7], $0x2400, $0x38;
	[tilespmem:$0x1B780] =	vst v63  }
0x8c: {  	s25 =	sadd.s32 $0x1, s25;
	_ =	swait.ge [sflag:s17], $0x2400  }
0x8d: {  	p0 =	sne.s32 s25, s14;
	[sflag:s17] =	ssyncset.done $0x0  }
.Ltmp2:
0x8e: {  	[sflag:s17] =	ssyncadd.s32 $0xFFFFDC00;
	(pc) =	sbr.rel @p0 .LBB2_1-.Ltmp2, $4  }
0x8f: {  	[hbm4b:s13+s3] =	stream.linear.scatter [tilespmem:s16], [sflag:$0x4], $0x2400, $0x38;
	[tilespmem:$0x1B780] =	vst v63  }
0x90: {  	_ =	swait.ge [sflag:s17], $0x2400  }
0x91: {  	[sflag:s17] =	ssyncset.done $0x0  }
0x92: {  	[sflag:s17] =	ssyncadd.s32 $0xFFFFDC00  }
0x93: {  	_ =	sfence.sel $0x180000  }
0x94: {  	[bflag:$0x0] =	sbarrier.arrive $0xFFFF  }
0x95: {  	_ =	strace $0x90000050  }
0x96: {  	[bflag:$0x2] =	sbarrier.arrive $0xFFFF  }
0x97: {  	p0 =	sne.s32 s1, $0x0;
	s0 =	rddreg [dreg:$0x2]  }
0x98: {  	s0 =	sadd.s32 @!p0 $0x100000, s0  }
0x99: {  	[sflag:s0] =	ssyncadd.tile.s32 @!p0 $0x1;
	_ =	shalt  }
.Lfunc_end2:
_tile_overlayer_lowered:
.L_overlay_start_2:
0x9a: {  	(tag) =	ssettag $0x2  }
0x9b: {  	s0 =	rddreg [dreg:$0x0];
	s2 =	stileid.u32  }
0x9c: {  	s1 =	rddreg [dreg:$0x1];
	p0 =	sne.s32 s2, $0x0  }
0x9d: {  	s3 =	rddreg [dreg:$0x2];
	[bflag:$0x3] =	sbarrier.arrive $0xFFFF;
	s2 =	simm.s32 @!p0 $0x1C04  }
0x9e: {  	[timem:s3], [sflag:s2] =	dma.local @!p0 [hbm:s0], s1  }
0x9f: {  	s0 =	simm.s32 @!p0 $0x4  }
0xa0: {  	_ =	swait.ge @!p0 [sflag:s0], s1  }
0xa1: {  	s1 =	ssub.s32 @!p0 $0x0, s1;
	[sflag:s0] =	ssyncset.done @!p0 $0x0  }
0xa2: {  	[sflag:s0] =	ssyncadd.s32 @!p0 s1  }
0xa3: {  	[bflag:$0x3] =	sbarrier.arrive $0xFFFF  }
0xa4: {  	_ =	shalt  }

</sc_bundles>
